<compile_context>
chip_gen: v7x
topology: tpu7x:2x2x1
jax: 0.10.2.dev20260603
libtpu: 0.0.44.dev20260713+nightly
codegen_flags: <defaults>
</compile_context>

<pallas_src>
import jax
import jax.numpy as jnp
from jax import lax
from jax.experimental import pallas as pl
from jax.experimental.pallas import tpu as pltpu
from jax.experimental.pallas import tpu_sc as plsc

N = 10000
E = 320000
D = 128
B = 512
STEPS = 3

NC = 2
NS = 16
NW = NC * NS
C = 80
CE = C
EPAD = E
ECE = EPAD // NW // CE
PAD_N = ((N + NW * C - 1) // (NW * C)) * (NW * C)
GC = PAD_N // NW // C
ZROWS = 1000


def _sc_mesh():
    return plsc.VectorSubcoreMesh(core_axis_name="c", subcore_axis_name="s",
                                  num_cores=NC, num_subcores=NS)


_PREC = jax.lax.Precision.HIGHEST



def _sc_gather_deg_body(emb_h, xpad_h, dst_h, zeros8_h, ones8_h,
                        h0_h, degp_h, idx_v0, idx_v1, idxe_v0, idxe_v1,
                        rows_v0, rows_v1, ones_v, deg_s, sem0, sem1):
    c = lax.axis_index("c")
    s = lax.axis_index("s")
    wid = s * NC + c
    idx_v = (idx_v0, idx_v1)
    idxe_v = (idxe_v0, idxe_v1)
    rows_v = (rows_v0, rows_v1)
    sems = (sem0, sem1)
    pltpu.sync_copy(ones8_h, ones_v)

    @pl.when(s < N // ZROWS)
    def _():
        pltpu.sync_copy(zeros8_h, deg_s.at[pl.ds(s * ZROWS, ZROWS)])
    plsc.subcore_barrier()

    def ggroup(g, carry):
        cps = []
        for b in range(2):
            base = pl.multiple_of(wid * (GC * C) + (g * 2 + b) * C, 8)
            pltpu.sync_copy(xpad_h.at[pl.ds(base, C)], idx_v[b])
            cps.append(pltpu.async_copy(emb_h.at[idx_v[b]], rows_v[b],
                                        sems[b]))
        for b in range(2):
            base = pl.multiple_of(wid * (GC * C) + (g * 2 + b) * C, 8)
            cps[b].wait()
            pltpu.sync_copy(rows_v[b], h0_h.at[pl.ds(base, C)])
        return carry
    lax.fori_loop(0, GC // 2, ggroup, 0)

    def dgroup(g, carry):
        cps = []
        for b in range(2):
            base = pl.multiple_of(wid * (ECE * CE) + (g * 2 + b) * CE, 8)
            pltpu.sync_copy(dst_h.at[pl.ds(base, CE)], idxe_v[b])
            cps.append(pltpu.async_copy(ones_v, deg_s.at[idxe_v[b]],
                                        sems[b], add=True))
        for b in range(2):
            cps[b].wait()
        return carry
    lax.fori_loop(0, ECE // 2, dgroup, 0)
    for j in range(ECE - ECE % 2, ECE):
        base = pl.multiple_of(wid * (ECE * CE) + j * CE, 8)
        pltpu.sync_copy(dst_h.at[pl.ds(base, CE)], idxe_v0)
        pltpu.sync_copy(ones_v, deg_s.at[idxe_v0], add=True)
    plsc.subcore_barrier()

    @pl.when(s < N // ZROWS)
    def _():
        pltpu.sync_copy(deg_s.at[pl.ds(s * ZROWS, ZROWS)],
                        degp_h.at[c, pl.ds(s * ZROWS, ZROWS)])


def _sc_gather_deg(emb, xpad, dst, zeros8, ones8):
    return pl.kernel(
        _sc_gather_deg_body,
        out_type=[
            jax.ShapeDtypeStruct((PAD_N, D), jnp.float32),
            jax.ShapeDtypeStruct((NC, N, 8), jnp.float32),
        ],
        mesh=_sc_mesh(),
        scratch_types=[
            pltpu.VMEM((C,), jnp.int32),
            pltpu.VMEM((C,), jnp.int32),
            pltpu.VMEM((CE,), jnp.int32),
            pltpu.VMEM((CE,), jnp.int32),
            pltpu.VMEM((C, D), jnp.float32),
            pltpu.VMEM((C, D), jnp.float32),
            pltpu.VMEM((CE, 8), jnp.float32),
            pltpu.VMEM_SHARED((N, 8), jnp.float32),
            pltpu.SemaphoreType.DMA,
            pltpu.SemaphoreType.DMA,
        ],
    )(emb, xpad, dst, zeros8, ones8)


def _sc_edge_agg_body(h_h, src_h, dst_h, zerosd_h, aggp_h,
                      idx_s0, idx_s1, idx_s2, idx_d0, idx_d1, idx_d2,
                      rows_v0, rows_v1, rows_v2, agg_s, sem0, sem1, sem2):
    c = lax.axis_index("c")
    s = lax.axis_index("s")
    wid = s * NC + c
    idx_s = (idx_s0, idx_s1, idx_s2)
    idx_d = (idx_d0, idx_d1, idx_d2)
    rows_v = (rows_v0, rows_v1, rows_v2)
    sems = (sem0, sem1, sem2)

    @pl.when(s < N // ZROWS)
    def _():
        pltpu.sync_copy(zerosd_h, agg_s.at[pl.ds(s * ZROWS, ZROWS)])
    plsc.subcore_barrier()

    def egroup(g, carry):
        j0 = g * 3
        cps = []
        for b in range(3):
            base = pl.multiple_of(wid * (ECE * CE) + (j0 + b) * CE, 8)
            pltpu.sync_copy(src_h.at[pl.ds(base, CE)], idx_s[b])
            cps.append(pltpu.async_copy(h_h.at[idx_s[b]], rows_v[b],
                                        sems[b]))
        for b in range(3):
            base = pl.multiple_of(wid * (ECE * CE) + (j0 + b) * CE, 8)
            pltpu.sync_copy(dst_h.at[pl.ds(base, CE)], idx_d[b])
        for b in range(3):
            cps[b].wait()
            pltpu.sync_copy(rows_v[b], agg_s.at[idx_d[b]], add=True)
        return carry
    lax.fori_loop(0, ECE // 3, egroup, 0)
    for j in range(ECE - ECE % 3, ECE):
        base = pl.multiple_of(wid * (ECE * CE) + j * CE, 8)
        pltpu.sync_copy(src_h.at[pl.ds(base, CE)], idx_s0)
        cp = pltpu.async_copy(h_h.at[idx_s0], rows_v0, sem0)
        pltpu.sync_copy(dst_h.at[pl.ds(base, CE)], idx_d0)
        cp.wait()
        pltpu.sync_copy(rows_v0, agg_s.at[idx_d0], add=True)
    plsc.subcore_barrier()

    @pl.when(s < N // ZROWS)
    def _():
        pltpu.sync_copy(agg_s.at[pl.ds(s * ZROWS, ZROWS)],
                        aggp_h.at[c, pl.ds(s * ZROWS, ZROWS)])


def _sc_edge_agg(h, src, dst, zerosd):
    return pl.kernel(
        _sc_edge_agg_body,
        out_type=jax.ShapeDtypeStruct((NC, N, D), jnp.float32),
        mesh=_sc_mesh(),
        scratch_types=[
            pltpu.VMEM((CE,), jnp.int32),
            pltpu.VMEM((CE,), jnp.int32),
            pltpu.VMEM((CE,), jnp.int32),
            pltpu.VMEM((CE,), jnp.int32),
            pltpu.VMEM((CE,), jnp.int32),
            pltpu.VMEM((CE,), jnp.int32),
            pltpu.VMEM((CE, D), jnp.float32),
            pltpu.VMEM((CE, D), jnp.float32),
            pltpu.VMEM((CE, D), jnp.float32),
            pltpu.VMEM_SHARED((N, D), jnp.float32),
            pltpu.SemaphoreType.DMA,
            pltpu.SemaphoreType.DMA,
            pltpu.SemaphoreType.DMA,
        ],
    )(h, src, dst, zerosd)



_BN = 400
_GRID = N // _BN


def _sage_body(aggp_ref, degp_ref, h_ref, wl_ref, wr_ref, bl_ref, out_ref):
    agg = aggp_ref[0] + aggp_ref[1]
    deg = jnp.maximum(degp_ref[0, :, 0:1] + degp_ref[1, :, 0:1], 1.0)
    out = (jnp.dot(agg / deg, wl_ref[...], precision=_PREC,
                   preferred_element_type=jnp.float32)
           + bl_ref[...]
           + jnp.dot(h_ref[...], wr_ref[...], precision=_PREC,
                     preferred_element_type=jnp.float32))
    nrm = jnp.maximum(jnp.sqrt(jnp.sum(out * out, axis=1, keepdims=True)),
                      1e-12)
    out_ref[...] = jnp.maximum(out / nrm, 0.0)


def _tc_sage(aggp, degp, h, wl, wr, bl):
    return pl.pallas_call(
        _sage_body,
        grid=(_GRID,),
        in_specs=[
            pl.BlockSpec((NC, _BN, D), lambda i: (0, i, 0)),
            pl.BlockSpec((NC, _BN, 8), lambda i: (0, i, 0)),
            pl.BlockSpec((_BN, D), lambda i: (i, 0)),
            pl.BlockSpec((D, D), lambda i: (0, 0)),
            pl.BlockSpec((D, D), lambda i: (0, 0)),
            pl.BlockSpec((1, D), lambda i: (0, 0)),
        ],
        out_specs=pl.BlockSpec((_BN, D), lambda i: (i, 0)),
        out_shape=jax.ShapeDtypeStruct((N, D), jnp.float32),
    )(aggp, degp, h, wl, wr, bl)


def _lstm_math(hh, cc, r_num, r_den, wih, whh, bih, bhh):
    r = r_num / jnp.where(r_den > 0.0, r_den, 1.0)
    q_star = jnp.concatenate([hh, r], axis=1)
    gates = (lax.dot_general(q_star, wih, (((1,), (1,)), ((), ())),
                             precision=_PREC,
                             preferred_element_type=jnp.float32)
             + bih
             + lax.dot_general(hh, whh, (((1,), (1,)), ((), ())),
                               precision=_PREC,
                               preferred_element_type=jnp.float32)
             + bhh)
    ig = jax.nn.sigmoid(gates[:, 0 * D:1 * D])
    fg = jax.nn.sigmoid(gates[:, 1 * D:2 * D])
    gg = jnp.tanh(gates[:, 2 * D:3 * D])
    og = jax.nn.sigmoid(gates[:, 3 * D:4 * D])
    cc2 = fg * cc + ig * gg
    return og * jnp.tanh(cc2), cc2


def _make_attn_body(with_mlp):
    def body(h_ref, b_ref, hh_ref, cc_ref, rp_ref, denp_ref,
             wih_ref, whh_ref, bih_ref, bhh_ref,
             w1_ref, b1_ref, w2_ref, b2_ref, w3_ref, b3_ref,
             r_ref, den_ref, hho_ref, cco_ref, out_ref, q_scr):
        i = pl.program_id(0)

        @pl.when(i == 0)
        def _():
            hh2, cc2 = _lstm_math(hh_ref[...], cc_ref[...], rp_ref[...],
                                  denp_ref[...], wih_ref[...], whh_ref[...],
                                  bih_ref[...], bhh_ref[...])
            hho_ref[...] = hh2
            cco_ref[...] = cc2
            q_scr[...] = hh2
            r_ref[...] = jnp.zeros_like(r_ref)
            den_ref[...] = jnp.zeros_like(den_ref)
        onehot = (b_ref[...] == lax.broadcasted_iota(jnp.int32, (_BN, B), 1)
                  ).astype(jnp.float32)
        h = h_ref[...]
        qb = jnp.dot(onehot, q_scr[...], precision=_PREC,
                     preferred_element_type=jnp.float32)
        e = jnp.sum(h * qb, axis=1, keepdims=True)
        a = jnp.exp(e)
        den_ref[...] += lax.dot_general(onehot, a, (((0,), (0,)), ((), ())),
                                        precision=_PREC,
                                        preferred_element_type=jnp.float32)
        r_ref[...] += lax.dot_general(onehot, a * h,
                                      (((0,), (0,)), ((), ())),
                                      precision=_PREC,
                                      preferred_element_type=jnp.float32)
        if with_mlp:
            @pl.when(i == _GRID - 1)
            def _():
                den = den_ref[...]
                r = r_ref[...] / jnp.where(den > 0.0, den, 1.0)
                q_star = jnp.concatenate([q_scr[...], r], axis=1)
                z = jnp.maximum(
                    jnp.dot(q_star, w1_ref[...], precision=_PREC,
                            preferred_element_type=jnp.float32)
                    + b1_ref[...], 0.0)
                z = jnp.maximum(
                    jnp.dot(z, w2_ref[...], precision=_PREC,
                            preferred_element_type=jnp.float32)
                    + b2_ref[...], 0.0)
                z = jnp.dot(z, w3_ref[...], precision=_PREC,
                            preferred_element_type=jnp.float32) + b3_ref[...]
                out_ref[...] = jax.nn.sigmoid(z)
        else:
            out_ref[...] = jnp.zeros_like(out_ref)
    return body


def _tc_attn_step(h, batch2, hh, cc, rp, denp, wih, whh, bih, bhh,
                  w1, b1, w2, b2, w3, b3, with_mlp):
    full = lambda i: (0, 0)
    return pl.pallas_call(
        _make_attn_body(with_mlp),
        grid=(_GRID,),
        in_specs=[
            pl.BlockSpec((_BN, D), lambda i: (i, 0)),
            pl.BlockSpec((_BN, 1), lambda i: (i, 0)),
            pl.BlockSpec((B, D), full),
            pl.BlockSpec((B, D), full),
            pl.BlockSpec((B, D), full),
            pl.BlockSpec((B, 1), full),
            pl.BlockSpec((4 * D, 2 * D), full),
            pl.BlockSpec((4 * D, D), full),
            pl.BlockSpec((1, 4 * D), full),
            pl.BlockSpec((1, 4 * D), full),
            pl.BlockSpec((2 * D, D), full),
            pl.BlockSpec((1, D), full),
            pl.BlockSpec((D, D // 2), full),
            pl.BlockSpec((1, D // 2), full),
            pl.BlockSpec((D // 2, 1), full),
            pl.BlockSpec((1, 1), full),
        ],
        out_specs=[
            pl.BlockSpec((B, D), full),
            pl.BlockSpec((B, 1), full),
            pl.BlockSpec((B, D), full),
            pl.BlockSpec((B, D), full),
            pl.BlockSpec((B, 1), full),
        ],
        out_shape=[
            jax.ShapeDtypeStruct((B, D), jnp.float32),
            jax.ShapeDtypeStruct((B, 1), jnp.float32),
            jax.ShapeDtypeStruct((B, D), jnp.float32),
            jax.ShapeDtypeStruct((B, D), jnp.float32),
            jax.ShapeDtypeStruct((B, 1), jnp.float32),
        ],
        scratch_shapes=[pltpu.VMEM((B, D), jnp.float32)],
    )(h, batch2, hh, cc, rp, denp, wih, whh, bih, bhh,
      w1, b1, w2, b2, w3, b3)


def _lstm_body(hh_ref, cc_ref, r_ref, den_ref, wih_ref, whh_ref,
               bih_ref, bhh_ref, hho_ref, cco_ref):
    hh = hh_ref[...]
    den = den_ref[...]
    r = r_ref[...] / jnp.where(den > 0.0, den, 1.0)
    q_star = jnp.concatenate([hh, r], axis=1)
    gates = (lax.dot_general(q_star, wih_ref[...], (((1,), (1,)), ((), ())),
                             precision=_PREC,
                             preferred_element_type=jnp.float32)
             + bih_ref[...]
             + lax.dot_general(hh, whh_ref[...], (((1,), (1,)), ((), ())),
                               precision=_PREC,
                               preferred_element_type=jnp.float32)
             + bhh_ref[...])
    ig = jax.nn.sigmoid(gates[:, 0 * D:1 * D])
    fg = jax.nn.sigmoid(gates[:, 1 * D:2 * D])
    gg = jnp.tanh(gates[:, 2 * D:3 * D])
    og = jax.nn.sigmoid(gates[:, 3 * D:4 * D])
    cc = fg * cc_ref[...] + ig * gg
    cco_ref[...] = cc
    hho_ref[...] = og * jnp.tanh(cc)


def _tc_lstm(hh, cc, r, den, wih, whh, bih, bhh):
    return pl.pallas_call(
        _lstm_body,
        out_shape=[
            jax.ShapeDtypeStruct((B, D), jnp.float32),
            jax.ShapeDtypeStruct((B, D), jnp.float32),
        ],
    )(hh, cc, r, den, wih, whh, bih, bhh)


def _mlp_body(hh_ref, r_ref, den_ref, w1_ref, b1_ref, w2_ref, b2_ref,
              w3_ref, b3_ref, out_ref):
    den = den_ref[...]
    r = r_ref[...] / jnp.where(den > 0.0, den, 1.0)
    q_star = jnp.concatenate([hh_ref[...], r], axis=1)
    z = jnp.maximum(jnp.dot(q_star, w1_ref[...], precision=_PREC,
                            preferred_element_type=jnp.float32)
                    + b1_ref[...], 0.0)
    z = jnp.maximum(jnp.dot(z, w2_ref[...], precision=_PREC,
                            preferred_element_type=jnp.float32)
                    + b2_ref[...], 0.0)
    z = jnp.dot(z, w3_ref[...], precision=_PREC,
                preferred_element_type=jnp.float32) + b3_ref[...]
    out_ref[...] = jax.nn.sigmoid(z)


def _tc_mlp(hh, r, den, w1, b1, w2, b2, w3, b3):
    return pl.pallas_call(
        _mlp_body,
        out_shape=jax.ShapeDtypeStruct((B, 1), jnp.float32),
    )(hh, r, den, w1, b1, w2, b2, w3, b3)



def kernel(x, edge_index, batch, emb, W_l0, b_l0, W_r0, W_l1, b_l1, W_r1,
           W_l2, b_l2, W_r2, W_ih, W_hh, b_ih, b_hh, Wc1, bc1, Wc2, bc2,
           Wc3, bc3):
    xpad = jnp.concatenate(
        [x[:, 0], jnp.zeros((PAD_N - N,), jnp.int32)])
    src = edge_index[0]
    dst = edge_index[1]
    batch2 = batch.reshape(N, 1)
    zeros8 = jnp.zeros((ZROWS, 8), jnp.float32)
    ones8 = jnp.ones((CE, 8), jnp.float32)
    zerosd = jnp.zeros((ZROWS, D), jnp.float32)

    h, degp = _sc_gather_deg(emb, xpad, dst, zeros8, ones8)

    for (Wl, bl, Wr) in ((W_l0, b_l0, W_r0), (W_l1, b_l1, W_r1),
                         (W_l2, b_l2, W_r2)):
        aggp = _sc_edge_agg(h, src, dst, zerosd)
        h = _tc_sage(aggp, degp, h, Wl, Wr, bl.reshape(1, D))

    hh = jnp.zeros((B, D), jnp.float32)
    cc = jnp.zeros((B, D), jnp.float32)
    r = jnp.zeros((B, D), jnp.float32)
    den = jnp.ones((B, 1), jnp.float32)
    bih2 = b_ih.reshape(1, 4 * D)
    bhh2 = b_hh.reshape(1, 4 * D)
    bc12 = bc1.reshape(1, D)
    bc22 = bc2.reshape(1, D // 2)
    bc32 = bc3.reshape(1, 1)
    out = None
    for step in range(STEPS):
        r, den, hh, cc, out = _tc_attn_step(
            h, batch2, hh, cc, r, den, W_ih, W_hh, bih2, bhh2,
            Wc1, bc12, Wc2, bc22, Wc3, bc32, step == STEPS - 1)
    return out[:, 0]

# --- scband reference (transcript-rebuilt; emitter-appended) ---
"""Pipeline reference for scband-set2-set-session-gnn-40793599377665 (READ-ONLY COPY).

The authoritative reference and input builder live on the scoring server;
editing this copy changes nothing except your own understanding.
"""

import jax, jax.numpy as jnp
import numpy as np

N = 10000
E = 320000
NUM_ITEMS = 100000
D = 128
B = 512
STEPS = 3

def setup_inputs(seed: int = 0):
    key = jax.random.key(seed)
    ks = jax.random.split(key, 24)
    inp = {}
    inp["x"] = jax.random.randint(ks[0], (N, 1), 0, NUM_ITEMS, dtype=jnp.int32)
    inp["edge_index"] = jax.random.randint(ks[1], (2, E), 0, N, dtype=jnp.int32)
    inp["batch"] = jnp.sort(jax.random.randint(ks[2], (N,), 0, B, dtype=jnp.int32))
    inp["emb"] = jax.random.normal(ks[3], (NUM_ITEMS, D), dtype=jnp.float32) * 0.05
    k = 4
    for i in range(3):
        inp["W_l%d" % i] = jax.random.normal(ks[k], (D, D), dtype=jnp.float32) * 0.05; k += 1
        inp["b_l%d" % i] = jnp.zeros((D,), jnp.float32)
        inp["W_r%d" % i] = jax.random.normal(ks[k], (D, D), dtype=jnp.float32) * 0.05; k += 1
    inp["W_ih"] = jax.random.normal(ks[k], (4 * D, 2 * D), dtype=jnp.float32) * 0.05; k += 1
    inp["W_hh"] = jax.random.normal(ks[k], (4 * D, D), dtype=jnp.float32) * 0.05; k += 1
    inp["b_ih"] = jnp.zeros((4 * D,), jnp.float32)
    inp["b_hh"] = jnp.zeros((4 * D,), jnp.float32)
    inp["Wc1"] = jax.random.normal(ks[k], (2 * D, D), dtype=jnp.float32) * 0.05; k += 1
    inp["bc1"] = jnp.zeros((D,), jnp.float32)
    inp["Wc2"] = jax.random.normal(ks[k], (D, D // 2), dtype=jnp.float32) * 0.05; k += 1
    inp["bc2"] = jnp.zeros((D // 2,), jnp.float32)
    inp["Wc3"] = jax.random.normal(ks[k], (D // 2, 1), dtype=jnp.float32) * 0.05; k += 1
    inp["bc3"] = jnp.zeros((1,), jnp.float32)
    return inp

def _forward(x, edge_index, batch, emb, W_l0, b_l0, W_r0, W_l1, b_l1, W_r1, W_l2, b_l2, W_r2, W_ih, W_hh, b_ih, b_hh, Wc1, bc1, Wc2, bc2, Wc3, bc3):
    h = jnp.take(emb, x[:, 0], axis=0)
    src = edge_index[0]
    dst = edge_index[1]
    deg = jax.ops.segment_sum(jnp.ones((E,), jnp.float32), dst, num_segments=N)
    deg = jnp.maximum(deg, 1.0)[:, None]
    for (Wl, bl, Wr) in ((W_l0, b_l0, W_r0), (W_l1, b_l1, W_r1), (W_l2, b_l2, W_r2)):
        agg = jax.ops.segment_sum(jnp.take(h, src, axis=0), dst, num_segments=N) / deg
        out = agg @ Wl + bl + h @ Wr
        nrm = jnp.maximum(jnp.linalg.norm(out, axis=-1, keepdims=True), 1e-12)
        h = jax.nn.relu(out / nrm)
    q_star = jnp.zeros((B, 2 * D), jnp.float32)
    hh = jnp.zeros((B, D), jnp.float32)
    cc = jnp.zeros((B, D), jnp.float32)
    for _ in range(STEPS):
        gates = q_star @ W_ih.T + b_ih + hh @ W_hh.T + b_hh
        ig, fg, gg, og = jnp.split(gates, 4, axis=-1)
        ig = jax.nn.sigmoid(ig); fg = jax.nn.sigmoid(fg); gg = jnp.tanh(gg); og = jax.nn.sigmoid(og)
        cc = fg * cc + ig * gg
        hh = og * jnp.tanh(cc)
        q = hh
        e = jnp.sum(h * jnp.take(q, batch, axis=0), axis=-1)
        m = jax.ops.segment_max(e, batch, num_segments=B)
        a = jnp.exp(e - jnp.take(m, batch))
        den = jax.ops.segment_sum(a, batch, num_segments=B)
        a = a / jnp.take(den, batch)
        r = jax.ops.segment_sum(a[:, None] * h, batch, num_segments=B)
        q_star = jnp.concatenate([q, r], axis=-1)
    z = jax.nn.relu(q_star @ Wc1 + bc1)
    z = jax.nn.relu(z @ Wc2 + bc2)
    z = z @ Wc3 + bc3
    return jax.nn.sigmoid(z)[:, 0]

def reference(x, edge_index, batch, emb, W_l0, b_l0, W_r0, W_l1, b_l1, W_r1, W_l2, b_l2, W_r2, W_ih, W_hh, b_ih, b_hh, Wc1, bc1, Wc2, bc2, Wc3, bc3):
    return _forward(x, edge_index, batch, emb, W_l0, b_l0, W_r0, W_l1, b_l1, W_r1, W_l2, b_l2, W_r2, W_ih, W_hh, b_ih, b_hh, Wc1, bc1, Wc2, bc2, Wc3, bc3)

if __name__ == "__main__":
    import jax
    _d = setup_inputs()
    print(jax.jit(kernel)(*tuple(_d.values())))

</pallas_src>

<mosaic_0001>
#map = affine_map<(d0, d1) -> (0, 0)>
#map1 = affine_map<(d0, d1) -> (0)>
#map2 = affine_map<(d0, d1) -> (0, 0, 0)>
module attributes {stable_mosaic.version = 14 : i64} {
  func.func @_sc_edge_agg_body(%arg0: i32, %arg1: i32, %arg2: memref<10000x128xf32, #tpu.memory_space<hbm>>, %arg3: memref<320000xi32, #tpu.memory_space<hbm>>, %arg4: memref<320000xi32, #tpu.memory_space<hbm>>, %arg5: memref<1000x128xf32, #tpu.memory_space<hbm>>, %arg6: memref<2x10000x128xf32, #tpu.memory_space<hbm>>, %arg7: memref<80xi32, #tpu.memory_space<vmem>>, %arg8: memref<80xi32, #tpu.memory_space<vmem>>, %arg9: memref<80xi32, #tpu.memory_space<vmem>>, %arg10: memref<80xi32, #tpu.memory_space<vmem>>, %arg11: memref<80xi32, #tpu.memory_space<vmem>>, %arg12: memref<80xi32, #tpu.memory_space<vmem>>, %arg13: memref<80x128xf32, #tpu.memory_space<vmem>>, %arg14: memref<80x128xf32, #tpu.memory_space<vmem>>, %arg15: memref<80x128xf32, #tpu.memory_space<vmem>>, %arg16: memref<10000x128xf32, #tpu.memory_space<vmem_shared>>, %arg17: memref<!tpu.dma_semaphore, #tpu.memory_space<semaphore_mem>>, %arg18: memref<!tpu.dma_semaphore, #tpu.memory_space<semaphore_mem>>, %arg19: memref<!tpu.dma_semaphore, #tpu.memory_space<semaphore_mem>>) attributes {dimension_semantics = [#tpu.dimension_semantics<core_parallel>, #tpu.dimension_semantics<subcore_parallel>], iteration_bounds = array<i64: 2, 16>, scalar_prefetch = 0 : i64, scratch_operands = 13 : i64, tpu.core_type = #tpu.core_type<sc_vector_subcore>, window_params = [{transform_indices = #map}, {transform_indices = #map1}, {transform_indices = #map1}, {transform_indices = #map}, {transform_indices = #map2}]} {
    %mul3A = arith.constant 2 : i32
    %mul3A_0 = arith.muli %arg1, %mul3A : i32
    %add3A = arith.addi %mul3A_0, %arg0 : i32
    %lt3A = arith.constant 10 : i32
    %lt3A_1 = arith.cmpi slt, %arg1, %lt3A : i32
    %convert_element_type3A = arith.extui %lt3A_1 : i1 to i32
    %cond3A = arith.constant 0 : i32
    %cond3A_2 = arith.cmpi ne, %convert_element_type3A, %cond3A : i32
    scf.if %cond3A_2 {
      %mul3A_33 = arith.constant 1000 : i32
      %mul3A_34 = arith.muli %arg1, %mul3A_33 : i32
      "tpu.region"() ({
        %run_scoped3A = tpu.sem_alloc : memref<!tpu.dma_semaphore, #tpu.memory_space<semaphore_mem>>
        %dma_start3A_35 = arith.constant 0 : i32
        %dma_start3A_36 = tpu.memref_slice %arg16[%mul3A_34, %dma_start3A_35] : memref<10000x128xf32, #tpu.memory_space<vmem_shared>> -> memref<1000x128xf32, #tpu.memory_space<vmem_shared>>
        tpu.enqueue_dma source(%arg5 : memref<1000x128xf32, #tpu.memory_space<hbm>>) target(%dma_start3A_36 : memref<1000x128xf32, #tpu.memory_space<vmem_shared>>) target_semaphore(%run_scoped3A : memref<!tpu.dma_semaphore, #tpu.memory_space<semaphore_mem>>)
        %dma_wait3A_37 = arith.constant 0 : i32
        %dma_wait3A_38 = tpu.memref_slice %arg16[%mul3A_34, %dma_wait3A_37] : memref<10000x128xf32, #tpu.memory_space<vmem_shared>> -> memref<1000x128xf32, #tpu.memory_space<vmem_shared>>
        tpu.wait_dma2 semaphore(%run_scoped3A : memref<!tpu.dma_semaphore, #tpu.memory_space<semaphore_mem>>) src(%arg5 : memref<1000x128xf32, #tpu.memory_space<hbm>>) dst(%dma_wait3A_38 : memref<1000x128xf32, #tpu.memory_space<vmem_shared>>)
        tpu.yield
      }) : () -> ()
    } else {
    }
    %barrier3A = arith.constant 0 : index
    tpu.barrier barrier_id(%barrier3A)
    %scan3A = arith.constant 0 : i32
    %scan3A_3 = arith.constant 0 : i32
    %scan3A_4 = arith.constant 41 : i32
    %scan3A_5 = arith.addi %scan3A_3, %scan3A_4 : i32
    %scan3A_6 = arith.constant 1 : i32
    scf.for %scan3A_33 = %scan3A_3 to %scan3A_5 step %scan3A_6  : i32 {
      %mul3A_34 = arith.constant 3 : i32
      %mul3A_35 = arith.muli %scan3A_33, %mul3A_34 : i32
      %mul3A_36 = arith.constant 10000 : i32
      %mul3A_37 = arith.muli %add3A, %mul3A_36 : i32
      %add3A_38 = arith.constant 0 : i32
      %add3A_39 = arith.addi %mul3A_35, %add3A_38 : i32
      %mul3A_40 = arith.constant 80 : i32
      %mul3A_41 = arith.muli %add3A_39, %mul3A_40 : i32
      %add3A_42 = arith.addi %mul3A_37, %mul3A_41 : i32
      %multiple_of3A_43 = tpu.assume_multiple %add3A_42, 8 : i32
      "tpu.region"() ({
        %run_scoped3A = tpu.sem_alloc : memref<!tpu.dma_semaphore, #tpu.memory_space<semaphore_mem>>
        %dma_start3A_102 = tpu.memref_slice %arg3[%multiple_of3A_43] : memref<320000xi32, #tpu.memory_space<hbm>> -> memref<80xi32, #tpu.memory_space<hbm>>
        %dma_start3A_103 = tpu.memref_slice %arg3[%multiple_of3A_43] : memref<320000xi32, #tpu.memory_space<hbm>> -> memref<80xi32, #tpu.memory_space<hbm>>
        tpu.enqueue_dma source(%dma_start3A_103 : memref<80xi32, #tpu.memory_space<hbm>>) target(%arg7 : memref<80xi32, #tpu.memory_space<vmem>>) target_semaphore(%run_scoped3A : memref<!tpu.dma_semaphore, #tpu.memory_space<semaphore_mem>>)
        %dma_wait3A_104 = tpu.memref_slice %arg3[%multiple_of3A_43] : memref<320000xi32, #tpu.memory_space<hbm>> -> memref<80xi32, #tpu.memory_space<hbm>>
        %dma_wait3A_105 = tpu.memref_slice %arg3[%multiple_of3A_43] : memref<320000xi32, #tpu.memory_space<hbm>> -> memref<80xi32, #tpu.memory_space<hbm>>
        tpu.wait_dma2 semaphore(%run_scoped3A : memref<!tpu.dma_semaphore, #tpu.memory_space<semaphore_mem>>) src(%dma_wait3A_105 : memref<80xi32, #tpu.memory_space<hbm>>) dst(%arg7 : memref<80xi32, #tpu.memory_space<vmem>>)
        tpu.yield
      }) : () -> ()
      %dma_start3A_44 = arith.constant 0 : i32
      %dma_start3A_45 = arith.constant 0 : i32
      %dma_start3A_46 = tpu.memref_slice %arg2[%dma_start3A_44, %dma_start3A_45] : memref<10000x128xf32, #tpu.memory_space<hbm>> -> memref<10000x128xf32, #tpu.memory_space<hbm>>
      tpu.enqueue_indirect_dma source(%dma_start3A_46 : memref<10000x128xf32, #tpu.memory_space<hbm>>) target(%arg13 : memref<80x128xf32, #tpu.memory_space<vmem>>) offsets(%arg7 : memref<80xi32, #tpu.memory_space<vmem>>) semaphore(%arg17 : memref<!tpu.dma_semaphore, #tpu.memory_space<semaphore_mem>>)
      %mul3A_47 = arith.constant 10000 : i32
      %mul3A_48 = arith.muli %add3A, %mul3A_47 : i32
      %add3A_49 = arith.constant 1 : i32
      %add3A_50 = arith.addi %mul3A_35, %add3A_49 : i32
      %mul3A_51 = arith.constant 80 : i32
      %mul3A_52 = arith.muli %add3A_50, %mul3A_51 : i32
      %add3A_53 = arith.addi %mul3A_48, %mul3A_52 : i32
      %multiple_of3A_54 = tpu.assume_multiple %add3A_53, 8 : i32
      "tpu.region"() ({
        %run_scoped3A = tpu.sem_alloc : memref<!tpu.dma_semaphore, #tpu.memory_space<semaphore_mem>>
        %dma_start3A_102 = tpu.memref_slice %arg3[%multiple_of3A_54] : memref<320000xi32, #tpu.memory_space<hbm>> -> memref<80xi32, #tpu.memory_space<hbm>>
        %dma_start3A_103 = tpu.memref_slice %arg3[%multiple_of3A_54] : memref<320000xi32, #tpu.memory_space<hbm>> -> memref<80xi32, #tpu.memory_space<hbm>>
        tpu.enqueue_dma source(%dma_start3A_103 : memref<80xi32, #tpu.memory_space<hbm>>) target(%arg8 : memref<80xi32, #tpu.memory_space<vmem>>) target_semaphore(%run_scoped3A : memref<!tpu.dma_semaphore, #tpu.memory_space<semaphore_mem>>)
        %dma_wait3A_104 = tpu.memref_slice %arg3[%multiple_of3A_54] : memref<320000xi32, #tpu.memory_space<hbm>> -> memref<80xi32, #tpu.memory_space<hbm>>
        %dma_wait3A_105 = tpu.memref_slice %arg3[%multiple_of3A_54] : memref<320000xi32, #tpu.memory_space<hbm>> -> memref<80xi32, #tpu.memory_space<hbm>>
        tpu.wait_dma2 semaphore(%run_scoped3A : memref<!tpu.dma_semaphore, #tpu.memory_space<semaphore_mem>>) src(%dma_wait3A_105 : memref<80xi32, #tpu.memory_space<hbm>>) dst(%arg8 : memref<80xi32, #tpu.memory_space<vmem>>)
        tpu.yield
      }) : () -> ()
      %dma_start3A_55 = arith.constant 0 : i32
      %dma_start3A_56 = arith.constant 0 : i32
      %dma_start3A_57 = tpu.memref_slice %arg2[%dma_start3A_55, %dma_start3A_56] : memref<10000x128xf32, #tpu.memory_space<hbm>> -> memref<10000x128xf32, #tpu.memory_space<hbm>>
      tpu.enqueue_indirect_dma source(%dma_start3A_57 : memref<10000x128xf32, #tpu.memory_space<hbm>>) target(%arg14 : memref<80x128xf32, #tpu.memory_space<vmem>>) offsets(%arg8 : memref<80xi32, #tpu.memory_space<vmem>>) semaphore(%arg18 : memref<!tpu.dma_semaphore, #tpu.memory_space<semaphore_mem>>)
      %mul3A_58 = arith.constant 10000 : i32
      %mul3A_59 = arith.muli %add3A, %mul3A_58 : i32
      %add3A_60 = arith.constant 2 : i32
      %add3A_61 = arith.addi %mul3A_35, %add3A_60 : i32
      %mul3A_62 = arith.constant 80 : i32
      %mul3A_63 = arith.muli %add3A_61, %mul3A_62 : i32
      %add3A_64 = arith.addi %mul3A_59, %mul3A_63 : i32
      %multiple_of3A_65 = tpu.assume_multiple %add3A_64, 8 : i32
      "tpu.region"() ({
        %run_scoped3A = tpu.sem_alloc : memref<!tpu.dma_semaphore, #tpu.memory_space<semaphore_mem>>
        %dma_start3A_102 = tpu.memref_slice %arg3[%multiple_of3A_65] : memref<320000xi32, #tpu.memory_space<hbm>> -> memref<80xi32, #tpu.memory_space<hbm>>
        %dma_start3A_103 = tpu.memref_slice %arg3[%multiple_of3A_65] : memref<320000xi32, #tpu.memory_space<hbm>> -> memref<80xi32, #tpu.memory_space<hbm>>
        tpu.enqueue_dma source(%dma_start3A_103 : memref<80xi32, #tpu.memory_space<hbm>>) target(%arg9 : memref<80xi32, #tpu.memory_space<vmem>>) target_semaphore(%run_scoped3A : memref<!tpu.dma_semaphore, #tpu.memory_space<semaphore_mem>>)
        %dma_wait3A_104 = tpu.memref_slice %arg3[%multiple_of3A_65] : memref<320000xi32, #tpu.memory_space<hbm>> -> memref<80xi32, #tpu.memory_space<hbm>>
        %dma_wait3A_105 = tpu.memref_slice %arg3[%multiple_of3A_65] : memref<320000xi32, #tpu.memory_space<hbm>> -> memref<80xi32, #tpu.memory_space<hbm>>
        tpu.wait_dma2 semaphore(%run_scoped3A : memref<!tpu.dma_semaphore, #tpu.memory_space<semaphore_mem>>) src(%dma_wait3A_105 : memref<80xi32, #tpu.memory_space<hbm>>) dst(%arg9 : memref<80xi32, #tpu.memory_space<vmem>>)
        tpu.yield
      }) : () -> ()
      %dma_start3A_66 = arith.constant 0 : i32
      %dma_start3A_67 = arith.constant 0 : i32
      %dma_start3A_68 = tpu.memref_slice %arg2[%dma_start3A_66, %dma_start3A_67] : memref<10000x128xf32, #tpu.memory_space<hbm>> -> memref<10000x128xf32, #tpu.memory_space<hbm>>
      tpu.enqueue_indirect_dma source(%dma_start3A_68 : memref<10000x128xf32, #tpu.memory_space<hbm>>) target(%arg15 : memref<80x128xf32, #tpu.memory_space<vmem>>) offsets(%arg9 : memref<80xi32, #tpu.memory_space<vmem>>) semaphore(%arg19 : memref<!tpu.dma_semaphore, #tpu.memory_space<semaphore_mem>>)
      %mul3A_69 = arith.constant 10000 : i32
      %mul3A_70 = arith.muli %add3A, %mul3A_69 : i32
      %add3A_71 = arith.constant 0 : i32
      %add3A_72 = arith.addi %mul3A_35, %add3A_71 : i32
      %mul3A_73 = arith.constant 80 : i32
      %mul3A_74 = arith.muli %add3A_72, %mul3A_73 : i32
      %add3A_75 = arith.addi %mul3A_70, %mul3A_74 : i32
      %multiple_of3A_76 = tpu.assume_multiple %add3A_75, 8 : i32
      "tpu.region"() ({
        %run_scoped3A = tpu.sem_alloc : memref<!tpu.dma_semaphore, #tpu.memory_space<semaphore_mem>>
        %dma_start3A_102 = tpu.memref_slice %arg4[%multiple_of3A_76] : memref<320000xi32, #tpu.memory_space<hbm>> -> memref<80xi32, #tpu.memory_space<hbm>>
        %dma_start3A_103 = tpu.memref_slice %arg4[%multiple_of3A_76] : memref<320000xi32, #tpu.memory_space<hbm>> -> memref<80xi32, #tpu.memory_space<hbm>>
        tpu.enqueue_dma source(%dma_start3A_103 : memref<80xi32, #tpu.memory_space<hbm>>) target(%arg10 : memref<80xi32, #tpu.memory_space<vmem>>) target_semaphore(%run_scoped3A : memref<!tpu.dma_semaphore, #tpu.memory_space<semaphore_mem>>)
        %dma_wait3A_104 = tpu.memref_slice %arg4[%multiple_of3A_76] : memref<320000xi32, #tpu.memory_space<hbm>> -> memref<80xi32, #tpu.memory_space<hbm>>
        %dma_wait3A_105 = tpu.memref_slice %arg4[%multiple_of3A_76] : memref<320000xi32, #tpu.memory_space<hbm>> -> memref<80xi32, #tpu.memory_space<hbm>>
        tpu.wait_dma2 semaphore(%run_scoped3A : memref<!tpu.dma_semaphore, #tpu.memory_space<semaphore_mem>>) src(%dma_wait3A_105 : memref<80xi32, #tpu.memory_space<hbm>>) dst(%arg10 : memref<80xi32, #tpu.memory_space<vmem>>)
        tpu.yield
      }) : () -> ()
      %mul3A_77 = arith.constant 10000 : i32
      %mul3A_78 = arith.muli %add3A, %mul3A_77 : i32
      %add3A_79 = arith.constant 1 : i32
      %add3A_80 = arith.addi %mul3A_35, %add3A_79 : i32
      %mul3A_81 = arith.constant 80 : i32
      %mul3A_82 = arith.muli %add3A_80, %mul3A_81 : i32
      %add3A_83 = arith.addi %mul3A_78, %mul3A_82 : i32
      %multiple_of3A_84 = tpu.assume_multiple %add3A_83, 8 : i32
      "tpu.region"() ({
        %run_scoped3A = tpu.sem_alloc : memref<!tpu.dma_semaphore, #tpu.memory_space<semaphore_mem>>
        %dma_start3A_102 = tpu.memref_slice %arg4[%multiple_of3A_84] : memref<320000xi32, #tpu.memory_space<hbm>> -> memref<80xi32, #tpu.memory_space<hbm>>
        %dma_start3A_103 = tpu.memref_slice %arg4[%multiple_of3A_84] : memref<320000xi32, #tpu.memory_space<hbm>> -> memref<80xi32, #tpu.memory_space<hbm>>
        tpu.enqueue_dma source(%dma_start3A_103 : memref<80xi32, #tpu.memory_space<hbm>>) target(%arg11 : memref<80xi32, #tpu.memory_space<vmem>>) target_semaphore(%run_scoped3A : memref<!tpu.dma_semaphore, #tpu.memory_space<semaphore_mem>>)
        %dma_wait3A_104 = tpu.memref_slice %arg4[%multiple_of3A_84] : memref<320000xi32, #tpu.memory_space<hbm>> -> memref<80xi32, #tpu.memory_space<hbm>>
        %dma_wait3A_105 = tpu.memref_slice %arg4[%multiple_of3A_84] : memref<320000xi32, #tpu.memory_space<hbm>> -> memref<80xi32, #tpu.memory_space<hbm>>
        tpu.wait_dma2 semaphore(%run_scoped3A : memref<!tpu.dma_semaphore, #tpu.memory_space<semaphore_mem>>) src(%dma_wait3A_105 : memref<80xi32, #tpu.memory_space<hbm>>) dst(%arg11 : memref<80xi32, #tpu.memory_space<vmem>>)
        tpu.yield
      }) : () -> ()
      %mul3A_85 = arith.constant 10000 : i32
      %mul3A_86 = arith.muli %add3A, %mul3A_85 : i32
      %add3A_87 = arith.constant 2 : i32
      %add3A_88 = arith.addi %mul3A_35, %add3A_87 : i32
      %mul3A_89 = arith.constant 80 : i32
      %mul3A_90 = arith.muli %add3A_88, %mul3A_89 : i32
      %add3A_91 = arith.addi %mul3A_86, %mul3A_90 : i32
      %multiple_of3A_92 = tpu.assume_multiple %add3A_91, 8 : i32
      "tpu.region"() ({
        %run_scoped3A = tpu.sem_alloc : memref<!tpu.dma_semaphore, #tpu.memory_space<semaphore_mem>>
        %dma_start3A_102 = tpu.memref_slice %arg4[%multiple_of3A_92] : memref<320000xi32, #tpu.memory_space<hbm>> -> memref<80xi32, #tpu.memory_space<hbm>>
        %dma_start3A_103 = tpu.memref_slice %arg4[%multiple_of3A_92] : memref<320000xi32, #tpu.memory_space<hbm>> -> memref<80xi32, #tpu.memory_space<hbm>>
        tpu.enqueue_dma source(%dma_start3A_103 : memref<80xi32, #tpu.memory_space<hbm>>) target(%arg12 : memref<80xi32, #tpu.memory_space<vmem>>) target_semaphore(%run_scoped3A : memref<!tpu.dma_semaphore, #tpu.memory_space<semaphore_mem>>)
        %dma_wait3A_104 = tpu.memref_slice %arg4[%multiple_of3A_92] : memref<320000xi32, #tpu.memory_space<hbm>> -> memref<80xi32, #tpu.memory_space<hbm>>
        %dma_wait3A_105 = tpu.memref_slice %arg4[%multiple_of3A_92] : memref<320000xi32, #tpu.memory_space<hbm>> -> memref<80xi32, #tpu.memory_space<hbm>>
        tpu.wait_dma2 semaphore(%run_scoped3A : memref<!tpu.dma_semaphore, #tpu.memory_space<semaphore_mem>>) src(%dma_wait3A_105 : memref<80xi32, #tpu.memory_space<hbm>>) dst(%arg12 : memref<80xi32, #tpu.memory_space<vmem>>)
        tpu.yield
      }) : () -> ()
      %dma_wait3A_93 = arith.constant 0 : i32
      %dma_wait3A_94 = arith.constant 0 : i32
      %dma_wait3A_95 = tpu.memref_slice %arg2[%dma_wait3A_93, %dma_wait3A_94] : memref<10000x128xf32, #tpu.memory_space<hbm>> -> memref<10000x128xf32, #tpu.memory_space<hbm>>
      tpu.wait_indirect_dma semaphore(%arg17 : memref<!tpu.dma_semaphore, #tpu.memory_space<semaphore_mem>>) src(%dma_wait3A_95 : memref<10000x128xf32, #tpu.memory_space<hbm>>) dst(%arg13 : memref<80x128xf32, #tpu.memory_space<vmem>>)
      "tpu.region"() ({
        %run_scoped3A = tpu.sem_alloc : memref<!tpu.dma_semaphore, #tpu.memory_space<semaphore_mem>>
        %dma_start3A_102 = arith.constant 0 : i32
        %dma_start3A_103 = arith.constant 0 : i32
        %dma_start3A_104 = tpu.memref_slice %arg16[%dma_start3A_102, %dma_start3A_103] : memref<10000x128xf32, #tpu.memory_space<vmem_shared>> -> memref<10000x128xf32, #tpu.memory_space<vmem_shared>>
        tpu.enqueue_indirect_dma source(%arg13 : memref<80x128xf32, #tpu.memory_space<vmem>>) target(%dma_start3A_104 : memref<10000x128xf32, #tpu.memory_space<vmem_shared>>) offsets(%arg10 : memref<80xi32, #tpu.memory_space<vmem>>) semaphore(%run_scoped3A : memref<!tpu.dma_semaphore, #tpu.memory_space<semaphore_mem>>) {add = true}
        %dma_wait3A_105 = arith.constant 0 : i32
        %dma_wait3A_106 = arith.constant 0 : i32
        %dma_wait3A_107 = tpu.memref_slice %arg16[%dma_wait3A_105, %dma_wait3A_106] : memref<10000x128xf32, #tpu.memory_space<vmem_shared>> -> memref<10000x128xf32, #tpu.memory_space<vmem_shared>>
        tpu.wait_indirect_dma semaphore(%run_scoped3A : memref<!tpu.dma_semaphore, #tpu.memory_space<semaphore_mem>>) src(%arg13 : memref<80x128xf32, #tpu.memory_space<vmem>>) dst(%dma_wait3A_107 : memref<10000x128xf32, #tpu.memory_space<vmem_shared>>)
        tpu.yield
      }) : () -> ()
      %dma_wait3A_96 = arith.constant 0 : i32
      %dma_wait3A_97 = arith.constant 0 : i32
      %dma_wait3A_98 = tpu.memref_slice %arg2[%dma_wait3A_96, %dma_wait3A_97] : memref<10000x128xf32, #tpu.memory_space<hbm>> -> memref<10000x128xf32, #tpu.memory_space<hbm>>
      tpu.wait_indirect_dma semaphore(%arg18 : memref<!tpu.dma_semaphore, #tpu.memory_space<semaphore_mem>>) src(%dma_wait3A_98 : memref<10000x128xf32, #tpu.memory_space<hbm>>) dst(%arg14 : memref<80x128xf32, #tpu.memory_space<vmem>>)
      "tpu.region"() ({
        %run_scoped3A = tpu.sem_alloc : memref<!tpu.dma_semaphore, #tpu.memory_space<semaphore_mem>>
        %dma_start3A_102 = arith.constant 0 : i32
        %dma_start3A_103 = arith.constant 0 : i32
        %dma_start3A_104 = tpu.memref_slice %arg16[%dma_start3A_102, %dma_start3A_103] : memref<10000x128xf32, #tpu.memory_space<vmem_shared>> -> memref<10000x128xf32, #tpu.memory_space<vmem_shared>>
        tpu.enqueue_indirect_dma source(%arg14 : memref<80x128xf32, #tpu.memory_space<vmem>>) target(%dma_start3A_104 : memref<10000x128xf32, #tpu.memory_space<vmem_shared>>) offsets(%arg11 : memref<80xi32, #tpu.memory_space<vmem>>) semaphore(%run_scoped3A : memref<!tpu.dma_semaphore, #tpu.memory_space<semaphore_mem>>) {add = true}
        %dma_wait3A_105 = arith.constant 0 : i32
        %dma_wait3A_106 = arith.constant 0 : i32
        %dma_wait3A_107 = tpu.memref_slice %arg16[%dma_wait3A_105, %dma_wait3A_106] : memref<10000x128xf32, #tpu.memory_space<vmem_shared>> -> memref<10000x128xf32, #tpu.memory_space<vmem_shared>>
        tpu.wait_indirect_dma semaphore(%run_scoped3A : memref<!tpu.dma_semaphore, #tpu.memory_space<semaphore_mem>>) src(%arg14 : memref<80x128xf32, #tpu.memory_space<vmem>>) dst(%dma_wait3A_107 : memref<10000x128xf32, #tpu.memory_space<vmem_shared>>)
        tpu.yield
      }) : () -> ()
      %dma_wait3A_99 = arith.constant 0 : i32
      %dma_wait3A_100 = arith.constant 0 : i32
      %dma_wait3A_101 = tpu.memref_slice %arg2[%dma_wait3A_99, %dma_wait3A_100] : memref<10000x128xf32, #tpu.memory_space<hbm>> -> memref<10000x128xf32, #tpu.memory_space<hbm>>
      tpu.wait_indirect_dma semaphore(%arg19 : memref<!tpu.dma_semaphore, #tpu.memory_space<semaphore_mem>>) src(%dma_wait3A_101 : memref<10000x128xf32, #tpu.memory_space<hbm>>) dst(%arg15 : memref<80x128xf32, #tpu.memory_space<vmem>>)
      "tpu.region"() ({
        %run_scoped3A = tpu.sem_alloc : memref<!tpu.dma_semaphore, #tpu.memory_space<semaphore_mem>>
        %dma_start3A_102 = arith.constant 0 : i32
        %dma_start3A_103 = arith.constant 0 : i32
        %dma_start3A_104 = tpu.memref_slice %arg16[%dma_start3A_102, %dma_start3A_103] : memref<10000x128xf32, #tpu.memory_space<vmem_shared>> -> memref<10000x128xf32, #tpu.memory_space<vmem_shared>>
        tpu.enqueue_indirect_dma source(%arg15 : memref<80x128xf32, #tpu.memory_space<vmem>>) target(%dma_start3A_104 : memref<10000x128xf32, #tpu.memory_space<vmem_shared>>) offsets(%arg12 : memref<80xi32, #tpu.memory_space<vmem>>) semaphore(%run_scoped3A : memref<!tpu.dma_semaphore, #tpu.memory_space<semaphore_mem>>) {add = true}
        %dma_wait3A_105 = arith.constant 0 : i32
        %dma_wait3A_106 = arith.constant 0 : i32
        %dma_wait3A_107 = tpu.memref_slice %arg16[%dma_wait3A_105, %dma_wait3A_106] : memref<10000x128xf32, #tpu.memory_space<vmem_shared>> -> memref<10000x128xf32, #tpu.memory_space<vmem_shared>>
        tpu.wait_indirect_dma semaphore(%run_scoped3A : memref<!tpu.dma_semaphore, #tpu.memory_space<semaphore_mem>>) src(%arg15 : memref<80x128xf32, #tpu.memory_space<vmem>>) dst(%dma_wait3A_107 : memref<10000x128xf32, #tpu.memory_space<vmem_shared>>)
        tpu.yield
      }) : () -> ()
    }
    %scan3A_7 = arith.constant 41 : i32
    %mul3A_8 = arith.constant 10000 : i32
    %mul3A_9 = arith.muli %add3A, %mul3A_8 : i32
    %add3A_10 = arith.constant 9840 : i32
    %add3A_11 = arith.addi %mul3A_9, %add3A_10 : i32
    %multiple_of3A = tpu.assume_multiple %add3A_11, 8 : i32
    "tpu.region"() ({
      %run_scoped3A = tpu.sem_alloc : memref<!tpu.dma_semaphore, #tpu.memory_space<semaphore_mem>>
      %dma_start3A_33 = tpu.memref_slice %arg3[%multiple_of3A] : memref<320000xi32, #tpu.memory_space<hbm>> -> memref<80xi32, #tpu.memory_space<hbm>>
      %dma_start3A_34 = tpu.memref_slice %arg3[%multiple_of3A] : memref<320000xi32, #tpu.memory_space<hbm>> -> memref<80xi32, #tpu.memory_space<hbm>>
      tpu.enqueue_dma source(%dma_start3A_34 : memref<80xi32, #tpu.memory_space<hbm>>) target(%arg7 : memref<80xi32, #tpu.memory_space<vmem>>) target_semaphore(%run_scoped3A : memref<!tpu.dma_semaphore, #tpu.memory_space<semaphore_mem>>)
      %dma_wait3A_35 = tpu.memref_slice %arg3[%multiple_of3A] : memref<320000xi32, #tpu.memory_space<hbm>> -> memref<80xi32, #tpu.memory_space<hbm>>
      %dma_wait3A_36 = tpu.memref_slice %arg3[%multiple_of3A] : memref<320000xi32, #tpu.memory_space<hbm>> -> memref<80xi32, #tpu.memory_space<hbm>>
      tpu.wait_dma2 semaphore(%run_scoped3A : memref<!tpu.dma_semaphore, #tpu.memory_space<semaphore_mem>>) src(%dma_wait3A_36 : memref<80xi32, #tpu.memory_space<hbm>>) dst(%arg7 : memref<80xi32, #tpu.memory_space<vmem>>)
      tpu.yield
    }) : () -> ()
    %dma_start3A = arith.constant 0 : i32
    %dma_start3A_12 = arith.constant 0 : i32
    %dma_start3A_13 = tpu.memref_slice %arg2[%dma_start3A, %dma_start3A_12] : memref<10000x128xf32, #tpu.memory_space<hbm>> -> memref<10000x128xf32, #tpu.memory_space<hbm>>
    tpu.enqueue_indirect_dma source(%dma_start3A_13 : memref<10000x128xf32, #tpu.memory_space<hbm>>) target(%arg13 : memref<80x128xf32, #tpu.memory_space<vmem>>) offsets(%arg7 : memref<80xi32, #tpu.memory_space<vmem>>) semaphore(%arg17 : memref<!tpu.dma_semaphore, #tpu.memory_space<semaphore_mem>>)
    "tpu.region"() ({
      %run_scoped3A = tpu.sem_alloc : memref<!tpu.dma_semaphore, #tpu.memory_space<semaphore_mem>>
      %dma_start3A_33 = tpu.memref_slice %arg4[%multiple_of3A] : memref<320000xi32, #tpu.memory_space<hbm>> -> memref<80xi32, #tpu.memory_space<hbm>>
      %dma_start3A_34 = tpu.memref_slice %arg4[%multiple_of3A] : memref<320000xi32, #tpu.memory_space<hbm>> -> memref<80xi32, #tpu.memory_space<hbm>>
      tpu.enqueue_dma source(%dma_start3A_34 : memref<80xi32, #tpu.memory_space<hbm>>) target(%arg10 : memref<80xi32, #tpu.memory_space<vmem>>) target_semaphore(%run_scoped3A : memref<!tpu.dma_semaphore, #tpu.memory_space<semaphore_mem>>)
      %dma_wait3A_35 = tpu.memref_slice %arg4[%multiple_of3A] : memref<320000xi32, #tpu.memory_space<hbm>> -> memref<80xi32, #tpu.memory_space<hbm>>
      %dma_wait3A_36 = tpu.memref_slice %arg4[%multiple_of3A] : memref<320000xi32, #tpu.memory_space<hbm>> -> memref<80xi32, #tpu.memory_space<hbm>>
      tpu.wait_dma2 semaphore(%run_scoped3A : memref<!tpu.dma_semaphore, #tpu.memory_space<semaphore_mem>>) src(%dma_wait3A_36 : memref<80xi32, #tpu.memory_space<hbm>>) dst(%arg10 : memref<80xi32, #tpu.memory_space<vmem>>)
      tpu.yield
    }) : () -> ()
    %dma_wait3A = arith.constant 0 : i32
    %dma_wait3A_14 = arith.constant 0 : i32
    %dma_wait3A_15 = tpu.memref_slice %arg2[%dma_wait3A, %dma_wait3A_14] : memref<10000x128xf32, #tpu.memory_space<hbm>> -> memref<10000x128xf32, #tpu.memory_space<hbm>>
    tpu.wait_indirect_dma semaphore(%arg17 : memref<!tpu.dma_semaphore, #tpu.memory_space<semaphore_mem>>) src(%dma_wait3A_15 : memref<10000x128xf32, #tpu.memory_space<hbm>>) dst(%arg13 : memref<80x128xf32, #tpu.memory_space<vmem>>)
    "tpu.region"() ({
      %run_scoped3A = tpu.sem_alloc : memref<!tpu.dma_semaphore, #tpu.memory_space<semaphore_mem>>
      %dma_start3A_33 = arith.constant 0 : i32
      %dma_start3A_34 = arith.constant 0 : i32
      %dma_start3A_35 = tpu.memref_slice %arg16[%dma_start3A_33, %dma_start3A_34] : memref<10000x128xf32, #tpu.memory_space<vmem_shared>> -> memref<10000x128xf32, #tpu.memory_space<vmem_shared>>
      tpu.enqueue_indirect_dma source(%arg13 : memref<80x128xf32, #tpu.memory_space<vmem>>) target(%dma_start3A_35 : memref<10000x128xf32, #tpu.memory_space<vmem_shared>>) offsets(%arg10 : memref<80xi32, #tpu.memory_space<vmem>>) semaphore(%run_scoped3A : memref<!tpu.dma_semaphore, #tpu.memory_space<semaphore_mem>>) {add = true}
      %dma_wait3A_36 = arith.constant 0 : i32
      %dma_wait3A_37 = arith.constant 0 : i32
      %dma_wait3A_38 = tpu.memref_slice %arg16[%dma_wait3A_36, %dma_wait3A_37] : memref<10000x128xf32, #tpu.memory_space<vmem_shared>> -> memref<10000x128xf32, #tpu.memory_space<vmem_shared>>
      tpu.wait_indirect_dma semaphore(%run_scoped3A : memref<!tpu.dma_semaphore, #tpu.memory_space<semaphore_mem>>) src(%arg13 : memref<80x128xf32, #tpu.memory_space<vmem>>) dst(%dma_wait3A_38 : memref<10000x128xf32, #tpu.memory_space<vmem_shared>>)
      tpu.yield
    }) : () -> ()
    %mul3A_16 = arith.constant 10000 : i32
    %mul3A_17 = arith.muli %add3A, %mul3A_16 : i32
    %add3A_18 = arith.constant 9920 : i32
    %add3A_19 = arith.addi %mul3A_17, %add3A_18 : i32
    %multiple_of3A_20 = tpu.assume_multiple %add3A_19, 8 : i32
    "tpu.region"() ({
      %run_scoped3A = tpu.sem_alloc : memref<!tpu.dma_semaphore, #tpu.memory_space<semaphore_mem>>
      %dma_start3A_33 = tpu.memref_slice %arg3[%multiple_of3A_20] : memref<320000xi32, #tpu.memory_space<hbm>> -> memref<80xi32, #tpu.memory_space<hbm>>
      %dma_start3A_34 = tpu.memref_slice %arg3[%multiple_of3A_20] : memref<320000xi32, #tpu.memory_space<hbm>> -> memref<80xi32, #tpu.memory_space<hbm>>
      tpu.enqueue_dma source(%dma_start3A_34 : memref<80xi32, #tpu.memory_space<hbm>>) target(%arg7 : memref<80xi32, #tpu.memory_space<vmem>>) target_semaphore(%run_scoped3A : memref<!tpu.dma_semaphore, #tpu.memory_space<semaphore_mem>>)
      %dma_wait3A_35 = tpu.memref_slice %arg3[%multiple_of3A_20] : memref<320000xi32, #tpu.memory_space<hbm>> -> memref<80xi32, #tpu.memory_space<hbm>>
      %dma_wait3A_36 = tpu.memref_slice %arg3[%multiple_of3A_20] : memref<320000xi32, #tpu.memory_space<hbm>> -> memref<80xi32, #tpu.memory_space<hbm>>
      tpu.wait_dma2 semaphore(%run_scoped3A : memref<!tpu.dma_semaphore, #tpu.memory_space<semaphore_mem>>) src(%dma_wait3A_36 : memref<80xi32, #tpu.memory_space<hbm>>) dst(%arg7 : memref<80xi32, #tpu.memory_space<vmem>>)
      tpu.yield
    }) : () -> ()
    %dma_start3A_21 = arith.constant 0 : i32
    %dma_start3A_22 = arith.constant 0 : i32
    %dma_start3A_23 = tpu.memref_slice %arg2[%dma_start3A_21, %dma_start3A_22] : memref<10000x128xf32, #tpu.memory_space<hbm>> -> memref<10000x128xf32, #tpu.memory_space<hbm>>
    tpu.enqueue_indirect_dma source(%dma_start3A_23 : memref<10000x128xf32, #tpu.memory_space<hbm>>) target(%arg13 : memref<80x128xf32, #tpu.memory_space<vmem>>) offsets(%arg7 : memref<80xi32, #tpu.memory_space<vmem>>) semaphore(%arg17 : memref<!tpu.dma_semaphore, #tpu.memory_space<semaphore_mem>>)
    "tpu.region"() ({
      %run_scoped3A = tpu.sem_alloc : memref<!tpu.dma_semaphore, #tpu.memory_space<semaphore_mem>>
      %dma_start3A_33 = tpu.memref_slice %arg4[%multiple_of3A_20] : memref<320000xi32, #tpu.memory_space<hbm>> -> memref<80xi32, #tpu.memory_space<hbm>>
      %dma_start3A_34 = tpu.memref_slice %arg4[%multiple_of3A_20] : memref<320000xi32, #tpu.memory_space<hbm>> -> memref<80xi32, #tpu.memory_space<hbm>>
      tpu.enqueue_dma source(%dma_start3A_34 : memref<80xi32, #tpu.memory_space<hbm>>) target(%arg10 : memref<80xi32, #tpu.memory_space<vmem>>) target_semaphore(%run_scoped3A : memref<!tpu.dma_semaphore, #tpu.memory_space<semaphore_mem>>)
      %dma_wait3A_35 = tpu.memref_slice %arg4[%multiple_of3A_20] : memref<320000xi32, #tpu.memory_space<hbm>> -> memref<80xi32, #tpu.memory_space<hbm>>
      %dma_wait3A_36 = tpu.memref_slice %arg4[%multiple_of3A_20] : memref<320000xi32, #tpu.memory_space<hbm>> -> memref<80xi32, #tpu.memory_space<hbm>>
      tpu.wait_dma2 semaphore(%run_scoped3A : memref<!tpu.dma_semaphore, #tpu.memory_space<semaphore_mem>>) src(%dma_wait3A_36 : memref<80xi32, #tpu.memory_space<hbm>>) dst(%arg10 : memref<80xi32, #tpu.memory_space<vmem>>)
      tpu.yield
    }) : () -> ()
    %dma_wait3A_24 = arith.constant 0 : i32
    %dma_wait3A_25 = arith.constant 0 : i32
    %dma_wait3A_26 = tpu.memref_slice %arg2[%dma_wait3A_24, %dma_wait3A_25] : memref<10000x128xf32, #tpu.memory_space<hbm>> -> memref<10000x128xf32, #tpu.memory_space<hbm>>
    tpu.wait_indirect_dma semaphore(%arg17 : memref<!tpu.dma_semaphore, #tpu.memory_space<semaphore_mem>>) src(%dma_wait3A_26 : memref<10000x128xf32, #tpu.memory_space<hbm>>) dst(%arg13 : memref<80x128xf32, #tpu.memory_space<vmem>>)
    "tpu.region"() ({
      %run_scoped3A = tpu.sem_alloc : memref<!tpu.dma_semaphore, #tpu.memory_space<semaphore_mem>>
      %dma_start3A_33 = arith.constant 0 : i32
      %dma_start3A_34 = arith.constant 0 : i32
      %dma_start3A_35 = tpu.memref_slice %arg16[%dma_start3A_33, %dma_start3A_34] : memref<10000x128xf32, #tpu.memory_space<vmem_shared>> -> memref<10000x128xf32, #tpu.memory_space<vmem_shared>>
      tpu.enqueue_indirect_dma source(%arg13 : memref<80x128xf32, #tpu.memory_space<vmem>>) target(%dma_start3A_35 : memref<10000x128xf32, #tpu.memory_space<vmem_shared>>) offsets(%arg10 : memref<80xi32, #tpu.memory_space<vmem>>) semaphore(%run_scoped3A : memref<!tpu.dma_semaphore, #tpu.memory_space<semaphore_mem>>) {add = true}
      %dma_wait3A_36 = arith.constant 0 : i32
      %dma_wait3A_37 = arith.constant 0 : i32
      %dma_wait3A_38 = tpu.memref_slice %arg16[%dma_wait3A_36, %dma_wait3A_37] : memref<10000x128xf32, #tpu.memory_space<vmem_shared>> -> memref<10000x128xf32, #tpu.memory_space<vmem_shared>>
      tpu.wait_indirect_dma semaphore(%run_scoped3A : memref<!tpu.dma_semaphore, #tpu.memory_space<semaphore_mem>>) src(%arg13 : memref<80x128xf32, #tpu.memory_space<vmem>>) dst(%dma_wait3A_38 : memref<10000x128xf32, #tpu.memory_space<vmem_shared>>)
      tpu.yield
    }) : () -> ()
    %barrier3A_27 = arith.constant 0 : index
    tpu.barrier barrier_id(%barrier3A_27)
    %lt3A_28 = arith.constant 10 : i32
    %lt3A_29 = arith.cmpi slt, %arg1, %lt3A_28 : i32
    %convert_element_type3A_30 = arith.extui %lt3A_29 : i1 to i32
    %cond3A_31 = arith.constant 0 : i32
    %cond3A_32 = arith.cmpi ne, %convert_element_type3A_30, %cond3A_31 : i32
    scf.if %cond3A_32 {
      %mul3A_33 = arith.constant 1000 : i32
      %mul3A_34 = arith.muli %arg1, %mul3A_33 : i32
      %mul3A_35 = arith.constant 1000 : i32
      %mul3A_36 = arith.muli %arg1, %mul3A_35 : i32
      "tpu.region"() ({
        %run_scoped3A = tpu.sem_alloc : memref<!tpu.dma_semaphore, #tpu.memory_space<semaphore_mem>>
        %dma_start3A_37 = arith.constant 0 : i32
        %dma_start3A_38 = tpu.memref_slice %arg6[%arg0, %mul3A_36, %dma_start3A_37] : memref<2x10000x128xf32, #tpu.memory_space<hbm>> -> memref<1x1000x128xf32, #tpu.memory_space<hbm>>
        %dma_start3A_39 = tpu.memref_squeeze %dma_start3A_38 : memref<1x1000x128xf32, #tpu.memory_space<hbm>> -> memref<1000x128xf32, #tpu.memory_space<hbm>>
        %dma_start3A_40 = arith.constant 0 : i32
        %dma_start3A_41 = tpu.memref_slice %arg16[%mul3A_34, %dma_start3A_40] : memref<10000x128xf32, #tpu.memory_space<vmem_shared>> -> memref<1000x128xf32, #tpu.memory_space<vmem_shared>>
        tpu.enqueue_dma source(%dma_start3A_41 : memref<1000x128xf32, #tpu.memory_space<vmem_shared>>) target(%dma_start3A_39 : memref<1000x128xf32, #tpu.memory_space<hbm>>) target_semaphore(%run_scoped3A : memref<!tpu.dma_semaphore, #tpu.memory_space<semaphore_mem>>)
        %dma_wait3A_42 = arith.constant 0 : i32
        %dma_wait3A_43 = tpu.memref_slice %arg6[%arg0, %mul3A_36, %dma_wait3A_42] : memref<2x10000x128xf32, #tpu.memory_space<hbm>> -> memref<1x1000x128xf32, #tpu.memory_space<hbm>>
        %dma_wait3A_44 = tpu.memref_squeeze %dma_wait3A_43 : memref<1x1000x128xf32, #tpu.memory_space<hbm>> -> memref<1000x128xf32, #tpu.memory_space<hbm>>
        %dma_wait3A_45 = arith.constant 0 : i32
        %dma_wait3A_46 = tpu.memref_slice %arg16[%mul3A_34, %dma_wait3A_45] : memref<10000x128xf32, #tpu.memory_space<vmem_shared>> -> memref<1000x128xf32, #tpu.memory_space<vmem_shared>>
        tpu.wait_dma2 semaphore(%run_scoped3A : memref<!tpu.dma_semaphore, #tpu.memory_space<semaphore_mem>>) src(%dma_wait3A_46 : memref<1000x128xf32, #tpu.memory_space<vmem_shared>>) dst(%dma_wait3A_44 : memref<1000x128xf32, #tpu.memory_space<hbm>>)
        tpu.yield
      }) : () -> ()
    } else {
    }
    return
  }
}

#map = affine_map<(d0, d1) -> (0, 0)>
#map1 = affine_map<(d0, d1) -> (0)>
#map2 = affine_map<(d0, d1) -> (0, 0, 0)>
module attributes {stable_mosaic.version = 14 : i64} {
  func.func @_sc_edge_agg_body(%arg0: i32, %arg1: i32, %arg2: memref<10240x128xf32, #tpu.memory_space<hbm>>, %arg3: memref<320000xi32, #tpu.memory_space<hbm>>, %arg4: memref<320000xi32, #tpu.memory_space<hbm>>, %arg5: memref<1000x128xf32, #tpu.memory_space<hbm>>, %arg6: memref<2x10000x128xf32, #tpu.memory_space<hbm>>, %arg7: memref<80xi32, #tpu.memory_space<vmem>>, %arg8: memref<80xi32, #tpu.memory_space<vmem>>, %arg9: memref<80xi32, #tpu.memory_space<vmem>>, %arg10: memref<80xi32, #tpu.memory_space<vmem>>, %arg11: memref<80xi32, #tpu.memory_space<vmem>>, %arg12: memref<80xi32, #tpu.memory_space<vmem>>, %arg13: memref<80x128xf32, #tpu.memory_space<vmem>>, %arg14: memref<80x128xf32, #tpu.memory_space<vmem>>, %arg15: memref<80x128xf32, #tpu.memory_space<vmem>>, %arg16: memref<10000x128xf32, #tpu.memory_space<vmem_shared>>, %arg17: memref<!tpu.dma_semaphore, #tpu.memory_space<semaphore_mem>>, %arg18: memref<!tpu.dma_semaphore, #tpu.memory_space<semaphore_mem>>, %arg19: memref<!tpu.dma_semaphore, #tpu.memory_space<semaphore_mem>>) attributes {dimension_semantics = [#tpu.dimension_semantics<core_parallel>, #tpu.dimension_semantics<subcore_parallel>], iteration_bounds = array<i64: 2, 16>, scalar_prefetch = 0 : i64, scratch_operands = 13 : i64, tpu.core_type = #tpu.core_type<sc_vector_subcore>, window_params = [{transform_indices = #map}, {transform_indices = #map1}, {transform_indices = #map1}, {transform_indices = #map}, {transform_indices = #map2}]} {
    %mul3A = arith.constant 2 : i32
    %mul3A_0 = arith.muli %arg1, %mul3A : i32
    %add3A = arith.addi %mul3A_0, %arg0 : i32
    %lt3A = arith.constant 10 : i32
    %lt3A_1 = arith.cmpi slt, %arg1, %lt3A : i32
    %convert_element_type3A = arith.extui %lt3A_1 : i1 to i32
    %cond3A = arith.constant 0 : i32
    %cond3A_2 = arith.cmpi ne, %convert_element_type3A, %cond3A : i32
    scf.if %cond3A_2 {
      %mul3A_33 = arith.constant 1000 : i32
      %mul3A_34 = arith.muli %arg1, %mul3A_33 : i32
      "tpu.region"() ({
        %run_scoped3A = tpu.sem_alloc : memref<!tpu.dma_semaphore, #tpu.memory_space<semaphore_mem>>
        %dma_start3A_35 = arith.constant 0 : i32
        %dma_start3A_36 = tpu.memref_slice %arg16[%mul3A_34, %dma_start3A_35] : memref<10000x128xf32, #tpu.memory_space<vmem_shared>> -> memref<1000x128xf32, #tpu.memory_space<vmem_shared>>
        tpu.enqueue_dma source(%arg5 : memref<1000x128xf32, #tpu.memory_space<hbm>>) target(%dma_start3A_36 : memref<1000x128xf32, #tpu.memory_space<vmem_shared>>) target_semaphore(%run_scoped3A : memref<!tpu.dma_semaphore, #tpu.memory_space<semaphore_mem>>)
        %dma_wait3A_37 = arith.constant 0 : i32
        %dma_wait3A_38 = tpu.memref_slice %arg16[%mul3A_34, %dma_wait3A_37] : memref<10000x128xf32, #tpu.memory_space<vmem_shared>> -> memref<1000x128xf32, #tpu.memory_space<vmem_shared>>
        tpu.wait_dma2 semaphore(%run_scoped3A : memref<!tpu.dma_semaphore, #tpu.memory_space<semaphore_mem>>) src(%arg5 : memref<1000x128xf32, #tpu.memory_space<hbm>>) dst(%dma_wait3A_38 : memref<1000x128xf32, #tpu.memory_space<vmem_shared>>)
        tpu.yield
      }) : () -> ()
    } else {
    }
    %barrier3A = arith.constant 0 : index
    tpu.barrier barrier_id(%barrier3A)
    %scan3A = arith.constant 0 : i32
    %scan3A_3 = arith.constant 0 : i32
    %scan3A_4 = arith.constant 41 : i32
    %scan3A_5 = arith.addi %scan3A_3, %scan3A_4 : i32
    %scan3A_6 = arith.constant 1 : i32
    scf.for %scan3A_33 = %scan3A_3 to %scan3A_5 step %scan3A_6  : i32 {
      %mul3A_34 = arith.constant 3 : i32
      %mul3A_35 = arith.muli %scan3A_33, %mul3A_34 : i32
      %mul3A_36 = arith.constant 10000 : i32
      %mul3A_37 = arith.muli %add3A, %mul3A_36 : i32
      %add3A_38 = arith.constant 0 : i32
      %add3A_39 = arith.addi %mul3A_35, %add3A_38 : i32
      %mul3A_40 = arith.constant 80 : i32
      %mul3A_41 = arith.muli %add3A_39, %mul3A_40 : i32
      %add3A_42 = arith.addi %mul3A_37, %mul3A_41 : i32
      %multiple_of3A_43 = tpu.assume_multiple %add3A_42, 8 : i32
      "tpu.region"() ({
        %run_scoped3A = tpu.sem_alloc : memref<!tpu.dma_semaphore, #tpu.memory_space<semaphore_mem>>
        %dma_start3A_102 = tpu.memref_slice %arg3[%multiple_of3A_43] : memref<320000xi32, #tpu.memory_space<hbm>> -> memref<80xi32, #tpu.memory_space<hbm>>
        %dma_start3A_103 = tpu.memref_slice %arg3[%multiple_of3A_43] : memref<320000xi32, #tpu.memory_space<hbm>> -> memref<80xi32, #tpu.memory_space<hbm>>
        tpu.enqueue_dma source(%dma_start3A_103 : memref<80xi32, #tpu.memory_space<hbm>>) target(%arg7 : memref<80xi32, #tpu.memory_space<vmem>>) target_semaphore(%run_scoped3A : memref<!tpu.dma_semaphore, #tpu.memory_space<semaphore_mem>>)
        %dma_wait3A_104 = tpu.memref_slice %arg3[%multiple_of3A_43] : memref<320000xi32, #tpu.memory_space<hbm>> -> memref<80xi32, #tpu.memory_space<hbm>>
        %dma_wait3A_105 = tpu.memref_slice %arg3[%multiple_of3A_43] : memref<320000xi32, #tpu.memory_space<hbm>> -> memref<80xi32, #tpu.memory_space<hbm>>
        tpu.wait_dma2 semaphore(%run_scoped3A : memref<!tpu.dma_semaphore, #tpu.memory_space<semaphore_mem>>) src(%dma_wait3A_105 : memref<80xi32, #tpu.memory_space<hbm>>) dst(%arg7 : memref<80xi32, #tpu.memory_space<vmem>>)
        tpu.yield
      }) : () -> ()
      %dma_start3A_44 = arith.constant 0 : i32
      %dma_start3A_45 = arith.constant 0 : i32
      %dma_start3A_46 = tpu.memref_slice %arg2[%dma_start3A_44, %dma_start3A_45] : memref<10240x128xf32, #tpu.memory_space<hbm>> -> memref<10240x128xf32, #tpu.memory_space<hbm>>
      tpu.enqueue_indirect_dma source(%dma_start3A_46 : memref<10240x128xf32, #tpu.memory_space<hbm>>) target(%arg13 : memref<80x128xf32, #tpu.memory_space<vmem>>) offsets(%arg7 : memref<80xi32, #tpu.memory_space<vmem>>) semaphore(%arg17 : memref<!tpu.dma_semaphore, #tpu.memory_space<semaphore_mem>>)
      %mul3A_47 = arith.constant 10000 : i32
      %mul3A_48 = arith.muli %add3A, %mul3A_47 : i32
      %add3A_49 = arith.constant 1 : i32
      %add3A_50 = arith.addi %mul3A_35, %add3A_49 : i32
      %mul3A_51 = arith.constant 80 : i32
      %mul3A_52 = arith.muli %add3A_50, %mul3A_51 : i32
      %add3A_53 = arith.addi %mul3A_48, %mul3A_52 : i32
      %multiple_of3A_54 = tpu.assume_multiple %add3A_53, 8 : i32
      "tpu.region"() ({
        %run_scoped3A = tpu.sem_alloc : memref<!tpu.dma_semaphore, #tpu.memory_space<semaphore_mem>>
        %dma_start3A_102 = tpu.memref_slice %arg3[%multiple_of3A_54] : memref<320000xi32, #tpu.memory_space<hbm>> -> memref<80xi32, #tpu.memory_space<hbm>>
        %dma_start3A_103 = tpu.memref_slice %arg3[%multiple_of3A_54] : memref<320000xi32, #tpu.memory_space<hbm>> -> memref<80xi32, #tpu.memory_space<hbm>>
        tpu.enqueue_dma source(%dma_start3A_103 : memref<80xi32, #tpu.memory_space<hbm>>) target(%arg8 : memref<80xi32, #tpu.memory_space<vmem>>) target_semaphore(%run_scoped3A : memref<!tpu.dma_semaphore, #tpu.memory_space<semaphore_mem>>)
        %dma_wait3A_104 = tpu.memref_slice %arg3[%multiple_of3A_54] : memref<320000xi32, #tpu.memory_space<hbm>> -> memref<80xi32, #tpu.memory_space<hbm>>
        %dma_wait3A_105 = tpu.memref_slice %arg3[%multiple_of3A_54] : memref<320000xi32, #tpu.memory_space<hbm>> -> memref<80xi32, #tpu.memory_space<hbm>>
        tpu.wait_dma2 semaphore(%run_scoped3A : memref<!tpu.dma_semaphore, #tpu.memory_space<semaphore_mem>>) src(%dma_wait3A_105 : memref<80xi32, #tpu.memory_space<hbm>>) dst(%arg8 : memref<80xi32, #tpu.memory_space<vmem>>)
        tpu.yield
      }) : () -> ()
      %dma_start3A_55 = arith.constant 0 : i32
      %dma_start3A_56 = arith.constant 0 : i32
      %dma_start3A_57 = tpu.memref_slice %arg2[%dma_start3A_55, %dma_start3A_56] : memref<10240x128xf32, #tpu.memory_space<hbm>> -> memref<10240x128xf32, #tpu.memory_space<hbm>>
      tpu.enqueue_indirect_dma source(%dma_start3A_57 : memref<10240x128xf32, #tpu.memory_space<hbm>>) target(%arg14 : memref<80x128xf32, #tpu.memory_space<vmem>>) offsets(%arg8 : memref<80xi32, #tpu.memory_space<vmem>>) semaphore(%arg18 : memref<!tpu.dma_semaphore, #tpu.memory_space<semaphore_mem>>)
      %mul3A_58 = arith.constant 10000 : i32
      %mul3A_59 = arith.muli %add3A, %mul3A_58 : i32
      %add3A_60 = arith.constant 2 : i32
      %add3A_61 = arith.addi %mul3A_35, %add3A_60 : i32
      %mul3A_62 = arith.constant 80 : i32
      %mul3A_63 = arith.muli %add3A_61, %mul3A_62 : i32
      %add3A_64 = arith.addi %mul3A_59, %mul3A_63 : i32
      %multiple_of3A_65 = tpu.assume_multiple %add3A_64, 8 : i32
      "tpu.region"() ({
        %run_scoped3A = tpu.sem_alloc : memref<!tpu.dma_semaphore, #tpu.memory_space<semaphore_mem>>
        %dma_start3A_102 = tpu.memref_slice %arg3[%multiple_of3A_65] : memref<320000xi32, #tpu.memory_space<hbm>> -> memref<80xi32, #tpu.memory_space<hbm>>
        %dma_start3A_103 = tpu.memref_slice %arg3[%multiple_of3A_65] : memref<320000xi32, #tpu.memory_space<hbm>> -> memref<80xi32, #tpu.memory_space<hbm>>
        tpu.enqueue_dma source(%dma_start3A_103 : memref<80xi32, #tpu.memory_space<hbm>>) target(%arg9 : memref<80xi32, #tpu.memory_space<vmem>>) target_semaphore(%run_scoped3A : memref<!tpu.dma_semaphore, #tpu.memory_space<semaphore_mem>>)
        %dma_wait3A_104 = tpu.memref_slice %arg3[%multiple_of3A_65] : memref<320000xi32, #tpu.memory_space<hbm>> -> memref<80xi32, #tpu.memory_space<hbm>>
        %dma_wait3A_105 = tpu.memref_slice %arg3[%multiple_of3A_65] : memref<320000xi32, #tpu.memory_space<hbm>> -> memref<80xi32, #tpu.memory_space<hbm>>
        tpu.wait_dma2 semaphore(%run_scoped3A : memref<!tpu.dma_semaphore, #tpu.memory_space<semaphore_mem>>) src(%dma_wait3A_105 : memref<80xi32, #tpu.memory_space<hbm>>) dst(%arg9 : memref<80xi32, #tpu.memory_space<vmem>>)
        tpu.yield
      }) : () -> ()
      %dma_start3A_66 = arith.constant 0 : i32
      %dma_start3A_67 = arith.constant 0 : i32
      %dma_start3A_68 = tpu.memref_slice %arg2[%dma_start3A_66, %dma_start3A_67] : memref<10240x128xf32, #tpu.memory_space<hbm>> -> memref<10240x128xf32, #tpu.memory_space<hbm>>
      tpu.enqueue_indirect_dma source(%dma_start3A_68 : memref<10240x128xf32, #tpu.memory_space<hbm>>) target(%arg15 : memref<80x128xf32, #tpu.memory_space<vmem>>) offsets(%arg9 : memref<80xi32, #tpu.memory_space<vmem>>) semaphore(%arg19 : memref<!tpu.dma_semaphore, #tpu.memory_space<semaphore_mem>>)
      %mul3A_69 = arith.constant 10000 : i32
      %mul3A_70 = arith.muli %add3A, %mul3A_69 : i32
      %add3A_71 = arith.constant 0 : i32
      %add3A_72 = arith.addi %mul3A_35, %add3A_71 : i32
      %mul3A_73 = arith.constant 80 : i32
      %mul3A_74 = arith.muli %add3A_72, %mul3A_73 : i32
      %add3A_75 = arith.addi %mul3A_70, %mul3A_74 : i32
      %multiple_of3A_76 = tpu.assume_multiple %add3A_75, 8 : i32
      "tpu.region"() ({
        %run_scoped3A = tpu.sem_alloc : memref<!tpu.dma_semaphore, #tpu.memory_space<semaphore_mem>>
        %dma_start3A_102 = tpu.memref_slice %arg4[%multiple_of3A_76] : memref<320000xi32, #tpu.memory_space<hbm>> -> memref<80xi32, #tpu.memory_space<hbm>>
        %dma_start3A_103 = tpu.memref_slice %arg4[%multiple_of3A_76] : memref<320000xi32, #tpu.memory_space<hbm>> -> memref<80xi32, #tpu.memory_space<hbm>>
        tpu.enqueue_dma source(%dma_start3A_103 : memref<80xi32, #tpu.memory_space<hbm>>) target(%arg10 : memref<80xi32, #tpu.memory_space<vmem>>) target_semaphore(%run_scoped3A : memref<!tpu.dma_semaphore, #tpu.memory_space<semaphore_mem>>)
        %dma_wait3A_104 = tpu.memref_slice %arg4[%multiple_of3A_76] : memref<320000xi32, #tpu.memory_space<hbm>> -> memref<80xi32, #tpu.memory_space<hbm>>
        %dma_wait3A_105 = tpu.memref_slice %arg4[%multiple_of3A_76] : memref<320000xi32, #tpu.memory_space<hbm>> -> memref<80xi32, #tpu.memory_space<hbm>>
        tpu.wait_dma2 semaphore(%run_scoped3A : memref<!tpu.dma_semaphore, #tpu.memory_space<semaphore_mem>>) src(%dma_wait3A_105 : memref<80xi32, #tpu.memory_space<hbm>>) dst(%arg10 : memref<80xi32, #tpu.memory_space<vmem>>)
        tpu.yield
      }) : () -> ()
      %mul3A_77 = arith.constant 10000 : i32
      %mul3A_78 = arith.muli %add3A, %mul3A_77 : i32
      %add3A_79 = arith.constant 1 : i32
      %add3A_80 = arith.addi %mul3A_35, %add3A_79 : i32
      %mul3A_81 = arith.constant 80 : i32
      %mul3A_82 = arith.muli %add3A_80, %mul3A_81 : i32
      %add3A_83 = arith.addi %mul3A_78, %mul3A_82 : i32
      %multiple_of3A_84 = tpu.assume_multiple %add3A_83, 8 : i32
      "tpu.region"() ({
        %run_scoped3A = tpu.sem_alloc : memref<!tpu.dma_semaphore, #tpu.memory_space<semaphore_mem>>
        %dma_start3A_102 = tpu.memref_slice %arg4[%multiple_of3A_84] : memref<320000xi32, #tpu.memory_space<hbm>> -> memref<80xi32, #tpu.memory_space<hbm>>
        %dma_start3A_103 = tpu.memref_slice %arg4[%multiple_of3A_84] : memref<320000xi32, #tpu.memory_space<hbm>> -> memref<80xi32, #tpu.memory_space<hbm>>
        tpu.enqueue_dma source(%dma_start3A_103 : memref<80xi32, #tpu.memory_space<hbm>>) target(%arg11 : memref<80xi32, #tpu.memory_space<vmem>>) target_semaphore(%run_scoped3A : memref<!tpu.dma_semaphore, #tpu.memory_space<semaphore_mem>>)
        %dma_wait3A_104 = tpu.memref_slice %arg4[%multiple_of3A_84] : memref<320000xi32, #tpu.memory_space<hbm>> -> memref<80xi32, #tpu.memory_space<hbm>>
        %dma_wait3A_105 = tpu.memref_slice %arg4[%multiple_of3A_84] : memref<320000xi32, #tpu.memory_space<hbm>> -> memref<80xi32, #tpu.memory_space<hbm>>
        tpu.wait_dma2 semaphore(%run_scoped3A : memref<!tpu.dma_semaphore, #tpu.memory_space<semaphore_mem>>) src(%dma_wait3A_105 : memref<80xi32, #tpu.memory_space<hbm>>) dst(%arg11 : memref<80xi32, #tpu.memory_space<vmem>>)
        tpu.yield
      }) : () -> ()
      %mul3A_85 = arith.constant 10000 : i32
      %mul3A_86 = arith.muli %add3A, %mul3A_85 : i32
      %add3A_87 = arith.constant 2 : i32
      %add3A_88 = arith.addi %mul3A_35, %add3A_87 : i32
      %mul3A_89 = arith.constant 80 : i32
      %mul3A_90 = arith.muli %add3A_88, %mul3A_89 : i32
      %add3A_91 = arith.addi %mul3A_86, %mul3A_90 : i32
      %multiple_of3A_92 = tpu.assume_multiple %add3A_91, 8 : i32
      "tpu.region"() ({
        %run_scoped3A = tpu.sem_alloc : memref<!tpu.dma_semaphore, #tpu.memory_space<semaphore_mem>>
        %dma_start3A_102 = tpu.memref_slice %arg4[%multiple_of3A_92] : memref<320000xi32, #tpu.memory_space<hbm>> -> memref<80xi32, #tpu.memory_space<hbm>>
        %dma_start3A_103 = tpu.memref_slice %arg4[%multiple_of3A_92] : memref<320000xi32, #tpu.memory_space<hbm>> -> memref<80xi32, #tpu.memory_space<hbm>>
        tpu.enqueue_dma source(%dma_start3A_103 : memref<80xi32, #tpu.memory_space<hbm>>) target(%arg12 : memref<80xi32, #tpu.memory_space<vmem>>) target_semaphore(%run_scoped3A : memref<!tpu.dma_semaphore, #tpu.memory_space<semaphore_mem>>)
        %dma_wait3A_104 = tpu.memref_slice %arg4[%multiple_of3A_92] : memref<320000xi32, #tpu.memory_space<hbm>> -> memref<80xi32, #tpu.memory_space<hbm>>
        %dma_wait3A_105 = tpu.memref_slice %arg4[%multiple_of3A_92] : memref<320000xi32, #tpu.memory_space<hbm>> -> memref<80xi32, #tpu.memory_space<hbm>>
        tpu.wait_dma2 semaphore(%run_scoped3A : memref<!tpu.dma_semaphore, #tpu.memory_space<semaphore_mem>>) src(%dma_wait3A_105 : memref<80xi32, #tpu.memory_space<hbm>>) dst(%arg12 : memref<80xi32, #tpu.memory_space<vmem>>)
        tpu.yield
      }) : () -> ()
      %dma_wait3A_93 = arith.constant 0 : i32
      %dma_wait3A_94 = arith.constant 0 : i32
      %dma_wait3A_95 = tpu.memref_slice %arg2[%dma_wait3A_93, %dma_wait3A_94] : memref<10240x128xf32, #tpu.memory_space<hbm>> -> memref<10240x128xf32, #tpu.memory_space<hbm>>
      tpu.wait_indirect_dma semaphore(%arg17 : memref<!tpu.dma_semaphore, #tpu.memory_space<semaphore_mem>>) src(%dma_wait3A_95 : memref<10240x128xf32, #tpu.memory_space<hbm>>) dst(%arg13 : memref<80x128xf32, #tpu.memory_space<vmem>>)
      "tpu.region"() ({
        %run_scoped3A = tpu.sem_alloc : memref<!tpu.dma_semaphore, #tpu.memory_space<semaphore_mem>>
        %dma_start3A_102 = arith.constant 0 : i32
        %dma_start3A_103 = arith.constant 0 : i32
        %dma_start3A_104 = tpu.memref_slice %arg16[%dma_start3A_102, %dma_start3A_103] : memref<10000x128xf32, #tpu.memory_space<vmem_shared>> -> memref<10000x128xf32, #tpu.memory_space<vmem_shared>>
        tpu.enqueue_indirect_dma source(%arg13 : memref<80x128xf32, #tpu.memory_space<vmem>>) target(%dma_start3A_104 : memref<10000x128xf32, #tpu.memory_space<vmem_shared>>) offsets(%arg10 : memref<80xi32, #tpu.memory_space<vmem>>) semaphore(%run_scoped3A : memref<!tpu.dma_semaphore, #tpu.memory_space<semaphore_mem>>) {add = true}
        %dma_wait3A_105 = arith.constant 0 : i32
        %dma_wait3A_106 = arith.constant 0 : i32
        %dma_wait3A_107 = tpu.memref_slice %arg16[%dma_wait3A_105, %dma_wait3A_106] : memref<10000x128xf32, #tpu.memory_space<vmem_shared>> -> memref<10000x128xf32, #tpu.memory_space<vmem_shared>>
        tpu.wait_indirect_dma semaphore(%run_scoped3A : memref<!tpu.dma_semaphore, #tpu.memory_space<semaphore_mem>>) src(%arg13 : memref<80x128xf32, #tpu.memory_space<vmem>>) dst(%dma_wait3A_107 : memref<10000x128xf32, #tpu.memory_space<vmem_shared>>)
        tpu.yield
      }) : () -> ()
      %dma_wait3A_96 = arith.constant 0 : i32
      %dma_wait3A_97 = arith.constant 0 : i32
      %dma_wait3A_98 = tpu.memref_slice %arg2[%dma_wait3A_96, %dma_wait3A_97] : memref<10240x128xf32, #tpu.memory_space<hbm>> -> memref<10240x128xf32, #tpu.memory_space<hbm>>
      tpu.wait_indirect_dma semaphore(%arg18 : memref<!tpu.dma_semaphore, #tpu.memory_space<semaphore_mem>>) src(%dma_wait3A_98 : memref<10240x128xf32, #tpu.memory_space<hbm>>) dst(%arg14 : memref<80x128xf32, #tpu.memory_space<vmem>>)
      "tpu.region"() ({
        %run_scoped3A = tpu.sem_alloc : memref<!tpu.dma_semaphore, #tpu.memory_space<semaphore_mem>>
        %dma_start3A_102 = arith.constant 0 : i32
        %dma_start3A_103 = arith.constant 0 : i32
        %dma_start3A_104 = tpu.memref_slice %arg16[%dma_start3A_102, %dma_start3A_103] : memref<10000x128xf32, #tpu.memory_space<vmem_shared>> -> memref<10000x128xf32, #tpu.memory_space<vmem_shared>>
        tpu.enqueue_indirect_dma source(%arg14 : memref<80x128xf32, #tpu.memory_space<vmem>>) target(%dma_start3A_104 : memref<10000x128xf32, #tpu.memory_space<vmem_shared>>) offsets(%arg11 : memref<80xi32, #tpu.memory_space<vmem>>) semaphore(%run_scoped3A : memref<!tpu.dma_semaphore, #tpu.memory_space<semaphore_mem>>) {add = true}
        %dma_wait3A_105 = arith.constant 0 : i32
        %dma_wait3A_106 = arith.constant 0 : i32
        %dma_wait3A_107 = tpu.memref_slice %arg16[%dma_wait3A_105, %dma_wait3A_106] : memref<10000x128xf32, #tpu.memory_space<vmem_shared>> -> memref<10000x128xf32, #tpu.memory_space<vmem_shared>>
        tpu.wait_indirect_dma semaphore(%run_scoped3A : memref<!tpu.dma_semaphore, #tpu.memory_space<semaphore_mem>>) src(%arg14 : memref<80x128xf32, #tpu.memory_space<vmem>>) dst(%dma_wait3A_107 : memref<10000x128xf32, #tpu.memory_space<vmem_shared>>)
        tpu.yield
      }) : () -> ()
      %dma_wait3A_99 = arith.constant 0 : i32
      %dma_wait3A_100 = arith.constant 0 : i32
      %dma_wait3A_101 = tpu.memref_slice %arg2[%dma_wait3A_99, %dma_wait3A_100] : memref<10240x128xf32, #tpu.memory_space<hbm>> -> memref<10240x128xf32, #tpu.memory_space<hbm>>
      tpu.wait_indirect_dma semaphore(%arg19 : memref<!tpu.dma_semaphore, #tpu.memory_space<semaphore_mem>>) src(%dma_wait3A_101 : memref<10240x128xf32, #tpu.memory_space<hbm>>) dst(%arg15 : memref<80x128xf32, #tpu.memory_space<vmem>>)
      "tpu.region"() ({
        %run_scoped3A = tpu.sem_alloc : memref<!tpu.dma_semaphore, #tpu.memory_space<semaphore_mem>>
        %dma_start3A_102 = arith.constant 0 : i32
        %dma_start3A_103 = arith.constant 0 : i32
        %dma_start3A_104 = tpu.memref_slice %arg16[%dma_start3A_102, %dma_start3A_103] : memref<10000x128xf32, #tpu.memory_space<vmem_shared>> -> memref<10000x128xf32, #tpu.memory_space<vmem_shared>>
        tpu.enqueue_indirect_dma source(%arg15 : memref<80x128xf32, #tpu.memory_space<vmem>>) target(%dma_start3A_104 : memref<10000x128xf32, #tpu.memory_space<vmem_shared>>) offsets(%arg12 : memref<80xi32, #tpu.memory_space<vmem>>) semaphore(%run_scoped3A : memref<!tpu.dma_semaphore, #tpu.memory_space<semaphore_mem>>) {add = true}
        %dma_wait3A_105 = arith.constant 0 : i32
        %dma_wait3A_106 = arith.constant 0 : i32
        %dma_wait3A_107 = tpu.memref_slice %arg16[%dma_wait3A_105, %dma_wait3A_106] : memref<10000x128xf32, #tpu.memory_space<vmem_shared>> -> memref<10000x128xf32, #tpu.memory_space<vmem_shared>>
        tpu.wait_indirect_dma semaphore(%run_scoped3A : memref<!tpu.dma_semaphore, #tpu.memory_space<semaphore_mem>>) src(%arg15 : memref<80x128xf32, #tpu.memory_space<vmem>>) dst(%dma_wait3A_107 : memref<10000x128xf32, #tpu.memory_space<vmem_shared>>)
        tpu.yield
      }) : () -> ()
    }
    %scan3A_7 = arith.constant 41 : i32
    %mul3A_8 = arith.constant 10000 : i32
    %mul3A_9 = arith.muli %add3A, %mul3A_8 : i32
    %add3A_10 = arith.constant 9840 : i32
    %add3A_11 = arith.addi %mul3A_9, %add3A_10 : i32
    %multiple_of3A = tpu.assume_multiple %add3A_11, 8 : i32
    "tpu.region"() ({
      %run_scoped3A = tpu.sem_alloc : memref<!tpu.dma_semaphore, #tpu.memory_space<semaphore_mem>>
      %dma_start3A_33 = tpu.memref_slice %arg3[%multiple_of3A] : memref<320000xi32, #tpu.memory_space<hbm>> -> memref<80xi32, #tpu.memory_space<hbm>>
      %dma_start3A_34 = tpu.memref_slice %arg3[%multiple_of3A] : memref<320000xi32, #tpu.memory_space<hbm>> -> memref<80xi32, #tpu.memory_space<hbm>>
      tpu.enqueue_dma source(%dma_start3A_34 : memref<80xi32, #tpu.memory_space<hbm>>) target(%arg7 : memref<80xi32, #tpu.memory_space<vmem>>) target_semaphore(%run_scoped3A : memref<!tpu.dma_semaphore, #tpu.memory_space<semaphore_mem>>)
      %dma_wait3A_35 = tpu.memref_slice %arg3[%multiple_of3A] : memref<320000xi32, #tpu.memory_space<hbm>> -> memref<80xi32, #tpu.memory_space<hbm>>
      %dma_wait3A_36 = tpu.memref_slice %arg3[%multiple_of3A] : memref<320000xi32, #tpu.memory_space<hbm>> -> memref<80xi32, #tpu.memory_space<hbm>>
      tpu.wait_dma2 semaphore(%run_scoped3A : memref<!tpu.dma_semaphore, #tpu.memory_space<semaphore_mem>>) src(%dma_wait3A_36 : memref<80xi32, #tpu.memory_space<hbm>>) dst(%arg7 : memref<80xi32, #tpu.memory_space<vmem>>)
      tpu.yield
    }) : () -> ()
    %dma_start3A = arith.constant 0 : i32
    %dma_start3A_12 = arith.constant 0 : i32
    %dma_start3A_13 = tpu.memref_slice %arg2[%dma_start3A, %dma_start3A_12] : memref<10240x128xf32, #tpu.memory_space<hbm>> -> memref<10240x128xf32, #tpu.memory_space<hbm>>
    tpu.enqueue_indirect_dma source(%dma_start3A_13 : memref<10240x128xf32, #tpu.memory_space<hbm>>) target(%arg13 : memref<80x128xf32, #tpu.memory_space<vmem>>) offsets(%arg7 : memref<80xi32, #tpu.memory_space<vmem>>) semaphore(%arg17 : memref<!tpu.dma_semaphore, #tpu.memory_space<semaphore_mem>>)
    "tpu.region"() ({
      %run_scoped3A = tpu.sem_alloc : memref<!tpu.dma_semaphore, #tpu.memory_space<semaphore_mem>>
      %dma_start3A_33 = tpu.memref_slice %arg4[%multiple_of3A] : memref<320000xi32, #tpu.memory_space<hbm>> -> memref<80xi32, #tpu.memory_space<hbm>>
      %dma_start3A_34 = tpu.memref_slice %arg4[%multiple_of3A] : memref<320000xi32, #tpu.memory_space<hbm>> -> memref<80xi32, #tpu.memory_space<hbm>>
      tpu.enqueue_dma source(%dma_start3A_34 : memref<80xi32, #tpu.memory_space<hbm>>) target(%arg10 : memref<80xi32, #tpu.memory_space<vmem>>) target_semaphore(%run_scoped3A : memref<!tpu.dma_semaphore, #tpu.memory_space<semaphore_mem>>)
      %dma_wait3A_35 = tpu.memref_slice %arg4[%multiple_of3A] : memref<320000xi32, #tpu.memory_space<hbm>> -> memref<80xi32, #tpu.memory_space<hbm>>
      %dma_wait3A_36 = tpu.memref_slice %arg4[%multiple_of3A] : memref<320000xi32, #tpu.memory_space<hbm>> -> memref<80xi32, #tpu.memory_space<hbm>>
      tpu.wait_dma2 semaphore(%run_scoped3A : memref<!tpu.dma_semaphore, #tpu.memory_space<semaphore_mem>>) src(%dma_wait3A_36 : memref<80xi32, #tpu.memory_space<hbm>>) dst(%arg10 : memref<80xi32, #tpu.memory_space<vmem>>)
      tpu.yield
    }) : () -> ()
    %dma_wait3A = arith.constant 0 : i32
    %dma_wait3A_14 = arith.constant 0 : i32
    %dma_wait3A_15 = tpu.memref_slice %arg2[%dma_wait3A, %dma_wait3A_14] : memref<10240x128xf32, #tpu.memory_space<hbm>> -> memref<10240x128xf32, #tpu.memory_space<hbm>>
    tpu.wait_indirect_dma semaphore(%arg17 : memref<!tpu.dma_semaphore, #tpu.memory_space<semaphore_mem>>) src(%dma_wait3A_15 : memref<10240x128xf32, #tpu.memory_space<hbm>>) dst(%arg13 : memref<80x128xf32, #tpu.memory_space<vmem>>)
    "tpu.region"() ({
      %run_scoped3A = tpu.sem_alloc : memref<!tpu.dma_semaphore, #tpu.memory_space<semaphore_mem>>
      %dma_start3A_33 = arith.constant 0 : i32
      %dma_start3A_34 = arith.constant 0 : i32
      %dma_start3A_35 = tpu.memref_slice %arg16[%dma_start3A_33, %dma_start3A_34] : memref<10000x128xf32, #tpu.memory_space<vmem_shared>> -> memref<10000x128xf32, #tpu.memory_space<vmem_shared>>
      tpu.enqueue_indirect_dma source(%arg13 : memref<80x128xf32, #tpu.memory_space<vmem>>) target(%dma_start3A_35 : memref<10000x128xf32, #tpu.memory_space<vmem_shared>>) offsets(%arg10 : memref<80xi32, #tpu.memory_space<vmem>>) semaphore(%run_scoped3A : memref<!tpu.dma_semaphore, #tpu.memory_space<semaphore_mem>>) {add = true}
      %dma_wait3A_36 = arith.constant 0 : i32
      %dma_wait3A_37 = arith.constant 0 : i32
      %dma_wait3A_38 = tpu.memref_slice %arg16[%dma_wait3A_36, %dma_wait3A_37] : memref<10000x128xf32, #tpu.memory_space<vmem_shared>> -> memref<10000x128xf32, #tpu.memory_space<vmem_shared>>
      tpu.wait_indirect_dma semaphore(%run_scoped3A : memref<!tpu.dma_semaphore, #tpu.memory_space<semaphore_mem>>) src(%arg13 : memref<80x128xf32, #tpu.memory_space<vmem>>) dst(%dma_wait3A_38 : memref<10000x128xf32, #tpu.memory_space<vmem_shared>>)
      tpu.yield
    }) : () -> ()
    %mul3A_16 = arith.constant 10000 : i32
    %mul3A_17 = arith.muli %add3A, %mul3A_16 : i32
    %add3A_18 = arith.constant 9920 : i32
    %add3A_19 = arith.addi %mul3A_17, %add3A_18 : i32
    %multiple_of3A_20 = tpu.assume_multiple %add3A_19, 8 : i32
    "tpu.region"() ({
      %run_scoped3A = tpu.sem_alloc : memref<!tpu.dma_semaphore, #tpu.memory_space<semaphore_mem>>
      %dma_start3A_33 = tpu.memref_slice %arg3[%multiple_of3A_20] : memref<320000xi32, #tpu.memory_space<hbm>> -> memref<80xi32, #tpu.memory_space<hbm>>
      %dma_start3A_34 = tpu.memref_slice %arg3[%multiple_of3A_20] : memref<320000xi32, #tpu.memory_space<hbm>> -> memref<80xi32, #tpu.memory_space<hbm>>
      tpu.enqueue_dma source(%dma_start3A_34 : memref<80xi32, #tpu.memory_space<hbm>>) target(%arg7 : memref<80xi32, #tpu.memory_space<vmem>>) target_semaphore(%run_scoped3A : memref<!tpu.dma_semaphore, #tpu.memory_space<semaphore_mem>>)
      %dma_wait3A_35 = tpu.memref_slice %arg3[%multiple_of3A_20] : memref<320000xi32, #tpu.memory_space<hbm>> -> memref<80xi32, #tpu.memory_space<hbm>>
      %dma_wait3A_36 = tpu.memref_slice %arg3[%multiple_of3A_20] : memref<320000xi32, #tpu.memory_space<hbm>> -> memref<80xi32, #tpu.memory_space<hbm>>
      tpu.wait_dma2 semaphore(%run_scoped3A : memref<!tpu.dma_semaphore, #tpu.memory_space<semaphore_mem>>) src(%dma_wait3A_36 : memref<80xi32, #tpu.memory_space<hbm>>) dst(%arg7 : memref<80xi32, #tpu.memory_space<vmem>>)
      tpu.yield
    }) : () -> ()
    %dma_start3A_21 = arith.constant 0 : i32
    %dma_start3A_22 = arith.constant 0 : i32
    %dma_start3A_23 = tpu.memref_slice %arg2[%dma_start3A_21, %dma_start3A_22] : memref<10240x128xf32, #tpu.memory_space<hbm>> -> memref<10240x128xf32, #tpu.memory_space<hbm>>
    tpu.enqueue_indirect_dma source(%dma_start3A_23 : memref<10240x128xf32, #tpu.memory_space<hbm>>) target(%arg13 : memref<80x128xf32, #tpu.memory_space<vmem>>) offsets(%arg7 : memref<80xi32, #tpu.memory_space<vmem>>) semaphore(%arg17 : memref<!tpu.dma_semaphore, #tpu.memory_space<semaphore_mem>>)
    "tpu.region"() ({
      %run_scoped3A = tpu.sem_alloc : memref<!tpu.dma_semaphore, #tpu.memory_space<semaphore_mem>>
      %dma_start3A_33 = tpu.memref_slice %arg4[%multiple_of3A_20] : memref<320000xi32, #tpu.memory_space<hbm>> -> memref<80xi32, #tpu.memory_space<hbm>>
      %dma_start3A_34 = tpu.memref_slice %arg4[%multiple_of3A_20] : memref<320000xi32, #tpu.memory_space<hbm>> -> memref<80xi32, #tpu.memory_space<hbm>>
      tpu.enqueue_dma source(%dma_start3A_34 : memref<80xi32, #tpu.memory_space<hbm>>) target(%arg10 : memref<80xi32, #tpu.memory_space<vmem>>) target_semaphore(%run_scoped3A : memref<!tpu.dma_semaphore, #tpu.memory_space<semaphore_mem>>)
      %dma_wait3A_35 = tpu.memref_slice %arg4[%multiple_of3A_20] : memref<320000xi32, #tpu.memory_space<hbm>> -> memref<80xi32, #tpu.memory_space<hbm>>
      %dma_wait3A_36 = tpu.memref_slice %arg4[%multiple_of3A_20] : memref<320000xi32, #tpu.memory_space<hbm>> -> memref<80xi32, #tpu.memory_space<hbm>>
      tpu.wait_dma2 semaphore(%run_scoped3A : memref<!tpu.dma_semaphore, #tpu.memory_space<semaphore_mem>>) src(%dma_wait3A_36 : memref<80xi32, #tpu.memory_space<hbm>>) dst(%arg10 : memref<80xi32, #tpu.memory_space<vmem>>)
      tpu.yield
    }) : () -> ()
    %dma_wait3A_24 = arith.constant 0 : i32
    %dma_wait3A_25 = arith.constant 0 : i32
    %dma_wait3A_26 = tpu.memref_slice %arg2[%dma_wait3A_24, %dma_wait3A_25] : memref<10240x128xf32, #tpu.memory_space<hbm>> -> memref<10240x128xf32, #tpu.memory_space<hbm>>
    tpu.wait_indirect_dma semaphore(%arg17 : memref<!tpu.dma_semaphore, #tpu.memory_space<semaphore_mem>>) src(%dma_wait3A_26 : memref<10240x128xf32, #tpu.memory_space<hbm>>) dst(%arg13 : memref<80x128xf32, #tpu.memory_space<vmem>>)
    "tpu.region"() ({
      %run_scoped3A = tpu.sem_alloc : memref<!tpu.dma_semaphore, #tpu.memory_space<semaphore_mem>>
      %dma_start3A_33 = arith.constant 0 : i32
      %dma_start3A_34 = arith.constant 0 : i32
      %dma_start3A_35 = tpu.memref_slice %arg16[%dma_start3A_33, %dma_start3A_34] : memref<10000x128xf32, #tpu.memory_space<vmem_shared>> -> memref<10000x128xf32, #tpu.memory_space<vmem_shared>>
      tpu.enqueue_indirect_dma source(%arg13 : memref<80x128xf32, #tpu.memory_space<vmem>>) target(%dma_start3A_35 : memref<10000x128xf32, #tpu.memory_space<vmem_shared>>) offsets(%arg10 : memref<80xi32, #tpu.memory_space<vmem>>) semaphore(%run_scoped3A : memref<!tpu.dma_semaphore, #tpu.memory_space<semaphore_mem>>) {add = true}
      %dma_wait3A_36 = arith.constant 0 : i32
      %dma_wait3A_37 = arith.constant 0 : i32
      %dma_wait3A_38 = tpu.memref_slice %arg16[%dma_wait3A_36, %dma_wait3A_37] : memref<10000x128xf32, #tpu.memory_space<vmem_shared>> -> memref<10000x128xf32, #tpu.memory_space<vmem_shared>>
      tpu.wait_indirect_dma semaphore(%run_scoped3A : memref<!tpu.dma_semaphore, #tpu.memory_space<semaphore_mem>>) src(%arg13 : memref<80x128xf32, #tpu.memory_space<vmem>>) dst(%dma_wait3A_38 : memref<10000x128xf32, #tpu.memory_space<vmem_shared>>)
      tpu.yield
    }) : () -> ()
    %barrier3A_27 = arith.constant 0 : index
    tpu.barrier barrier_id(%barrier3A_27)
    %lt3A_28 = arith.constant 10 : i32
    %lt3A_29 = arith.cmpi slt, %arg1, %lt3A_28 : i32
    %convert_element_type3A_30 = arith.extui %lt3A_29 : i1 to i32
    %cond3A_31 = arith.constant 0 : i32
    %cond3A_32 = arith.cmpi ne, %convert_element_type3A_30, %cond3A_31 : i32
    scf.if %cond3A_32 {
      %mul3A_33 = arith.constant 1000 : i32
      %mul3A_34 = arith.muli %arg1, %mul3A_33 : i32
      %mul3A_35 = arith.constant 1000 : i32
      %mul3A_36 = arith.muli %arg1, %mul3A_35 : i32
      "tpu.region"() ({
        %run_scoped3A = tpu.sem_alloc : memref<!tpu.dma_semaphore, #tpu.memory_space<semaphore_mem>>
        %dma_start3A_37 = arith.constant 0 : i32
        %dma_start3A_38 = tpu.memref_slice %arg6[%arg0, %mul3A_36, %dma_start3A_37] : memref<2x10000x128xf32, #tpu.memory_space<hbm>> -> memref<1x1000x128xf32, #tpu.memory_space<hbm>>
        %dma_start3A_39 = tpu.memref_squeeze %dma_start3A_38 : memref<1x1000x128xf32, #tpu.memory_space<hbm>> -> memref<1000x128xf32, #tpu.memory_space<hbm>>
        %dma_start3A_40 = arith.constant 0 : i32
        %dma_start3A_41 = tpu.memref_slice %arg16[%mul3A_34, %dma_start3A_40] : memref<10000x128xf32, #tpu.memory_space<vmem_shared>> -> memref<1000x128xf32, #tpu.memory_space<vmem_shared>>
        tpu.enqueue_dma source(%dma_start3A_41 : memref<1000x128xf32, #tpu.memory_space<vmem_shared>>) target(%dma_start3A_39 : memref<1000x128xf32, #tpu.memory_space<hbm>>) target_semaphore(%run_scoped3A : memref<!tpu.dma_semaphore, #tpu.memory_space<semaphore_mem>>)
        %dma_wait3A_42 = arith.constant 0 : i32
        %dma_wait3A_43 = tpu.memref_slice %arg6[%arg0, %mul3A_36, %dma_wait3A_42] : memref<2x10000x128xf32, #tpu.memory_space<hbm>> -> memref<1x1000x128xf32, #tpu.memory_space<hbm>>
        %dma_wait3A_44 = tpu.memref_squeeze %dma_wait3A_43 : memref<1x1000x128xf32, #tpu.memory_space<hbm>> -> memref<1000x128xf32, #tpu.memory_space<hbm>>
        %dma_wait3A_45 = arith.constant 0 : i32
        %dma_wait3A_46 = tpu.memref_slice %arg16[%mul3A_34, %dma_wait3A_45] : memref<10000x128xf32, #tpu.memory_space<vmem_shared>> -> memref<1000x128xf32, #tpu.memory_space<vmem_shared>>
        tpu.wait_dma2 semaphore(%run_scoped3A : memref<!tpu.dma_semaphore, #tpu.memory_space<semaphore_mem>>) src(%dma_wait3A_46 : memref<1000x128xf32, #tpu.memory_space<vmem_shared>>) dst(%dma_wait3A_44 : memref<1000x128xf32, #tpu.memory_space<hbm>>)
        tpu.yield
      }) : () -> ()
    } else {
    }
    return
  }
}

#map = affine_map<(d0, d1) -> (0, 0)>
#map1 = affine_map<(d0, d1) -> (0)>
#map2 = affine_map<(d0, d1) -> (0, 0, 0)>
module attributes {stable_mosaic.version = 14 : i64} {
  func.func @_sc_edge_agg_body(%arg0: i32, %arg1: i32, %arg2: memref<10000x128xf32, #tpu.memory_space<hbm>>, %arg3: memref<320000xi32, #tpu.memory_space<hbm>>, %arg4: memref<320000xi32, #tpu.memory_space<hbm>>, %arg5: memref<1000x128xf32, #tpu.memory_space<hbm>>, %arg6: memref<2x10000x128xf32, #tpu.memory_space<hbm>>, %arg7: memref<80xi32, #tpu.memory_space<vmem>>, %arg8: memref<80xi32, #tpu.memory_space<vmem>>, %arg9: memref<80xi32, #tpu.memory_space<vmem>>, %arg10: memref<80xi32, #tpu.memory_space<vmem>>, %arg11: memref<80xi32, #tpu.memory_space<vmem>>, %arg12: memref<80xi32, #tpu.memory_space<vmem>>, %arg13: memref<80x128xf32, #tpu.memory_space<vmem>>, %arg14: memref<80x128xf32, #tpu.memory_space<vmem>>, %arg15: memref<80x128xf32, #tpu.memory_space<vmem>>, %arg16: memref<10000x128xf32, #tpu.memory_space<vmem_shared>>, %arg17: memref<!tpu.dma_semaphore, #tpu.memory_space<semaphore_mem>>, %arg18: memref<!tpu.dma_semaphore, #tpu.memory_space<semaphore_mem>>, %arg19: memref<!tpu.dma_semaphore, #tpu.memory_space<semaphore_mem>>) attributes {dimension_semantics = [#tpu.dimension_semantics<core_parallel>, #tpu.dimension_semantics<subcore_parallel>], iteration_bounds = array<i64: 2, 16>, scalar_prefetch = 0 : i64, scratch_operands = 13 : i64, tpu.core_type = #tpu.core_type<sc_vector_subcore>, window_params = [{transform_indices = #map}, {transform_indices = #map1}, {transform_indices = #map1}, {transform_indices = #map}, {transform_indices = #map2}]} {
    %mul3A = arith.constant 2 : i32
    %mul3A_0 = arith.muli %arg1, %mul3A : i32
    %add3A = arith.addi %mul3A_0, %arg0 : i32
    %lt3A = arith.constant 10 : i32
    %lt3A_1 = arith.cmpi slt, %arg1, %lt3A : i32
    %convert_element_type3A = arith.extui %lt3A_1 : i1 to i32
    %cond3A = arith.constant 0 : i32
    %cond3A_2 = arith.cmpi ne, %convert_element_type3A, %cond3A : i32
    scf.if %cond3A_2 {
      %mul3A_33 = arith.constant 1000 : i32
      %mul3A_34 = arith.muli %arg1, %mul3A_33 : i32
      "tpu.region"() ({
        %run_scoped3A = tpu.sem_alloc : memref<!tpu.dma_semaphore, #tpu.memory_space<semaphore_mem>>
        %dma_start3A_35 = arith.constant 0 : i32
        %dma_start3A_36 = tpu.memref_slice %arg16[%mul3A_34, %dma_start3A_35] : memref<10000x128xf32, #tpu.memory_space<vmem_shared>> -> memref<1000x128xf32, #tpu.memory_space<vmem_shared>>
        tpu.enqueue_dma source(%arg5 : memref<1000x128xf32, #tpu.memory_space<hbm>>) target(%dma_start3A_36 : memref<1000x128xf32, #tpu.memory_space<vmem_shared>>) target_semaphore(%run_scoped3A : memref<!tpu.dma_semaphore, #tpu.memory_space<semaphore_mem>>)
        %dma_wait3A_37 = arith.constant 0 : i32
        %dma_wait3A_38 = tpu.memref_slice %arg16[%mul3A_34, %dma_wait3A_37] : memref<10000x128xf32, #tpu.memory_space<vmem_shared>> -> memref<1000x128xf32, #tpu.memory_space<vmem_shared>>
        tpu.wait_dma2 semaphore(%run_scoped3A : memref<!tpu.dma_semaphore, #tpu.memory_space<semaphore_mem>>) src(%arg5 : memref<1000x128xf32, #tpu.memory_space<hbm>>) dst(%dma_wait3A_38 : memref<1000x128xf32, #tpu.memory_space<vmem_shared>>)
        tpu.yield
      }) : () -> ()
    } else {
    }
    %barrier3A = arith.constant 0 : index
    tpu.barrier barrier_id(%barrier3A)
    %scan3A = arith.constant 0 : i32
    %scan3A_3 = arith.constant 0 : i32
    %scan3A_4 = arith.constant 41 : i32
    %scan3A_5 = arith.addi %scan3A_3, %scan3A_4 : i32
    %scan3A_6 = arith.constant 1 : i32
    scf.for %scan3A_33 = %scan3A_3 to %scan3A_5 step %scan3A_6  : i32 {
      %mul3A_34 = arith.constant 3 : i32
      %mul3A_35 = arith.muli %scan3A_33, %mul3A_34 : i32
      %mul3A_36 = arith.constant 10000 : i32
      %mul3A_37 = arith.muli %add3A, %mul3A_36 : i32
      %add3A_38 = arith.constant 0 : i32
      %add3A_39 = arith.addi %mul3A_35, %add3A_38 : i32
      %mul3A_40 = arith.constant 80 : i32
      %mul3A_41 = arith.muli %add3A_39, %mul3A_40 : i32
      %add3A_42 = arith.addi %mul3A_37, %mul3A_41 : i32
      %multiple_of3A_43 = tpu.assume_multiple %add3A_42, 8 : i32
      "tpu.region"() ({
        %run_scoped3A = tpu.sem_alloc : memref<!tpu.dma_semaphore, #tpu.memory_space<semaphore_mem>>
        %dma_start3A_102 = tpu.memref_slice %arg3[%multiple_of3A_43] : memref<320000xi32, #tpu.memory_space<hbm>> -> memref<80xi32, #tpu.memory_space<hbm>>
        %dma_start3A_103 = tpu.memref_slice %arg3[%multiple_of3A_43] : memref<320000xi32, #tpu.memory_space<hbm>> -> memref<80xi32, #tpu.memory_space<hbm>>
        tpu.enqueue_dma source(%dma_start3A_103 : memref<80xi32, #tpu.memory_space<hbm>>) target(%arg7 : memref<80xi32, #tpu.memory_space<vmem>>) target_semaphore(%run_scoped3A : memref<!tpu.dma_semaphore, #tpu.memory_space<semaphore_mem>>)
        %dma_wait3A_104 = tpu.memref_slice %arg3[%multiple_of3A_43] : memref<320000xi32, #tpu.memory_space<hbm>> -> memref<80xi32, #tpu.memory_space<hbm>>
        %dma_wait3A_105 = tpu.memref_slice %arg3[%multiple_of3A_43] : memref<320000xi32, #tpu.memory_space<hbm>> -> memref<80xi32, #tpu.memory_space<hbm>>
        tpu.wait_dma2 semaphore(%run_scoped3A : memref<!tpu.dma_semaphore, #tpu.memory_space<semaphore_mem>>) src(%dma_wait3A_105 : memref<80xi32, #tpu.memory_space<hbm>>) dst(%arg7 : memref<80xi32, #tpu.memory_space<vmem>>)
        tpu.yield
      }) : () -> ()
      %dma_start3A_44 = arith.constant 0 : i32
      %dma_start3A_45 = arith.constant 0 : i32
      %dma_start3A_46 = tpu.memref_slice %arg2[%dma_start3A_44, %dma_start3A_45] : memref<10000x128xf32, #tpu.memory_space<hbm>> -> memref<10000x128xf32, #tpu.memory_space<hbm>>
      tpu.enqueue_indirect_dma source(%dma_start3A_46 : memref<10000x128xf32, #tpu.memory_space<hbm>>) target(%arg13 : memref<80x128xf32, #tpu.memory_space<vmem>>) offsets(%arg7 : memref<80xi32, #tpu.memory_space<vmem>>) semaphore(%arg17 : memref<!tpu.dma_semaphore, #tpu.memory_space<semaphore_mem>>)
      %mul3A_47 = arith.constant 10000 : i32
      %mul3A_48 = arith.muli %add3A, %mul3A_47 : i32
      %add3A_49 = arith.constant 1 : i32
      %add3A_50 = arith.addi %mul3A_35, %add3A_49 : i32
      %mul3A_51 = arith.constant 80 : i32
      %mul3A_52 = arith.muli %add3A_50, %mul3A_51 : i32
      %add3A_53 = arith.addi %mul3A_48, %mul3A_52 : i32
      %multiple_of3A_54 = tpu.assume_multiple %add3A_53, 8 : i32
      "tpu.region"() ({
        %run_scoped3A = tpu.sem_alloc : memref<!tpu.dma_semaphore, #tpu.memory_space<semaphore_mem>>
        %dma_start3A_102 = tpu.memref_slice %arg3[%multiple_of3A_54] : memref<320000xi32, #tpu.memory_space<hbm>> -> memref<80xi32, #tpu.memory_space<hbm>>
        %dma_start3A_103 = tpu.memref_slice %arg3[%multiple_of3A_54] : memref<320000xi32, #tpu.memory_space<hbm>> -> memref<80xi32, #tpu.memory_space<hbm>>
        tpu.enqueue_dma source(%dma_start3A_103 : memref<80xi32, #tpu.memory_space<hbm>>) target(%arg8 : memref<80xi32, #tpu.memory_space<vmem>>) target_semaphore(%run_scoped3A : memref<!tpu.dma_semaphore, #tpu.memory_space<semaphore_mem>>)
        %dma_wait3A_104 = tpu.memref_slice %arg3[%multiple_of3A_54] : memref<320000xi32, #tpu.memory_space<hbm>> -> memref<80xi32, #tpu.memory_space<hbm>>
        %dma_wait3A_105 = tpu.memref_slice %arg3[%multiple_of3A_54] : memref<320000xi32, #tpu.memory_space<hbm>> -> memref<80xi32, #tpu.memory_space<hbm>>
        tpu.wait_dma2 semaphore(%run_scoped3A : memref<!tpu.dma_semaphore, #tpu.memory_space<semaphore_mem>>) src(%dma_wait3A_105 : memref<80xi32, #tpu.memory_space<hbm>>) dst(%arg8 : memref<80xi32, #tpu.memory_space<vmem>>)
        tpu.yield
      }) : () -> ()
      %dma_start3A_55 = arith.constant 0 : i32
      %dma_start3A_56 = arith.constant 0 : i32
      %dma_start3A_57 = tpu.memref_slice %arg2[%dma_start3A_55, %dma_start3A_56] : memref<10000x128xf32, #tpu.memory_space<hbm>> -> memref<10000x128xf32, #tpu.memory_space<hbm>>
      tpu.enqueue_indirect_dma source(%dma_start3A_57 : memref<10000x128xf32, #tpu.memory_space<hbm>>) target(%arg14 : memref<80x128xf32, #tpu.memory_space<vmem>>) offsets(%arg8 : memref<80xi32, #tpu.memory_space<vmem>>) semaphore(%arg18 : memref<!tpu.dma_semaphore, #tpu.memory_space<semaphore_mem>>)
      %mul3A_58 = arith.constant 10000 : i32
      %mul3A_59 = arith.muli %add3A, %mul3A_58 : i32
      %add3A_60 = arith.constant 2 : i32
      %add3A_61 = arith.addi %mul3A_35, %add3A_60 : i32
      %mul3A_62 = arith.constant 80 : i32
      %mul3A_63 = arith.muli %add3A_61, %mul3A_62 : i32
      %add3A_64 = arith.addi %mul3A_59, %mul3A_63 : i32
      %multiple_of3A_65 = tpu.assume_multiple %add3A_64, 8 : i32
      "tpu.region"() ({
        %run_scoped3A = tpu.sem_alloc : memref<!tpu.dma_semaphore, #tpu.memory_space<semaphore_mem>>
        %dma_start3A_102 = tpu.memref_slice %arg3[%multiple_of3A_65] : memref<320000xi32, #tpu.memory_space<hbm>> -> memref<80xi32, #tpu.memory_space<hbm>>
        %dma_start3A_103 = tpu.memref_slice %arg3[%multiple_of3A_65] : memref<320000xi32, #tpu.memory_space<hbm>> -> memref<80xi32, #tpu.memory_space<hbm>>
        tpu.enqueue_dma source(%dma_start3A_103 : memref<80xi32, #tpu.memory_space<hbm>>) target(%arg9 : memref<80xi32, #tpu.memory_space<vmem>>) target_semaphore(%run_scoped3A : memref<!tpu.dma_semaphore, #tpu.memory_space<semaphore_mem>>)
        %dma_wait3A_104 = tpu.memref_slice %arg3[%multiple_of3A_65] : memref<320000xi32, #tpu.memory_space<hbm>> -> memref<80xi32, #tpu.memory_space<hbm>>
        %dma_wait3A_105 = tpu.memref_slice %arg3[%multiple_of3A_65] : memref<320000xi32, #tpu.memory_space<hbm>> -> memref<80xi32, #tpu.memory_space<hbm>>
        tpu.wait_dma2 semaphore(%run_scoped3A : memref<!tpu.dma_semaphore, #tpu.memory_space<semaphore_mem>>) src(%dma_wait3A_105 : memref<80xi32, #tpu.memory_space<hbm>>) dst(%arg9 : memref<80xi32, #tpu.memory_space<vmem>>)
        tpu.yield
      }) : () -> ()
      %dma_start3A_66 = arith.constant 0 : i32
      %dma_start3A_67 = arith.constant 0 : i32
      %dma_start3A_68 = tpu.memref_slice %arg2[%dma_start3A_66, %dma_start3A_67] : memref<10000x128xf32, #tpu.memory_space<hbm>> -> memref<10000x128xf32, #tpu.memory_space<hbm>>
      tpu.enqueue_indirect_dma source(%dma_start3A_68 : memref<10000x128xf32, #tpu.memory_space<hbm>>) target(%arg15 : memref<80x128xf32, #tpu.memory_space<vmem>>) offsets(%arg9 : memref<80xi32, #tpu.memory_space<vmem>>) semaphore(%arg19 : memref<!tpu.dma_semaphore, #tpu.memory_space<semaphore_mem>>)
      %mul3A_69 = arith.constant 10000 : i32
      %mul3A_70 = arith.muli %add3A, %mul3A_69 : i32
      %add3A_71 = arith.constant 0 : i32
      %add3A_72 = arith.addi %mul3A_35, %add3A_71 : i32
      %mul3A_73 = arith.constant 80 : i32
      %mul3A_74 = arith.muli %add3A_72, %mul3A_73 : i32
      %add3A_75 = arith.addi %mul3A_70, %mul3A_74 : i32
      %multiple_of3A_76 = tpu.assume_multiple %add3A_75, 8 : i32
      "tpu.region"() ({
        %run_scoped3A = tpu.sem_alloc : memref<!tpu.dma_semaphore, #tpu.memory_space<semaphore_mem>>
        %dma_start3A_102 = tpu.memref_slice %arg4[%multiple_of3A_76] : memref<320000xi32, #tpu.memory_space<hbm>> -> memref<80xi32, #tpu.memory_space<hbm>>
        %dma_start3A_103 = tpu.memref_slice %arg4[%multiple_of3A_76] : memref<320000xi32, #tpu.memory_space<hbm>> -> memref<80xi32, #tpu.memory_space<hbm>>
        tpu.enqueue_dma source(%dma_start3A_103 : memref<80xi32, #tpu.memory_space<hbm>>) target(%arg10 : memref<80xi32, #tpu.memory_space<vmem>>) target_semaphore(%run_scoped3A : memref<!tpu.dma_semaphore, #tpu.memory_space<semaphore_mem>>)
        %dma_wait3A_104 = tpu.memref_slice %arg4[%multiple_of3A_76] : memref<320000xi32, #tpu.memory_space<hbm>> -> memref<80xi32, #tpu.memory_space<hbm>>
        %dma_wait3A_105 = tpu.memref_slice %arg4[%multiple_of3A_76] : memref<320000xi32, #tpu.memory_space<hbm>> -> memref<80xi32, #tpu.memory_space<hbm>>
        tpu.wait_dma2 semaphore(%run_scoped3A : memref<!tpu.dma_semaphore, #tpu.memory_space<semaphore_mem>>) src(%dma_wait3A_105 : memref<80xi32, #tpu.memory_space<hbm>>) dst(%arg10 : memref<80xi32, #tpu.memory_space<vmem>>)
        tpu.yield
      }) : () -> ()
      %mul3A_77 = arith.constant 10000 : i32
      %mul3A_78 = arith.muli %add3A, %mul3A_77 : i32
      %add3A_79 = arith.constant 1 : i32
      %add3A_80 = arith.addi %mul3A_35, %add3A_79 : i32
      %mul3A_81 = arith.constant 80 : i32
      %mul3A_82 = arith.muli %add3A_80, %mul3A_81 : i32
      %add3A_83 = arith.addi %mul3A_78, %mul3A_82 : i32
      %multiple_of3A_84 = tpu.assume_multiple %add3A_83, 8 : i32
      "tpu.region"() ({
        %run_scoped3A = tpu.sem_alloc : memref<!tpu.dma_semaphore, #tpu.memory_space<semaphore_mem>>
        %dma_start3A_102 = tpu.memref_slice %arg4[%multiple_of3A_84] : memref<320000xi32, #tpu.memory_space<hbm>> -> memref<80xi32, #tpu.memory_space<hbm>>
        %dma_start3A_103 = tpu.memref_slice %arg4[%multiple_of3A_84] : memref<320000xi32, #tpu.memory_space<hbm>> -> memref<80xi32, #tpu.memory_space<hbm>>
        tpu.enqueue_dma source(%dma_start3A_103 : memref<80xi32, #tpu.memory_space<hbm>>) target(%arg11 : memref<80xi32, #tpu.memory_space<vmem>>) target_semaphore(%run_scoped3A : memref<!tpu.dma_semaphore, #tpu.memory_space<semaphore_mem>>)
        %dma_wait3A_104 = tpu.memref_slice %arg4[%multiple_of3A_84] : memref<320000xi32, #tpu.memory_space<hbm>> -> memref<80xi32, #tpu.memory_space<hbm>>
        %dma_wait3A_105 = tpu.memref_slice %arg4[%multiple_of3A_84] : memref<320000xi32, #tpu.memory_space<hbm>> -> memref<80xi32, #tpu.memory_space<hbm>>
        tpu.wait_dma2 semaphore(%run_scoped3A : memref<!tpu.dma_semaphore, #tpu.memory_space<semaphore_mem>>) src(%dma_wait3A_105 : memref<80xi32, #tpu.memory_space<hbm>>) dst(%arg11 : memref<80xi32, #tpu.memory_space<vmem>>)
        tpu.yield
      }) : () -> ()
      %mul3A_85 = arith.constant 10000 : i32
      %mul3A_86 = arith.muli %add3A, %mul3A_85 : i32
      %add3A_87 = arith.constant 2 : i32
      %add3A_88 = arith.addi %mul3A_35, %add3A_87 : i32
      %mul3A_89 = arith.constant 80 : i32
      %mul3A_90 = arith.muli %add3A_88, %mul3A_89 : i32
      %add3A_91 = arith.addi %mul3A_86, %mul3A_90 : i32
      %multiple_of3A_92 = tpu.assume_multiple %add3A_91, 8 : i32
      "tpu.region"() ({
        %run_scoped3A = tpu.sem_alloc : memref<!tpu.dma_semaphore, #tpu.memory_space<semaphore_mem>>
        %dma_start3A_102 = tpu.memref_slice %arg4[%multiple_of3A_92] : memref<320000xi32, #tpu.memory_space<hbm>> -> memref<80xi32, #tpu.memory_space<hbm>>
        %dma_start3A_103 = tpu.memref_slice %arg4[%multiple_of3A_92] : memref<320000xi32, #tpu.memory_space<hbm>> -> memref<80xi32, #tpu.memory_space<hbm>>
        tpu.enqueue_dma source(%dma_start3A_103 : memref<80xi32, #tpu.memory_space<hbm>>) target(%arg12 : memref<80xi32, #tpu.memory_space<vmem>>) target_semaphore(%run_scoped3A : memref<!tpu.dma_semaphore, #tpu.memory_space<semaphore_mem>>)
        %dma_wait3A_104 = tpu.memref_slice %arg4[%multiple_of3A_92] : memref<320000xi32, #tpu.memory_space<hbm>> -> memref<80xi32, #tpu.memory_space<hbm>>
        %dma_wait3A_105 = tpu.memref_slice %arg4[%multiple_of3A_92] : memref<320000xi32, #tpu.memory_space<hbm>> -> memref<80xi32, #tpu.memory_space<hbm>>
        tpu.wait_dma2 semaphore(%run_scoped3A : memref<!tpu.dma_semaphore, #tpu.memory_space<semaphore_mem>>) src(%dma_wait3A_105 : memref<80xi32, #tpu.memory_space<hbm>>) dst(%arg12 : memref<80xi32, #tpu.memory_space<vmem>>)
        tpu.yield
      }) : () -> ()
      %dma_wait3A_93 = arith.constant 0 : i32
      %dma_wait3A_94 = arith.constant 0 : i32
      %dma_wait3A_95 = tpu.memref_slice %arg2[%dma_wait3A_93, %dma_wait3A_94] : memref<10000x128xf32, #tpu.memory_space<hbm>> -> memref<10000x128xf32, #tpu.memory_space<hbm>>
      tpu.wait_indirect_dma semaphore(%arg17 : memref<!tpu.dma_semaphore, #tpu.memory_space<semaphore_mem>>) src(%dma_wait3A_95 : memref<10000x128xf32, #tpu.memory_space<hbm>>) dst(%arg13 : memref<80x128xf32, #tpu.memory_space<vmem>>)
      "tpu.region"() ({
        %run_scoped3A = tpu.sem_alloc : memref<!tpu.dma_semaphore, #tpu.memory_space<semaphore_mem>>
        %dma_start3A_102 = arith.constant 0 : i32
        %dma_start3A_103 = arith.constant 0 : i32
        %dma_start3A_104 = tpu.memref_slice %arg16[%dma_start3A_102, %dma_start3A_103] : memref<10000x128xf32, #tpu.memory_space<vmem_shared>> -> memref<10000x128xf32, #tpu.memory_space<vmem_shared>>
        tpu.enqueue_indirect_dma source(%arg13 : memref<80x128xf32, #tpu.memory_space<vmem>>) target(%dma_start3A_104 : memref<10000x128xf32, #tpu.memory_space<vmem_shared>>) offsets(%arg10 : memref<80xi32, #tpu.memory_space<vmem>>) semaphore(%run_scoped3A : memref<!tpu.dma_semaphore, #tpu.memory_space<semaphore_mem>>) {add = true}
        %dma_wait3A_105 = arith.constant 0 : i32
        %dma_wait3A_106 = arith.constant 0 : i32
        %dma_wait3A_107 = tpu.memref_slice %arg16[%dma_wait3A_105, %dma_wait3A_106] : memref<10000x128xf32, #tpu.memory_space<vmem_shared>> -> memref<10000x128xf32, #tpu.memory_space<vmem_shared>>
        tpu.wait_indirect_dma semaphore(%run_scoped3A : memref<!tpu.dma_semaphore, #tpu.memory_space<semaphore_mem>>) src(%arg13 : memref<80x128xf32, #tpu.memory_space<vmem>>) dst(%dma_wait3A_107 : memref<10000x128xf32, #tpu.memory_space<vmem_shared>>)
        tpu.yield
      }) : () -> ()
      %dma_wait3A_96 = arith.constant 0 : i32
      %dma_wait3A_97 = arith.constant 0 : i32
      %dma_wait3A_98 = tpu.memref_slice %arg2[%dma_wait3A_96, %dma_wait3A_97] : memref<10000x128xf32, #tpu.memory_space<hbm>> -> memref<10000x128xf32, #tpu.memory_space<hbm>>
      tpu.wait_indirect_dma semaphore(%arg18 : memref<!tpu.dma_semaphore, #tpu.memory_space<semaphore_mem>>) src(%dma_wait3A_98 : memref<10000x128xf32, #tpu.memory_space<hbm>>) dst(%arg14 : memref<80x128xf32, #tpu.memory_space<vmem>>)
      "tpu.region"() ({
        %run_scoped3A = tpu.sem_alloc : memref<!tpu.dma_semaphore, #tpu.memory_space<semaphore_mem>>
        %dma_start3A_102 = arith.constant 0 : i32
        %dma_start3A_103 = arith.constant 0 : i32
        %dma_start3A_104 = tpu.memref_slice %arg16[%dma_start3A_102, %dma_start3A_103] : memref<10000x128xf32, #tpu.memory_space<vmem_shared>> -> memref<10000x128xf32, #tpu.memory_space<vmem_shared>>
        tpu.enqueue_indirect_dma source(%arg14 : memref<80x128xf32, #tpu.memory_space<vmem>>) target(%dma_start3A_104 : memref<10000x128xf32, #tpu.memory_space<vmem_shared>>) offsets(%arg11 : memref<80xi32, #tpu.memory_space<vmem>>) semaphore(%run_scoped3A : memref<!tpu.dma_semaphore, #tpu.memory_space<semaphore_mem>>) {add = true}
        %dma_wait3A_105 = arith.constant 0 : i32
        %dma_wait3A_106 = arith.constant 0 : i32
        %dma_wait3A_107 = tpu.memref_slice %arg16[%dma_wait3A_105, %dma_wait3A_106] : memref<10000x128xf32, #tpu.memory_space<vmem_shared>> -> memref<10000x128xf32, #tpu.memory_space<vmem_shared>>
        tpu.wait_indirect_dma semaphore(%run_scoped3A : memref<!tpu.dma_semaphore, #tpu.memory_space<semaphore_mem>>) src(%arg14 : memref<80x128xf32, #tpu.memory_space<vmem>>) dst(%dma_wait3A_107 : memref<10000x128xf32, #tpu.memory_space<vmem_shared>>)
        tpu.yield
      }) : () -> ()
      %dma_wait3A_99 = arith.constant 0 : i32
      %dma_wait3A_100 = arith.constant 0 : i32
      %dma_wait3A_101 = tpu.memref_slice %arg2[%dma_wait3A_99, %dma_wait3A_100] : memref<10000x128xf32, #tpu.memory_space<hbm>> -> memref<10000x128xf32, #tpu.memory_space<hbm>>
      tpu.wait_indirect_dma semaphore(%arg19 : memref<!tpu.dma_semaphore, #tpu.memory_space<semaphore_mem>>) src(%dma_wait3A_101 : memref<10000x128xf32, #tpu.memory_space<hbm>>) dst(%arg15 : memref<80x128xf32, #tpu.memory_space<vmem>>)
      "tpu.region"() ({
        %run_scoped3A = tpu.sem_alloc : memref<!tpu.dma_semaphore, #tpu.memory_space<semaphore_mem>>
        %dma_start3A_102 = arith.constant 0 : i32
        %dma_start3A_103 = arith.constant 0 : i32
        %dma_start3A_104 = tpu.memref_slice %arg16[%dma_start3A_102, %dma_start3A_103] : memref<10000x128xf32, #tpu.memory_space<vmem_shared>> -> memref<10000x128xf32, #tpu.memory_space<vmem_shared>>
        tpu.enqueue_indirect_dma source(%arg15 : memref<80x128xf32, #tpu.memory_space<vmem>>) target(%dma_start3A_104 : memref<10000x128xf32, #tpu.memory_space<vmem_shared>>) offsets(%arg12 : memref<80xi32, #tpu.memory_space<vmem>>) semaphore(%run_scoped3A : memref<!tpu.dma_semaphore, #tpu.memory_space<semaphore_mem>>) {add = true}
        %dma_wait3A_105 = arith.constant 0 : i32
        %dma_wait3A_106 = arith.constant 0 : i32
        %dma_wait3A_107 = tpu.memref_slice %arg16[%dma_wait3A_105, %dma_wait3A_106] : memref<10000x128xf32, #tpu.memory_space<vmem_shared>> -> memref<10000x128xf32, #tpu.memory_space<vmem_shared>>
        tpu.wait_indirect_dma semaphore(%run_scoped3A : memref<!tpu.dma_semaphore, #tpu.memory_space<semaphore_mem>>) src(%arg15 : memref<80x128xf32, #tpu.memory_space<vmem>>) dst(%dma_wait3A_107 : memref<10000x128xf32, #tpu.memory_space<vmem_shared>>)
        tpu.yield
      }) : () -> ()
    }
    %scan3A_7 = arith.constant 41 : i32
    %mul3A_8 = arith.constant 10000 : i32
    %mul3A_9 = arith.muli %add3A, %mul3A_8 : i32
    %add3A_10 = arith.constant 9840 : i32
    %add3A_11 = arith.addi %mul3A_9, %add3A_10 : i32
    %multiple_of3A = tpu.assume_multiple %add3A_11, 8 : i32
    "tpu.region"() ({
      %run_scoped3A = tpu.sem_alloc : memref<!tpu.dma_semaphore, #tpu.memory_space<semaphore_mem>>
      %dma_start3A_33 = tpu.memref_slice %arg3[%multiple_of3A] : memref<320000xi32, #tpu.memory_space<hbm>> -> memref<80xi32, #tpu.memory_space<hbm>>
      %dma_start3A_34 = tpu.memref_slice %arg3[%multiple_of3A] : memref<320000xi32, #tpu.memory_space<hbm>> -> memref<80xi32, #tpu.memory_space<hbm>>
      tpu.enqueue_dma source(%dma_start3A_34 : memref<80xi32, #tpu.memory_space<hbm>>) target(%arg7 : memref<80xi32, #tpu.memory_space<vmem>>) target_semaphore(%run_scoped3A : memref<!tpu.dma_semaphore, #tpu.memory_space<semaphore_mem>>)
      %dma_wait3A_35 = tpu.memref_slice %arg3[%multiple_of3A] : memref<320000xi32, #tpu.memory_space<hbm>> -> memref<80xi32, #tpu.memory_space<hbm>>
      %dma_wait3A_36 = tpu.memref_slice %arg3[%multiple_of3A] : memref<320000xi32, #tpu.memory_space<hbm>> -> memref<80xi32, #tpu.memory_space<hbm>>
      tpu.wait_dma2 semaphore(%run_scoped3A : memref<!tpu.dma_semaphore, #tpu.memory_space<semaphore_mem>>) src(%dma_wait3A_36 : memref<80xi32, #tpu.memory_space<hbm>>) dst(%arg7 : memref<80xi32, #tpu.memory_space<vmem>>)
      tpu.yield
    }) : () -> ()
    %dma_start3A = arith.constant 0 : i32
    %dma_start3A_12 = arith.constant 0 : i32
    %dma_start3A_13 = tpu.memref_slice %arg2[%dma_start3A, %dma_start3A_12] : memref<10000x128xf32, #tpu.memory_space<hbm>> -> memref<10000x128xf32, #tpu.memory_space<hbm>>
    tpu.enqueue_indirect_dma source(%dma_start3A_13 : memref<10000x128xf32, #tpu.memory_space<hbm>>) target(%arg13 : memref<80x128xf32, #tpu.memory_space<vmem>>) offsets(%arg7 : memref<80xi32, #tpu.memory_space<vmem>>) semaphore(%arg17 : memref<!tpu.dma_semaphore, #tpu.memory_space<semaphore_mem>>)
    "tpu.region"() ({
      %run_scoped3A = tpu.sem_alloc : memref<!tpu.dma_semaphore, #tpu.memory_space<semaphore_mem>>
      %dma_start3A_33 = tpu.memref_slice %arg4[%multiple_of3A] : memref<320000xi32, #tpu.memory_space<hbm>> -> memref<80xi32, #tpu.memory_space<hbm>>
      %dma_start3A_34 = tpu.memref_slice %arg4[%multiple_of3A] : memref<320000xi32, #tpu.memory_space<hbm>> -> memref<80xi32, #tpu.memory_space<hbm>>
      tpu.enqueue_dma source(%dma_start3A_34 : memref<80xi32, #tpu.memory_space<hbm>>) target(%arg10 : memref<80xi32, #tpu.memory_space<vmem>>) target_semaphore(%run_scoped3A : memref<!tpu.dma_semaphore, #tpu.memory_space<semaphore_mem>>)
      %dma_wait3A_35 = tpu.memref_slice %arg4[%multiple_of3A] : memref<320000xi32, #tpu.memory_space<hbm>> -> memref<80xi32, #tpu.memory_space<hbm>>
      %dma_wait3A_36 = tpu.memref_slice %arg4[%multiple_of3A] : memref<320000xi32, #tpu.memory_space<hbm>> -> memref<80xi32, #tpu.memory_space<hbm>>
      tpu.wait_dma2 semaphore(%run_scoped3A : memref<!tpu.dma_semaphore, #tpu.memory_space<semaphore_mem>>) src(%dma_wait3A_36 : memref<80xi32, #tpu.memory_space<hbm>>) dst(%arg10 : memref<80xi32, #tpu.memory_space<vmem>>)
      tpu.yield
    }) : () -> ()
    %dma_wait3A = arith.constant 0 : i32
    %dma_wait3A_14 = arith.constant 0 : i32
    %dma_wait3A_15 = tpu.memref_slice %arg2[%dma_wait3A, %dma_wait3A_14] : memref<10000x128xf32, #tpu.memory_space<hbm>> -> memref<10000x128xf32, #tpu.memory_space<hbm>>
    tpu.wait_indirect_dma semaphore(%arg17 : memref<!tpu.dma_semaphore, #tpu.memory_space<semaphore_mem>>) src(%dma_wait3A_15 : memref<10000x128xf32, #tpu.memory_space<hbm>>) dst(%arg13 : memref<80x128xf32, #tpu.memory_space<vmem>>)
    "tpu.region"() ({
      %run_scoped3A = tpu.sem_alloc : memref<!tpu.dma_semaphore, #tpu.memory_space<semaphore_mem>>
      %dma_start3A_33 = arith.constant 0 : i32
      %dma_start3A_34 = arith.constant 0 : i32
      %dma_start3A_35 = tpu.memref_slice %arg16[%dma_start3A_33, %dma_start3A_34] : memref<10000x128xf32, #tpu.memory_space<vmem_shared>> -> memref<10000x128xf32, #tpu.memory_space<vmem_shared>>
      tpu.enqueue_indirect_dma source(%arg13 : memref<80x128xf32, #tpu.memory_space<vmem>>) target(%dma_start3A_35 : memref<10000x128xf32, #tpu.memory_space<vmem_shared>>) offsets(%arg10 : memref<80xi32, #tpu.memory_space<vmem>>) semaphore(%run_scoped3A : memref<!tpu.dma_semaphore, #tpu.memory_space<semaphore_mem>>) {add = true}
      %dma_wait3A_36 = arith.constant 0 : i32
      %dma_wait3A_37 = arith.constant 0 : i32
      %dma_wait3A_38 = tpu.memref_slice %arg16[%dma_wait3A_36, %dma_wait3A_37] : memref<10000x128xf32, #tpu.memory_space<vmem_shared>> -> memref<10000x128xf32, #tpu.memory_space<vmem_shared>>
      tpu.wait_indirect_dma semaphore(%run_scoped3A : memref<!tpu.dma_semaphore, #tpu.memory_space<semaphore_mem>>) src(%arg13 : memref<80x128xf32, #tpu.memory_space<vmem>>) dst(%dma_wait3A_38 : memref<10000x128xf32, #tpu.memory_space<vmem_shared>>)
      tpu.yield
    }) : () -> ()
    %mul3A_16 = arith.constant 10000 : i32
    %mul3A_17 = arith.muli %add3A, %mul3A_16 : i32
    %add3A_18 = arith.constant 9920 : i32
    %add3A_19 = arith.addi %mul3A_17, %add3A_18 : i32
    %multiple_of3A_20 = tpu.assume_multiple %add3A_19, 8 : i32
    "tpu.region"() ({
      %run_scoped3A = tpu.sem_alloc : memref<!tpu.dma_semaphore, #tpu.memory_space<semaphore_mem>>
      %dma_start3A_33 = tpu.memref_slice %arg3[%multiple_of3A_20] : memref<320000xi32, #tpu.memory_space<hbm>> -> memref<80xi32, #tpu.memory_space<hbm>>
      %dma_start3A_34 = tpu.memref_slice %arg3[%multiple_of3A_20] : memref<320000xi32, #tpu.memory_space<hbm>> -> memref<80xi32, #tpu.memory_space<hbm>>
      tpu.enqueue_dma source(%dma_start3A_34 : memref<80xi32, #tpu.memory_space<hbm>>) target(%arg7 : memref<80xi32, #tpu.memory_space<vmem>>) target_semaphore(%run_scoped3A : memref<!tpu.dma_semaphore, #tpu.memory_space<semaphore_mem>>)
      %dma_wait3A_35 = tpu.memref_slice %arg3[%multiple_of3A_20] : memref<320000xi32, #tpu.memory_space<hbm>> -> memref<80xi32, #tpu.memory_space<hbm>>
      %dma_wait3A_36 = tpu.memref_slice %arg3[%multiple_of3A_20] : memref<320000xi32, #tpu.memory_space<hbm>> -> memref<80xi32, #tpu.memory_space<hbm>>
      tpu.wait_dma2 semaphore(%run_scoped3A : memref<!tpu.dma_semaphore, #tpu.memory_space<semaphore_mem>>) src(%dma_wait3A_36 : memref<80xi32, #tpu.memory_space<hbm>>) dst(%arg7 : memref<80xi32, #tpu.memory_space<vmem>>)
      tpu.yield
    }) : () -> ()
    %dma_start3A_21 = arith.constant 0 : i32
    %dma_start3A_22 = arith.constant 0 : i32
    %dma_start3A_23 = tpu.memref_slice %arg2[%dma_start3A_21, %dma_start3A_22] : memref<10000x128xf32, #tpu.memory_space<hbm>> -> memref<10000x128xf32, #tpu.memory_space<hbm>>
    tpu.enqueue_indirect_dma source(%dma_start3A_23 : memref<10000x128xf32, #tpu.memory_space<hbm>>) target(%arg13 : memref<80x128xf32, #tpu.memory_space<vmem>>) offsets(%arg7 : memref<80xi32, #tpu.memory_space<vmem>>) semaphore(%arg17 : memref<!tpu.dma_semaphore, #tpu.memory_space<semaphore_mem>>)
    "tpu.region"() ({
      %run_scoped3A = tpu.sem_alloc : memref<!tpu.dma_semaphore, #tpu.memory_space<semaphore_mem>>
      %dma_start3A_33 = tpu.memref_slice %arg4[%multiple_of3A_20] : memref<320000xi32, #tpu.memory_space<hbm>> -> memref<80xi32, #tpu.memory_space<hbm>>
      %dma_start3A_34 = tpu.memref_slice %arg4[%multiple_of3A_20] : memref<320000xi32, #tpu.memory_space<hbm>> -> memref<80xi32, #tpu.memory_space<hbm>>
      tpu.enqueue_dma source(%dma_start3A_34 : memref<80xi32, #tpu.memory_space<hbm>>) target(%arg10 : memref<80xi32, #tpu.memory_space<vmem>>) target_semaphore(%run_scoped3A : memref<!tpu.dma_semaphore, #tpu.memory_space<semaphore_mem>>)
      %dma_wait3A_35 = tpu.memref_slice %arg4[%multiple_of3A_20] : memref<320000xi32, #tpu.memory_space<hbm>> -> memref<80xi32, #tpu.memory_space<hbm>>
      %dma_wait3A_36 = tpu.memref_slice %arg4[%multiple_of3A_20] : memref<320000xi32, #tpu.memory_space<hbm>> -> memref<80xi32, #tpu.memory_space<hbm>>
      tpu.wait_dma2 semaphore(%run_scoped3A : memref<!tpu.dma_semaphore, #tpu.memory_space<semaphore_mem>>) src(%dma_wait3A_36 : memref<80xi32, #tpu.memory_space<hbm>>) dst(%arg10 : memref<80xi32, #tpu.memory_space<vmem>>)
      tpu.yield
    }) : () -> ()
    %dma_wait3A_24 = arith.constant 0 : i32
    %dma_wait3A_25 = arith.constant 0 : i32
    %dma_wait3A_26 = tpu.memref_slice %arg2[%dma_wait3A_24, %dma_wait3A_25] : memref<10000x128xf32, #tpu.memory_space<hbm>> -> memref<10000x128xf32, #tpu.memory_space<hbm>>
    tpu.wait_indirect_dma semaphore(%arg17 : memref<!tpu.dma_semaphore, #tpu.memory_space<semaphore_mem>>) src(%dma_wait3A_26 : memref<10000x128xf32, #tpu.memory_space<hbm>>) dst(%arg13 : memref<80x128xf32, #tpu.memory_space<vmem>>)
    "tpu.region"() ({
      %run_scoped3A = tpu.sem_alloc : memref<!tpu.dma_semaphore, #tpu.memory_space<semaphore_mem>>
      %dma_start3A_33 = arith.constant 0 : i32
      %dma_start3A_34 = arith.constant 0 : i32
      %dma_start3A_35 = tpu.memref_slice %arg16[%dma_start3A_33, %dma_start3A_34] : memref<10000x128xf32, #tpu.memory_space<vmem_shared>> -> memref<10000x128xf32, #tpu.memory_space<vmem_shared>>
      tpu.enqueue_indirect_dma source(%arg13 : memref<80x128xf32, #tpu.memory_space<vmem>>) target(%dma_start3A_35 : memref<10000x128xf32, #tpu.memory_space<vmem_shared>>) offsets(%arg10 : memref<80xi32, #tpu.memory_space<vmem>>) semaphore(%run_scoped3A : memref<!tpu.dma_semaphore, #tpu.memory_space<semaphore_mem>>) {add = true}
      %dma_wait3A_36 = arith.constant 0 : i32
      %dma_wait3A_37 = arith.constant 0 : i32
      %dma_wait3A_38 = tpu.memref_slice %arg16[%dma_wait3A_36, %dma_wait3A_37] : memref<10000x128xf32, #tpu.memory_space<vmem_shared>> -> memref<10000x128xf32, #tpu.memory_space<vmem_shared>>
      tpu.wait_indirect_dma semaphore(%run_scoped3A : memref<!tpu.dma_semaphore, #tpu.memory_space<semaphore_mem>>) src(%arg13 : memref<80x128xf32, #tpu.memory_space<vmem>>) dst(%dma_wait3A_38 : memref<10000x128xf32, #tpu.memory_space<vmem_shared>>)
      tpu.yield
    }) : () -> ()
    %barrier3A_27 = arith.constant 0 : index
    tpu.barrier barrier_id(%barrier3A_27)
    %lt3A_28 = arith.constant 10 : i32
    %lt3A_29 = arith.cmpi slt, %arg1, %lt3A_28 : i32
    %convert_element_type3A_30 = arith.extui %lt3A_29 : i1 to i32
    %cond3A_31 = arith.constant 0 : i32
    %cond3A_32 = arith.cmpi ne, %convert_element_type3A_30, %cond3A_31 : i32
    scf.if %cond3A_32 {
      %mul3A_33 = arith.constant 1000 : i32
      %mul3A_34 = arith.muli %arg1, %mul3A_33 : i32
      %mul3A_35 = arith.constant 1000 : i32
      %mul3A_36 = arith.muli %arg1, %mul3A_35 : i32
      "tpu.region"() ({
        %run_scoped3A = tpu.sem_alloc : memref<!tpu.dma_semaphore, #tpu.memory_space<semaphore_mem>>
        %dma_start3A_37 = arith.constant 0 : i32
        %dma_start3A_38 = tpu.memref_slice %arg6[%arg0, %mul3A_36, %dma_start3A_37] : memref<2x10000x128xf32, #tpu.memory_space<hbm>> -> memref<1x1000x128xf32, #tpu.memory_space<hbm>>
        %dma_start3A_39 = tpu.memref_squeeze %dma_start3A_38 : memref<1x1000x128xf32, #tpu.memory_space<hbm>> -> memref<1000x128xf32, #tpu.memory_space<hbm>>
        %dma_start3A_40 = arith.constant 0 : i32
        %dma_start3A_41 = tpu.memref_slice %arg16[%mul3A_34, %dma_start3A_40] : memref<10000x128xf32, #tpu.memory_space<vmem_shared>> -> memref<1000x128xf32, #tpu.memory_space<vmem_shared>>
        tpu.enqueue_dma source(%dma_start3A_41 : memref<1000x128xf32, #tpu.memory_space<vmem_shared>>) target(%dma_start3A_39 : memref<1000x128xf32, #tpu.memory_space<hbm>>) target_semaphore(%run_scoped3A : memref<!tpu.dma_semaphore, #tpu.memory_space<semaphore_mem>>)
        %dma_wait3A_42 = arith.constant 0 : i32
        %dma_wait3A_43 = tpu.memref_slice %arg6[%arg0, %mul3A_36, %dma_wait3A_42] : memref<2x10000x128xf32, #tpu.memory_space<hbm>> -> memref<1x1000x128xf32, #tpu.memory_space<hbm>>
        %dma_wait3A_44 = tpu.memref_squeeze %dma_wait3A_43 : memref<1x1000x128xf32, #tpu.memory_space<hbm>> -> memref<1000x128xf32, #tpu.memory_space<hbm>>
        %dma_wait3A_45 = arith.constant 0 : i32
        %dma_wait3A_46 = tpu.memref_slice %arg16[%mul3A_34, %dma_wait3A_45] : memref<10000x128xf32, #tpu.memory_space<vmem_shared>> -> memref<1000x128xf32, #tpu.memory_space<vmem_shared>>
        tpu.wait_dma2 semaphore(%run_scoped3A : memref<!tpu.dma_semaphore, #tpu.memory_space<semaphore_mem>>) src(%dma_wait3A_46 : memref<1000x128xf32, #tpu.memory_space<vmem_shared>>) dst(%dma_wait3A_44 : memref<1000x128xf32, #tpu.memory_space<hbm>>)
        tpu.yield
      }) : () -> ()
    } else {
    }
    return
  }
}

#map = affine_map<(d0, d1) -> (0, 0)>
#map1 = affine_map<(d0, d1) -> (0)>
#map2 = affine_map<(d0, d1) -> (0, 0, 0)>
module attributes {stable_mosaic.version = 14 : i64} {
  func.func @_sc_gather_deg_body(%arg0: i32, %arg1: i32, %arg2: memref<100000x128xf32, #tpu.memory_space<hbm>>, %arg3: memref<10240xi32, #tpu.memory_space<hbm>>, %arg4: memref<320000xi32, #tpu.memory_space<hbm>>, %arg5: memref<1000x8xf32, #tpu.memory_space<hbm>>, %arg6: memref<80x8xf32, #tpu.memory_space<hbm>>, %arg7: memref<10240x128xf32, #tpu.memory_space<hbm>>, %arg8: memref<2x10000x8xf32, #tpu.memory_space<hbm>>, %arg9: memref<80xi32, #tpu.memory_space<vmem>>, %arg10: memref<80xi32, #tpu.memory_space<vmem>>, %arg11: memref<80xi32, #tpu.memory_space<vmem>>, %arg12: memref<80xi32, #tpu.memory_space<vmem>>, %arg13: memref<80x128xf32, #tpu.memory_space<vmem>>, %arg14: memref<80x128xf32, #tpu.memory_space<vmem>>, %arg15: memref<80x8xf32, #tpu.memory_space<vmem>>, %arg16: memref<10000x8xf32, #tpu.memory_space<vmem_shared>>, %arg17: memref<!tpu.dma_semaphore, #tpu.memory_space<semaphore_mem>>, %arg18: memref<!tpu.dma_semaphore, #tpu.memory_space<semaphore_mem>>) attributes {dimension_semantics = [#tpu.dimension_semantics<core_parallel>, #tpu.dimension_semantics<subcore_parallel>], iteration_bounds = array<i64: 2, 16>, scalar_prefetch = 0 : i64, scratch_operands = 10 : i64, tpu.core_type = #tpu.core_type<sc_vector_subcore>, window_params = [{transform_indices = #map}, {transform_indices = #map1}, {transform_indices = #map1}, {transform_indices = #map}, {transform_indices = #map}, {transform_indices = #map}, {transform_indices = #map2}]} {
    %mul3A = arith.constant 2 : i32
    %mul3A_0 = arith.muli %arg1, %mul3A : i32
    %add3A = arith.addi %mul3A_0, %arg0 : i32
    "tpu.region"() ({
      %run_scoped3A = tpu.sem_alloc : memref<!tpu.dma_semaphore, #tpu.memory_space<semaphore_mem>>
      tpu.enqueue_dma source(%arg6 : memref<80x8xf32, #tpu.memory_space<hbm>>) target(%arg15 : memref<80x8xf32, #tpu.memory_space<vmem>>) target_semaphore(%run_scoped3A : memref<!tpu.dma_semaphore, #tpu.memory_space<semaphore_mem>>)
      tpu.wait_dma2 semaphore(%run_scoped3A : memref<!tpu.dma_semaphore, #tpu.memory_space<semaphore_mem>>) src(%arg6 : memref<80x8xf32, #tpu.memory_space<hbm>>) dst(%arg15 : memref<80x8xf32, #tpu.memory_space<vmem>>)
      tpu.yield
    }) : () -> ()
    %lt3A = arith.constant 10 : i32
    %lt3A_1 = arith.cmpi slt, %arg1, %lt3A : i32
    %convert_element_type3A = arith.extui %lt3A_1 : i1 to i32
    %cond3A = arith.constant 0 : i32
    %cond3A_2 = arith.cmpi ne, %convert_element_type3A, %cond3A : i32
    scf.if %cond3A_2 {
      %mul3A_24 = arith.constant 1000 : i32
      %mul3A_25 = arith.muli %arg1, %mul3A_24 : i32
      "tpu.region"() ({
        %run_scoped3A = tpu.sem_alloc : memref<!tpu.dma_semaphore, #tpu.memory_space<semaphore_mem>>
        %dma_start3A = arith.constant 0 : i32
        %dma_start3A_26 = tpu.memref_slice %arg16[%mul3A_25, %dma_start3A] : memref<10000x8xf32, #tpu.memory_space<vmem_shared>> -> memref<1000x8xf32, #tpu.memory_space<vmem_shared>>
        tpu.enqueue_dma source(%arg5 : memref<1000x8xf32, #tpu.memory_space<hbm>>) target(%dma_start3A_26 : memref<1000x8xf32, #tpu.memory_space<vmem_shared>>) target_semaphore(%run_scoped3A : memref<!tpu.dma_semaphore, #tpu.memory_space<semaphore_mem>>)
        %dma_wait3A = arith.constant 0 : i32
        %dma_wait3A_27 = tpu.memref_slice %arg16[%mul3A_25, %dma_wait3A] : memref<10000x8xf32, #tpu.memory_space<vmem_shared>> -> memref<1000x8xf32, #tpu.memory_space<vmem_shared>>
        tpu.wait_dma2 semaphore(%run_scoped3A : memref<!tpu.dma_semaphore, #tpu.memory_space<semaphore_mem>>) src(%arg5 : memref<1000x8xf32, #tpu.memory_space<hbm>>) dst(%dma_wait3A_27 : memref<1000x8xf32, #tpu.memory_space<vmem_shared>>)
        tpu.yield
      }) : () -> ()
    } else {
    }
    %barrier3A = arith.constant 0 : index
    tpu.barrier barrier_id(%barrier3A)
    %scan3A = arith.constant 0 : i32
    %scan3A_3 = arith.constant 0 : i32
    %scan3A_4 = arith.constant 2 : i32
    %scan3A_5 = arith.addi %scan3A_3, %scan3A_4 : i32
    %scan3A_6 = arith.constant 1 : i32
    scf.for %scan3A_24 = %scan3A_3 to %scan3A_5 step %scan3A_6  : i32 {
      %mul3A_25 = arith.constant 320 : i32
      %mul3A_26 = arith.muli %add3A, %mul3A_25 : i32
      %mul3A_27 = arith.constant 2 : i32
      %mul3A_28 = arith.muli %scan3A_24, %mul3A_27 : i32
      %add3A_29 = arith.constant 0 : i32
      %add3A_30 = arith.addi %mul3A_28, %add3A_29 : i32
      %mul3A_31 = arith.constant 80 : i32
      %mul3A_32 = arith.muli %add3A_30, %mul3A_31 : i32
      %add3A_33 = arith.addi %mul3A_26, %mul3A_32 : i32
      %multiple_of3A_34 = tpu.assume_multiple %add3A_33, 8 : i32
      "tpu.region"() ({
        %run_scoped3A = tpu.sem_alloc : memref<!tpu.dma_semaphore, #tpu.memory_space<semaphore_mem>>
        %dma_start3A_75 = tpu.memref_slice %arg3[%multiple_of3A_34] : memref<10240xi32, #tpu.memory_space<hbm>> -> memref<80xi32, #tpu.memory_space<hbm>>
        %dma_start3A_76 = tpu.memref_slice %arg3[%multiple_of3A_34] : memref<10240xi32, #tpu.memory_space<hbm>> -> memref<80xi32, #tpu.memory_space<hbm>>
        tpu.enqueue_dma source(%dma_start3A_76 : memref<80xi32, #tpu.memory_space<hbm>>) target(%arg9 : memref<80xi32, #tpu.memory_space<vmem>>) target_semaphore(%run_scoped3A : memref<!tpu.dma_semaphore, #tpu.memory_space<semaphore_mem>>)
        %dma_wait3A_77 = tpu.memref_slice %arg3[%multiple_of3A_34] : memref<10240xi32, #tpu.memory_space<hbm>> -> memref<80xi32, #tpu.memory_space<hbm>>
        %dma_wait3A_78 = tpu.memref_slice %arg3[%multiple_of3A_34] : memref<10240xi32, #tpu.memory_space<hbm>> -> memref<80xi32, #tpu.memory_space<hbm>>
        tpu.wait_dma2 semaphore(%run_scoped3A : memref<!tpu.dma_semaphore, #tpu.memory_space<semaphore_mem>>) src(%dma_wait3A_78 : memref<80xi32, #tpu.memory_space<hbm>>) dst(%arg9 : memref<80xi32, #tpu.memory_space<vmem>>)
        tpu.yield
      }) : () -> ()
      %dma_start3A = arith.constant 0 : i32
      %dma_start3A_35 = arith.constant 0 : i32
      %dma_start3A_36 = tpu.memref_slice %arg2[%dma_start3A, %dma_start3A_35] : memref<100000x128xf32, #tpu.memory_space<hbm>> -> memref<100000x128xf32, #tpu.memory_space<hbm>>
      tpu.enqueue_indirect_dma source(%dma_start3A_36 : memref<100000x128xf32, #tpu.memory_space<hbm>>) target(%arg13 : memref<80x128xf32, #tpu.memory_space<vmem>>) offsets(%arg9 : memref<80xi32, #tpu.memory_space<vmem>>) semaphore(%arg17 : memref<!tpu.dma_semaphore, #tpu.memory_space<semaphore_mem>>)
      %mul3A_37 = arith.constant 320 : i32
      %mul3A_38 = arith.muli %add3A, %mul3A_37 : i32
      %mul3A_39 = arith.constant 2 : i32
      %mul3A_40 = arith.muli %scan3A_24, %mul3A_39 : i32
      %add3A_41 = arith.constant 1 : i32
      %add3A_42 = arith.addi %mul3A_40, %add3A_41 : i32
      %mul3A_43 = arith.constant 80 : i32
      %mul3A_44 = arith.muli %add3A_42, %mul3A_43 : i32
      %add3A_45 = arith.addi %mul3A_38, %mul3A_44 : i32
      %multiple_of3A_46 = tpu.assume_multiple %add3A_45, 8 : i32
      "tpu.region"() ({
        %run_scoped3A = tpu.sem_alloc : memref<!tpu.dma_semaphore, #tpu.memory_space<semaphore_mem>>
        %dma_start3A_75 = tpu.memref_slice %arg3[%multiple_of3A_46] : memref<10240xi32, #tpu.memory_space<hbm>> -> memref<80xi32, #tpu.memory_space<hbm>>
        %dma_start3A_76 = tpu.memref_slice %arg3[%multiple_of3A_46] : memref<10240xi32, #tpu.memory_space<hbm>> -> memref<80xi32, #tpu.memory_space<hbm>>
        tpu.enqueue_dma source(%dma_start3A_76 : memref<80xi32, #tpu.memory_space<hbm>>) target(%arg10 : memref<80xi32, #tpu.memory_space<vmem>>) target_semaphore(%run_scoped3A : memref<!tpu.dma_semaphore, #tpu.memory_space<semaphore_mem>>)
        %dma_wait3A_77 = tpu.memref_slice %arg3[%multiple_of3A_46] : memref<10240xi32, #tpu.memory_space<hbm>> -> memref<80xi32, #tpu.memory_space<hbm>>
        %dma_wait3A_78 = tpu.memref_slice %arg3[%multiple_of3A_46] : memref<10240xi32, #tpu.memory_space<hbm>> -> memref<80xi32, #tpu.memory_space<hbm>>
        tpu.wait_dma2 semaphore(%run_scoped3A : memref<!tpu.dma_semaphore, #tpu.memory_space<semaphore_mem>>) src(%dma_wait3A_78 : memref<80xi32, #tpu.memory_space<hbm>>) dst(%arg10 : memref<80xi32, #tpu.memory_space<vmem>>)
        tpu.yield
      }) : () -> ()
      %dma_start3A_47 = arith.constant 0 : i32
      %dma_start3A_48 = arith.constant 0 : i32
      %dma_start3A_49 = tpu.memref_slice %arg2[%dma_start3A_47, %dma_start3A_48] : memref<100000x128xf32, #tpu.memory_space<hbm>> -> memref<100000x128xf32, #tpu.memory_space<hbm>>
      tpu.enqueue_indirect_dma source(%dma_start3A_49 : memref<100000x128xf32, #tpu.memory_space<hbm>>) target(%arg14 : memref<80x128xf32, #tpu.memory_space<vmem>>) offsets(%arg10 : memref<80xi32, #tpu.memory_space<vmem>>) semaphore(%arg18 : memref<!tpu.dma_semaphore, #tpu.memory_space<semaphore_mem>>)
      %mul3A_50 = arith.constant 320 : i32
      %mul3A_51 = arith.muli %add3A, %mul3A_50 : i32
      %mul3A_52 = arith.constant 2 : i32
      %mul3A_53 = arith.muli %scan3A_24, %mul3A_52 : i32
      %add3A_54 = arith.constant 0 : i32
      %add3A_55 = arith.addi %mul3A_53, %add3A_54 : i32
      %mul3A_56 = arith.constant 80 : i32
      %mul3A_57 = arith.muli %add3A_55, %mul3A_56 : i32
      %add3A_58 = arith.addi %mul3A_51, %mul3A_57 : i32
      %multiple_of3A_59 = tpu.assume_multiple %add3A_58, 8 : i32
      %dma_wait3A = arith.constant 0 : i32
      %dma_wait3A_60 = arith.constant 0 : i32
      %dma_wait3A_61 = tpu.memref_slice %arg2[%dma_wait3A, %dma_wait3A_60] : memref<100000x128xf32, #tpu.memory_space<hbm>> -> memref<100000x128xf32, #tpu.memory_space<hbm>>
      tpu.wait_indirect_dma semaphore(%arg17 : memref<!tpu.dma_semaphore, #tpu.memory_space<semaphore_mem>>) src(%dma_wait3A_61 : memref<100000x128xf32, #tpu.memory_space<hbm>>) dst(%arg13 : memref<80x128xf32, #tpu.memory_space<vmem>>)
      "tpu.region"() ({
        %run_scoped3A = tpu.sem_alloc : memref<!tpu.dma_semaphore, #tpu.memory_space<semaphore_mem>>
        %dma_start3A_75 = arith.constant 0 : i32
        %dma_start3A_76 = tpu.memref_slice %arg7[%multiple_of3A_59, %dma_start3A_75] : memref<10240x128xf32, #tpu.memory_space<hbm>> -> memref<80x128xf32, #tpu.memory_space<hbm>>
        %dma_start3A_77 = arith.constant 0 : i32
        %dma_start3A_78 = tpu.memref_slice %arg7[%multiple_of3A_59, %dma_start3A_77] : memref<10240x128xf32, #tpu.memory_space<hbm>> -> memref<80x128xf32, #tpu.memory_space<hbm>>
        tpu.enqueue_dma source(%arg13 : memref<80x128xf32, #tpu.memory_space<vmem>>) target(%dma_start3A_78 : memref<80x128xf32, #tpu.memory_space<hbm>>) target_semaphore(%run_scoped3A : memref<!tpu.dma_semaphore, #tpu.memory_space<semaphore_mem>>)
        %dma_wait3A_79 = arith.constant 0 : i32
        %dma_wait3A_80 = tpu.memref_slice %arg7[%multiple_of3A_59, %dma_wait3A_79] : memref<10240x128xf32, #tpu.memory_space<hbm>> -> memref<80x128xf32, #tpu.memory_space<hbm>>
        %dma_wait3A_81 = arith.constant 0 : i32
        %dma_wait3A_82 = tpu.memref_slice %arg7[%multiple_of3A_59, %dma_wait3A_81] : memref<10240x128xf32, #tpu.memory_space<hbm>> -> memref<80x128xf32, #tpu.memory_space<hbm>>
        tpu.wait_dma2 semaphore(%run_scoped3A : memref<!tpu.dma_semaphore, #tpu.memory_space<semaphore_mem>>) src(%arg13 : memref<80x128xf32, #tpu.memory_space<vmem>>) dst(%dma_wait3A_82 : memref<80x128xf32, #tpu.memory_space<hbm>>)
        tpu.yield
      }) : () -> ()
      %mul3A_62 = arith.constant 320 : i32
      %mul3A_63 = arith.muli %add3A, %mul3A_62 : i32
      %mul3A_64 = arith.constant 2 : i32
      %mul3A_65 = arith.muli %scan3A_24, %mul3A_64 : i32
      %add3A_66 = arith.constant 1 : i32
      %add3A_67 = arith.addi %mul3A_65, %add3A_66 : i32
      %mul3A_68 = arith.constant 80 : i32
      %mul3A_69 = arith.muli %add3A_67, %mul3A_68 : i32
      %add3A_70 = arith.addi %mul3A_63, %mul3A_69 : i32
      %multiple_of3A_71 = tpu.assume_multiple %add3A_70, 8 : i32
      %dma_wait3A_72 = arith.constant 0 : i32
      %dma_wait3A_73 = arith.constant 0 : i32
      %dma_wait3A_74 = tpu.memref_slice %arg2[%dma_wait3A_72, %dma_wait3A_73] : memref<100000x128xf32, #tpu.memory_space<hbm>> -> memref<100000x128xf32, #tpu.memory_space<hbm>>
      tpu.wait_indirect_dma semaphore(%arg18 : memref<!tpu.dma_semaphore, #tpu.memory_space<semaphore_mem>>) src(%dma_wait3A_74 : memref<100000x128xf32, #tpu.memory_space<hbm>>) dst(%arg14 : memref<80x128xf32, #tpu.memory_space<vmem>>)
      "tpu.region"() ({
        %run_scoped3A = tpu.sem_alloc : memref<!tpu.dma_semaphore, #tpu.memory_space<semaphore_mem>>
        %dma_start3A_75 = arith.constant 0 : i32
        %dma_start3A_76 = tpu.memref_slice %arg7[%multiple_of3A_71, %dma_start3A_75] : memref<10240x128xf32, #tpu.memory_space<hbm>> -> memref<80x128xf32, #tpu.memory_space<hbm>>
        %dma_start3A_77 = arith.constant 0 : i32
        %dma_start3A_78 = tpu.memref_slice %arg7[%multiple_of3A_71, %dma_start3A_77] : memref<10240x128xf32, #tpu.memory_space<hbm>> -> memref<80x128xf32, #tpu.memory_space<hbm>>
        tpu.enqueue_dma source(%arg14 : memref<80x128xf32, #tpu.memory_space<vmem>>) target(%dma_start3A_78 : memref<80x128xf32, #tpu.memory_space<hbm>>) target_semaphore(%run_scoped3A : memref<!tpu.dma_semaphore, #tpu.memory_space<semaphore_mem>>)
        %dma_wait3A_79 = arith.constant 0 : i32
        %dma_wait3A_80 = tpu.memref_slice %arg7[%multiple_of3A_71, %dma_wait3A_79] : memref<10240x128xf32, #tpu.memory_space<hbm>> -> memref<80x128xf32, #tpu.memory_space<hbm>>
        %dma_wait3A_81 = arith.constant 0 : i32
        %dma_wait3A_82 = tpu.memref_slice %arg7[%multiple_of3A_71, %dma_wait3A_81] : memref<10240x128xf32, #tpu.memory_space<hbm>> -> memref<80x128xf32, #tpu.memory_space<hbm>>
        tpu.wait_dma2 semaphore(%run_scoped3A : memref<!tpu.dma_semaphore, #tpu.memory_space<semaphore_mem>>) src(%arg14 : memref<80x128xf32, #tpu.memory_space<vmem>>) dst(%dma_wait3A_82 : memref<80x128xf32, #tpu.memory_space<hbm>>)
        tpu.yield
      }) : () -> ()
    }
    %scan3A_7 = arith.constant 2 : i32
    %scan3A_8 = arith.constant 0 : i32
    %scan3A_9 = arith.constant 0 : i32
    %scan3A_10 = arith.constant 62 : i32
    %scan3A_11 = arith.addi %scan3A_9, %scan3A_10 : i32
    %scan3A_12 = arith.constant 1 : i32
    scf.for %scan3A_24 = %scan3A_9 to %scan3A_11 step %scan3A_12  : i32 {
      %mul3A_25 = arith.constant 10000 : i32
      %mul3A_26 = arith.muli %add3A, %mul3A_25 : i32
      %mul3A_27 = arith.constant 2 : i32
      %mul3A_28 = arith.muli %scan3A_24, %mul3A_27 : i32
      %add3A_29 = arith.constant 0 : i32
      %add3A_30 = arith.addi %mul3A_28, %add3A_29 : i32
      %mul3A_31 = arith.constant 80 : i32
      %mul3A_32 = arith.muli %add3A_30, %mul3A_31 : i32
      %add3A_33 = arith.addi %mul3A_26, %mul3A_32 : i32
      %multiple_of3A_34 = tpu.assume_multiple %add3A_33, 8 : i32
      "tpu.region"() ({
        %run_scoped3A = tpu.sem_alloc : memref<!tpu.dma_semaphore, #tpu.memory_space<semaphore_mem>>
        %dma_start3A_55 = tpu.memref_slice %arg4[%multiple_of3A_34] : memref<320000xi32, #tpu.memory_space<hbm>> -> memref<80xi32, #tpu.memory_space<hbm>>
        %dma_start3A_56 = tpu.memref_slice %arg4[%multiple_of3A_34] : memref<320000xi32, #tpu.memory_space<hbm>> -> memref<80xi32, #tpu.memory_space<hbm>>
        tpu.enqueue_dma source(%dma_start3A_56 : memref<80xi32, #tpu.memory_space<hbm>>) target(%arg11 : memref<80xi32, #tpu.memory_space<vmem>>) target_semaphore(%run_scoped3A : memref<!tpu.dma_semaphore, #tpu.memory_space<semaphore_mem>>)
        %dma_wait3A_57 = tpu.memref_slice %arg4[%multiple_of3A_34] : memref<320000xi32, #tpu.memory_space<hbm>> -> memref<80xi32, #tpu.memory_space<hbm>>
        %dma_wait3A_58 = tpu.memref_slice %arg4[%multiple_of3A_34] : memref<320000xi32, #tpu.memory_space<hbm>> -> memref<80xi32, #tpu.memory_space<hbm>>
        tpu.wait_dma2 semaphore(%run_scoped3A : memref<!tpu.dma_semaphore, #tpu.memory_space<semaphore_mem>>) src(%dma_wait3A_58 : memref<80xi32, #tpu.memory_space<hbm>>) dst(%arg11 : memref<80xi32, #tpu.memory_space<vmem>>)
        tpu.yield
      }) : () -> ()
      %dma_start3A = arith.constant 0 : i32
      %dma_start3A_35 = arith.constant 0 : i32
      %dma_start3A_36 = tpu.memref_slice %arg16[%dma_start3A, %dma_start3A_35] : memref<10000x8xf32, #tpu.memory_space<vmem_shared>> -> memref<10000x8xf32, #tpu.memory_space<vmem_shared>>
      tpu.enqueue_indirect_dma source(%arg15 : memref<80x8xf32, #tpu.memory_space<vmem>>) target(%dma_start3A_36 : memref<10000x8xf32, #tpu.memory_space<vmem_shared>>) offsets(%arg11 : memref<80xi32, #tpu.memory_space<vmem>>) semaphore(%arg17 : memref<!tpu.dma_semaphore, #tpu.memory_space<semaphore_mem>>) {add = true}
      %mul3A_37 = arith.constant 10000 : i32
      %mul3A_38 = arith.muli %add3A, %mul3A_37 : i32
      %mul3A_39 = arith.constant 2 : i32
      %mul3A_40 = arith.muli %scan3A_24, %mul3A_39 : i32
      %add3A_41 = arith.constant 1 : i32
      %add3A_42 = arith.addi %mul3A_40, %add3A_41 : i32
      %mul3A_43 = arith.constant 80 : i32
      %mul3A_44 = arith.muli %add3A_42, %mul3A_43 : i32
      %add3A_45 = arith.addi %mul3A_38, %mul3A_44 : i32
      %multiple_of3A_46 = tpu.assume_multiple %add3A_45, 8 : i32
      "tpu.region"() ({
        %run_scoped3A = tpu.sem_alloc : memref<!tpu.dma_semaphore, #tpu.memory_space<semaphore_mem>>
        %dma_start3A_55 = tpu.memref_slice %arg4[%multiple_of3A_46] : memref<320000xi32, #tpu.memory_space<hbm>> -> memref<80xi32, #tpu.memory_space<hbm>>
        %dma_start3A_56 = tpu.memref_slice %arg4[%multiple_of3A_46] : memref<320000xi32, #tpu.memory_space<hbm>> -> memref<80xi32, #tpu.memory_space<hbm>>
        tpu.enqueue_dma source(%dma_start3A_56 : memref<80xi32, #tpu.memory_space<hbm>>) target(%arg12 : memref<80xi32, #tpu.memory_space<vmem>>) target_semaphore(%run_scoped3A : memref<!tpu.dma_semaphore, #tpu.memory_space<semaphore_mem>>)
        %dma_wait3A_57 = tpu.memref_slice %arg4[%multiple_of3A_46] : memref<320000xi32, #tpu.memory_space<hbm>> -> memref<80xi32, #tpu.memory_space<hbm>>
        %dma_wait3A_58 = tpu.memref_slice %arg4[%multiple_of3A_46] : memref<320000xi32, #tpu.memory_space<hbm>> -> memref<80xi32, #tpu.memory_space<hbm>>
        tpu.wait_dma2 semaphore(%run_scoped3A : memref<!tpu.dma_semaphore, #tpu.memory_space<semaphore_mem>>) src(%dma_wait3A_58 : memref<80xi32, #tpu.memory_space<hbm>>) dst(%arg12 : memref<80xi32, #tpu.memory_space<vmem>>)
        tpu.yield
      }) : () -> ()
      %dma_start3A_47 = arith.constant 0 : i32
      %dma_start3A_48 = arith.constant 0 : i32
      %dma_start3A_49 = tpu.memref_slice %arg16[%dma_start3A_47, %dma_start3A_48] : memref<10000x8xf32, #tpu.memory_space<vmem_shared>> -> memref<10000x8xf32, #tpu.memory_space<vmem_shared>>
      tpu.enqueue_indirect_dma source(%arg15 : memref<80x8xf32, #tpu.memory_space<vmem>>) target(%dma_start3A_49 : memref<10000x8xf32, #tpu.memory_space<vmem_shared>>) offsets(%arg12 : memref<80xi32, #tpu.memory_space<vmem>>) semaphore(%arg18 : memref<!tpu.dma_semaphore, #tpu.memory_space<semaphore_mem>>) {add = true}
      %dma_wait3A = arith.constant 0 : i32
      %dma_wait3A_50 = arith.constant 0 : i32
      %dma_wait3A_51 = tpu.memref_slice %arg16[%dma_wait3A, %dma_wait3A_50] : memref<10000x8xf32, #tpu.memory_space<vmem_shared>> -> memref<10000x8xf32, #tpu.memory_space<vmem_shared>>
      tpu.wait_indirect_dma semaphore(%arg17 : memref<!tpu.dma_semaphore, #tpu.memory_space<semaphore_mem>>) src(%arg15 : memref<80x8xf32, #tpu.memory_space<vmem>>) dst(%dma_wait3A_51 : memref<10000x8xf32, #tpu.memory_space<vmem_shared>>)
      %dma_wait3A_52 = arith.constant 0 : i32
      %dma_wait3A_53 = arith.constant 0 : i32
      %dma_wait3A_54 = tpu.memref_slice %arg16[%dma_wait3A_52, %dma_wait3A_53] : memref<10000x8xf32, #tpu.memory_space<vmem_shared>> -> memref<10000x8xf32, #tpu.memory_space<vmem_shared>>
      tpu.wait_indirect_dma semaphore(%arg18 : memref<!tpu.dma_semaphore, #tpu.memory_space<semaphore_mem>>) src(%arg15 : memref<80x8xf32, #tpu.memory_space<vmem>>) dst(%dma_wait3A_54 : memref<10000x8xf32, #tpu.memory_space<vmem_shared>>)
    }
    %scan3A_13 = arith.constant 62 : i32
    %mul3A_14 = arith.constant 10000 : i32
    %mul3A_15 = arith.muli %add3A, %mul3A_14 : i32
    %add3A_16 = arith.constant 9920 : i32
    %add3A_17 = arith.addi %mul3A_15, %add3A_16 : i32
    %multiple_of3A = tpu.assume_multiple %add3A_17, 8 : i32
    "tpu.region"() ({
      %run_scoped3A = tpu.sem_alloc : memref<!tpu.dma_semaphore, #tpu.memory_space<semaphore_mem>>
      %dma_start3A = tpu.memref_slice %arg4[%multiple_of3A] : memref<320000xi32, #tpu.memory_space<hbm>> -> memref<80xi32, #tpu.memory_space<hbm>>
      %dma_start3A_24 = tpu.memref_slice %arg4[%multiple_of3A] : memref<320000xi32, #tpu.memory_space<hbm>> -> memref<80xi32, #tpu.memory_space<hbm>>
      tpu.enqueue_dma source(%dma_start3A_24 : memref<80xi32, #tpu.memory_space<hbm>>) target(%arg11 : memref<80xi32, #tpu.memory_space<vmem>>) target_semaphore(%run_scoped3A : memref<!tpu.dma_semaphore, #tpu.memory_space<semaphore_mem>>)
      %dma_wait3A = tpu.memref_slice %arg4[%multiple_of3A] : memref<320000xi32, #tpu.memory_space<hbm>> -> memref<80xi32, #tpu.memory_space<hbm>>
      %dma_wait3A_25 = tpu.memref_slice %arg4[%multiple_of3A] : memref<320000xi32, #tpu.memory_space<hbm>> -> memref<80xi32, #tpu.memory_space<hbm>>
      tpu.wait_dma2 semaphore(%run_scoped3A : memref<!tpu.dma_semaphore, #tpu.memory_space<semaphore_mem>>) src(%dma_wait3A_25 : memref<80xi32, #tpu.memory_space<hbm>>) dst(%arg11 : memref<80xi32, #tpu.memory_space<vmem>>)
      tpu.yield
    }) : () -> ()
    "tpu.region"() ({
      %run_scoped3A = tpu.sem_alloc : memref<!tpu.dma_semaphore, #tpu.memory_space<semaphore_mem>>
      %dma_start3A = arith.constant 0 : i32
      %dma_start3A_24 = arith.constant 0 : i32
      %dma_start3A_25 = tpu.memref_slice %arg16[%dma_start3A, %dma_start3A_24] : memref<10000x8xf32, #tpu.memory_space<vmem_shared>> -> memref<10000x8xf32, #tpu.memory_space<vmem_shared>>
      tpu.enqueue_indirect_dma source(%arg15 : memref<80x8xf32, #tpu.memory_space<vmem>>) target(%dma_start3A_25 : memref<10000x8xf32, #tpu.memory_space<vmem_shared>>) offsets(%arg11 : memref<80xi32, #tpu.memory_space<vmem>>) semaphore(%run_scoped3A : memref<!tpu.dma_semaphore, #tpu.memory_space<semaphore_mem>>) {add = true}
      %dma_wait3A = arith.constant 0 : i32
      %dma_wait3A_26 = arith.constant 0 : i32
      %dma_wait3A_27 = tpu.memref_slice %arg16[%dma_wait3A, %dma_wait3A_26] : memref<10000x8xf32, #tpu.memory_space<vmem_shared>> -> memref<10000x8xf32, #tpu.memory_space<vmem_shared>>
      tpu.wait_indirect_dma semaphore(%run_scoped3A : memref<!tpu.dma_semaphore, #tpu.memory_space<semaphore_mem>>) src(%arg15 : memref<80x8xf32, #tpu.memory_space<vmem>>) dst(%dma_wait3A_27 : memref<10000x8xf32, #tpu.memory_space<vmem_shared>>)
      tpu.yield
    }) : () -> ()
    %barrier3A_18 = arith.constant 0 : index
    tpu.barrier barrier_id(%barrier3A_18)
    %lt3A_19 = arith.constant 10 : i32
    %lt3A_20 = arith.cmpi slt, %arg1, %lt3A_19 : i32
    %convert_element_type3A_21 = arith.extui %lt3A_20 : i1 to i32
    %cond3A_22 = arith.constant 0 : i32
    %cond3A_23 = arith.cmpi ne, %convert_element_type3A_21, %cond3A_22 : i32
    scf.if %cond3A_23 {
      %mul3A_24 = arith.constant 1000 : i32
      %mul3A_25 = arith.muli %arg1, %mul3A_24 : i32
      %mul3A_26 = arith.constant 1000 : i32
      %mul3A_27 = arith.muli %arg1, %mul3A_26 : i32
      "tpu.region"() ({
        %run_scoped3A = tpu.sem_alloc : memref<!tpu.dma_semaphore, #tpu.memory_space<semaphore_mem>>
        %dma_start3A = arith.constant 0 : i32
        %dma_start3A_28 = tpu.memref_slice %arg8[%arg0, %mul3A_27, %dma_start3A] : memref<2x10000x8xf32, #tpu.memory_space<hbm>> -> memref<1x1000x8xf32, #tpu.memory_space<hbm>>
        %dma_start3A_29 = tpu.memref_squeeze %dma_start3A_28 : memref<1x1000x8xf32, #tpu.memory_space<hbm>> -> memref<1000x8xf32, #tpu.memory_space<hbm>>
        %dma_start3A_30 = arith.constant 0 : i32
        %dma_start3A_31 = tpu.memref_slice %arg16[%mul3A_25, %dma_start3A_30] : memref<10000x8xf32, #tpu.memory_space<vmem_shared>> -> memref<1000x8xf32, #tpu.memory_space<vmem_shared>>
        tpu.enqueue_dma source(%dma_start3A_31 : memref<1000x8xf32, #tpu.memory_space<vmem_shared>>) target(%dma_start3A_29 : memref<1000x8xf32, #tpu.memory_space<hbm>>) target_semaphore(%run_scoped3A : memref<!tpu.dma_semaphore, #tpu.memory_space<semaphore_mem>>)
        %dma_wait3A = arith.constant 0 : i32
        %dma_wait3A_32 = tpu.memref_slice %arg8[%arg0, %mul3A_27, %dma_wait3A] : memref<2x10000x8xf32, #tpu.memory_space<hbm>> -> memref<1x1000x8xf32, #tpu.memory_space<hbm>>
        %dma_wait3A_33 = tpu.memref_squeeze %dma_wait3A_32 : memref<1x1000x8xf32, #tpu.memory_space<hbm>> -> memref<1000x8xf32, #tpu.memory_space<hbm>>
        %dma_wait3A_34 = arith.constant 0 : i32
        %dma_wait3A_35 = tpu.memref_slice %arg16[%mul3A_25, %dma_wait3A_34] : memref<10000x8xf32, #tpu.memory_space<vmem_shared>> -> memref<1000x8xf32, #tpu.memory_space<vmem_shared>>
        tpu.wait_dma2 semaphore(%run_scoped3A : memref<!tpu.dma_semaphore, #tpu.memory_space<semaphore_mem>>) src(%dma_wait3A_35 : memref<1000x8xf32, #tpu.memory_space<vmem_shared>>) dst(%dma_wait3A_33 : memref<1000x8xf32, #tpu.memory_space<hbm>>)
        tpu.yield
      }) : () -> ()
    } else {
    }
    return
  }
}

module attributes {stable_mosaic.version = 14 : i64} {
  func.func @_sage_body(%arg0: i32, %arg1: memref<2x400x128xf32, #tpu.memory_space<vmem>>, %arg2: memref<2x400x8xf32, #tpu.memory_space<vmem>>, %arg3: memref<400x128xf32, #tpu.memory_space<vmem>>, %arg4: memref<128x128xf32, #tpu.memory_space<vmem>>, %arg5: memref<128x128xf32, #tpu.memory_space<vmem>>, %arg6: memref<1x128xf32, #tpu.memory_space<vmem>>, %arg7: memref<400x128xf32, #tpu.memory_space<vmem>>) attributes {dimension_semantics = [#tpu.dimension_semantics<arbitrary>], iteration_bounds = array<i64: 25>, scalar_prefetch = 0 : i64, scratch_operands = 0 : i64, tpu.core_type = #tpu.core_type<tc>, window_params = [{transform_indices = @transform_0, window_bounds = array<i64: 2, 400, 128>}, {transform_indices = @transform_1, window_bounds = array<i64: 2, 400, 8>}, {transform_indices = @transform_2, window_bounds = array<i64: 400, 128>}, {pipeline_mode = #tpu.pipeline_mode<synchronous>, transform_indices = @transform_3, window_bounds = array<i64: 128, 128>}, {pipeline_mode = #tpu.pipeline_mode<synchronous>, transform_indices = @transform_4, window_bounds = array<i64: 128, 128>}, {pipeline_mode = #tpu.pipeline_mode<synchronous>, transform_indices = @transform_5, window_bounds = array<i64: 1, 128>}, {transform_indices = @transform_6, window_bounds = array<i64: 400, 128>}]} {
    %get3A = arith.constant 0 : index
    %get3A_0 = arith.constant 0 : index
    %get3A_1 = arith.constant 0 : index
    %get3A_2 = vector.load %arg1[%get3A, %get3A_0, %get3A_1] : memref<2x400x128xf32, #tpu.memory_space<vmem>>, vector<1x400x128xf32>
    %get3A_3 = vector.shape_cast %get3A_2 : vector<1x400x128xf32> to vector<400x128xf32>
    %get3A_4 = arith.constant 1 : index
    %get3A_5 = arith.constant 0 : index
    %get3A_6 = arith.constant 0 : index
    %get3A_7 = vector.load %arg1[%get3A_4, %get3A_5, %get3A_6] : memref<2x400x128xf32, #tpu.memory_space<vmem>>, vector<1x400x128xf32>
    %get3A_8 = vector.shape_cast %get3A_7 : vector<1x400x128xf32> to vector<400x128xf32>
    %add3A = arith.addf %get3A_3, %get3A_8 : vector<400x128xf32>
    %get3A_9 = arith.constant 0 : index
    %get3A_10 = arith.constant 0 : index
    %get3A_11 = arith.constant 0 : index
    %get3A_12 = vector.load %arg2[%get3A_9, %get3A_10, %get3A_11] : memref<2x400x8xf32, #tpu.memory_space<vmem>>, vector<1x400x1xf32>
    %get3A_13 = vector.shape_cast %get3A_12 : vector<1x400x1xf32> to vector<400x1xf32>
    %get3A_14 = arith.constant 1 : index
    %get3A_15 = arith.constant 0 : index
    %get3A_16 = arith.constant 0 : index
    %get3A_17 = vector.load %arg2[%get3A_14, %get3A_15, %get3A_16] : memref<2x400x8xf32, #tpu.memory_space<vmem>>, vector<1x400x1xf32>
    %get3A_18 = vector.shape_cast %get3A_17 : vector<1x400x1xf32> to vector<400x1xf32>
    %add3A_19 = arith.addf %get3A_13, %get3A_18 : vector<400x1xf32>
    %max3A = arith.constant 1.000000e+00 : f32
    %max3A_20 = vector.broadcast %max3A : f32 to vector<400x1xf32>
    %max3A_21 = arith.maximumf %add3A_19, %max3A_20 : vector<400x1xf32>
    %div3A = vector.broadcast %max3A_21 : vector<400x1xf32> to vector<400x128xf32>
    %div3A_22 = arith.divf %add3A, %div3A : vector<400x128xf32>
    %get3A_23 = arith.constant 0 : index
    %get3A_24 = arith.constant 0 : index
    %get3A_25 = vector.load %arg4[%get3A_23, %get3A_24] : memref<128x128xf32, #tpu.memory_space<vmem>>, vector<128x128xf32>
    %dot_general3A = arith.constant dense<0.000000e+00> : vector<400x128xf32>
    %dot_general3A_26 = tpu.matmul %div3A_22, %get3A_25, %dot_general3A {dimension_numbers = #tpu.dot_dimension_numbers<[1], [0], [0], [1], [0, 0, 1, 1], [], []>, precision = #tpu.contract_precision<fp32>, transpose_lhs_hint = false} : vector<400x128xf32>, vector<128x128xf32>, vector<400x128xf32> -> vector<400x128xf32>
    %get3A_27 = arith.constant 0 : index
    %get3A_28 = arith.constant 0 : index
    %get3A_29 = vector.load %arg6[%get3A_27, %get3A_28] : memref<1x128xf32, #tpu.memory_space<vmem>>, vector<1x128xf32>
    %add3A_30 = vector.broadcast %get3A_29 : vector<1x128xf32> to vector<400x128xf32>
    %add3A_31 = arith.addf %dot_general3A_26, %add3A_30 : vector<400x128xf32>
    %get3A_32 = arith.constant 0 : index
    %get3A_33 = arith.constant 0 : index
    %get3A_34 = vector.load %arg3[%get3A_32, %get3A_33] : memref<400x128xf32, #tpu.memory_space<vmem>>, vector<400x128xf32>
    %get3A_35 = arith.constant 0 : index
    %get3A_36 = arith.constant 0 : index
    %get3A_37 = vector.load %arg5[%get3A_35, %get3A_36] : memref<128x128xf32, #tpu.memory_space<vmem>>, vector<128x128xf32>
    %dot_general3A_38 = arith.constant dense<0.000000e+00> : vector<400x128xf32>
    %dot_general3A_39 = tpu.matmul %get3A_34, %get3A_37, %dot_general3A_38 {dimension_numbers = #tpu.dot_dimension_numbers<[1], [0], [0], [1], [0, 0, 1, 1], [], []>, precision = #tpu.contract_precision<fp32>, transpose_lhs_hint = false} : vector<400x128xf32>, vector<128x128xf32>, vector<400x128xf32> -> vector<400x128xf32>
    %add3A_40 = arith.addf %add3A_31, %dot_general3A_39 : vector<400x128xf32>
    %mul3A = arith.mulf %add3A_40, %add3A_40 : vector<400x128xf32>
    %reduce_sum3A = arith.constant dense<0.000000e+00> : vector<400xf32>
    %reduce_sum3A_41 = vector.multi_reduction <add>, %mul3A, %reduce_sum3A [1] : vector<400x128xf32> to vector<400xf32>
    %broadcast_in_dim3A = vector.shape_cast %reduce_sum3A_41 : vector<400xf32> to vector<400x1xf32>
    %sqrt3A = math.sqrt %broadcast_in_dim3A : vector<400x1xf32>
    %max3A_42 = arith.constant 9.99999996E-13 : f32
    %max3A_43 = vector.broadcast %max3A_42 : f32 to vector<400x1xf32>
    %max3A_44 = arith.maximumf %sqrt3A, %max3A_43 : vector<400x1xf32>
    %div3A_45 = vector.broadcast %max3A_44 : vector<400x1xf32> to vector<400x128xf32>
    %div3A_46 = arith.divf %add3A_40, %div3A_45 : vector<400x128xf32>
    %max3A_47 = arith.constant 0.000000e+00 : f32
    %max3A_48 = vector.broadcast %max3A_47 : f32 to vector<400x128xf32>
    %max3A_49 = arith.maximumf %div3A_46, %max3A_48 : vector<400x128xf32>
    %swap3A = arith.constant 0 : index
    %swap3A_50 = arith.constant 0 : index
    %swap3A_51 = vector.load %arg7[%swap3A, %swap3A_50] : memref<400x128xf32, #tpu.memory_space<vmem>>, vector<400x128xf32>
    tpu.vector_store %arg7[%swap3A, %swap3A_50], %max3A_49 {strides = array<i32>} : memref<400x128xf32, #tpu.memory_space<vmem>>, vector<400x128xf32>,
    return
  }
  func.func @transform_0(%arg0: i32) -> (i32, i32, i32) {
    %c0_i32 = arith.constant 0 : i32
    %c0_i32_0 = arith.constant 0 : i32
    %c0_i32_1 = arith.constant 0 : i32
    return %c0_i32, %arg0, %c0_i32_0 : i32, i32, i32
  }
  func.func @transform_1(%arg0: i32) -> (i32, i32, i32) {
    %c0_i32 = arith.constant 0 : i32
    %c0_i32_0 = arith.constant 0 : i32
    %c0_i32_1 = arith.constant 0 : i32
    return %c0_i32, %arg0, %c0_i32_0 : i32, i32, i32
  }
  func.func @transform_2(%arg0: i32) -> (i32, i32) {
    %c0_i32 = arith.constant 0 : i32
    %c0_i32_0 = arith.constant 0 : i32
    return %arg0, %c0_i32 : i32, i32
  }
  func.func @transform_3(%arg0: i32) -> (i32, i32) {
    %c0_i32 = arith.constant 0 : i32
    %c0_i32_0 = arith.constant 0 : i32
    %c0_i32_1 = arith.constant 0 : i32
    return %c0_i32, %c0_i32_0 : i32, i32
  }
  func.func @transform_4(%arg0: i32) -> (i32, i32) {
    %c0_i32 = arith.constant 0 : i32
    %c0_i32_0 = arith.constant 0 : i32
    %c0_i32_1 = arith.constant 0 : i32
    return %c0_i32, %c0_i32_0 : i32, i32
  }
  func.func @transform_5(%arg0: i32) -> (i32, i32) {
    %c0_i32 = arith.constant 0 : i32
    %c0_i32_0 = arith.constant 0 : i32
    %c0_i32_1 = arith.constant 0 : i32
    return %c0_i32, %c0_i32_0 : i32, i32
  }
  func.func @transform_6(%arg0: i32) -> (i32, i32) {
    %c0_i32 = arith.constant 0 : i32
    %c0_i32_0 = arith.constant 0 : i32
    return %arg0, %c0_i32 : i32, i32
  }
}

module attributes {stable_mosaic.version = 14 : i64} {
  func.func @_sage_body(%arg0: i32, %arg1: memref<2x400x128xf32, #tpu.memory_space<vmem>>, %arg2: memref<2x400x8xf32, #tpu.memory_space<vmem>>, %arg3: memref<400x128xf32, #tpu.memory_space<vmem>>, %arg4: memref<128x128xf32, #tpu.memory_space<vmem>>, %arg5: memref<128x128xf32, #tpu.memory_space<vmem>>, %arg6: memref<1x128xf32, #tpu.memory_space<vmem>>, %arg7: memref<400x128xf32, #tpu.memory_space<vmem>>) attributes {dimension_semantics = [#tpu.dimension_semantics<arbitrary>], iteration_bounds = array<i64: 25>, scalar_prefetch = 0 : i64, scratch_operands = 0 : i64, tpu.core_type = #tpu.core_type<tc>, window_params = [{transform_indices = @transform_0, window_bounds = array<i64: 2, 400, 128>}, {transform_indices = @transform_1, window_bounds = array<i64: 2, 400, 8>}, {transform_indices = @transform_2, window_bounds = array<i64: 400, 128>}, {pipeline_mode = #tpu.pipeline_mode<synchronous>, transform_indices = @transform_3, window_bounds = array<i64: 128, 128>}, {pipeline_mode = #tpu.pipeline_mode<synchronous>, transform_indices = @transform_4, window_bounds = array<i64: 128, 128>}, {pipeline_mode = #tpu.pipeline_mode<synchronous>, transform_indices = @transform_5, window_bounds = array<i64: 1, 128>}, {transform_indices = @transform_6, window_bounds = array<i64: 400, 128>}]} {
    %get3A = arith.constant 0 : index
    %get3A_0 = arith.constant 0 : index
    %get3A_1 = arith.constant 0 : index
    %get3A_2 = vector.load %arg1[%get3A, %get3A_0, %get3A_1] : memref<2x400x128xf32, #tpu.memory_space<vmem>>, vector<1x400x128xf32>
    %get3A_3 = vector.shape_cast %get3A_2 : vector<1x400x128xf32> to vector<400x128xf32>
    %get3A_4 = arith.constant 1 : index
    %get3A_5 = arith.constant 0 : index
    %get3A_6 = arith.constant 0 : index
    %get3A_7 = vector.load %arg1[%get3A_4, %get3A_5, %get3A_6] : memref<2x400x128xf32, #tpu.memory_space<vmem>>, vector<1x400x128xf32>
    %get3A_8 = vector.shape_cast %get3A_7 : vector<1x400x128xf32> to vector<400x128xf32>
    %add3A = arith.addf %get3A_3, %get3A_8 : vector<400x128xf32>
    %get3A_9 = arith.constant 0 : index
    %get3A_10 = arith.constant 0 : index
    %get3A_11 = arith.constant 0 : index
    %get3A_12 = vector.load %arg2[%get3A_9, %get3A_10, %get3A_11] : memref<2x400x8xf32, #tpu.memory_space<vmem>>, vector<1x400x1xf32>
    %get3A_13 = vector.shape_cast %get3A_12 : vector<1x400x1xf32> to vector<400x1xf32>
    %get3A_14 = arith.constant 1 : index
    %get3A_15 = arith.constant 0 : index
    %get3A_16 = arith.constant 0 : index
    %get3A_17 = vector.load %arg2[%get3A_14, %get3A_15, %get3A_16] : memref<2x400x8xf32, #tpu.memory_space<vmem>>, vector<1x400x1xf32>
    %get3A_18 = vector.shape_cast %get3A_17 : vector<1x400x1xf32> to vector<400x1xf32>
    %add3A_19 = arith.addf %get3A_13, %get3A_18 : vector<400x1xf32>
    %max3A = arith.constant 1.000000e+00 : f32
    %max3A_20 = vector.broadcast %max3A : f32 to vector<400x1xf32>
    %max3A_21 = arith.maximumf %add3A_19, %max3A_20 : vector<400x1xf32>
    %div3A = vector.broadcast %max3A_21 : vector<400x1xf32> to vector<400x128xf32>
    %div3A_22 = arith.divf %add3A, %div3A : vector<400x128xf32>
    %get3A_23 = arith.constant 0 : index
    %get3A_24 = arith.constant 0 : index
    %get3A_25 = vector.load %arg4[%get3A_23, %get3A_24] : memref<128x128xf32, #tpu.memory_space<vmem>>, vector<128x128xf32>
    %dot_general3A = arith.constant dense<0.000000e+00> : vector<400x128xf32>
    %dot_general3A_26 = tpu.matmul %div3A_22, %get3A_25, %dot_general3A {dimension_numbers = #tpu.dot_dimension_numbers<[1], [0], [0], [1], [0, 0, 1, 1], [], []>, precision = #tpu.contract_precision<fp32>, transpose_lhs_hint = false} : vector<400x128xf32>, vector<128x128xf32>, vector<400x128xf32> -> vector<400x128xf32>
    %get3A_27 = arith.constant 0 : index
    %get3A_28 = arith.constant 0 : index
    %get3A_29 = vector.load %arg6[%get3A_27, %get3A_28] : memref<1x128xf32, #tpu.memory_space<vmem>>, vector<1x128xf32>
    %add3A_30 = vector.broadcast %get3A_29 : vector<1x128xf32> to vector<400x128xf32>
    %add3A_31 = arith.addf %dot_general3A_26, %add3A_30 : vector<400x128xf32>
    %get3A_32 = arith.constant 0 : index
    %get3A_33 = arith.constant 0 : index
    %get3A_34 = vector.load %arg3[%get3A_32, %get3A_33] : memref<400x128xf32, #tpu.memory_space<vmem>>, vector<400x128xf32>
    %get3A_35 = arith.constant 0 : index
    %get3A_36 = arith.constant 0 : index
    %get3A_37 = vector.load %arg5[%get3A_35, %get3A_36] : memref<128x128xf32, #tpu.memory_space<vmem>>, vector<128x128xf32>
    %dot_general3A_38 = arith.constant dense<0.000000e+00> : vector<400x128xf32>
    %dot_general3A_39 = tpu.matmul %get3A_34, %get3A_37, %dot_general3A_38 {dimension_numbers = #tpu.dot_dimension_numbers<[1], [0], [0], [1], [0, 0, 1, 1], [], []>, precision = #tpu.contract_precision<fp32>, transpose_lhs_hint = false} : vector<400x128xf32>, vector<128x128xf32>, vector<400x128xf32> -> vector<400x128xf32>
    %add3A_40 = arith.addf %add3A_31, %dot_general3A_39 : vector<400x128xf32>
    %mul3A = arith.mulf %add3A_40, %add3A_40 : vector<400x128xf32>
    %reduce_sum3A = arith.constant dense<0.000000e+00> : vector<400xf32>
    %reduce_sum3A_41 = vector.multi_reduction <add>, %mul3A, %reduce_sum3A [1] : vector<400x128xf32> to vector<400xf32>
    %broadcast_in_dim3A = vector.shape_cast %reduce_sum3A_41 : vector<400xf32> to vector<400x1xf32>
    %sqrt3A = math.sqrt %broadcast_in_dim3A : vector<400x1xf32>
    %max3A_42 = arith.constant 9.99999996E-13 : f32
    %max3A_43 = vector.broadcast %max3A_42 : f32 to vector<400x1xf32>
    %max3A_44 = arith.maximumf %sqrt3A, %max3A_43 : vector<400x1xf32>
    %div3A_45 = vector.broadcast %max3A_44 : vector<400x1xf32> to vector<400x128xf32>
    %div3A_46 = arith.divf %add3A_40, %div3A_45 : vector<400x128xf32>
    %max3A_47 = arith.constant 0.000000e+00 : f32
    %max3A_48 = vector.broadcast %max3A_47 : f32 to vector<400x128xf32>
    %max3A_49 = arith.maximumf %div3A_46, %max3A_48 : vector<400x128xf32>
    %swap3A = arith.constant 0 : index
    %swap3A_50 = arith.constant 0 : index
    %swap3A_51 = vector.load %arg7[%swap3A, %swap3A_50] : memref<400x128xf32, #tpu.memory_space<vmem>>, vector<400x128xf32>
    tpu.vector_store %arg7[%swap3A, %swap3A_50], %max3A_49 {strides = array<i32>} : memref<400x128xf32, #tpu.memory_space<vmem>>, vector<400x128xf32>,
    return
  }
  func.func @transform_0(%arg0: i32) -> (i32, i32, i32) {
    %c0_i32 = arith.constant 0 : i32
    %c0_i32_0 = arith.constant 0 : i32
    %c0_i32_1 = arith.constant 0 : i32
    return %c0_i32, %arg0, %c0_i32_0 : i32, i32, i32
  }
  func.func @transform_1(%arg0: i32) -> (i32, i32, i32) {
    %c0_i32 = arith.constant 0 : i32
    %c0_i32_0 = arith.constant 0 : i32
    %c0_i32_1 = arith.constant 0 : i32
    return %c0_i32, %arg0, %c0_i32_0 : i32, i32, i32
  }
  func.func @transform_2(%arg0: i32) -> (i32, i32) {
    %c0_i32 = arith.constant 0 : i32
    %c0_i32_0 = arith.constant 0 : i32
    return %arg0, %c0_i32 : i32, i32
  }
  func.func @transform_3(%arg0: i32) -> (i32, i32) {
    %c0_i32 = arith.constant 0 : i32
    %c0_i32_0 = arith.constant 0 : i32
    %c0_i32_1 = arith.constant 0 : i32
    return %c0_i32, %c0_i32_0 : i32, i32
  }
  func.func @transform_4(%arg0: i32) -> (i32, i32) {
    %c0_i32 = arith.constant 0 : i32
    %c0_i32_0 = arith.constant 0 : i32
    %c0_i32_1 = arith.constant 0 : i32
    return %c0_i32, %c0_i32_0 : i32, i32
  }
  func.func @transform_5(%arg0: i32) -> (i32, i32) {
    %c0_i32 = arith.constant 0 : i32
    %c0_i32_0 = arith.constant 0 : i32
    %c0_i32_1 = arith.constant 0 : i32
    return %c0_i32, %c0_i32_0 : i32, i32
  }
  func.func @transform_6(%arg0: i32) -> (i32, i32) {
    %c0_i32 = arith.constant 0 : i32
    %c0_i32_0 = arith.constant 0 : i32
    return %arg0, %c0_i32 : i32, i32
  }
}

module attributes {stable_mosaic.version = 14 : i64} {
  func.func @body(%arg0: i32, %arg1: memref<400x128xf32, #tpu.memory_space<vmem>>, %arg2: memref<400x1xi32, #tpu.memory_space<vmem>>, %arg3: memref<512x128xf32, #tpu.memory_space<vmem>>, %arg4: memref<512x128xf32, #tpu.memory_space<vmem>>, %arg5: memref<512x128xf32, #tpu.memory_space<vmem>>, %arg6: memref<512x1xf32, #tpu.memory_space<vmem>>, %arg7: memref<512x256xf32, #tpu.memory_space<vmem>>, %arg8: memref<512x128xf32, #tpu.memory_space<vmem>>, %arg9: memref<1x512xf32, #tpu.memory_space<vmem>>, %arg10: memref<1x512xf32, #tpu.memory_space<vmem>>, %arg11: memref<256x128xf32, #tpu.memory_space<vmem>>, %arg12: memref<1x128xf32, #tpu.memory_space<vmem>>, %arg13: memref<128x64xf32, #tpu.memory_space<vmem>>, %arg14: memref<1x64xf32, #tpu.memory_space<vmem>>, %arg15: memref<64x1xf32, #tpu.memory_space<vmem>>, %arg16: memref<1x1xf32, #tpu.memory_space<vmem>>, %arg17: memref<512x128xf32, #tpu.memory_space<vmem>>, %arg18: memref<512x1xf32, #tpu.memory_space<vmem>>, %arg19: memref<512x128xf32, #tpu.memory_space<vmem>>, %arg20: memref<512x128xf32, #tpu.memory_space<vmem>>, %arg21: memref<512x1xf32, #tpu.memory_space<vmem>>, %arg22: memref<512x128xf32, #tpu.memory_space<vmem>>) attributes {dimension_semantics = [#tpu.dimension_semantics<arbitrary>], iteration_bounds = array<i64: 25>, scalar_prefetch = 0 : i64, scratch_operands = 1 : i64, tpu.core_type = #tpu.core_type<tc>, window_params = [{transform_indices = @transform_0, window_bounds = array<i64: 400, 128>}, {transform_indices = @transform_1, window_bounds = array<i64: 400, 1>}, {pipeline_mode = #tpu.pipeline_mode<synchronous>, transform_indices = @transform_2, window_bounds = array<i64: 512, 128>}, {pipeline_mode = #tpu.pipeline_mode<synchronous>, transform_indices = @transform_3, window_bounds = array<i64: 512, 128>}, {pipeline_mode = #tpu.pipeline_mode<synchronous>, transform_indices = @transform_4, window_bounds = array<i64: 512, 128>}, {pipeline_mode = #tpu.pipeline_mode<synchronous>, transform_indices = @transform_5, window_bounds = array<i64: 512, 1>}, {pipeline_mode = #tpu.pipeline_mode<synchronous>, transform_indices = @transform_6, window_bounds = array<i64: 512, 256>}, {pipeline_mode = #tpu.pipeline_mode<synchronous>, transform_indices = @transform_7, window_bounds = array<i64: 512, 128>}, {pipeline_mode = #tpu.pipeline_mode<synchronous>, transform_indices = @transform_8, window_bounds = array<i64: 1, 512>}, {pipeline_mode = #tpu.pipeline_mode<synchronous>, transform_indices = @transform_9, window_bounds = array<i64: 1, 512>}, {pipeline_mode = #tpu.pipeline_mode<synchronous>, transform_indices = @transform_10, window_bounds = array<i64: 256, 128>}, {pipeline_mode = #tpu.pipeline_mode<synchronous>, transform_indices = @transform_11, window_bounds = array<i64: 1, 128>}, {pipeline_mode = #tpu.pipeline_mode<synchronous>, transform_indices = @transform_12, window_bounds = array<i64: 128, 64>}, {pipeline_mode = #tpu.pipeline_mode<synchronous>, transform_indices = @transform_13, window_bounds = array<i64: 1, 64>}, {pipeline_mode = #tpu.pipeline_mode<synchronous>, transform_indices = @transform_14, window_bounds = array<i64: 64, 1>}, {pipeline_mode = #tpu.pipeline_mode<synchronous>, transform_indices = @transform_15, window_bounds = array<i64: 1, 1>}, {pipeline_mode = #tpu.pipeline_mode<synchronous>, transform_indices = @transform_16, window_bounds = array<i64: 512, 128>}, {pipeline_mode = #tpu.pipeline_mode<synchronous>, transform_indices = @transform_17, window_bounds = array<i64: 512, 1>}, {pipeline_mode = #tpu.pipeline_mode<synchronous>, transform_indices = @transform_18, window_bounds = array<i64: 512, 128>}, {pipeline_mode = #tpu.pipeline_mode<synchronous>, transform_indices = @transform_19, window_bounds = array<i64: 512, 128>}, {pipeline_mode = #tpu.pipeline_mode<synchronous>, transform_indices = @transform_20, window_bounds = array<i64: 512, 1>}]} {
    %eq3A = arith.constant 0 : i32
    %eq3A_0 = arith.cmpi eq, %arg0, %eq3A : i32
    %convert_element_type3A = arith.extui %eq3A_0 : i1 to i32
    %cond3A = arith.constant 0 : i32
    %cond3A_1 = arith.cmpi ne, %convert_element_type3A, %cond3A : i32
    scf.if %cond3A_1 {
      %get3A_39 = arith.constant 0 : index
      %get3A_40 = arith.constant 0 : index
      %get3A_41 = vector.load %arg3[%get3A_39, %get3A_40] : memref<512x128xf32, #tpu.memory_space<vmem>>, vector<512x128xf32>
      %get3A_42 = arith.constant 0 : index
      %get3A_43 = arith.constant 0 : index
      %get3A_44 = vector.load %arg4[%get3A_42, %get3A_43] : memref<512x128xf32, #tpu.memory_space<vmem>>, vector<512x128xf32>
      %get3A_45 = arith.constant 0 : index
      %get3A_46 = arith.constant 0 : index
      %get3A_47 = vector.load %arg5[%get3A_45, %get3A_46] : memref<512x128xf32, #tpu.memory_space<vmem>>, vector<512x128xf32>
      %get3A_48 = arith.constant 0 : index
      %get3A_49 = arith.constant 0 : index
      %get3A_50 = vector.load %arg6[%get3A_48, %get3A_49] : memref<512x1xf32, #tpu.memory_space<vmem>>, vector<512x1xf32>
      %get3A_51 = arith.constant 0 : index
      %get3A_52 = arith.constant 0 : index
      %get3A_53 = vector.load %arg7[%get3A_51, %get3A_52] : memref<512x256xf32, #tpu.memory_space<vmem>>, vector<512x256xf32>
      %get3A_54 = arith.constant 0 : index
      %get3A_55 = arith.constant 0 : index
      %get3A_56 = vector.load %arg8[%get3A_54, %get3A_55] : memref<512x128xf32, #tpu.memory_space<vmem>>, vector<512x128xf32>
      %get3A_57 = arith.constant 0 : index
      %get3A_58 = arith.constant 0 : index
      %get3A_59 = vector.load %arg9[%get3A_57, %get3A_58] : memref<1x512xf32, #tpu.memory_space<vmem>>, vector<1x512xf32>
      %get3A_60 = arith.constant 0 : index
      %get3A_61 = arith.constant 0 : index
      %get3A_62 = vector.load %arg10[%get3A_60, %get3A_61] : memref<1x512xf32, #tpu.memory_space<vmem>>, vector<1x512xf32>
      %gt3A = arith.constant 0.000000e+00 : f32
      %gt3A_63 = vector.broadcast %gt3A : f32 to vector<512x1xf32>
      %gt3A_64 = arith.cmpf ogt, %get3A_50, %gt3A_63 : vector<512x1xf32>
      %jit3A = arith.constant 1.000000e+00 : f32
      %broadcast_in_dim3A_65 = vector.broadcast %jit3A : f32 to vector<512x1xf32>
      %select_n3A = arith.select %gt3A_64, %get3A_50, %broadcast_in_dim3A_65 : vector<512x1xi1>, vector<512x1xf32>
      %div3A = vector.broadcast %select_n3A : vector<512x1xf32> to vector<512x128xf32>
      %div3A_66 = arith.divf %get3A_47, %div3A : vector<512x128xf32>
      %concatenate3A = tpu.concatenate %get3A_41, %div3A_66 in 1 : vector<512x128xf32>, vector<512x128xf32> -> vector<512x256xf32>
      %dot_general3A_67 = arith.constant dense<0.000000e+00> : vector<512x512xf32>
      %dot_general3A_68 = tpu.matmul %concatenate3A, %get3A_53, %dot_general3A_67 {dimension_numbers = #tpu.dot_dimension_numbers<[1], [1], [0], [0], [0, 0, 1, 0], [], []>, precision = #tpu.contract_precision<fp32>, transpose_lhs_hint = false} : vector<512x256xf32>, vector<512x256xf32>, vector<512x512xf32> -> vector<512x512xf32>
      %add3A_69 = vector.broadcast %get3A_59 : vector<1x512xf32> to vector<512x512xf32>
      %add3A_70 = arith.addf %dot_general3A_68, %add3A_69 : vector<512x512xf32>
      %dot_general3A_71 = arith.constant dense<0.000000e+00> : vector<512x512xf32>
      %dot_general3A_72 = tpu.matmul %get3A_41, %get3A_56, %dot_general3A_71 {dimension_numbers = #tpu.dot_dimension_numbers<[1], [1], [0], [0], [0, 0, 1, 0], [], []>, precision = #tpu.contract_precision<fp32>, transpose_lhs_hint = false} : vector<512x128xf32>, vector<512x128xf32>, vector<512x512xf32> -> vector<512x512xf32>
      %add3A_73 = arith.addf %add3A_70, %dot_general3A_72 : vector<512x512xf32>
      %add3A_74 = vector.broadcast %get3A_62 : vector<1x512xf32> to vector<512x512xf32>
      %add3A_75 = arith.addf %add3A_73, %add3A_74 : vector<512x512xf32>
      %slice3A = vector.extract_strided_slice %add3A_75 {offsets = [0, 0], sizes = [512, 128], strides = [1, 1]} : vector<512x512xf32> to vector<512x128xf32>
      %logistic3A = arith.negf %slice3A : vector<512x128xf32>
      %logistic3A_76 = math.exp %logistic3A : vector<512x128xf32>
      %logistic3A_77 = arith.constant 1.000000e+00 : f32
      %logistic3A_78 = vector.broadcast %logistic3A_77 : f32 to vector<512x128xf32>
      %logistic3A_79 = arith.addf %logistic3A_78, %logistic3A_76 : vector<512x128xf32>
      %logistic3A_80 = arith.divf %logistic3A_78, %logistic3A_79 : vector<512x128xf32>
      %slice3A_81 = vector.extract_strided_slice %add3A_75 {offsets = [0, 128], sizes = [512, 128], strides = [1, 1]} : vector<512x512xf32> to vector<512x128xf32>
      %logistic3A_82 = arith.negf %slice3A_81 : vector<512x128xf32>
      %logistic3A_83 = math.exp %logistic3A_82 : vector<512x128xf32>
      %logistic3A_84 = arith.constant 1.000000e+00 : f32
      %logistic3A_85 = vector.broadcast %logistic3A_84 : f32 to vector<512x128xf32>
      %logistic3A_86 = arith.addf %logistic3A_85, %logistic3A_83 : vector<512x128xf32>
      %logistic3A_87 = arith.divf %logistic3A_85, %logistic3A_86 : vector<512x128xf32>
      %slice3A_88 = vector.extract_strided_slice %add3A_75 {offsets = [0, 256], sizes = [512, 128], strides = [1, 1]} : vector<512x512xf32> to vector<512x128xf32>
      %tanh3A = math.tanh %slice3A_88 : vector<512x128xf32>
      %slice3A_89 = vector.extract_strided_slice %add3A_75 {offsets = [0, 384], sizes = [512, 128], strides = [1, 1]} : vector<512x512xf32> to vector<512x128xf32>
      %logistic3A_90 = arith.negf %slice3A_89 : vector<512x128xf32>
      %logistic3A_91 = math.exp %logistic3A_90 : vector<512x128xf32>
      %logistic3A_92 = arith.constant 1.000000e+00 : f32
      %logistic3A_93 = vector.broadcast %logistic3A_92 : f32 to vector<512x128xf32>
      %logistic3A_94 = arith.addf %logistic3A_93, %logistic3A_91 : vector<512x128xf32>
      %logistic3A_95 = arith.divf %logistic3A_93, %logistic3A_94 : vector<512x128xf32>
      %mul3A_96 = arith.mulf %logistic3A_87, %get3A_44 : vector<512x128xf32>
      %mul3A_97 = arith.mulf %logistic3A_80, %tanh3A : vector<512x128xf32>
      %add3A_98 = arith.addf %mul3A_96, %mul3A_97 : vector<512x128xf32>
      %tanh3A_99 = math.tanh %add3A_98 : vector<512x128xf32>
      %mul3A_100 = arith.mulf %logistic3A_95, %tanh3A_99 : vector<512x128xf32>
      %swap3A_101 = arith.constant 0 : index
      %swap3A_102 = arith.constant 0 : index
      %swap3A_103 = vector.load %arg19[%swap3A_101, %swap3A_102] : memref<512x128xf32, #tpu.memory_space<vmem>>, vector<512x128xf32>
      tpu.vector_store %arg19[%swap3A_101, %swap3A_102], %mul3A_100 {strides = array<i32>} : memref<512x128xf32, #tpu.memory_space<vmem>>, vector<512x128xf32>,
      %swap3A_104 = arith.constant 0 : index
      %swap3A_105 = arith.constant 0 : index
      %swap3A_106 = vector.load %arg20[%swap3A_104, %swap3A_105] : memref<512x128xf32, #tpu.memory_space<vmem>>, vector<512x128xf32>
      tpu.vector_store %arg20[%swap3A_104, %swap3A_105], %add3A_98 {strides = array<i32>} : memref<512x128xf32, #tpu.memory_space<vmem>>, vector<512x128xf32>,
      %swap3A_107 = arith.constant 0 : index
      %swap3A_108 = arith.constant 0 : index
      %swap3A_109 = vector.load %arg22[%swap3A_107, %swap3A_108] : memref<512x128xf32, #tpu.memory_space<vmem>>, vector<512x128xf32>
      tpu.vector_store %arg22[%swap3A_107, %swap3A_108], %mul3A_100 {strides = array<i32>} : memref<512x128xf32, #tpu.memory_space<vmem>>, vector<512x128xf32>,
      %broadcast_in_dim3A_110 = arith.constant 0.000000e+00 : f32
      %broadcast_in_dim3A_111 = vector.broadcast %broadcast_in_dim3A_110 : f32 to vector<512x128xf32>
      %swap3A_112 = arith.constant 0 : index
      %swap3A_113 = arith.constant 0 : index
      %swap3A_114 = vector.load %arg17[%swap3A_112, %swap3A_113] : memref<512x128xf32, #tpu.memory_space<vmem>>, vector<512x128xf32>
      tpu.vector_store %arg17[%swap3A_112, %swap3A_113], %broadcast_in_dim3A_111 {strides = array<i32>} : memref<512x128xf32, #tpu.memory_space<vmem>>, vector<512x128xf32>,
      %broadcast_in_dim3A_115 = arith.constant 0.000000e+00 : f32
      %broadcast_in_dim3A_116 = vector.broadcast %broadcast_in_dim3A_115 : f32 to vector<512x1xf32>
      %swap3A_117 = arith.constant 0 : index
      %swap3A_118 = arith.constant 0 : index
      %swap3A_119 = vector.load %arg18[%swap3A_117, %swap3A_118] : memref<512x1xf32, #tpu.memory_space<vmem>>, vector<512x1xf32>
      tpu.vector_store %arg18[%swap3A_117, %swap3A_118], %broadcast_in_dim3A_116 {strides = array<i32>} : memref<512x1xf32, #tpu.memory_space<vmem>>, vector<512x1xf32>,
    } else {
    }
    %get3A = arith.constant 0 : index
    %get3A_2 = arith.constant 0 : index
    %get3A_3 = vector.load %arg2[%get3A, %get3A_2] : memref<400x1xi32, #tpu.memory_space<vmem>>, vector<400x1xi32>
    %iota3A = tpu.iota {dimensions = array<i32: 1>} : vector<400x512xi32>
    %eq3A_4 = vector.broadcast %get3A_3 : vector<400x1xi32> to vector<400x512xi32>
    %eq3A_5 = arith.cmpi eq, %eq3A_4, %iota3A : vector<400x512xi32>
    %convert_element_type3A_6 = arith.extui %eq3A_5 : vector<400x512xi1> to vector<400x512xi32>
    %convert_element_type3A_7 = arith.sitofp %convert_element_type3A_6 : vector<400x512xi32> to vector<400x512xf32>
    %get3A_8 = arith.constant 0 : index
    %get3A_9 = arith.constant 0 : index
    %get3A_10 = vector.load %arg1[%get3A_8, %get3A_9] : memref<400x128xf32, #tpu.memory_space<vmem>>, vector<400x128xf32>
    %get3A_11 = arith.constant 0 : index
    %get3A_12 = arith.constant 0 : index
    %get3A_13 = vector.load %arg22[%get3A_11, %get3A_12] : memref<512x128xf32, #tpu.memory_space<vmem>>, vector<512x128xf32>
    %dot_general3A = arith.constant dense<0.000000e+00> : vector<400x128xf32>
    %dot_general3A_14 = tpu.matmul %convert_element_type3A_7, %get3A_13, %dot_general3A {dimension_numbers = #tpu.dot_dimension_numbers<[1], [0], [0], [1], [0, 0, 1, 1], [], []>, precision = #tpu.contract_precision<fp32>, transpose_lhs_hint = false} : vector<400x512xf32>, vector<512x128xf32>, vector<400x128xf32> -> vector<400x128xf32>
    %mul3A = arith.mulf %get3A_10, %dot_general3A_14 : vector<400x128xf32>
    %reduce_sum3A = arith.constant dense<0.000000e+00> : vector<400xf32>
    %reduce_sum3A_15 = vector.multi_reduction <add>, %mul3A, %reduce_sum3A [1] : vector<400x128xf32> to vector<400xf32>
    %broadcast_in_dim3A = vector.shape_cast %reduce_sum3A_15 : vector<400xf32> to vector<400x1xf32>
    %exp3A = math.exp %broadcast_in_dim3A : vector<400x1xf32>
    %get3A_16 = arith.constant 0 : index
    %get3A_17 = arith.constant 0 : index
    %get3A_18 = vector.load %arg18[%get3A_16, %get3A_17] : memref<512x1xf32, #tpu.memory_space<vmem>>, vector<512x1xf32>
    %dot_general3A_19 = arith.constant dense<0.000000e+00> : vector<512x1xf32>
    %dot_general3A_20 = tpu.matmul %convert_element_type3A_7, %exp3A, %dot_general3A_19 {dimension_numbers = #tpu.dot_dimension_numbers<[0], [0], [1], [1], [0, 1, 1, 1], [], []>, precision = #tpu.contract_precision<fp32>, transpose_lhs_hint = false} : vector<400x512xf32>, vector<400x1xf32>, vector<512x1xf32> -> vector<512x1xf32>
    %add3A = arith.addf %get3A_18, %dot_general3A_20 : vector<512x1xf32>
    %swap3A = arith.constant 0 : index
    %swap3A_21 = arith.constant 0 : index
    %swap3A_22 = vector.load %arg18[%swap3A, %swap3A_21] : memref<512x1xf32, #tpu.memory_space<vmem>>, vector<512x1xf32>
    tpu.vector_store %arg18[%swap3A, %swap3A_21], %add3A {strides = array<i32>} : memref<512x1xf32, #tpu.memory_space<vmem>>, vector<512x1xf32>,
    %get3A_23 = arith.constant 0 : index
    %get3A_24 = arith.constant 0 : index
    %get3A_25 = vector.load %arg17[%get3A_23, %get3A_24] : memref<512x128xf32, #tpu.memory_space<vmem>>, vector<512x128xf32>
    %mul3A_26 = vector.broadcast %exp3A : vector<400x1xf32> to vector<400x128xf32>
    %mul3A_27 = arith.mulf %mul3A_26, %get3A_10 : vector<400x128xf32>
    %dot_general3A_28 = arith.constant dense<0.000000e+00> : vector<512x128xf32>
    %dot_general3A_29 = tpu.matmul %convert_element_type3A_7, %mul3A_27, %dot_general3A_28 {dimension_numbers = #tpu.dot_dimension_numbers<[0], [0], [1], [1], [0, 1, 1, 1], [], []>, precision = #tpu.contract_precision<fp32>, transpose_lhs_hint = false} : vector<400x512xf32>, vector<400x128xf32>, vector<512x128xf32> -> vector<512x128xf32>
    %add3A_30 = arith.addf %get3A_25, %dot_general3A_29 : vector<512x128xf32>
    %swap3A_31 = arith.constant 0 : index
    %swap3A_32 = arith.constant 0 : index
    %swap3A_33 = vector.load %arg17[%swap3A_31, %swap3A_32] : memref<512x128xf32, #tpu.memory_space<vmem>>, vector<512x128xf32>
    tpu.vector_store %arg17[%swap3A_31, %swap3A_32], %add3A_30 {strides = array<i32>} : memref<512x128xf32, #tpu.memory_space<vmem>>, vector<512x128xf32>,
    %broadcast_in_dim3A_34 = arith.constant 0.000000e+00 : f32
    %broadcast_in_dim3A_35 = vector.broadcast %broadcast_in_dim3A_34 : f32 to vector<512x1xf32>
    %swap3A_36 = arith.constant 0 : index
    %swap3A_37 = arith.constant 0 : index
    %swap3A_38 = vector.load %arg21[%swap3A_36, %swap3A_37] : memref<512x1xf32, #tpu.memory_space<vmem>>, vector<512x1xf32>
    tpu.vector_store %arg21[%swap3A_36, %swap3A_37], %broadcast_in_dim3A_35 {strides = array<i32>} : memref<512x1xf32, #tpu.memory_space<vmem>>, vector<512x1xf32>,
    return
  }
  func.func @transform_0(%arg0: i32) -> (i32, i32) {
    %c0_i32 = arith.constant 0 : i32
    %c0_i32_0 = arith.constant 0 : i32
    return %arg0, %c0_i32 : i32, i32
  }
  func.func @transform_1(%arg0: i32) -> (i32, i32) {
    %c0_i32 = arith.constant 0 : i32
    %c0_i32_0 = arith.constant 0 : i32
    return %arg0, %c0_i32 : i32, i32
  }
  func.func @transform_2(%arg0: i32) -> (i32, i32) {
    %c0_i32 = arith.constant 0 : i32
    %c0_i32_0 = arith.constant 0 : i32
    %c0_i32_1 = arith.constant 0 : i32
    return %c0_i32, %c0_i32_0 : i32, i32
  }
  func.func @transform_3(%arg0: i32) -> (i32, i32) {
    %c0_i32 = arith.constant 0 : i32
    %c0_i32_0 = arith.constant 0 : i32
    %c0_i32_1 = arith.constant 0 : i32
    return %c0_i32, %c0_i32_0 : i32, i32
  }
  func.func @transform_4(%arg0: i32) -> (i32, i32) {
    %c0_i32 = arith.constant 0 : i32
    %c0_i32_0 = arith.constant 0 : i32
    %c0_i32_1 = arith.constant 0 : i32
    return %c0_i32, %c0_i32_0 : i32, i32
  }
  func.func @transform_5(%arg0: i32) -> (i32, i32) {
    %c0_i32 = arith.constant 0 : i32
    %c0_i32_0 = arith.constant 0 : i32
    %c0_i32_1 = arith.constant 0 : i32
    return %c0_i32, %c0_i32_0 : i32, i32
  }
  func.func @transform_6(%arg0: i32) -> (i32, i32) {
    %c0_i32 = arith.constant 0 : i32
    %c0_i32_0 = arith.constant 0 : i32
    %c0_i32_1 = arith.constant 0 : i32
    return %c0_i32, %c0_i32_0 : i32, i32
  }
  func.func @transform_7(%arg0: i32) -> (i32, i32) {
    %c0_i32 = arith.constant 0 : i32
    %c0_i32_0 = arith.constant 0 : i32
    %c0_i32_1 = arith.constant 0 : i32
    return %c0_i32, %c0_i32_0 : i32, i32
  }
  func.func @transform_8(%arg0: i32) -> (i32, i32) {
    %c0_i32 = arith.constant 0 : i32
    %c0_i32_0 = arith.constant 0 : i32
    %c0_i32_1 = arith.constant 0 : i32
    return %c0_i32, %c0_i32_0 : i32, i32
  }
  func.func @transform_9(%arg0: i32) -> (i32, i32) {
    %c0_i32 = arith.constant 0 : i32
    %c0_i32_0 = arith.constant 0 : i32
    %c0_i32_1 = arith.constant 0 : i32
    return %c0_i32, %c0_i32_0 : i32, i32
  }
  func.func @transform_10(%arg0: i32) -> (i32, i32) {
    %c0_i32 = arith.constant 0 : i32
    %c0_i32_0 = arith.constant 0 : i32
    %c0_i32_1 = arith.constant 0 : i32
    return %c0_i32, %c0_i32_0 : i32, i32
  }
  func.func @transform_11(%arg0: i32) -> (i32, i32) {
    %c0_i32 = arith.constant 0 : i32
    %c0_i32_0 = arith.constant 0 : i32
    %c0_i32_1 = arith.constant 0 : i32
    return %c0_i32, %c0_i32_0 : i32, i32
  }
  func.func @transform_12(%arg0: i32) -> (i32, i32) {
    %c0_i32 = arith.constant 0 : i32
    %c0_i32_0 = arith.constant 0 : i32
    %c0_i32_1 = arith.constant 0 : i32
    return %c0_i32, %c0_i32_0 : i32, i32
  }
  func.func @transform_13(%arg0: i32) -> (i32, i32) {
    %c0_i32 = arith.constant 0 : i32
    %c0_i32_0 = arith.constant 0 : i32
    %c0_i32_1 = arith.constant 0 : i32
    return %c0_i32, %c0_i32_0 : i32, i32
  }
  func.func @transform_14(%arg0: i32) -> (i32, i32) {
    %c0_i32 = arith.constant 0 : i32
    %c0_i32_0 = arith.constant 0 : i32
    %c0_i32_1 = arith.constant 0 : i32
    return %c0_i32, %c0_i32_0 : i32, i32
  }
  func.func @transform_15(%arg0: i32) -> (i32, i32) {
    %c0_i32 = arith.constant 0 : i32
    %c0_i32_0 = arith.constant 0 : i32
    %c0_i32_1 = arith.constant 0 : i32
    return %c0_i32, %c0_i32_0 : i32, i32
  }
  func.func @transform_16(%arg0: i32) -> (i32, i32) {
    %c0_i32 = arith.constant 0 : i32
    %c0_i32_0 = arith.constant 0 : i32
    %c0_i32_1 = arith.constant 0 : i32
    return %c0_i32, %c0_i32_0 : i32, i32
  }
  func.func @transform_17(%arg0: i32) -> (i32, i32) {
    %c0_i32 = arith.constant 0 : i32
    %c0_i32_0 = arith.constant 0 : i32
    %c0_i32_1 = arith.constant 0 : i32
    return %c0_i32, %c0_i32_0 : i32, i32
  }
  func.func @transform_18(%arg0: i32) -> (i32, i32) {
    %c0_i32 = arith.constant 0 : i32
    %c0_i32_0 = arith.constant 0 : i32
    %c0_i32_1 = arith.constant 0 : i32
    return %c0_i32, %c0_i32_0 : i32, i32
  }
  func.func @transform_19(%arg0: i32) -> (i32, i32) {
    %c0_i32 = arith.constant 0 : i32
    %c0_i32_0 = arith.constant 0 : i32
    %c0_i32_1 = arith.constant 0 : i32
    return %c0_i32, %c0_i32_0 : i32, i32
  }
  func.func @transform_20(%arg0: i32) -> (i32, i32) {
    %c0_i32 = arith.constant 0 : i32
    %c0_i32_0 = arith.constant 0 : i32
    %c0_i32_1 = arith.constant 0 : i32
    return %c0_i32, %c0_i32_0 : i32, i32
  }
}

module attributes {stable_mosaic.version = 14 : i64} {
  func.func @body(%arg0: i32, %arg1: memref<400x128xf32, #tpu.memory_space<vmem>>, %arg2: memref<400x1xi32, #tpu.memory_space<vmem>>, %arg3: memref<512x128xf32, #tpu.memory_space<vmem>>, %arg4: memref<512x128xf32, #tpu.memory_space<vmem>>, %arg5: memref<512x128xf32, #tpu.memory_space<vmem>>, %arg6: memref<512x1xf32, #tpu.memory_space<vmem>>, %arg7: memref<512x256xf32, #tpu.memory_space<vmem>>, %arg8: memref<512x128xf32, #tpu.memory_space<vmem>>, %arg9: memref<1x512xf32, #tpu.memory_space<vmem>>, %arg10: memref<1x512xf32, #tpu.memory_space<vmem>>, %arg11: memref<256x128xf32, #tpu.memory_space<vmem>>, %arg12: memref<1x128xf32, #tpu.memory_space<vmem>>, %arg13: memref<128x64xf32, #tpu.memory_space<vmem>>, %arg14: memref<1x64xf32, #tpu.memory_space<vmem>>, %arg15: memref<64x1xf32, #tpu.memory_space<vmem>>, %arg16: memref<1x1xf32, #tpu.memory_space<vmem>>, %arg17: memref<512x128xf32, #tpu.memory_space<vmem>>, %arg18: memref<512x1xf32, #tpu.memory_space<vmem>>, %arg19: memref<512x128xf32, #tpu.memory_space<vmem>>, %arg20: memref<512x128xf32, #tpu.memory_space<vmem>>, %arg21: memref<512x1xf32, #tpu.memory_space<vmem>>, %arg22: memref<512x128xf32, #tpu.memory_space<vmem>>) attributes {dimension_semantics = [#tpu.dimension_semantics<arbitrary>], iteration_bounds = array<i64: 25>, scalar_prefetch = 0 : i64, scratch_operands = 1 : i64, tpu.core_type = #tpu.core_type<tc>, window_params = [{transform_indices = @transform_0, window_bounds = array<i64: 400, 128>}, {transform_indices = @transform_1, window_bounds = array<i64: 400, 1>}, {pipeline_mode = #tpu.pipeline_mode<synchronous>, transform_indices = @transform_2, window_bounds = array<i64: 512, 128>}, {pipeline_mode = #tpu.pipeline_mode<synchronous>, transform_indices = @transform_3, window_bounds = array<i64: 512, 128>}, {pipeline_mode = #tpu.pipeline_mode<synchronous>, transform_indices = @transform_4, window_bounds = array<i64: 512, 128>}, {pipeline_mode = #tpu.pipeline_mode<synchronous>, transform_indices = @transform_5, window_bounds = array<i64: 512, 1>}, {pipeline_mode = #tpu.pipeline_mode<synchronous>, transform_indices = @transform_6, window_bounds = array<i64: 512, 256>}, {pipeline_mode = #tpu.pipeline_mode<synchronous>, transform_indices = @transform_7, window_bounds = array<i64: 512, 128>}, {pipeline_mode = #tpu.pipeline_mode<synchronous>, transform_indices = @transform_8, window_bounds = array<i64: 1, 512>}, {pipeline_mode = #tpu.pipeline_mode<synchronous>, transform_indices = @transform_9, window_bounds = array<i64: 1, 512>}, {pipeline_mode = #tpu.pipeline_mode<synchronous>, transform_indices = @transform_10, window_bounds = array<i64: 256, 128>}, {pipeline_mode = #tpu.pipeline_mode<synchronous>, transform_indices = @transform_11, window_bounds = array<i64: 1, 128>}, {pipeline_mode = #tpu.pipeline_mode<synchronous>, transform_indices = @transform_12, window_bounds = array<i64: 128, 64>}, {pipeline_mode = #tpu.pipeline_mode<synchronous>, transform_indices = @transform_13, window_bounds = array<i64: 1, 64>}, {pipeline_mode = #tpu.pipeline_mode<synchronous>, transform_indices = @transform_14, window_bounds = array<i64: 64, 1>}, {pipeline_mode = #tpu.pipeline_mode<synchronous>, transform_indices = @transform_15, window_bounds = array<i64: 1, 1>}, {pipeline_mode = #tpu.pipeline_mode<synchronous>, transform_indices = @transform_16, window_bounds = array<i64: 512, 128>}, {pipeline_mode = #tpu.pipeline_mode<synchronous>, transform_indices = @transform_17, window_bounds = array<i64: 512, 1>}, {pipeline_mode = #tpu.pipeline_mode<synchronous>, transform_indices = @transform_18, window_bounds = array<i64: 512, 128>}, {pipeline_mode = #tpu.pipeline_mode<synchronous>, transform_indices = @transform_19, window_bounds = array<i64: 512, 128>}, {pipeline_mode = #tpu.pipeline_mode<synchronous>, transform_indices = @transform_20, window_bounds = array<i64: 512, 1>}]} {
    %eq3A = arith.constant 0 : i32
    %eq3A_0 = arith.cmpi eq, %arg0, %eq3A : i32
    %convert_element_type3A = arith.extui %eq3A_0 : i1 to i32
    %cond3A = arith.constant 0 : i32
    %cond3A_1 = arith.cmpi ne, %convert_element_type3A, %cond3A : i32
    scf.if %cond3A_1 {
      %get3A_39 = arith.constant 0 : index
      %get3A_40 = arith.constant 0 : index
      %get3A_41 = vector.load %arg3[%get3A_39, %get3A_40] : memref<512x128xf32, #tpu.memory_space<vmem>>, vector<512x128xf32>
      %get3A_42 = arith.constant 0 : index
      %get3A_43 = arith.constant 0 : index
      %get3A_44 = vector.load %arg4[%get3A_42, %get3A_43] : memref<512x128xf32, #tpu.memory_space<vmem>>, vector<512x128xf32>
      %get3A_45 = arith.constant 0 : index
      %get3A_46 = arith.constant 0 : index
      %get3A_47 = vector.load %arg5[%get3A_45, %get3A_46] : memref<512x128xf32, #tpu.memory_space<vmem>>, vector<512x128xf32>
      %get3A_48 = arith.constant 0 : index
      %get3A_49 = arith.constant 0 : index
      %get3A_50 = vector.load %arg6[%get3A_48, %get3A_49] : memref<512x1xf32, #tpu.memory_space<vmem>>, vector<512x1xf32>
      %get3A_51 = arith.constant 0 : index
      %get3A_52 = arith.constant 0 : index
      %get3A_53 = vector.load %arg7[%get3A_51, %get3A_52] : memref<512x256xf32, #tpu.memory_space<vmem>>, vector<512x256xf32>
      %get3A_54 = arith.constant 0 : index
      %get3A_55 = arith.constant 0 : index
      %get3A_56 = vector.load %arg8[%get3A_54, %get3A_55] : memref<512x128xf32, #tpu.memory_space<vmem>>, vector<512x128xf32>
      %get3A_57 = arith.constant 0 : index
      %get3A_58 = arith.constant 0 : index
      %get3A_59 = vector.load %arg9[%get3A_57, %get3A_58] : memref<1x512xf32, #tpu.memory_space<vmem>>, vector<1x512xf32>
      %get3A_60 = arith.constant 0 : index
      %get3A_61 = arith.constant 0 : index
      %get3A_62 = vector.load %arg10[%get3A_60, %get3A_61] : memref<1x512xf32, #tpu.memory_space<vmem>>, vector<1x512xf32>
      %gt3A = arith.constant 0.000000e+00 : f32
      %gt3A_63 = vector.broadcast %gt3A : f32 to vector<512x1xf32>
      %gt3A_64 = arith.cmpf ogt, %get3A_50, %gt3A_63 : vector<512x1xf32>
      %jit3A = arith.constant 1.000000e+00 : f32
      %broadcast_in_dim3A_65 = vector.broadcast %jit3A : f32 to vector<512x1xf32>
      %select_n3A = arith.select %gt3A_64, %get3A_50, %broadcast_in_dim3A_65 : vector<512x1xi1>, vector<512x1xf32>
      %div3A = vector.broadcast %select_n3A : vector<512x1xf32> to vector<512x128xf32>
      %div3A_66 = arith.divf %get3A_47, %div3A : vector<512x128xf32>
      %concatenate3A = tpu.concatenate %get3A_41, %div3A_66 in 1 : vector<512x128xf32>, vector<512x128xf32> -> vector<512x256xf32>
      %dot_general3A_67 = arith.constant dense<0.000000e+00> : vector<512x512xf32>
      %dot_general3A_68 = tpu.matmul %concatenate3A, %get3A_53, %dot_general3A_67 {dimension_numbers = #tpu.dot_dimension_numbers<[1], [1], [0], [0], [0, 0, 1, 0], [], []>, precision = #tpu.contract_precision<fp32>, transpose_lhs_hint = false} : vector<512x256xf32>, vector<512x256xf32>, vector<512x512xf32> -> vector<512x512xf32>
      %add3A_69 = vector.broadcast %get3A_59 : vector<1x512xf32> to vector<512x512xf32>
      %add3A_70 = arith.addf %dot_general3A_68, %add3A_69 : vector<512x512xf32>
      %dot_general3A_71 = arith.constant dense<0.000000e+00> : vector<512x512xf32>
      %dot_general3A_72 = tpu.matmul %get3A_41, %get3A_56, %dot_general3A_71 {dimension_numbers = #tpu.dot_dimension_numbers<[1], [1], [0], [0], [0, 0, 1, 0], [], []>, precision = #tpu.contract_precision<fp32>, transpose_lhs_hint = false} : vector<512x128xf32>, vector<512x128xf32>, vector<512x512xf32> -> vector<512x512xf32>
      %add3A_73 = arith.addf %add3A_70, %dot_general3A_72 : vector<512x512xf32>
      %add3A_74 = vector.broadcast %get3A_62 : vector<1x512xf32> to vector<512x512xf32>
      %add3A_75 = arith.addf %add3A_73, %add3A_74 : vector<512x512xf32>
      %slice3A = vector.extract_strided_slice %add3A_75 {offsets = [0, 0], sizes = [512, 128], strides = [1, 1]} : vector<512x512xf32> to vector<512x128xf32>
      %logistic3A = arith.negf %slice3A : vector<512x128xf32>
      %logistic3A_76 = math.exp %logistic3A : vector<512x128xf32>
      %logistic3A_77 = arith.constant 1.000000e+00 : f32
      %logistic3A_78 = vector.broadcast %logistic3A_77 : f32 to vector<512x128xf32>
      %logistic3A_79 = arith.addf %logistic3A_78, %logistic3A_76 : vector<512x128xf32>
      %logistic3A_80 = arith.divf %logistic3A_78, %logistic3A_79 : vector<512x128xf32>
      %slice3A_81 = vector.extract_strided_slice %add3A_75 {offsets = [0, 128], sizes = [512, 128], strides = [1, 1]} : vector<512x512xf32> to vector<512x128xf32>
      %logistic3A_82 = arith.negf %slice3A_81 : vector<512x128xf32>
      %logistic3A_83 = math.exp %logistic3A_82 : vector<512x128xf32>
      %logistic3A_84 = arith.constant 1.000000e+00 : f32
      %logistic3A_85 = vector.broadcast %logistic3A_84 : f32 to vector<512x128xf32>
      %logistic3A_86 = arith.addf %logistic3A_85, %logistic3A_83 : vector<512x128xf32>
      %logistic3A_87 = arith.divf %logistic3A_85, %logistic3A_86 : vector<512x128xf32>
      %slice3A_88 = vector.extract_strided_slice %add3A_75 {offsets = [0, 256], sizes = [512, 128], strides = [1, 1]} : vector<512x512xf32> to vector<512x128xf32>
      %tanh3A = math.tanh %slice3A_88 : vector<512x128xf32>
      %slice3A_89 = vector.extract_strided_slice %add3A_75 {offsets = [0, 384], sizes = [512, 128], strides = [1, 1]} : vector<512x512xf32> to vector<512x128xf32>
      %logistic3A_90 = arith.negf %slice3A_89 : vector<512x128xf32>
      %logistic3A_91 = math.exp %logistic3A_90 : vector<512x128xf32>
      %logistic3A_92 = arith.constant 1.000000e+00 : f32
      %logistic3A_93 = vector.broadcast %logistic3A_92 : f32 to vector<512x128xf32>
      %logistic3A_94 = arith.addf %logistic3A_93, %logistic3A_91 : vector<512x128xf32>
      %logistic3A_95 = arith.divf %logistic3A_93, %logistic3A_94 : vector<512x128xf32>
      %mul3A_96 = arith.mulf %logistic3A_87, %get3A_44 : vector<512x128xf32>
      %mul3A_97 = arith.mulf %logistic3A_80, %tanh3A : vector<512x128xf32>
      %add3A_98 = arith.addf %mul3A_96, %mul3A_97 : vector<512x128xf32>
      %tanh3A_99 = math.tanh %add3A_98 : vector<512x128xf32>
      %mul3A_100 = arith.mulf %logistic3A_95, %tanh3A_99 : vector<512x128xf32>
      %swap3A_101 = arith.constant 0 : index
      %swap3A_102 = arith.constant 0 : index
      %swap3A_103 = vector.load %arg19[%swap3A_101, %swap3A_102] : memref<512x128xf32, #tpu.memory_space<vmem>>, vector<512x128xf32>
      tpu.vector_store %arg19[%swap3A_101, %swap3A_102], %mul3A_100 {strides = array<i32>} : memref<512x128xf32, #tpu.memory_space<vmem>>, vector<512x128xf32>,
      %swap3A_104 = arith.constant 0 : index
      %swap3A_105 = arith.constant 0 : index
      %swap3A_106 = vector.load %arg20[%swap3A_104, %swap3A_105] : memref<512x128xf32, #tpu.memory_space<vmem>>, vector<512x128xf32>
      tpu.vector_store %arg20[%swap3A_104, %swap3A_105], %add3A_98 {strides = array<i32>} : memref<512x128xf32, #tpu.memory_space<vmem>>, vector<512x128xf32>,
      %swap3A_107 = arith.constant 0 : index
      %swap3A_108 = arith.constant 0 : index
      %swap3A_109 = vector.load %arg22[%swap3A_107, %swap3A_108] : memref<512x128xf32, #tpu.memory_space<vmem>>, vector<512x128xf32>
      tpu.vector_store %arg22[%swap3A_107, %swap3A_108], %mul3A_100 {strides = array<i32>} : memref<512x128xf32, #tpu.memory_space<vmem>>, vector<512x128xf32>,
      %broadcast_in_dim3A_110 = arith.constant 0.000000e+00 : f32
      %broadcast_in_dim3A_111 = vector.broadcast %broadcast_in_dim3A_110 : f32 to vector<512x128xf32>
      %swap3A_112 = arith.constant 0 : index
      %swap3A_113 = arith.constant 0 : index
      %swap3A_114 = vector.load %arg17[%swap3A_112, %swap3A_113] : memref<512x128xf32, #tpu.memory_space<vmem>>, vector<512x128xf32>
      tpu.vector_store %arg17[%swap3A_112, %swap3A_113], %broadcast_in_dim3A_111 {strides = array<i32>} : memref<512x128xf32, #tpu.memory_space<vmem>>, vector<512x128xf32>,
      %broadcast_in_dim3A_115 = arith.constant 0.000000e+00 : f32
      %broadcast_in_dim3A_116 = vector.broadcast %broadcast_in_dim3A_115 : f32 to vector<512x1xf32>
      %swap3A_117 = arith.constant 0 : index
      %swap3A_118 = arith.constant 0 : index
      %swap3A_119 = vector.load %arg18[%swap3A_117, %swap3A_118] : memref<512x1xf32, #tpu.memory_space<vmem>>, vector<512x1xf32>
      tpu.vector_store %arg18[%swap3A_117, %swap3A_118], %broadcast_in_dim3A_116 {strides = array<i32>} : memref<512x1xf32, #tpu.memory_space<vmem>>, vector<512x1xf32>,
    } else {
    }
    %get3A = arith.constant 0 : index
    %get3A_2 = arith.constant 0 : index
    %get3A_3 = vector.load %arg2[%get3A, %get3A_2] : memref<400x1xi32, #tpu.memory_space<vmem>>, vector<400x1xi32>
    %iota3A = tpu.iota {dimensions = array<i32: 1>} : vector<400x512xi32>
    %eq3A_4 = vector.broadcast %get3A_3 : vector<400x1xi32> to vector<400x512xi32>
    %eq3A_5 = arith.cmpi eq, %eq3A_4, %iota3A : vector<400x512xi32>
    %convert_element_type3A_6 = arith.extui %eq3A_5 : vector<400x512xi1> to vector<400x512xi32>
    %convert_element_type3A_7 = arith.sitofp %convert_element_type3A_6 : vector<400x512xi32> to vector<400x512xf32>
    %get3A_8 = arith.constant 0 : index
    %get3A_9 = arith.constant 0 : index
    %get3A_10 = vector.load %arg1[%get3A_8, %get3A_9] : memref<400x128xf32, #tpu.memory_space<vmem>>, vector<400x128xf32>
    %get3A_11 = arith.constant 0 : index
    %get3A_12 = arith.constant 0 : index
    %get3A_13 = vector.load %arg22[%get3A_11, %get3A_12] : memref<512x128xf32, #tpu.memory_space<vmem>>, vector<512x128xf32>
    %dot_general3A = arith.constant dense<0.000000e+00> : vector<400x128xf32>
    %dot_general3A_14 = tpu.matmul %convert_element_type3A_7, %get3A_13, %dot_general3A {dimension_numbers = #tpu.dot_dimension_numbers<[1], [0], [0], [1], [0, 0, 1, 1], [], []>, precision = #tpu.contract_precision<fp32>, transpose_lhs_hint = false} : vector<400x512xf32>, vector<512x128xf32>, vector<400x128xf32> -> vector<400x128xf32>
    %mul3A = arith.mulf %get3A_10, %dot_general3A_14 : vector<400x128xf32>
    %reduce_sum3A = arith.constant dense<0.000000e+00> : vector<400xf32>
    %reduce_sum3A_15 = vector.multi_reduction <add>, %mul3A, %reduce_sum3A [1] : vector<400x128xf32> to vector<400xf32>
    %broadcast_in_dim3A = vector.shape_cast %reduce_sum3A_15 : vector<400xf32> to vector<400x1xf32>
    %exp3A = math.exp %broadcast_in_dim3A : vector<400x1xf32>
    %get3A_16 = arith.constant 0 : index
    %get3A_17 = arith.constant 0 : index
    %get3A_18 = vector.load %arg18[%get3A_16, %get3A_17] : memref<512x1xf32, #tpu.memory_space<vmem>>, vector<512x1xf32>
    %dot_general3A_19 = arith.constant dense<0.000000e+00> : vector<512x1xf32>
    %dot_general3A_20 = tpu.matmul %convert_element_type3A_7, %exp3A, %dot_general3A_19 {dimension_numbers = #tpu.dot_dimension_numbers<[0], [0], [1], [1], [0, 1, 1, 1], [], []>, precision = #tpu.contract_precision<fp32>, transpose_lhs_hint = false} : vector<400x512xf32>, vector<400x1xf32>, vector<512x1xf32> -> vector<512x1xf32>
    %add3A = arith.addf %get3A_18, %dot_general3A_20 : vector<512x1xf32>
    %swap3A = arith.constant 0 : index
    %swap3A_21 = arith.constant 0 : index
    %swap3A_22 = vector.load %arg18[%swap3A, %swap3A_21] : memref<512x1xf32, #tpu.memory_space<vmem>>, vector<512x1xf32>
    tpu.vector_store %arg18[%swap3A, %swap3A_21], %add3A {strides = array<i32>} : memref<512x1xf32, #tpu.memory_space<vmem>>, vector<512x1xf32>,
    %get3A_23 = arith.constant 0 : index
    %get3A_24 = arith.constant 0 : index
    %get3A_25 = vector.load %arg17[%get3A_23, %get3A_24] : memref<512x128xf32, #tpu.memory_space<vmem>>, vector<512x128xf32>
    %mul3A_26 = vector.broadcast %exp3A : vector<400x1xf32> to vector<400x128xf32>
    %mul3A_27 = arith.mulf %mul3A_26, %get3A_10 : vector<400x128xf32>
    %dot_general3A_28 = arith.constant dense<0.000000e+00> : vector<512x128xf32>
    %dot_general3A_29 = tpu.matmul %convert_element_type3A_7, %mul3A_27, %dot_general3A_28 {dimension_numbers = #tpu.dot_dimension_numbers<[0], [0], [1], [1], [0, 1, 1, 1], [], []>, precision = #tpu.contract_precision<fp32>, transpose_lhs_hint = false} : vector<400x512xf32>, vector<400x128xf32>, vector<512x128xf32> -> vector<512x128xf32>
    %add3A_30 = arith.addf %get3A_25, %dot_general3A_29 : vector<512x128xf32>
    %swap3A_31 = arith.constant 0 : index
    %swap3A_32 = arith.constant 0 : index
    %swap3A_33 = vector.load %arg17[%swap3A_31, %swap3A_32] : memref<512x128xf32, #tpu.memory_space<vmem>>, vector<512x128xf32>
    tpu.vector_store %arg17[%swap3A_31, %swap3A_32], %add3A_30 {strides = array<i32>} : memref<512x128xf32, #tpu.memory_space<vmem>>, vector<512x128xf32>,
    %eq3A_34 = arith.constant 24 : i32
    %eq3A_35 = arith.cmpi eq, %arg0, %eq3A_34 : i32
    %convert_element_type3A_36 = arith.extui %eq3A_35 : i1 to i32
    %cond3A_37 = arith.constant 0 : i32
    %cond3A_38 = arith.cmpi ne, %convert_element_type3A_36, %cond3A_37 : i32
    scf.if %cond3A_38 {
      %get3A_39 = arith.constant 0 : index
      %get3A_40 = arith.constant 0 : index
      %get3A_41 = vector.load %arg18[%get3A_39, %get3A_40] : memref<512x1xf32, #tpu.memory_space<vmem>>, vector<512x1xf32>
      %get3A_42 = arith.constant 0 : index
      %get3A_43 = arith.constant 0 : index
      %get3A_44 = vector.load %arg17[%get3A_42, %get3A_43] : memref<512x128xf32, #tpu.memory_space<vmem>>, vector<512x128xf32>
      %gt3A = arith.constant 0.000000e+00 : f32
      %gt3A_45 = vector.broadcast %gt3A : f32 to vector<512x1xf32>
      %gt3A_46 = arith.cmpf ogt, %get3A_41, %gt3A_45 : vector<512x1xf32>
      %jit3A = arith.constant 1.000000e+00 : f32
      %broadcast_in_dim3A_47 = vector.broadcast %jit3A : f32 to vector<512x1xf32>
      %select_n3A = arith.select %gt3A_46, %get3A_41, %broadcast_in_dim3A_47 : vector<512x1xi1>, vector<512x1xf32>
      %div3A = vector.broadcast %select_n3A : vector<512x1xf32> to vector<512x128xf32>
      %div3A_48 = arith.divf %get3A_44, %div3A : vector<512x128xf32>
      %get3A_49 = arith.constant 0 : index
      %get3A_50 = arith.constant 0 : index
      %get3A_51 = vector.load %arg22[%get3A_49, %get3A_50] : memref<512x128xf32, #tpu.memory_space<vmem>>, vector<512x128xf32>
      %concatenate3A = tpu.concatenate %get3A_51, %div3A_48 in 1 : vector<512x128xf32>, vector<512x128xf32> -> vector<512x256xf32>
      %get3A_52 = arith.constant 0 : index
      %get3A_53 = arith.constant 0 : index
      %get3A_54 = vector.load %arg11[%get3A_52, %get3A_53] : memref<256x128xf32, #tpu.memory_space<vmem>>, vector<256x128xf32>
      %dot_general3A_55 = arith.constant dense<0.000000e+00> : vector<512x128xf32>
      %dot_general3A_56 = tpu.matmul %concatenate3A, %get3A_54, %dot_general3A_55 {dimension_numbers = #tpu.dot_dimension_numbers<[1], [0], [0], [1], [0, 0, 1, 1], [], []>, precision = #tpu.contract_precision<fp32>, transpose_lhs_hint = false} : vector<512x256xf32>, vector<256x128xf32>, vector<512x128xf32> -> vector<512x128xf32>
      %get3A_57 = arith.constant 0 : index
      %get3A_58 = arith.constant 0 : index
      %get3A_59 = vector.load %arg12[%get3A_57, %get3A_58] : memref<1x128xf32, #tpu.memory_space<vmem>>, vector<1x128xf32>
      %add3A_60 = vector.broadcast %get3A_59 : vector<1x128xf32> to vector<512x128xf32>
      %add3A_61 = arith.addf %dot_general3A_56, %add3A_60 : vector<512x128xf32>
      %max3A = arith.constant 0.000000e+00 : f32
      %max3A_62 = vector.broadcast %max3A : f32 to vector<512x128xf32>
      %max3A_63 = arith.maximumf %add3A_61, %max3A_62 : vector<512x128xf32>
      %get3A_64 = arith.constant 0 : index
      %get3A_65 = arith.constant 0 : index
      %get3A_66 = vector.load %arg13[%get3A_64, %get3A_65] : memref<128x64xf32, #tpu.memory_space<vmem>>, vector<128x64xf32>
      %dot_general3A_67 = arith.constant dense<0.000000e+00> : vector<512x64xf32>
      %dot_general3A_68 = tpu.matmul %max3A_63, %get3A_66, %dot_general3A_67 {dimension_numbers = #tpu.dot_dimension_numbers<[1], [0], [0], [1], [0, 0, 1, 1], [], []>, precision = #tpu.contract_precision<fp32>, transpose_lhs_hint = false} : vector<512x128xf32>, vector<128x64xf32>, vector<512x64xf32> -> vector<512x64xf32>
      %get3A_69 = arith.constant 0 : index
      %get3A_70 = arith.constant 0 : index
      %get3A_71 = vector.load %arg14[%get3A_69, %get3A_70] : memref<1x64xf32, #tpu.memory_space<vmem>>, vector<1x64xf32>
      %add3A_72 = vector.broadcast %get3A_71 : vector<1x64xf32> to vector<512x64xf32>
      %add3A_73 = arith.addf %dot_general3A_68, %add3A_72 : vector<512x64xf32>
      %max3A_74 = arith.constant 0.000000e+00 : f32
      %max3A_75 = vector.broadcast %max3A_74 : f32 to vector<512x64xf32>
      %max3A_76 = arith.maximumf %add3A_73, %max3A_75 : vector<512x64xf32>
      %get3A_77 = arith.constant 0 : index
      %get3A_78 = arith.constant 0 : index
      %get3A_79 = vector.load %arg15[%get3A_77, %get3A_78] : memref<64x1xf32, #tpu.memory_space<vmem>>, vector<64x1xf32>
      %dot_general3A_80 = arith.constant dense<0.000000e+00> : vector<512x1xf32>
      %dot_general3A_81 = tpu.matmul %max3A_76, %get3A_79, %dot_general3A_80 {dimension_numbers = #tpu.dot_dimension_numbers<[1], [0], [0], [1], [0, 0, 1, 1], [], []>, precision = #tpu.contract_precision<fp32>, transpose_lhs_hint = false} : vector<512x64xf32>, vector<64x1xf32>, vector<512x1xf32> -> vector<512x1xf32>
      %get3A_82 = arith.constant 0 : index
      %get3A_83 = arith.constant 0 : index
      %get3A_84 = vector.load %arg16[%get3A_82, %get3A_83] : memref<1x1xf32, #tpu.memory_space<vmem>>, vector<1x1xf32>
      %add3A_85 = vector.broadcast %get3A_84 : vector<1x1xf32> to vector<512x1xf32>
      %add3A_86 = arith.addf %dot_general3A_81, %add3A_85 : vector<512x1xf32>
      %logistic3A = arith.negf %add3A_86 : vector<512x1xf32>
      %logistic3A_87 = math.exp %logistic3A : vector<512x1xf32>
      %logistic3A_88 = arith.constant 1.000000e+00 : f32
      %logistic3A_89 = vector.broadcast %logistic3A_88 : f32 to vector<512x1xf32>
      %logistic3A_90 = arith.addf %logistic3A_89, %logistic3A_87 : vector<512x1xf32>
      %logistic3A_91 = arith.divf %logistic3A_89, %logistic3A_90 : vector<512x1xf32>
      %swap3A_92 = arith.constant 0 : index
      %swap3A_93 = arith.constant 0 : index
      %swap3A_94 = vector.load %arg21[%swap3A_92, %swap3A_93] : memref<512x1xf32, #tpu.memory_space<vmem>>, vector<512x1xf32>
      tpu.vector_store %arg21[%swap3A_92, %swap3A_93], %logistic3A_91 {strides = array<i32>} : memref<512x1xf32, #tpu.memory_space<vmem>>, vector<512x1xf32>,
    } else {
    }
    return
  }
  func.func @transform_0(%arg0: i32) -> (i32, i32) {
    %c0_i32 = arith.constant 0 : i32
    %c0_i32_0 = arith.constant 0 : i32
    return %arg0, %c0_i32 : i32, i32
  }
  func.func @transform_1(%arg0: i32) -> (i32, i32) {
    %c0_i32 = arith.constant 0 : i32
    %c0_i32_0 = arith.constant 0 : i32
    return %arg0, %c0_i32 : i32, i32
  }
  func.func @transform_2(%arg0: i32) -> (i32, i32) {
    %c0_i32 = arith.constant 0 : i32
    %c0_i32_0 = arith.constant 0 : i32
    %c0_i32_1 = arith.constant 0 : i32
    return %c0_i32, %c0_i32_0 : i32, i32
  }
  func.func @transform_3(%arg0: i32) -> (i32, i32) {
    %c0_i32 = arith.constant 0 : i32
    %c0_i32_0 = arith.constant 0 : i32
    %c0_i32_1 = arith.constant 0 : i32
    return %c0_i32, %c0_i32_0 : i32, i32
  }
  func.func @transform_4(%arg0: i32) -> (i32, i32) {
    %c0_i32 = arith.constant 0 : i32
    %c0_i32_0 = arith.constant 0 : i32
    %c0_i32_1 = arith.constant 0 : i32
    return %c0_i32, %c0_i32_0 : i32, i32
  }
  func.func @transform_5(%arg0: i32) -> (i32, i32) {
    %c0_i32 = arith.constant 0 : i32
    %c0_i32_0 = arith.constant 0 : i32
    %c0_i32_1 = arith.constant 0 : i32
    return %c0_i32, %c0_i32_0 : i32, i32
  }
  func.func @transform_6(%arg0: i32) -> (i32, i32) {
    %c0_i32 = arith.constant 0 : i32
    %c0_i32_0 = arith.constant 0 : i32
    %c0_i32_1 = arith.constant 0 : i32
    return %c0_i32, %c0_i32_0 : i32, i32
  }
  func.func @transform_7(%arg0: i32) -> (i32, i32) {
    %c0_i32 = arith.constant 0 : i32
    %c0_i32_0 = arith.constant 0 : i32
    %c0_i32_1 = arith.constant 0 : i32
    return %c0_i32, %c0_i32_0 : i32, i32
  }
  func.func @transform_8(%arg0: i32) -> (i32, i32) {
    %c0_i32 = arith.constant 0 : i32
    %c0_i32_0 = arith.constant 0 : i32
    %c0_i32_1 = arith.constant 0 : i32
    return %c0_i32, %c0_i32_0 : i32, i32
  }
  func.func @transform_9(%arg0: i32) -> (i32, i32) {
    %c0_i32 = arith.constant 0 : i32
    %c0_i32_0 = arith.constant 0 : i32
    %c0_i32_1 = arith.constant 0 : i32
    return %c0_i32, %c0_i32_0 : i32, i32
  }
  func.func @transform_10(%arg0: i32) -> (i32, i32) {
    %c0_i32 = arith.constant 0 : i32
    %c0_i32_0 = arith.constant 0 : i32
    %c0_i32_1 = arith.constant 0 : i32
    return %c0_i32, %c0_i32_0 : i32, i32
  }
  func.func @transform_11(%arg0: i32) -> (i32, i32) {
    %c0_i32 = arith.constant 0 : i32
    %c0_i32_0 = arith.constant 0 : i32
    %c0_i32_1 = arith.constant 0 : i32
    return %c0_i32, %c0_i32_0 : i32, i32
  }
  func.func @transform_12(%arg0: i32) -> (i32, i32) {
    %c0_i32 = arith.constant 0 : i32
    %c0_i32_0 = arith.constant 0 : i32
    %c0_i32_1 = arith.constant 0 : i32
    return %c0_i32, %c0_i32_0 : i32, i32
  }
  func.func @transform_13(%arg0: i32) -> (i32, i32) {
    %c0_i32 = arith.constant 0 : i32
    %c0_i32_0 = arith.constant 0 : i32
    %c0_i32_1 = arith.constant 0 : i32
    return %c0_i32, %c0_i32_0 : i32, i32
  }
  func.func @transform_14(%arg0: i32) -> (i32, i32) {
    %c0_i32 = arith.constant 0 : i32
    %c0_i32_0 = arith.constant 0 : i32
    %c0_i32_1 = arith.constant 0 : i32
    return %c0_i32, %c0_i32_0 : i32, i32
  }
  func.func @transform_15(%arg0: i32) -> (i32, i32) {
    %c0_i32 = arith.constant 0 : i32
    %c0_i32_0 = arith.constant 0 : i32
    %c0_i32_1 = arith.constant 0 : i32
    return %c0_i32, %c0_i32_0 : i32, i32
  }
  func.func @transform_16(%arg0: i32) -> (i32, i32) {
    %c0_i32 = arith.constant 0 : i32
    %c0_i32_0 = arith.constant 0 : i32
    %c0_i32_1 = arith.constant 0 : i32
    return %c0_i32, %c0_i32_0 : i32, i32
  }
  func.func @transform_17(%arg0: i32) -> (i32, i32) {
    %c0_i32 = arith.constant 0 : i32
    %c0_i32_0 = arith.constant 0 : i32
    %c0_i32_1 = arith.constant 0 : i32
    return %c0_i32, %c0_i32_0 : i32, i32
  }
  func.func @transform_18(%arg0: i32) -> (i32, i32) {
    %c0_i32 = arith.constant 0 : i32
    %c0_i32_0 = arith.constant 0 : i32
    %c0_i32_1 = arith.constant 0 : i32
    return %c0_i32, %c0_i32_0 : i32, i32
  }
  func.func @transform_19(%arg0: i32) -> (i32, i32) {
    %c0_i32 = arith.constant 0 : i32
    %c0_i32_0 = arith.constant 0 : i32
    %c0_i32_1 = arith.constant 0 : i32
    return %c0_i32, %c0_i32_0 : i32, i32
  }
  func.func @transform_20(%arg0: i32) -> (i32, i32) {
    %c0_i32 = arith.constant 0 : i32
    %c0_i32_0 = arith.constant 0 : i32
    %c0_i32_1 = arith.constant 0 : i32
    return %c0_i32, %c0_i32_0 : i32, i32
  }
}

</mosaic_0001>

<sc_bundles>
// kernel: kernel.12.cloned.1.call-start
scs
__scs_entry_jumppad:
0x0: {  	(pc) =	sbr.rel $0x88, $3  }
0x1: {  	(tag) =	ssettag $0x0;
	lr =	simm.s32 $0x1  }
0x2: {  	[smem:$0x3F8A] =	sst lr;
	_ =	strace $0xD0000000  }
0x3: {  	_ = 	snop  }
0x4: {  	_ = 	snop  }
0x5: {  	_ = 	snop  }
0x6: {  	_ = 	snop  }
0x7: {  	_ = 	snop  }
__scs_overlays_trampoline_lowered:
0x8: {  	[smem:$0x3F99] =	sst s0  }
0x9: {  	[smem:$0x3F9A] =	sst s1  }
0xa: {  	[smem:$0x3F9B] =	sst s2  }
0xb: {  	[smem:$0x3F9C] =	sst s3  }
0xc: {  	[smem:$0x3F9D] =	sst s4  }
0xd: {  	[smem:$0x3F9E] =	sst s5  }
0xe: {  	[smem:$0x3F9F] =	sst s6  }
0xf: {  	[smem:$0x3FA0] =	sst s7  }
0x10: {  	[smem:$0x3FA1] =	sst s8  }
0x11: {  	[smem:$0x3FA2] =	sst s9;
	s0 =	simm.s32 @!p0 $0x0  }
0x12: {  	s1 =	sld [smem:$0x3F88];
	s0 =	simm.s32 @p0 $0x1  }
0x13: {  	[smem:$0x3FA3] =	sst s0;
	s0 =	simm.s32 @!p1 $0x0  }
0x14: {  	s2 =	sld [smem:$0x3F87];
	s0 =	simm.s32 @p1 $0x1  }
0x15: {  	[smem:$0x3FA4] =	sst s0;
	s0 =	simm.s32 @!p2 $0x0  }
0x16: {  	s3 =	sld [smem:$0x3FDB];
	s0 =	simm.s32 @p2 $0x1  }
0x17: {  	s4 =	simm.s32 $0x1BF5;
	[smem:$0x3FA6] =	sst s0  }
0x18: {  	s0 =	sld [smem:$0x3F89];
	_ =	swait.ge [sflag:s4], $0x0  }
0x19: {  	s7 =	sld [smem:$0x3F8A]  }
0x1a: {  	s8 =	sadd.s32 $0xFFFFE003, lr  }
0x1b: {  	s9 =	sadd.s32 $0xFFFFFEF7, lr;
	s5 =	simm.s32 $0xFFFFFFFF;
	p2 =	slt.u32 s8, $0xFFFFF086  }
0x1c: {  	p1 =	slt.u32 s9, $0xF7A;
	s5 =	simm.s32 @!p2 $0x0  }
0x1d: {  	s5 =	simm.s32 @p1 $0x1;
	p0 =	seq.s32 s7, s2  }
0x1e: {  	s7 =	smul.u32 @!p0 $0xF7A, s2;
	p2 =	seq.s32 @!p0 s5, $0x0  }
0x1f: {  	s9 =	smul.u32 $0xF7A, s1;
	s8 =	simm.s32 @!p0 $0x1BF5;
	p2 =	por !p2, p0  }
0x20: {  	[sflag:s8] =	ssyncset.s32 @!p0 $0xFFFFF086;
	s6 =	sadd.s32 @!p0 s3, s7;
	s7 =	simm.s32 @!p0 $0x108  }
0x21: {  	s3 =	sadd.s32 s3, s9;
	s6 =	sadd.s32 @!p0 $0x88, s6;
	s7 =	simm.s32 @p2 $0x1082  }
0x22: {  	[simem:s7], [sflag:s8] =	dma.local @!p0 [hbm:s6], $0xF7A  }
0x23: {  	s9 =	sor.u32 $0xD0000000, s2;
	s6 =	simm.s32 $0x108;
	_ =	swait.ge @!p0 [sflag:s8], $0x0  }
0x24: {  	s3 =	sadd.s32 $0x88, s3;
	s6 =	simm.s32 @!p1 $0x1082;
	[sflag:s4] =	ssyncset.s32 $0xFFFFF086  }
0x25: {  	[simem:s6], [sflag:s4] =	dma.local [hbm:s3], $0xF7A  }
0x26: {  	[smem:$0x3F8A] =	sst s1;
	(tag) =	ssettag s2;
	_ =	strace s9  }
0x27: {  	s1 =	sld [smem:$0x3F9A]  }
0x28: {  	s2 =	sld [smem:$0x3F9B]  }
0x29: {  	s4 =	sld [smem:$0x3F9D]  }
0x2a: {  	p0 =	seq.s32 s5, $0x0;
	s5 =	sld [smem:$0x3F9E]  }
0x2b: {  	s6 =	sld [smem:$0x3F9F]  }
0x2c: {  	s7 =	sld [smem:$0x3FA0]  }
0x2d: {  	s3 =	simm.s32 $0x108;
	s8 =	sld [smem:$0x3FA1]  }
0x2e: {  	s3 =	simm.s32 @!p0 $0x1082;
	s9 =	sld [smem:$0x3FA2]  }
0x2f: {  	lr =	sadd.s32 s0, s3;
	s0 =	sld [smem:$0x3F99]  }
0x30: {  	s3 =	sld [smem:$0x3F9C]  }
0x31: {  	[smem:$0x3FA5] =	sst s10  }
0x32: {  	s10 =	sld [smem:$0x3FA3];
	_ =	sdelay $0x3  }
0x33: {  	p0 =	seq.s32 s10, $0x1;
	s10 =	sld [smem:$0x3FA5];
	_ =	sdelay $0x3  }
0x34: {  	[smem:$0x3FA5] =	sst s10  }
0x35: {  	s10 =	sld [smem:$0x3FA4];
	_ =	sdelay $0x3  }
0x36: {  	p1 =	seq.s32 s10, $0x1;
	s10 =	sld [smem:$0x3FA5];
	_ =	sdelay $0x3  }
0x37: {  	[smem:$0x3FA5] =	sst s10  }
0x38: {  	s10 =	sld [smem:$0x3FA6]  }
0x39: {  	_ = 	snop;
	(pc) =	sbr.ind lr, $3  }
0x3a: {  	_ = 	snop  }
0x3b: {  	_ = 	snop  }
0x3c: {  	p2 =	seq.s32 s10, $0x1;
	s10 =	sld [smem:$0x3FA5]  }
0x3d: {  	_ =	shalt  }
0x3e: {  	_ =	shalt  }
0x3f: {  	_ =	shalt  }
0x40: {  	_ =	shalt  }
0x41: {  	_ =	shalt  }
0x42: {  	_ =	shalt  }
0x43: {  	_ =	shalt  }
0x44: {  	_ =	shalt  }
0x45: {  	_ =	shalt  }
0x46: {  	_ =	shalt  }
0x47: {  	_ =	shalt  }
0x48: {  	_ =	shalt  }
0x49: {  	_ =	shalt  }
0x4a: {  	_ =	shalt  }
0x4b: {  	_ =	shalt  }
0x4c: {  	_ =	shalt  }
0x4d: {  	_ =	shalt  }
0x4e: {  	_ =	shalt  }
0x4f: {  	_ =	shalt  }
0x50: {  	_ =	shalt  }
0x51: {  	_ =	shalt  }
0x52: {  	_ =	shalt  }
0x53: {  	_ =	shalt  }
0x54: {  	_ =	shalt  }
0x55: {  	_ =	shalt  }
0x56: {  	_ =	shalt  }
0x57: {  	_ =	shalt  }
0x58: {  	_ =	shalt  }
0x59: {  	_ =	shalt  }
0x5a: {  	_ =	shalt  }
0x5b: {  	_ =	shalt  }
0x5c: {  	_ =	shalt  }
0x5d: {  	_ =	shalt  }
0x5e: {  	_ =	shalt  }
0x5f: {  	_ =	shalt  }
0x60: {  	_ =	shalt  }
0x61: {  	_ =	shalt  }
0x62: {  	_ =	shalt  }
0x63: {  	_ =	shalt  }
0x64: {  	_ =	shalt  }
0x65: {  	_ =	shalt  }
0x66: {  	_ =	shalt  }
0x67: {  	_ =	shalt  }
0x68: {  	_ =	shalt  }
0x69: {  	_ =	shalt  }
0x6a: {  	_ =	shalt  }
0x6b: {  	_ =	shalt  }
0x6c: {  	_ =	shalt  }
0x6d: {  	_ =	shalt  }
0x6e: {  	_ =	shalt  }
0x6f: {  	_ =	shalt  }
0x70: {  	_ =	shalt  }
0x71: {  	_ =	shalt  }
0x72: {  	_ =	shalt  }
0x73: {  	_ =	shalt  }
0x74: {  	_ =	shalt  }
0x75: {  	_ =	shalt  }
0x76: {  	_ =	shalt  }
0x77: {  	_ =	shalt  }
0x78: {  	_ =	shalt  }
0x79: {  	_ =	shalt  }
0x7a: {  	_ =	shalt  }
0x7b: {  	_ =	shalt  }
0x7c: {  	_ =	shalt  }
0x7d: {  	_ =	shalt  }
0x7e: {  	_ =	shalt  }
0x7f: {  	_ =	shalt  }
0x80: {  	_ =	shalt  }
0x81: {  	_ =	shalt  }
0x82: {  	_ =	shalt  }
0x83: {  	_ =	shalt  }
0x84: {  	_ =	shalt  }
0x85: {  	_ =	shalt  }
0x86: {  	_ =	shalt  }
0x87: {  	_ =	shalt  }
.Lfunc_end0:
.L_simem_size_0:
called_computation_lowered:
.L_overlay_start_0:
0x88: {  	s2 =	sld [smem:$0x3FD9]  }
0x89: {  	s3 =	sld [smem:$0x3FFE];
	_ =	sdelay $0x1  }
0x8a: {  	s1 =	srdreg.scid  }
0x8b: {  	s0 =	sand.u32 $0x1, s1  }
0x8c: {  	s17 =	sshll.u32 s0, $0xA;
	s2 =	sadd.s32 s3, s2  }
0x8d: {  	s2 =	sadd.s32 s2, s17  }
0x8e: {  	[smem:$0x3FB1] =	sst s2  }
0x8f: {  	_ = 	snop  }
0x90: {  	s2 =	sld [smem:$0x3FC6];
	(tm) =	ssettm $0x1  }
0x91: {  	s18 =	sld [smem:$0x3FFB];
	_ =	sdelay $0x3  }
0x92: {  	_ =	strace s18  }
0x93: {  	s3 =	sld [smem:$0x3FFC];
	_ =	sdelay $0x3  }
0x94: {  	_ =	strace s3  }
0x95: {  	s3 =	sld [smem:$0x3FFD];
	_ =	sdelay $0x3  }
0x96: {  	_ =	strace s3  }
0x97: {  	_ =	strace $0x8FFFFFFF  }
0x98: {  	s19 =	sld [smem:$0x3FDB];
	_ =	sdelay $0x1  }
0x99: {  	s4 =	simm.s32 $_scs_section_size  }
0x9a: {  	s5 =	simm.s32 $_size__tile_overlayer_lowered;
	s6 =	simm.s32 $_tile_overlayer_lowered  }
0x9b: {  	s22 =	simm.s32 $0x1BFF;
	s21 =	sshll.u32 s6, $0x1;
	s3 =	sadd.s32 s4, s19  }
0x9c: {  	s7 =	simm.s32 $0x0;
	s20 =	sshll.u32 s5, $0x1;
	s5 =	sadd.s32 s21, s3  }
0x9d: {  	[timem:s7], [sflag:s22] =	dma.local [hbm:s5], s20  }
0x9e: {  	_ =	swait.ge [sflag:s22], s20  }
0x9f: {  	s4 =	ssub.s32 $0x0, s20;
	[sflag:s22] =	ssyncset.done $0x0  }
0xa0: {  	[sflag:s22] =	ssyncadd.s32 s4;
	_ =	sdelay $0x1  }
0xa1: {  	s23 =	simm.s32 $0x1B8B  }
0xa2: {  	_ =	swait.ge [sflag:s23], $0x1  }
0xa3: {  	[sflag:s23] =	ssyncset.done $0x0  }
0xa4: {  	s25 =	simm.s32 $0x1B8E;
	s24 =	sld [smem:$0x3FFE];
	[sflag:s23] =	ssyncadd.s32 $0xFFFFFFFF  }
0xa5: {  	s26 =	simm.s32 $execute0_lowered;
	[smem:$0x3FD2] =	sst s25  }
0xa6: {  	s5 =	sshll.u32 s26, $0x1;
	_ =	strace $0x80000046;
	[dreg:$0x1] =	wrdreg $0xFFFFFFFF  }
0xa7: {  	s28 =	simm.s32 $_size_execute0_lowered;
	s3 =	sadd.s32 s3, s5;
	[dreg:$0x0] =	wrdreg $0x0  }
0xa8: {  	s5 =	sshll.u32 s28, $0x1;
	[dreg:$0x2] =	wrdreg s3  }
0xa9: {  	[dreg:$0x3] =	wrdreg s5  }
0xaa: {  	[dreg:$0x4] =	wrdreg $0xC0  }
0xab: {  	_ =	task [dreg:s7], $0x5FFFF  }
0xac: {  	[dreg:$0x1] =	wrdreg $0xFFFFFFFF  }
0xad: {  	[dreg:$0x0] =	wrdreg $0x60  }
0xae: {  	[dreg:$0x2] =	wrdreg s2  }
0xaf: {  	[dreg:$0x3] =	wrdreg s24  }
0xb0: {  	[dreg:$0x4] =	wrdreg $0x7A000  }
0xb1: {  	[dreg:$0x5] =	wrdreg $0x9  }
0xb2: {  	_ =	task.clear_ibuf [dreg:s7], $0x6FFFF;
	_ =	strace $0x90000046  }
0xb3: {  	s29 =	simm.s32 $0x9;
	_ =	strace $0x80000048  }
0xb4: {  	_ =	swait.ge [sflag:s29], $0x1  }
0xb5: {  	[sflag:s29] =	ssyncadd.s32 $0xFFFFFFFF  }
0xb6: {  	_ =	strace $0x90000048  }
0xb7: {  	_ =	sfence  }
0xb8: {  	s30 =	sld [smem:$0x0];
	_ =	sdelay $0x2  }
0xb9: {  	s31 =	sshll.u32 s1, $0xD;
	s1 =	sshrl.u32 s1, $0x2  }
0xba: {  	s3 =	sand.u32 $0x4000, s31;
	s1 =	sadd.s32 s1, s30  }
0xbb: {  	s0 =	sor.u32 s3, s0;
	s1 =	sshll.u32 s1, $0x11  }
0xbc: {  	s0 =	sor.u32 s1, s0  }
0xbd: {  	s0 =	sadd.s32 $0x8F2B, s0  }
0xbe: {  	[sflag:s0] =	ssyncadd.remote.s32 $0x1  }
0xbf: {  	_ =	sfence.sel $0xFFFF  }
0xc0: {  	[dreg:$0x0] =	wrdreg $0xFFFFFFFF;
	(pc) =	sbr.abs _section_cstart, $3  }
0xc1: {  	[dreg:$0x1] =	wrdreg $0xFFFFFFFF  }
0xc2: {  	_ =	task.clear_ibuf [dreg:s7], $0x2FFFF;
	_ =	strace $0x9FFFFFFF  }
0xc3: {  	(tm) =	ssettm $0x7FFFFFFF  }
tec
execute0_lowered:
.L_overlay_start_1:
0x0: {  	(tag) =	ssettag $0x1  }
0x1: {  	s1 =	rddreg [dreg:$0x0]  }
0x2: {  	s0 =	rddreg [dreg:$0x1]  }
0x3: {  	s2 =	rddreg [dreg:$0x2];
	s3 =	simm.s32 $0x0  }
0x4: {  	s4 =	srdreg.scid;
	s21 =	stileid.u32;
	s28 =	simm.s32 $0x1  }
0x5: {  	s29 =	simm.s32 $0x2;
	s30 =	simm.s32 $0x100;
	s31 =	simm.s32 $0x180  }
0x6: {  	[smem:$0x7FF] =	sst s3;
	s4 =	sand.u32 $0x1, s4;
	s6 =	sadd.s32 $0x17A00, s0  }
0x7: {  	s7 =	sadd.s32 $0xDC00, s0;
	s8 =	smul.u32 $0x1F400, s21;
	s9 =	sadd.s32 $0x18000, s0  }
0x8: {  	s14 =	sadd.s32 $0x1C000, s0;
	s15 =	sshll.u32 s21, $0x1;
	s16 =	smul.u32 $0x7D000, s21  }
0x9: {  	s18 =	sadd.s32 $0x1C600, s0;
	s24 =	smul.u32 $0x4E20, s21;
	p0 =	sgt.u32 s21, $0x9  }
0xa: {  	_ =	strace $0x80000047;
	s5 =	smul.u32 $0x138800, s4;
	[dreg:$0x4] =	wrdreg s9  }
0xb: {  	s10 =	sor.u32 s4, s15;
	s17 =	ssub.s32 $0x2, s4;
	s4 =	smul.u32 $0x2710, s4  }
0xc: {  	s21 =	simm.s32 $0x5200;
	[dreg:$0x5] =	wrdreg s14;
	s11 =	smul.u32 $0x2710, s10  }
0xd: {  	s19 =	sshrl.u32 s17, $0x1;
	s13 =	smul.u32 $0x1400, s10;
	s5 =	sadd.s32 s8, s5  }
0xe: {  	s8 =	sshrl.u32 s16, $0x2;
	s16 =	smul.u32 $0x140, s10;
	s4 =	sadd.s32 s4, s24  }
0xf: {  	s24 =	simm.s32 $0x200;
	s5 =	sshrl.u32 s5, $0x3;
	s11 =	sshrl.u32 s11, $0x3  }
0x10: {  	s8 =	sadd.s32 s8, s2;
	s13 =	sadd.s32 s18, s13;
	s25 =	sadd.s32 $0x50, s4  }
0x11: {  	s4 =	sshrl.u32 s4, $0x3;
	s0 =	sadd.s32 s5, s0;
	s5 =	ssub.s32 s17, s19  }
0x12: {  	[dreg:$0x6] =	wrdreg s8;
	s20 =	sadd.s32 s7, s11;
	s14 =	sadd.s32 $0x50, s16  }
0x13: {  	s22 =	sshrl.u32 s16, $0x3;
	s23 =	sadd.s32 $0xA0, s16;
	s19 =	sadd.s32 $0xF0, s16  }
0x14: {  	s8 =	sadd.s32 $0x4D8, s20;
	s0 =	sadd.s32 $0x44600, s0;
	s12 =	sshrl.u32 s14, $0x3  }
0x15: {  	s5 =	smax.u32 s5, $0x1;
	s11 =	sadd.s32 s6, s22;
	s14 =	sshll.u32 s14, $0x4  }
0x16: {  	s15 =	sshrl.u32 s23, $0x3;
	s16 =	sshrl.u32 s19, $0x3;
	[dreg:$0x7] =	wrdreg s8  }
0x17: {  	s26 =	sshll.u32 s19, $0x4;
	s20 =	sadd.s32 s4, s7;
	[dreg:$0x8] =	wrdreg s0  }
0x18: {  	s22 =	simm.s32 $0x3;
	[dreg:$0x9] =	wrdreg s5;
	s12 =	sadd.s32 s6, s12  }
0x19: {  	s14 =	sadd.s32 s18, s14;
	s15 =	sadd.s32 s6, s15;
	s0 =	sshll.u32 s23, $0x4  }
0x1a: {  	s16 =	sadd.s32 s6, s16;
	s23 =	simm.s32 $0x50;
	s17 =	sadd.s32 s18, s0  }
0x1b: {  	s0 =	sshrl.u32 s25, $0x3;
	s18 =	sadd.s32 s18, s26;
	s25 =	simm.s32 $0x80  }
0x1c: {  	s26 =	simm.s32 $0x2A00;
	s19 =	sadd.s32 s0, s7;
	s0 =	simm.s32 $0x0  }
.LBB2_1:
0x1d: {  	s4 =	rddreg [dreg:$0x5]  }
0x1e: {  	[tilespmem:s21], [sflag:$0x3] =	stream.linear.gather [hbm4b:s4+s3], $0x2800, $0x38;
	[tilespmem:$0x8D88] =	vst v63  }
0x1f: {  	s4 =	stileid.u32  }
0x20: {  	_ =	swait.ge [sflag:s22], $0x2800;
	s4 =	sshll.u32 @!p0 s4, $0x6  }
0x21: {  	[sflag:s22] =	ssyncset.done $0x0;
	s4 =	sor.u32 @!p0 $0x1C03, s4;
	s5 =	rddreg [dreg:$0x6]  }
0x22: {  	s6 =	rddreg [dreg:$0x4];
	[sflag:s22] =	ssyncadd.s32 $0xFFFFD800;
	s5 =	sshrl.u32 @!p0 s5, $0x3  }
0x23: {  	[spmem:s5], [sflag:s4] =	dma.local @!p0 [hbm:s6], $0x3E80  }
0x24: {  	s6 =	simm.s32 @!p0 $0x3  }
0x25: {  	_ =	swait.ge @!p0 [sflag:s6], $0x3E80  }
0x26: {  	[sflag:s6] =	ssyncset.done @!p0 $0x0  }
0x27: {  	[sflag:s6] =	ssyncadd.s32 @!p0 $0xFFFFC180  }
0x28: {  	[bflag:$0x0] =	sbarrier.arrive $0xFFFF  }
0x29: {  	[tilespmem:s3], [sflag:$0x3] =	stream.linear.gather [hbm4b:s11+s3], $0x50, $0x38;
	[tilespmem:$0x8D88] =	vst v63  }
0x2a: {  	_ =	swait.ge [sflag:s22], $0x50  }
0x2b: {  	[sflag:s22] =	ssyncset.done $0x0  }
0x2c: {  	[sflag:s22] =	ssyncadd.s32 $0xFFFFFFB0  }
0x2d: {  	[tilespmem:s24], [sflag:$0x1] =	stream.indirect.gather [hbm4b:s1+s23], $0x80, s3, s23, $0xb8;
	[tilespmem:$0x8D88] =	vst v63  }
0x2e: {  	_ = 	snop  }
0x2f: {  	[tilespmem:s25], [sflag:$0x3] =	stream.linear.gather [hbm4b:s12+s3], $0x50, $0x38;
	[tilespmem:$0x8D88] =	vst v63  }
0x30: {  	_ =	swait.ge [sflag:s22], $0x50  }
0x31: {  	[sflag:s22] =	ssyncset.done $0x0  }
0x32: {  	[sflag:s22] =	ssyncadd.s32 $0xFFFFFFB0  }
0x33: {  	[tilespmem:s26], [sflag:$0x2] =	stream.indirect.gather [hbm4b:s1+s23], $0x80, s25, s23, $0xb8;
	[tilespmem:$0x8D88] =	vst v63  }
0x34: {  	_ =	swait.ge [sflag:s28], $0x2800  }
0x35: {  	[sflag:s28] =	ssyncset.done $0x0  }
0x36: {  	[sflag:s28] =	ssyncadd.s32 $0xFFFFD800  }
0x37: {  	[hbm4b:s13+s3] =	stream.linear.scatter [tilespmem:s24], [sflag:$0x3], $0x2800, $0x38;
	[tilespmem:$0x8D88] =	vst v63  }
0x38: {  	_ =	swait.ge [sflag:s22], $0x2800  }
0x39: {  	[sflag:s22] =	ssyncset.done $0x0  }
0x3a: {  	[sflag:s22] =	ssyncadd.s32 $0xFFFFD800  }
0x3b: {  	_ =	swait.ge [sflag:s29], $0x2800  }
0x3c: {  	[sflag:s29] =	ssyncset.done $0x0  }
0x3d: {  	[sflag:s29] =	ssyncadd.s32 $0xFFFFD800  }
0x3e: {  	[hbm4b:s14+s3] =	stream.linear.scatter [tilespmem:s26], [sflag:$0x3], $0x2800, $0x38;
	[tilespmem:$0x8D88] =	vst v63  }
0x3f: {  	_ =	swait.ge [sflag:s22], $0x2800  }
0x40: {  	[sflag:s22] =	ssyncset.done $0x0  }
0x41: {  	[sflag:s22] =	ssyncadd.s32 $0xFFFFD800  }
0x42: {  	[tilespmem:s3], [sflag:$0x3] =	stream.linear.gather [hbm4b:s15+s3], $0x50, $0x38;
	[tilespmem:$0x8D88] =	vst v63  }
0x43: {  	_ =	swait.ge [sflag:s22], $0x50  }
0x44: {  	[sflag:s22] =	ssyncset.done $0x0  }
0x45: {  	[sflag:s22] =	ssyncadd.s32 $0xFFFFFFB0  }
0x46: {  	[tilespmem:s24], [sflag:$0x1] =	stream.indirect.gather [hbm4b:s1+s23], $0x80, s3, s23, $0xb8;
	[tilespmem:$0x8D88] =	vst v63  }
0x47: {  	_ = 	snop  }
0x48: {  	[tilespmem:s25], [sflag:$0x3] =	stream.linear.gather [hbm4b:s16+s3], $0x50, $0x38;
	[tilespmem:$0x8D88] =	vst v63  }
0x49: {  	_ =	swait.ge [sflag:s22], $0x50  }
0x4a: {  	[sflag:s22] =	ssyncset.done $0x0  }
0x4b: {  	[sflag:s22] =	ssyncadd.s32 $0xFFFFFFB0  }
0x4c: {  	[tilespmem:s26], [sflag:$0x2] =	stream.indirect.gather [hbm4b:s1+s23], $0x80, s25, s23, $0xb8;
	[tilespmem:$0x8D88] =	vst v63  }
0x4d: {  	_ =	swait.ge [sflag:s28], $0x2800  }
0x4e: {  	[sflag:s28] =	ssyncset.done $0x0  }
0x4f: {  	[sflag:s28] =	ssyncadd.s32 $0xFFFFD800  }
0x50: {  	[hbm4b:s17+s3] =	stream.linear.scatter [tilespmem:s24], [sflag:$0x3], $0x2800, $0x38;
	[tilespmem:$0x8D88] =	vst v63  }
0x51: {  	_ =	swait.ge [sflag:s22], $0x2800  }
0x52: {  	[sflag:s22] =	ssyncset.done $0x0  }
0x53: {  	[sflag:s22] =	ssyncadd.s32 $0xFFFFD800  }
0x54: {  	_ =	swait.ge [sflag:s29], $0x2800  }
0x55: {  	[sflag:s29] =	ssyncset.done $0x0  }
0x56: {  	[sflag:s29] =	ssyncadd.s32 $0xFFFFD800  }
0x57: {  	[hbm4b:s18+s3] =	stream.linear.scatter [tilespmem:s26], [sflag:$0x3], $0x2800, $0x38;
	[tilespmem:$0x8D88] =	vst v63  }
0x58: {  	_ =	swait.ge [sflag:s22], $0x2800  }
0x59: {  	[sflag:s22] =	ssyncset.done $0x0  }
0x5a: {  	s9 =	sadd.s32 $0x0, s20;
	[sflag:s22] =	ssyncadd.s32 $0xFFFFD800  }
0x5b: {  	[tilespmem:s30], [sflag:$0x3] =	stream.linear.gather [hbm4b:s9+s3], $0x50, $0x38;
	[tilespmem:$0x8D88] =	vst v63  }
0x5c: {  	_ =	swait.ge [sflag:s22], $0x50  }
0x5d: {  	[sflag:s22] =	ssyncset.done $0x0  }
0x5e: {  	[sflag:s22] =	ssyncadd.s32 $0xFFFFFFB0  }
0x5f: {  	[spmem:s2] =	stream.indirect.scatter.add.f32 [tilespmem:s21], [sflag:$0x1], $0x8, s30, s23, $0xb8;
	[tilespmem:$0x8D88] =	vst v63  }
0x60: {  	s10 =	sadd.s32 $0x0, s19  }
0x61: {  	[tilespmem:s31], [sflag:$0x3] =	stream.linear.gather [hbm4b:s10+s3], $0x50, $0x38;
	[tilespmem:$0x8D88] =	vst v63  }
0x62: {  	_ =	swait.ge [sflag:s22], $0x50  }
0x63: {  	[sflag:s22] =	ssyncset.done $0x0  }
0x64: {  	[sflag:s22] =	ssyncadd.s32 $0xFFFFFFB0  }
0x65: {  	[spmem:s2] =	stream.indirect.scatter.add.f32 [tilespmem:s21], [sflag:$0x2], $0x8, s31, s23, $0xb8;
	[tilespmem:$0x8D88] =	vst v63  }
0x66: {  	_ =	swait.ge [sflag:s28], $0x280  }
0x67: {  	[sflag:s28] =	ssyncset.done $0x0  }
0x68: {  	[sflag:s28] =	ssyncadd.s32 $0xFFFFFD80  }
0x69: {  	_ =	swait.ge [sflag:s29], $0x280  }
0x6a: {  	s7 =	simm.s32 $0x28;
	s6 =	simm.s32 $0x14;
	[sflag:s29] =	ssyncset.done $0x0  }
.LBB2_2:
0x6b: {  	s8 =	sadd.s32 s6, s20  }
0x6c: {  	[sflag:s29] =	ssyncadd.s32 $0xFFFFFD80;
	s9 =	smov.u32 s7;
	s10 =	sadd.s32 $0x14, s7  }
0x6d: {  	[tilespmem:s30], [sflag:$0x3] =	stream.linear.gather [hbm4b:s8+s3], $0x50, $0x38;
	[tilespmem:$0x8D88] =	vst v63  }
0x6e: {  	p1 =	sne.s32 s7, $0x4C4;
	_ =	swait.ge [sflag:s22], $0x50  }
0x6f: {  	[sflag:s22] =	ssyncset.done $0x0  }
0x70: {  	[sflag:s22] =	ssyncadd.s32 $0xFFFFFFB0  }
0x71: {  	[spmem:s2] =	stream.indirect.scatter.add.f32 [tilespmem:s21], [sflag:$0x1], $0x8, s30, s23, $0xb8;
	[tilespmem:$0x8D88] =	vst v63  }
0x72: {  	s7 =	sadd.s32 s6, s19;
	s6 =	smov.u32 s9  }
0x73: {  	[tilespmem:s31], [sflag:$0x3] =	stream.linear.gather [hbm4b:s7+s3], $0x50, $0x38;
	[tilespmem:$0x8D88] =	vst v63  }
0x74: {  	_ =	swait.ge [sflag:s22], $0x50  }
0x75: {  	[sflag:s22] =	ssyncset.done $0x0  }
0x76: {  	[sflag:s22] =	ssyncadd.s32 $0xFFFFFFB0  }
0x77: {  	[spmem:s2] =	stream.indirect.scatter.add.f32 [tilespmem:s21], [sflag:$0x2], $0x8, s31, s23, $0xb8;
	[tilespmem:$0x8D88] =	vst v63  }
.Ltmp0:
0x78: {  	_ =	swait.ge [sflag:s28], $0x280;
	(pc) =	sbr.rel @p1 .LBB2_2-.Ltmp0, $4  }
0x79: {  	[sflag:s28] =	ssyncset.done $0x0  }
0x7a: {  	[sflag:s28] =	ssyncadd.s32 $0xFFFFFD80  }
0x7b: {  	_ =	swait.ge [sflag:s29], $0x280  }
0x7c: {  	s7 =	smov.u32 s10;
	[sflag:s29] =	ssyncset.done $0x0  }
0x7d: {  	s7 =	sadd.s32 s6, s20;
	[sflag:s29] =	ssyncadd.s32 $0xFFFFFD80  }
0x7e: {  	[tilespmem:s30], [sflag:$0x3] =	stream.linear.gather [hbm4b:s7+s3], $0x50, $0x38;
	[tilespmem:$0x8D88] =	vst v63  }
0x7f: {  	_ =	swait.ge [sflag:s22], $0x50  }
0x80: {  	[sflag:s22] =	ssyncset.done $0x0  }
0x81: {  	[sflag:s22] =	ssyncadd.s32 $0xFFFFFFB0  }
0x82: {  	[spmem:s2] =	stream.indirect.scatter.add.f32 [tilespmem:s21], [sflag:$0x1], $0x8, s30, s23, $0xb8;
	[tilespmem:$0x8D88] =	vst v63  }
0x83: {  	s8 =	sadd.s32 s6, s19  }
0x84: {  	[tilespmem:s31], [sflag:$0x3] =	stream.linear.gather [hbm4b:s8+s3], $0x50, $0x38;
	[tilespmem:$0x8D88] =	vst v63  }
0x85: {  	_ =	swait.ge [sflag:s22], $0x50  }
0x86: {  	[sflag:s22] =	ssyncset.done $0x0  }
0x87: {  	[sflag:s22] =	ssyncadd.s32 $0xFFFFFFB0  }
0x88: {  	[spmem:s2] =	stream.indirect.scatter.add.f32 [tilespmem:s21], [sflag:$0x2], $0x8, s31, s23, $0xb8;
	[tilespmem:$0x8D88] =	vst v63  }
0x89: {  	_ =	swait.ge [sflag:s28], $0x280  }
0x8a: {  	[sflag:s28] =	ssyncset.done $0x0  }
0x8b: {  	[sflag:s28] =	ssyncadd.s32 $0xFFFFFD80  }
0x8c: {  	_ =	swait.ge [sflag:s29], $0x280  }
0x8d: {  	[sflag:s29] =	ssyncset.done $0x0  }
0x8e: {  	s9 =	rddreg [dreg:$0x7];
	[sflag:s29] =	ssyncadd.s32 $0xFFFFFD80  }
0x8f: {  	[tilespmem:s30], [sflag:$0x3] =	stream.linear.gather [hbm4b:s9+s3], $0x50, $0x38;
	[tilespmem:$0x8D88] =	vst v63  }
0x90: {  	_ =	swait.ge [sflag:s22], $0x50  }
0x91: {  	[sflag:s22] =	ssyncset.done $0x0  }
0x92: {  	[sflag:s22] =	ssyncadd.s32 $0xFFFFFFB0  }
0x93: {  	[spmem:s2] =	stream.indirect.scatter.add.f32 [tilespmem:s21], [sflag:$0x3], $0x8, s30, s23, $0xb8;
	[tilespmem:$0x8D88] =	vst v63  }
0x94: {  	_ =	swait.ge [sflag:s22], $0x280  }
0x95: {  	[sflag:s22] =	ssyncset.done $0x0  }
0x96: {  	[sflag:s22] =	ssyncadd.s32 $0xFFFFFD80  }
0x97: {  	[bflag:$0x0] =	sbarrier.arrive $0xFFFF  }
0x98: {  	s6 =	rddreg [dreg:$0x8]  }
0x99: {  	[hbm:s6], [sflag:s4] =	dma.local @!p0 [spmem:s5], $0x3E80  }
0x9a: {  	s4 =	simm.s32 @!p0 $0x3  }
0x9b: {  	_ =	swait.ge @!p0 [sflag:s4], $0x3E80  }
0x9c: {  	s0 =	sadd.s32 $0x1, s0;
	s10 =	rddreg [dreg:$0x9]  }
0x9d: {  	p1 =	sne.s32 s0, s10  }
.Ltmp1:
0x9e: {  	_ = 	snop;
	(pc) =	sbr.rel @p1 .LBB2_1-.Ltmp1, $3  }
0x9f: {  	_ =	sdelay $0x1  }
0xa0: {  	[sflag:s4] =	ssyncset.done @!p0 $0x0  }
0xa1: {  	[sflag:s4] =	ssyncadd.s32 @!p0 $0xFFFFC180  }
0xa2: {  	_ =	sfence.sel $0x180000  }
0xa3: {  	[bflag:$0x0] =	sbarrier.arrive $0xFFFF  }
0xa4: {  	_ =	strace $0x90000047  }
0xa5: {  	s0 =	stileid.u32;
	[bflag:$0x2] =	sbarrier.arrive $0xFFFF  }
0xa6: {  	p0 =	sne.s32 s0, $0x0;
	s0 =	rddreg [dreg:$0x3]  }
0xa7: {  	s0 =	sadd.s32 @!p0 $0x100000, s0  }
0xa8: {  	[sflag:s0] =	ssyncadd.tile.s32 @!p0 $0x1;
	_ =	shalt  }
.Lfunc_end2:
_tile_overlayer_lowered:
.L_overlay_start_2:
0xa9: {  	(tag) =	ssettag $0x2  }
0xaa: {  	s0 =	rddreg [dreg:$0x0];
	s2 =	stileid.u32  }
0xab: {  	s1 =	rddreg [dreg:$0x1];
	p0 =	sne.s32 s2, $0x0  }
0xac: {  	s3 =	rddreg [dreg:$0x2];
	[bflag:$0x3] =	sbarrier.arrive $0xFFFF;
	s2 =	simm.s32 @!p0 $0x1C03  }
0xad: {  	[timem:s3], [sflag:s2] =	dma.local @!p0 [hbm:s0], s1  }
0xae: {  	s0 =	simm.s32 @!p0 $0x3  }
0xaf: {  	_ =	swait.ge @!p0 [sflag:s0], s1  }
0xb0: {  	s1 =	ssub.s32 @!p0 $0x0, s1;
	[sflag:s0] =	ssyncset.done @!p0 $0x0  }
0xb1: {  	[sflag:s0] =	ssyncadd.s32 @!p0 s1  }
0xb2: {  	[bflag:$0x3] =	sbarrier.arrive $0xFFFF  }
0xb3: {  	_ =	shalt  }

// kernel: kernel.15.cloned.1.call-start
scs
__scs_entry_jumppad:
0x0: {  	(pc) =	sbr.rel $0x88, $3  }
0x1: {  	(tag) =	ssettag $0x0;
	lr =	simm.s32 $0x1  }
0x2: {  	[smem:$0x3F8A] =	sst lr;
	_ =	strace $0xD0000000  }
0x3: {  	_ = 	snop  }
0x4: {  	_ = 	snop  }
0x5: {  	_ = 	snop  }
0x6: {  	_ = 	snop  }
0x7: {  	_ = 	snop  }
__scs_overlays_trampoline_lowered:
0x8: {  	[smem:$0x3F99] =	sst s0  }
0x9: {  	[smem:$0x3F9A] =	sst s1  }
0xa: {  	[smem:$0x3F9B] =	sst s2  }
0xb: {  	[smem:$0x3F9C] =	sst s3  }
0xc: {  	[smem:$0x3F9D] =	sst s4  }
0xd: {  	[smem:$0x3F9E] =	sst s5  }
0xe: {  	[smem:$0x3F9F] =	sst s6  }
0xf: {  	[smem:$0x3FA0] =	sst s7  }
0x10: {  	[smem:$0x3FA1] =	sst s8  }
0x11: {  	[smem:$0x3FA2] =	sst s9;
	s0 =	simm.s32 @!p0 $0x0  }
0x12: {  	s1 =	sld [smem:$0x3F88];
	s0 =	simm.s32 @p0 $0x1  }
0x13: {  	[smem:$0x3FA3] =	sst s0;
	s0 =	simm.s32 @!p1 $0x0  }
0x14: {  	s2 =	sld [smem:$0x3F87];
	s0 =	simm.s32 @p1 $0x1  }
0x15: {  	[smem:$0x3FA4] =	sst s0;
	s0 =	simm.s32 @!p2 $0x0  }
0x16: {  	s3 =	sld [smem:$0x3FDB];
	s0 =	simm.s32 @p2 $0x1  }
0x17: {  	s4 =	simm.s32 $0x1BF5;
	[smem:$0x3FA6] =	sst s0  }
0x18: {  	s0 =	sld [smem:$0x3F89];
	_ =	swait.ge [sflag:s4], $0x0  }
0x19: {  	s7 =	sld [smem:$0x3F8A]  }
0x1a: {  	s8 =	sadd.s32 $0xFFFFE003, lr  }
0x1b: {  	s9 =	sadd.s32 $0xFFFFFEF7, lr;
	s5 =	simm.s32 $0xFFFFFFFF;
	p2 =	slt.u32 s8, $0xFFFFF086  }
0x1c: {  	p1 =	slt.u32 s9, $0xF7A;
	s5 =	simm.s32 @!p2 $0x0  }
0x1d: {  	s5 =	simm.s32 @p1 $0x1;
	p0 =	seq.s32 s7, s2  }
0x1e: {  	s7 =	smul.u32 @!p0 $0xF7A, s2;
	p2 =	seq.s32 @!p0 s5, $0x0  }
0x1f: {  	s9 =	smul.u32 $0xF7A, s1;
	s8 =	simm.s32 @!p0 $0x1BF5;
	p2 =	por !p2, p0  }
0x20: {  	[sflag:s8] =	ssyncset.s32 @!p0 $0xFFFFF086;
	s6 =	sadd.s32 @!p0 s3, s7;
	s7 =	simm.s32 @!p0 $0x108  }
0x21: {  	s3 =	sadd.s32 s3, s9;
	s6 =	sadd.s32 @!p0 $0x88, s6;
	s7 =	simm.s32 @p2 $0x1082  }
0x22: {  	[simem:s7], [sflag:s8] =	dma.local @!p0 [hbm:s6], $0xF7A  }
0x23: {  	s9 =	sor.u32 $0xD0000000, s2;
	s6 =	simm.s32 $0x108;
	_ =	swait.ge @!p0 [sflag:s8], $0x0  }
0x24: {  	s3 =	sadd.s32 $0x88, s3;
	s6 =	simm.s32 @!p1 $0x1082;
	[sflag:s4] =	ssyncset.s32 $0xFFFFF086  }
0x25: {  	[simem:s6], [sflag:s4] =	dma.local [hbm:s3], $0xF7A  }
0x26: {  	[smem:$0x3F8A] =	sst s1;
	(tag) =	ssettag s2;
	_ =	strace s9  }
0x27: {  	s1 =	sld [smem:$0x3F9A]  }
0x28: {  	s2 =	sld [smem:$0x3F9B]  }
0x29: {  	s4 =	sld [smem:$0x3F9D]  }
0x2a: {  	p0 =	seq.s32 s5, $0x0;
	s5 =	sld [smem:$0x3F9E]  }
0x2b: {  	s6 =	sld [smem:$0x3F9F]  }
0x2c: {  	s7 =	sld [smem:$0x3FA0]  }
0x2d: {  	s3 =	simm.s32 $0x108;
	s8 =	sld [smem:$0x3FA1]  }
0x2e: {  	s3 =	simm.s32 @!p0 $0x1082;
	s9 =	sld [smem:$0x3FA2]  }
0x2f: {  	lr =	sadd.s32 s0, s3;
	s0 =	sld [smem:$0x3F99]  }
0x30: {  	s3 =	sld [smem:$0x3F9C]  }
0x31: {  	[smem:$0x3FA5] =	sst s10  }
0x32: {  	s10 =	sld [smem:$0x3FA3];
	_ =	sdelay $0x3  }
0x33: {  	p0 =	seq.s32 s10, $0x1;
	s10 =	sld [smem:$0x3FA5];
	_ =	sdelay $0x3  }
0x34: {  	[smem:$0x3FA5] =	sst s10  }
0x35: {  	s10 =	sld [smem:$0x3FA4];
	_ =	sdelay $0x3  }
0x36: {  	p1 =	seq.s32 s10, $0x1;
	s10 =	sld [smem:$0x3FA5];
	_ =	sdelay $0x3  }
0x37: {  	[smem:$0x3FA5] =	sst s10  }
0x38: {  	s10 =	sld [smem:$0x3FA6]  }
0x39: {  	_ = 	snop;
	(pc) =	sbr.ind lr, $3  }
0x3a: {  	_ = 	snop  }
0x3b: {  	_ = 	snop  }
0x3c: {  	p2 =	seq.s32 s10, $0x1;
	s10 =	sld [smem:$0x3FA5]  }
0x3d: {  	_ =	shalt  }
0x3e: {  	_ =	shalt  }
0x3f: {  	_ =	shalt  }
0x40: {  	_ =	shalt  }
0x41: {  	_ =	shalt  }
0x42: {  	_ =	shalt  }
0x43: {  	_ =	shalt  }
0x44: {  	_ =	shalt  }
0x45: {  	_ =	shalt  }
0x46: {  	_ =	shalt  }
0x47: {  	_ =	shalt  }
0x48: {  	_ =	shalt  }
0x49: {  	_ =	shalt  }
0x4a: {  	_ =	shalt  }
0x4b: {  	_ =	shalt  }
0x4c: {  	_ =	shalt  }
0x4d: {  	_ =	shalt  }
0x4e: {  	_ =	shalt  }
0x4f: {  	_ =	shalt  }
0x50: {  	_ =	shalt  }
0x51: {  	_ =	shalt  }
0x52: {  	_ =	shalt  }
0x53: {  	_ =	shalt  }
0x54: {  	_ =	shalt  }
0x55: {  	_ =	shalt  }
0x56: {  	_ =	shalt  }
0x57: {  	_ =	shalt  }
0x58: {  	_ =	shalt  }
0x59: {  	_ =	shalt  }
0x5a: {  	_ =	shalt  }
0x5b: {  	_ =	shalt  }
0x5c: {  	_ =	shalt  }
0x5d: {  	_ =	shalt  }
0x5e: {  	_ =	shalt  }
0x5f: {  	_ =	shalt  }
0x60: {  	_ =	shalt  }
0x61: {  	_ =	shalt  }
0x62: {  	_ =	shalt  }
0x63: {  	_ =	shalt  }
0x64: {  	_ =	shalt  }
0x65: {  	_ =	shalt  }
0x66: {  	_ =	shalt  }
0x67: {  	_ =	shalt  }
0x68: {  	_ =	shalt  }
0x69: {  	_ =	shalt  }
0x6a: {  	_ =	shalt  }
0x6b: {  	_ =	shalt  }
0x6c: {  	_ =	shalt  }
0x6d: {  	_ =	shalt  }
0x6e: {  	_ =	shalt  }
0x6f: {  	_ =	shalt  }
0x70: {  	_ =	shalt  }
0x71: {  	_ =	shalt  }
0x72: {  	_ =	shalt  }
0x73: {  	_ =	shalt  }
0x74: {  	_ =	shalt  }
0x75: {  	_ =	shalt  }
0x76: {  	_ =	shalt  }
0x77: {  	_ =	shalt  }
0x78: {  	_ =	shalt  }
0x79: {  	_ =	shalt  }
0x7a: {  	_ =	shalt  }
0x7b: {  	_ =	shalt  }
0x7c: {  	_ =	shalt  }
0x7d: {  	_ =	shalt  }
0x7e: {  	_ =	shalt  }
0x7f: {  	_ =	shalt  }
0x80: {  	_ =	shalt  }
0x81: {  	_ =	shalt  }
0x82: {  	_ =	shalt  }
0x83: {  	_ =	shalt  }
0x84: {  	_ =	shalt  }
0x85: {  	_ =	shalt  }
0x86: {  	_ =	shalt  }
0x87: {  	_ =	shalt  }
.Lfunc_end0:
.L_simem_size_0:
called_computation.1_lowered:
.L_overlay_start_0:
0x88: {  	s2 =	sld [smem:$0x3FD9]  }
0x89: {  	s3 =	sld [smem:$0x3FFE];
	_ =	sdelay $0x1  }
0x8a: {  	s1 =	srdreg.scid  }
0x8b: {  	s0 =	sand.u32 $0x1, s1  }
0x8c: {  	s16 =	sshll.u32 s0, $0xA;
	s2 =	sadd.s32 s3, s2  }
0x8d: {  	s2 =	sadd.s32 s2, s16  }
0x8e: {  	[smem:$0x3FB1] =	sst s2  }
0x8f: {  	_ = 	snop  }
0x90: {  	(tm) =	ssettm $0x1  }
0x91: {  	s17 =	sld [smem:$0x3FFB];
	_ =	sdelay $0x3  }
0x92: {  	_ =	strace s17  }
0x93: {  	s2 =	sld [smem:$0x3FFC];
	_ =	sdelay $0x3  }
0x94: {  	_ =	strace s2  }
0x95: {  	s2 =	sld [smem:$0x3FFD];
	_ =	sdelay $0x3  }
0x96: {  	_ =	strace s2  }
0x97: {  	_ =	strace $0x8FFFFFFF  }
0x98: {  	s18 =	sld [smem:$0x3FDB];
	_ =	sdelay $0x1  }
0x99: {  	s19 =	simm.s32 $_scs_section_size  }
0x9a: {  	s4 =	simm.s32 $_size__tile_overlayer_lowered;
	s5 =	simm.s32 $_tile_overlayer_lowered  }
0x9b: {  	s22 =	simm.s32 $0x1BFF;
	s21 =	sshll.u32 s5, $0x1;
	s2 =	sadd.s32 s19, s18  }
0x9c: {  	s6 =	simm.s32 $0x0;
	s20 =	sshll.u32 s4, $0x1;
	s4 =	sadd.s32 s21, s2  }
0x9d: {  	[timem:s6], [sflag:s22] =	dma.local [hbm:s4], s20  }
0x9e: {  	_ =	swait.ge [sflag:s22], s20  }
0x9f: {  	s3 =	ssub.s32 $0x0, s20;
	[sflag:s22] =	ssyncset.done $0x0  }
0xa0: {  	[sflag:s22] =	ssyncadd.s32 s3;
	_ =	sdelay $0x1  }
0xa1: {  	s23 =	simm.s32 $0x1B8B  }
0xa2: {  	_ =	swait.ge [sflag:s23], $0x1  }
0xa3: {  	[sflag:s23] =	ssyncset.done $0x0  }
0xa4: {  	s25 =	simm.s32 $0x1B8E;
	s24 =	sld [smem:$0x3FFE];
	[sflag:s23] =	ssyncadd.s32 $0xFFFFFFFF  }
0xa5: {  	s26 =	simm.s32 $execute0_lowered;
	[smem:$0x3FD2] =	sst s25  }
0xa6: {  	s4 =	sshll.u32 s26, $0x1;
	_ =	strace $0x80000049;
	[dreg:$0x1] =	wrdreg $0xFFFFFFFF  }
0xa7: {  	s28 =	simm.s32 $_size_execute0_lowered;
	s2 =	sadd.s32 s2, s4;
	[dreg:$0x0] =	wrdreg $0x0  }
0xa8: {  	s4 =	sshll.u32 s28, $0x1;
	[dreg:$0x2] =	wrdreg s2  }
0xa9: {  	[dreg:$0x3] =	wrdreg s4  }
0xaa: {  	[dreg:$0x4] =	wrdreg $0xC0  }
0xab: {  	_ =	task [dreg:s6], $0x5FFFF  }
0xac: {  	[dreg:$0x1] =	wrdreg $0xFFFFFFFF  }
0xad: {  	[dreg:$0x0] =	wrdreg $0x60  }
0xae: {  	[dreg:$0x2] =	wrdreg s24  }
0xaf: {  	[dreg:$0x3] =	wrdreg $0x7B000  }
0xb0: {  	[dreg:$0x4] =	wrdreg $0x9  }
0xb1: {  	_ =	task.clear_ibuf [dreg:s6], $0x5FFFF;
	_ =	strace $0x90000049  }
0xb2: {  	s29 =	simm.s32 $0x9;
	_ =	strace $0x8000004B  }
0xb3: {  	_ =	swait.ge [sflag:s29], $0x1  }
0xb4: {  	[sflag:s29] =	ssyncadd.s32 $0xFFFFFFFF  }
0xb5: {  	_ =	strace $0x9000004B  }
0xb6: {  	_ =	sfence  }
0xb7: {  	s30 =	sld [smem:$0x0];
	_ =	sdelay $0x2  }
0xb8: {  	s31 =	sshll.u32 s1, $0xD;
	s1 =	sshrl.u32 s1, $0x2  }
0xb9: {  	s3 =	sand.u32 $0x4000, s31;
	s1 =	sadd.s32 s1, s30  }
0xba: {  	s0 =	sor.u32 s3, s0;
	s1 =	sshll.u32 s1, $0x11  }
0xbb: {  	s0 =	sor.u32 s1, s0  }
0xbc: {  	s0 =	sadd.s32 $0x8F2B, s0  }
0xbd: {  	[sflag:s0] =	ssyncadd.remote.s32 $0x1  }
0xbe: {  	_ =	sfence.sel $0xFFFF  }
0xbf: {  	[dreg:$0x0] =	wrdreg $0xFFFFFFFF;
	(pc) =	sbr.abs _section_cstart, $3  }
0xc0: {  	[dreg:$0x1] =	wrdreg $0xFFFFFFFF  }
0xc1: {  	_ =	task.clear_ibuf [dreg:s6], $0x2FFFF;
	_ =	strace $0x9FFFFFFF  }
0xc2: {  	(tm) =	ssettm $0x7FFFFFFF  }
0xc3: {  	_ =	shalt  }
tec
execute0_lowered:
.L_overlay_start_1:
0x0: {  	(tag) =	ssettag $0x1  }
0x1: {  	s0 =	rddreg [dreg:$0x0]  }
0x2: {  	s1 =	rddreg [dreg:$0x1]  }
0x3: {  	s3 =	simm.s32 $0x0;
	s2 =	srdreg.scid;
	s15 =	stileid.u32  }
0x4: {  	s28 =	simm.s32 $0x200;
	s29 =	simm.s32 $0x280;
	s30 =	simm.s32 $0x1  }
0x5: {  	s31 =	simm.s32 $0x2;
	[smem:$0x7FF] =	sst s3;
	s2 =	sand.u32 $0x1, s2  }
0x6: {  	s8 =	smul.u32 $0x1F400, s15;
	s4 =	sadd.s32 $0x1C600, s0;
	s5 =	sadd.s32 $0x3E00, s0  }
0x7: {  	s7 =	sadd.s32 $0xDC00, s0;
	s9 =	sadd.s32 $0x17A00, s0;
	s10 =	smul.u32 $0x7D000, s15  }
0x8: {  	s18 =	sshll.u32 s15, $0x1;
	s13 =	smul.u32 $0x4E20, s15;
	p0 =	sgt.u32 s15, $0x9  }
0x9: {  	s6 =	smul.u32 $0x138800, s2;
	_ =	strace $0x8000004A;
	s19 =	ssub.s32 $0x2, s2  }
0xa: {  	[dreg:$0x3] =	wrdreg s9;
	s11 =	sshrl.u32 s19, $0x1;
	s21 =	sshrl.u32 s10, $0x2  }
0xb: {  	s6 =	sadd.s32 s8, s6;
	s8 =	sor.u32 s2, s18;
	s20 =	ssub.s32 s19, s11  }
0xc: {  	s9 =	sadd.s32 s21, s1;
	s2 =	smul.u32 $0x2710, s2;
	s19 =	simm.s32 $0x4  }
0xd: {  	s21 =	simm.s32 $0x300;
	s6 =	sshrl.u32 s6, $0x3;
	s8 =	smul.u32 $0x2710, s8  }
0xe: {  	s18 =	sshrl.u32 @!p0 s9, $0x3;
	s0 =	sadd.s32 s6, s0;
	s25 =	sadd.s32 s2, s13  }
0xf: {  	s13 =	smax.u32 s20, $0x1;
	s6 =	sshll.u32 @!p0 s15, $0x6;
	s20 =	simm.s32 $0x50  }
0x10: {  	s8 =	sshrl.u32 s8, $0x3;
	s12 =	sadd.s32 $0x92800, s0;
	s2 =	sadd.s32 $0xA0, s25  }
0x11: {  	s26 =	sadd.s32 $0x50, s25;
	s16 =	sshrl.u32 s25, $0x3;
	s17 =	sor.u32 @!p0 $0x1C04, s6  }
0x12: {  	s25 =	simm.s32 $0x5300;
	s0 =	simm.s32 $0x3;
	s22 =	sadd.s32 $0x4CE, s8  }
0x13: {  	s8 =	sadd.s32 $0x4D8, s8;
	s14 =	sshrl.u32 s2, $0x3;
	s15 =	sshrl.u32 s26, $0x3  }
0x14: {  	s26 =	simm.s32 $0x180;
	s2 =	simm.s32 $0x0;
	s23 =	sadd.s32 s5, s22  }
0x15: {  	s10 =	sadd.s32 s7, s22;
	s24 =	sadd.s32 s5, s8;
	[dreg:$0x4] =	wrdreg s23  }
0x16: {  	s11 =	sadd.s32 s7, s8;
	s22 =	simm.s32 $0x80;
	[dreg:$0x5] =	wrdreg s10  }
0x17: {  	[dreg:$0x6] =	wrdreg s24;
	s23 =	simm.s32 $0x2B00;
	s24 =	simm.s32 $0x100  }
.LBB2_1:
0x18: {  	s6 =	rddreg [dreg:$0x3]  }
0x19: {  	[spmem:s18], [sflag:s17] =	dma.local @!p0 [hbm:s6], $0x3E80  }
0x1a: {  	s6 =	simm.s32 @!p0 $0x4  }
0x1b: {  	_ =	swait.ge @!p0 [sflag:s6], $0x3E80  }
0x1c: {  	[sflag:s6] =	ssyncset.done @!p0 $0x0  }
0x1d: {  	[sflag:s6] =	ssyncadd.s32 @!p0 $0xFFFFC180  }
0x1e: {  	s8 =	sadd.s32 s5, s16;
	[bflag:$0x0] =	sbarrier.arrive $0xFFFF  }
0x1f: {  	[tilespmem:s3], [sflag:$0x4] =	stream.linear.gather [hbm4b:s8+s3], $0x50, $0x38;
	[tilespmem:$0x1B380] =	vst v63  }
0x20: {  	_ =	swait.ge [sflag:s19], $0x50  }
0x21: {  	[sflag:s19] =	ssyncset.done $0x0  }
0x22: {  	[sflag:s19] =	ssyncadd.s32 $0xFFFFFFB0  }
0x23: {  	[tilespmem:s21], [sflag:$0x1] =	stream.indirect.gather [hbm4b:s4+s20], $0x80, s3, s20, $0xb8;
	[tilespmem:$0x1B380] =	vst v63  }
0x24: {  	s9 =	sadd.s32 s5, s15  }
0x25: {  	[tilespmem:s22], [sflag:$0x4] =	stream.linear.gather [hbm4b:s9+s3], $0x50, $0x38;
	[tilespmem:$0x1B380] =	vst v63  }
0x26: {  	_ =	swait.ge [sflag:s19], $0x50  }
0x27: {  	[sflag:s19] =	ssyncset.done $0x0  }
0x28: {  	[sflag:s19] =	ssyncadd.s32 $0xFFFFFFB0  }
0x29: {  	[tilespmem:s23], [sflag:$0x2] =	stream.indirect.gather [hbm4b:s4+s20], $0x80, s22, s20, $0xb8;
	[tilespmem:$0x1B380] =	vst v63  }
0x2a: {  	s10 =	sadd.s32 s5, s14  }
0x2b: {  	[tilespmem:s24], [sflag:$0x4] =	stream.linear.gather [hbm4b:s10+s3], $0x50, $0x38;
	[tilespmem:$0x1B380] =	vst v63  }
0x2c: {  	_ =	swait.ge [sflag:s19], $0x50  }
0x2d: {  	[sflag:s19] =	ssyncset.done $0x0  }
0x2e: {  	[sflag:s19] =	ssyncadd.s32 $0xFFFFFFB0  }
0x2f: {  	[tilespmem:s25], [sflag:$0x3] =	stream.indirect.gather [hbm4b:s4+s20], $0x80, s24, s20, $0xb8;
	[tilespmem:$0x1B380] =	vst v63  }
0x30: {  	s8 =	sadd.s32 s7, s16  }
0x31: {  	[tilespmem:s26], [sflag:$0x4] =	stream.linear.gather [hbm4b:s8+s3], $0x50, $0x38;
	[tilespmem:$0x1B380] =	vst v63  }
0x32: {  	_ =	swait.ge [sflag:s19], $0x50  }
0x33: {  	[sflag:s19] =	ssyncset.done $0x0  }
0x34: {  	s9 =	sadd.s32 s7, s15;
	[sflag:s19] =	ssyncadd.s32 $0xFFFFFFB0  }
0x35: {  	[tilespmem:s28], [sflag:$0x4] =	stream.linear.gather [hbm4b:s9+s3], $0x50, $0x38;
	[tilespmem:$0x1B380] =	vst v63  }
0x36: {  	_ =	swait.ge [sflag:s19], $0x50  }
0x37: {  	[sflag:s19] =	ssyncset.done $0x0  }
0x38: {  	s10 =	sadd.s32 s7, s14;
	[sflag:s19] =	ssyncadd.s32 $0xFFFFFFB0  }
0x39: {  	[tilespmem:s29], [sflag:$0x4] =	stream.linear.gather [hbm4b:s10+s3], $0x50, $0x38;
	[tilespmem:$0x1B380] =	vst v63  }
0x3a: {  	_ =	swait.ge [sflag:s19], $0x50  }
0x3b: {  	[sflag:s19] =	ssyncset.done $0x0  }
0x3c: {  	[sflag:s19] =	ssyncadd.s32 $0xFFFFFFB0  }
0x3d: {  	_ =	swait.ge [sflag:s30], $0x2800  }
0x3e: {  	[sflag:s30] =	ssyncset.done $0x0  }
0x3f: {  	[sflag:s30] =	ssyncadd.s32 $0xFFFFD800  }
0x40: {  	[spmem:s1] =	stream.indirect.scatter.add.f32 [tilespmem:s21], [sflag:$0x4], $0x80, s26, s20, $0xb8;
	[tilespmem:$0x1B380] =	vst v63  }
0x41: {  	_ =	swait.ge [sflag:s19], $0x2800  }
0x42: {  	[sflag:s19] =	ssyncset.done $0x0  }
0x43: {  	[sflag:s19] =	ssyncadd.s32 $0xFFFFD800  }
0x44: {  	_ =	swait.ge [sflag:s31], $0x2800  }
0x45: {  	[sflag:s31] =	ssyncset.done $0x0  }
0x46: {  	[sflag:s31] =	ssyncadd.s32 $0xFFFFD800  }
0x47: {  	[spmem:s1] =	stream.indirect.scatter.add.f32 [tilespmem:s23], [sflag:$0x4], $0x80, s28, s20, $0xb8;
	[tilespmem:$0x1B380] =	vst v63  }
0x48: {  	_ =	swait.ge [sflag:s19], $0x2800  }
0x49: {  	[sflag:s19] =	ssyncset.done $0x0  }
0x4a: {  	[sflag:s19] =	ssyncadd.s32 $0xFFFFD800  }
0x4b: {  	_ =	swait.ge [sflag:s0], $0x2800  }
0x4c: {  	[sflag:s0] =	ssyncset.done $0x0  }
0x4d: {  	[sflag:s0] =	ssyncadd.s32 $0xFFFFD800  }
0x4e: {  	[spmem:s1] =	stream.indirect.scatter.add.f32 [tilespmem:s25], [sflag:$0x4], $0x80, s29, s20, $0xb8;
	[tilespmem:$0x1B380] =	vst v63  }
0x4f: {  	s6 =	smov.u32 s7;
	_ =	swait.ge [sflag:s19], $0x2800  }
0x50: {  	s8 =	sadd.s32 $0x1E, s5;
	s9 =	simm.s32 $0x27;
	[sflag:s19] =	ssyncset.done $0x0  }
.LBB2_2:
0x51: {  	s10 =	sadd.s32 s8, s16;
	[sflag:s19] =	ssyncadd.s32 $0xFFFFD800;
	s6 =	sadd.s32 $0x1E, s6  }
0x52: {  	[tilespmem:s3], [sflag:$0x4] =	stream.linear.gather [hbm4b:s10+s3], $0x50, $0x38;
	[tilespmem:$0x1B380] =	vst v63  }
0x53: {  	p1 =	sne.s32 s9, $0x1;
	s9 =	sadd.s32 $0xFFFFFFFF, s9;
	_ =	swait.ge [sflag:s19], $0x50  }
0x54: {  	[sflag:s19] =	ssyncset.done $0x0  }
0x55: {  	[sflag:s19] =	ssyncadd.s32 $0xFFFFFFB0  }
0x56: {  	[tilespmem:s21], [sflag:$0x1] =	stream.indirect.gather [hbm4b:s4+s20], $0x80, s3, s20, $0xb8;
	[tilespmem:$0x1B380] =	vst v63  }
0x57: {  	s10 =	sadd.s32 s8, s15  }
0x58: {  	[tilespmem:s22], [sflag:$0x4] =	stream.linear.gather [hbm4b:s10+s3], $0x50, $0x38;
	[tilespmem:$0x1B380] =	vst v63  }
0x59: {  	_ =	swait.ge [sflag:s19], $0x50  }
0x5a: {  	[sflag:s19] =	ssyncset.done $0x0  }
0x5b: {  	[sflag:s19] =	ssyncadd.s32 $0xFFFFFFB0  }
0x5c: {  	[tilespmem:s23], [sflag:$0x2] =	stream.indirect.gather [hbm4b:s4+s20], $0x80, s22, s20, $0xb8;
	[tilespmem:$0x1B380] =	vst v63  }
0x5d: {  	s10 =	sadd.s32 s8, s14  }
0x5e: {  	[tilespmem:s24], [sflag:$0x4] =	stream.linear.gather [hbm4b:s10+s3], $0x50, $0x38;
	[tilespmem:$0x1B380] =	vst v63  }
0x5f: {  	_ =	swait.ge [sflag:s19], $0x50  }
0x60: {  	[sflag:s19] =	ssyncset.done $0x0  }
0x61: {  	[sflag:s19] =	ssyncadd.s32 $0xFFFFFFB0  }
0x62: {  	[tilespmem:s25], [sflag:$0x3] =	stream.indirect.gather [hbm4b:s4+s20], $0x80, s24, s20, $0xb8;
	[tilespmem:$0x1B380] =	vst v63  }
0x63: {  	s10 =	sadd.s32 s6, s16  }
0x64: {  	[tilespmem:s26], [sflag:$0x4] =	stream.linear.gather [hbm4b:s10+s3], $0x50, $0x38;
	[tilespmem:$0x1B380] =	vst v63  }
0x65: {  	_ =	swait.ge [sflag:s19], $0x50  }
0x66: {  	[sflag:s19] =	ssyncset.done $0x0  }
0x67: {  	s10 =	sadd.s32 s6, s15;
	[sflag:s19] =	ssyncadd.s32 $0xFFFFFFB0  }
0x68: {  	[tilespmem:s28], [sflag:$0x4] =	stream.linear.gather [hbm4b:s10+s3], $0x50, $0x38;
	[tilespmem:$0x1B380] =	vst v63  }
0x69: {  	_ =	swait.ge [sflag:s19], $0x50  }
0x6a: {  	[sflag:s19] =	ssyncset.done $0x0  }
0x6b: {  	s10 =	sadd.s32 s6, s14;
	[sflag:s19] =	ssyncadd.s32 $0xFFFFFFB0  }
0x6c: {  	[tilespmem:s29], [sflag:$0x4] =	stream.linear.gather [hbm4b:s10+s3], $0x50, $0x38;
	[tilespmem:$0x1B380] =	vst v63  }
0x6d: {  	_ =	swait.ge [sflag:s19], $0x50  }
0x6e: {  	[sflag:s19] =	ssyncset.done $0x0  }
0x6f: {  	[sflag:s19] =	ssyncadd.s32 $0xFFFFFFB0  }
0x70: {  	_ =	swait.ge [sflag:s30], $0x2800  }
0x71: {  	[sflag:s30] =	ssyncset.done $0x0  }
0x72: {  	[sflag:s30] =	ssyncadd.s32 $0xFFFFD800  }
0x73: {  	[spmem:s1] =	stream.indirect.scatter.add.f32 [tilespmem:s21], [sflag:$0x4], $0x80, s26, s20, $0xb8;
	[tilespmem:$0x1B380] =	vst v63  }
0x74: {  	_ =	swait.ge [sflag:s19], $0x2800  }
0x75: {  	[sflag:s19] =	ssyncset.done $0x0  }
0x76: {  	[sflag:s19] =	ssyncadd.s32 $0xFFFFD800  }
0x77: {  	_ =	swait.ge [sflag:s31], $0x2800  }
0x78: {  	[sflag:s31] =	ssyncset.done $0x0  }
0x79: {  	[sflag:s31] =	ssyncadd.s32 $0xFFFFD800  }
0x7a: {  	[spmem:s1] =	stream.indirect.scatter.add.f32 [tilespmem:s23], [sflag:$0x4], $0x80, s28, s20, $0xb8;
	[tilespmem:$0x1B380] =	vst v63  }
0x7b: {  	_ =	swait.ge [sflag:s19], $0x2800  }
0x7c: {  	[sflag:s19] =	ssyncset.done $0x0  }
0x7d: {  	[sflag:s19] =	ssyncadd.s32 $0xFFFFD800  }
0x7e: {  	_ =	swait.ge [sflag:s0], $0x2800  }
.Ltmp0:
0x7f: {  	[sflag:s0] =	ssyncset.done $0x0;
	(pc) =	sbr.rel @p1 .LBB2_2-.Ltmp0, $4  }
0x80: {  	[sflag:s0] =	ssyncadd.s32 $0xFFFFD800  }
0x81: {  	[spmem:s1] =	stream.indirect.scatter.add.f32 [tilespmem:s25], [sflag:$0x4], $0x80, s29, s20, $0xb8;
	[tilespmem:$0x1B380] =	vst v63  }
0x82: {  	_ =	swait.ge [sflag:s19], $0x2800  }
0x83: {  	s8 =	sadd.s32 $0x1E, s8;
	[sflag:s19] =	ssyncset.done $0x0  }
0x84: {  	s9 =	sadd.s32 s8, s16;
	[sflag:s19] =	ssyncadd.s32 $0xFFFFD800  }
0x85: {  	[tilespmem:s3], [sflag:$0x4] =	stream.linear.gather [hbm4b:s9+s3], $0x50, $0x38;
	[tilespmem:$0x1B380] =	vst v63  }
0x86: {  	_ =	swait.ge [sflag:s19], $0x50  }
0x87: {  	[sflag:s19] =	ssyncset.done $0x0  }
0x88: {  	[sflag:s19] =	ssyncadd.s32 $0xFFFFFFB0  }
0x89: {  	[tilespmem:s21], [sflag:$0x1] =	stream.indirect.gather [hbm4b:s4+s20], $0x80, s3, s20, $0xb8;
	[tilespmem:$0x1B380] =	vst v63  }
0x8a: {  	s10 =	sadd.s32 s8, s15  }
0x8b: {  	[tilespmem:s22], [sflag:$0x4] =	stream.linear.gather [hbm4b:s10+s3], $0x50, $0x38;
	[tilespmem:$0x1B380] =	vst v63  }
0x8c: {  	_ =	swait.ge [sflag:s19], $0x50  }
0x8d: {  	[sflag:s19] =	ssyncset.done $0x0  }
0x8e: {  	[sflag:s19] =	ssyncadd.s32 $0xFFFFFFB0  }
0x8f: {  	[tilespmem:s23], [sflag:$0x2] =	stream.indirect.gather [hbm4b:s4+s20], $0x80, s22, s20, $0xb8;
	[tilespmem:$0x1B380] =	vst v63  }
0x90: {  	s10 =	sadd.s32 s8, s14  }
0x91: {  	[tilespmem:s24], [sflag:$0x4] =	stream.linear.gather [hbm4b:s10+s3], $0x50, $0x38;
	[tilespmem:$0x1B380] =	vst v63  }
0x92: {  	_ =	swait.ge [sflag:s19], $0x50  }
0x93: {  	[sflag:s19] =	ssyncset.done $0x0  }
0x94: {  	s6 =	sadd.s32 $0x1E, s6;
	[sflag:s19] =	ssyncadd.s32 $0xFFFFFFB0  }
0x95: {  	[tilespmem:s25], [sflag:$0x3] =	stream.indirect.gather [hbm4b:s4+s20], $0x80, s24, s20, $0xb8;
	[tilespmem:$0x1B380] =	vst v63  }
0x96: {  	s9 =	sadd.s32 s6, s16  }
0x97: {  	[tilespmem:s26], [sflag:$0x4] =	stream.linear.gather [hbm4b:s9+s3], $0x50, $0x38;
	[tilespmem:$0x1B380] =	vst v63  }
0x98: {  	_ =	swait.ge [sflag:s19], $0x50  }
0x99: {  	[sflag:s19] =	ssyncset.done $0x0  }
0x9a: {  	s10 =	sadd.s32 s6, s15;
	[sflag:s19] =	ssyncadd.s32 $0xFFFFFFB0  }
0x9b: {  	[tilespmem:s28], [sflag:$0x4] =	stream.linear.gather [hbm4b:s10+s3], $0x50, $0x38;
	[tilespmem:$0x1B380] =	vst v63  }
0x9c: {  	_ =	swait.ge [sflag:s19], $0x50  }
0x9d: {  	[sflag:s19] =	ssyncset.done $0x0  }
0x9e: {  	s6 =	sadd.s32 s6, s14;
	[sflag:s19] =	ssyncadd.s32 $0xFFFFFFB0  }
0x9f: {  	[tilespmem:s29], [sflag:$0x4] =	stream.linear.gather [hbm4b:s6+s3], $0x50, $0x38;
	[tilespmem:$0x1B380] =	vst v63  }
0xa0: {  	_ =	swait.ge [sflag:s19], $0x50  }
0xa1: {  	[sflag:s19] =	ssyncset.done $0x0  }
0xa2: {  	[sflag:s19] =	ssyncadd.s32 $0xFFFFFFB0  }
0xa3: {  	_ =	swait.ge [sflag:s30], $0x2800  }
0xa4: {  	[sflag:s30] =	ssyncset.done $0x0  }
0xa5: {  	[sflag:s30] =	ssyncadd.s32 $0xFFFFD800  }
0xa6: {  	[spmem:s1] =	stream.indirect.scatter.add.f32 [tilespmem:s21], [sflag:$0x4], $0x80, s26, s20, $0xb8;
	[tilespmem:$0x1B380] =	vst v63  }
0xa7: {  	_ =	swait.ge [sflag:s19], $0x2800  }
0xa8: {  	[sflag:s19] =	ssyncset.done $0x0  }
0xa9: {  	[sflag:s19] =	ssyncadd.s32 $0xFFFFD800  }
0xaa: {  	_ =	swait.ge [sflag:s31], $0x2800  }
0xab: {  	[sflag:s31] =	ssyncset.done $0x0  }
0xac: {  	[sflag:s31] =	ssyncadd.s32 $0xFFFFD800  }
0xad: {  	[spmem:s1] =	stream.indirect.scatter.add.f32 [tilespmem:s23], [sflag:$0x4], $0x80, s28, s20, $0xb8;
	[tilespmem:$0x1B380] =	vst v63  }
0xae: {  	_ =	swait.ge [sflag:s19], $0x2800  }
0xaf: {  	[sflag:s19] =	ssyncset.done $0x0  }
0xb0: {  	[sflag:s19] =	ssyncadd.s32 $0xFFFFD800  }
0xb1: {  	_ =	swait.ge [sflag:s0], $0x2800  }
0xb2: {  	[sflag:s0] =	ssyncset.done $0x0  }
0xb3: {  	[sflag:s0] =	ssyncadd.s32 $0xFFFFD800  }
0xb4: {  	[spmem:s1] =	stream.indirect.scatter.add.f32 [tilespmem:s25], [sflag:$0x4], $0x80, s29, s20, $0xb8;
	[tilespmem:$0x1B380] =	vst v63  }
0xb5: {  	_ =	swait.ge [sflag:s19], $0x2800  }
0xb6: {  	[sflag:s19] =	ssyncset.done $0x0  }
0xb7: {  	s8 =	rddreg [dreg:$0x4];
	[sflag:s19] =	ssyncadd.s32 $0xFFFFD800  }
0xb8: {  	[tilespmem:s3], [sflag:$0x4] =	stream.linear.gather [hbm4b:s8+s3], $0x50, $0x38;
	[tilespmem:$0x1B380] =	vst v63  }
0xb9: {  	_ =	swait.ge [sflag:s19], $0x50  }
0xba: {  	[sflag:s19] =	ssyncset.done $0x0  }
0xbb: {  	[sflag:s19] =	ssyncadd.s32 $0xFFFFFFB0  }
0xbc: {  	[tilespmem:s21], [sflag:$0x1] =	stream.indirect.gather [hbm4b:s4+s20], $0x80, s3, s20, $0xb8;
	[tilespmem:$0x1B380] =	vst v63  }
0xbd: {  	s9 =	rddreg [dreg:$0x5]  }
0xbe: {  	[tilespmem:s26], [sflag:$0x4] =	stream.linear.gather [hbm4b:s9+s3], $0x50, $0x38;
	[tilespmem:$0x1B380] =	vst v63  }
0xbf: {  	_ =	swait.ge [sflag:s19], $0x50  }
0xc0: {  	[sflag:s19] =	ssyncset.done $0x0  }
0xc1: {  	[sflag:s19] =	ssyncadd.s32 $0xFFFFFFB0  }
0xc2: {  	_ =	swait.ge [sflag:s30], $0x2800  }
0xc3: {  	[sflag:s30] =	ssyncset.done $0x0  }
0xc4: {  	[sflag:s30] =	ssyncadd.s32 $0xFFFFD800  }
0xc5: {  	[spmem:s1] =	stream.indirect.scatter.add.f32 [tilespmem:s21], [sflag:$0x4], $0x80, s26, s20, $0xb8;
	[tilespmem:$0x1B380] =	vst v63  }
0xc6: {  	_ =	swait.ge [sflag:s19], $0x2800  }
0xc7: {  	[sflag:s19] =	ssyncset.done $0x0  }
0xc8: {  	s10 =	rddreg [dreg:$0x6];
	[sflag:s19] =	ssyncadd.s32 $0xFFFFD800  }
0xc9: {  	[tilespmem:s3], [sflag:$0x4] =	stream.linear.gather [hbm4b:s10+s3], $0x50, $0x38;
	[tilespmem:$0x1B380] =	vst v63  }
0xca: {  	_ =	swait.ge [sflag:s19], $0x50  }
0xcb: {  	[sflag:s19] =	ssyncset.done $0x0  }
0xcc: {  	[sflag:s19] =	ssyncadd.s32 $0xFFFFFFB0  }
0xcd: {  	[tilespmem:s21], [sflag:$0x1] =	stream.indirect.gather [hbm4b:s4+s20], $0x80, s3, s20, $0xb8;
	[tilespmem:$0x1B380] =	vst v63  }
0xce: {  	_ = 	snop  }
0xcf: {  	[tilespmem:s26], [sflag:$0x4] =	stream.linear.gather [hbm4b:s11+s3], $0x50, $0x38;
	[tilespmem:$0x1B380] =	vst v63  }
0xd0: {  	_ =	swait.ge [sflag:s19], $0x50  }
0xd1: {  	[sflag:s19] =	ssyncset.done $0x0  }
0xd2: {  	[sflag:s19] =	ssyncadd.s32 $0xFFFFFFB0  }
0xd3: {  	_ =	swait.ge [sflag:s30], $0x2800  }
0xd4: {  	[sflag:s30] =	ssyncset.done $0x0  }
0xd5: {  	[sflag:s30] =	ssyncadd.s32 $0xFFFFD800  }
0xd6: {  	[spmem:s1] =	stream.indirect.scatter.add.f32 [tilespmem:s21], [sflag:$0x4], $0x80, s26, s20, $0xb8;
	[tilespmem:$0x1B380] =	vst v63  }
0xd7: {  	_ =	swait.ge [sflag:s19], $0x2800  }
0xd8: {  	s2 =	sadd.s32 $0x1, s2;
	[sflag:s19] =	ssyncset.done $0x0  }
0xd9: {  	p1 =	sne.s32 s2, s13;
	[sflag:s19] =	ssyncadd.s32 $0xFFFFD800  }
.Ltmp1:
0xda: {  	s6 =	simm.s32 @!p0 $0x4;
	[bflag:$0x0] =	sbarrier.arrive $0xFFFF;
	(pc) =	sbr.rel @p1 .LBB2_1-.Ltmp1, $4  }
0xdb: {  	[hbm:s12], [sflag:s17] =	dma.local @!p0 [spmem:s18], $0x3E80  }
0xdc: {  	_ =	swait.ge @!p0 [sflag:s6], $0x3E80  }
0xdd: {  	[sflag:s6] =	ssyncset.done @!p0 $0x0  }
0xde: {  	[sflag:s6] =	ssyncadd.s32 @!p0 $0xFFFFC180  }
0xdf: {  	_ =	sfence.sel $0x180000  }
0xe0: {  	[bflag:$0x0] =	sbarrier.arrive $0xFFFF  }
0xe1: {  	_ =	strace $0x9000004A  }
0xe2: {  	s0 =	stileid.u32;
	[bflag:$0x2] =	sbarrier.arrive $0xFFFF  }
0xe3: {  	p0 =	sne.s32 s0, $0x0;
	s0 =	rddreg [dreg:$0x2]  }
0xe4: {  	s0 =	sadd.s32 @!p0 $0x100000, s0  }
0xe5: {  	[sflag:s0] =	ssyncadd.tile.s32 @!p0 $0x1;
	_ =	shalt  }
.Lfunc_end2:
_tile_overlayer_lowered:
.L_overlay_start_2:
0xe6: {  	(tag) =	ssettag $0x2  }
0xe7: {  	s0 =	rddreg [dreg:$0x0];
	s2 =	stileid.u32  }
0xe8: {  	s1 =	rddreg [dreg:$0x1];
	p0 =	sne.s32 s2, $0x0  }
0xe9: {  	s3 =	rddreg [dreg:$0x2];
	[bflag:$0x3] =	sbarrier.arrive $0xFFFF;
	s2 =	simm.s32 @!p0 $0x1C04  }
0xea: {  	[timem:s3], [sflag:s2] =	dma.local @!p0 [hbm:s0], s1  }
0xeb: {  	s0 =	simm.s32 @!p0 $0x4  }
0xec: {  	_ =	swait.ge @!p0 [sflag:s0], s1  }
0xed: {  	s1 =	ssub.s32 @!p0 $0x0, s1;
	[sflag:s0] =	ssyncset.done @!p0 $0x0  }
0xee: {  	[sflag:s0] =	ssyncadd.s32 @!p0 s1  }
0xef: {  	[bflag:$0x3] =	sbarrier.arrive $0xFFFF  }
0xf0: {  	_ =	shalt  }

// kernel: kernel.18.cloned.1.call-start
scs
__scs_entry_jumppad:
0x0: {  	(pc) =	sbr.rel $0x88, $3  }
0x1: {  	(tag) =	ssettag $0x0;
	lr =	simm.s32 $0x1  }
0x2: {  	[smem:$0x3F8A] =	sst lr;
	_ =	strace $0xD0000000  }
0x3: {  	_ = 	snop  }
0x4: {  	_ = 	snop  }
0x5: {  	_ = 	snop  }
0x6: {  	_ = 	snop  }
0x7: {  	_ = 	snop  }
__scs_overlays_trampoline_lowered:
0x8: {  	[smem:$0x3F99] =	sst s0  }
0x9: {  	[smem:$0x3F9A] =	sst s1  }
0xa: {  	[smem:$0x3F9B] =	sst s2  }
0xb: {  	[smem:$0x3F9C] =	sst s3  }
0xc: {  	[smem:$0x3F9D] =	sst s4  }
0xd: {  	[smem:$0x3F9E] =	sst s5  }
0xe: {  	[smem:$0x3F9F] =	sst s6  }
0xf: {  	[smem:$0x3FA0] =	sst s7  }
0x10: {  	[smem:$0x3FA1] =	sst s8  }
0x11: {  	[smem:$0x3FA2] =	sst s9;
	s0 =	simm.s32 @!p0 $0x0  }
0x12: {  	s1 =	sld [smem:$0x3F88];
	s0 =	simm.s32 @p0 $0x1  }
0x13: {  	[smem:$0x3FA3] =	sst s0;
	s0 =	simm.s32 @!p1 $0x0  }
0x14: {  	s2 =	sld [smem:$0x3F87];
	s0 =	simm.s32 @p1 $0x1  }
0x15: {  	[smem:$0x3FA4] =	sst s0;
	s0 =	simm.s32 @!p2 $0x0  }
0x16: {  	s3 =	sld [smem:$0x3FDB];
	s0 =	simm.s32 @p2 $0x1  }
0x17: {  	s4 =	simm.s32 $0x1BF5;
	[smem:$0x3FA6] =	sst s0  }
0x18: {  	s0 =	sld [smem:$0x3F89];
	_ =	swait.ge [sflag:s4], $0x0  }
0x19: {  	s7 =	sld [smem:$0x3F8A]  }
0x1a: {  	s8 =	sadd.s32 $0xFFFFE003, lr  }
0x1b: {  	s9 =	sadd.s32 $0xFFFFFEF7, lr;
	s5 =	simm.s32 $0xFFFFFFFF;
	p2 =	slt.u32 s8, $0xFFFFF086  }
0x1c: {  	p1 =	slt.u32 s9, $0xF7A;
	s5 =	simm.s32 @!p2 $0x0  }
0x1d: {  	s5 =	simm.s32 @p1 $0x1;
	p0 =	seq.s32 s7, s2  }
0x1e: {  	s7 =	smul.u32 @!p0 $0xF7A, s2;
	p2 =	seq.s32 @!p0 s5, $0x0  }
0x1f: {  	s9 =	smul.u32 $0xF7A, s1;
	s8 =	simm.s32 @!p0 $0x1BF5;
	p2 =	por !p2, p0  }
0x20: {  	[sflag:s8] =	ssyncset.s32 @!p0 $0xFFFFF086;
	s6 =	sadd.s32 @!p0 s3, s7;
	s7 =	simm.s32 @!p0 $0x108  }
0x21: {  	s3 =	sadd.s32 s3, s9;
	s6 =	sadd.s32 @!p0 $0x88, s6;
	s7 =	simm.s32 @p2 $0x1082  }
0x22: {  	[simem:s7], [sflag:s8] =	dma.local @!p0 [hbm:s6], $0xF7A  }
0x23: {  	s9 =	sor.u32 $0xD0000000, s2;
	s6 =	simm.s32 $0x108;
	_ =	swait.ge @!p0 [sflag:s8], $0x0  }
0x24: {  	s3 =	sadd.s32 $0x88, s3;
	s6 =	simm.s32 @!p1 $0x1082;
	[sflag:s4] =	ssyncset.s32 $0xFFFFF086  }
0x25: {  	[simem:s6], [sflag:s4] =	dma.local [hbm:s3], $0xF7A  }
0x26: {  	[smem:$0x3F8A] =	sst s1;
	(tag) =	ssettag s2;
	_ =	strace s9  }
0x27: {  	s1 =	sld [smem:$0x3F9A]  }
0x28: {  	s2 =	sld [smem:$0x3F9B]  }
0x29: {  	s4 =	sld [smem:$0x3F9D]  }
0x2a: {  	p0 =	seq.s32 s5, $0x0;
	s5 =	sld [smem:$0x3F9E]  }
0x2b: {  	s6 =	sld [smem:$0x3F9F]  }
0x2c: {  	s7 =	sld [smem:$0x3FA0]  }
0x2d: {  	s3 =	simm.s32 $0x108;
	s8 =	sld [smem:$0x3FA1]  }
0x2e: {  	s3 =	simm.s32 @!p0 $0x1082;
	s9 =	sld [smem:$0x3FA2]  }
0x2f: {  	lr =	sadd.s32 s0, s3;
	s0 =	sld [smem:$0x3F99]  }
0x30: {  	s3 =	sld [smem:$0x3F9C]  }
0x31: {  	[smem:$0x3FA5] =	sst s10  }
0x32: {  	s10 =	sld [smem:$0x3FA3];
	_ =	sdelay $0x3  }
0x33: {  	p0 =	seq.s32 s10, $0x1;
	s10 =	sld [smem:$0x3FA5];
	_ =	sdelay $0x3  }
0x34: {  	[smem:$0x3FA5] =	sst s10  }
0x35: {  	s10 =	sld [smem:$0x3FA4];
	_ =	sdelay $0x3  }
0x36: {  	p1 =	seq.s32 s10, $0x1;
	s10 =	sld [smem:$0x3FA5];
	_ =	sdelay $0x3  }
0x37: {  	[smem:$0x3FA5] =	sst s10  }
0x38: {  	s10 =	sld [smem:$0x3FA6]  }
0x39: {  	_ = 	snop;
	(pc) =	sbr.ind lr, $3  }
0x3a: {  	_ = 	snop  }
0x3b: {  	_ = 	snop  }
0x3c: {  	p2 =	seq.s32 s10, $0x1;
	s10 =	sld [smem:$0x3FA5]  }
0x3d: {  	_ =	shalt  }
0x3e: {  	_ =	shalt  }
0x3f: {  	_ =	shalt  }
0x40: {  	_ =	shalt  }
0x41: {  	_ =	shalt  }
0x42: {  	_ =	shalt  }
0x43: {  	_ =	shalt  }
0x44: {  	_ =	shalt  }
0x45: {  	_ =	shalt  }
0x46: {  	_ =	shalt  }
0x47: {  	_ =	shalt  }
0x48: {  	_ =	shalt  }
0x49: {  	_ =	shalt  }
0x4a: {  	_ =	shalt  }
0x4b: {  	_ =	shalt  }
0x4c: {  	_ =	shalt  }
0x4d: {  	_ =	shalt  }
0x4e: {  	_ =	shalt  }
0x4f: {  	_ =	shalt  }
0x50: {  	_ =	shalt  }
0x51: {  	_ =	shalt  }
0x52: {  	_ =	shalt  }
0x53: {  	_ =	shalt  }
0x54: {  	_ =	shalt  }
0x55: {  	_ =	shalt  }
0x56: {  	_ =	shalt  }
0x57: {  	_ =	shalt  }
0x58: {  	_ =	shalt  }
0x59: {  	_ =	shalt  }
0x5a: {  	_ =	shalt  }
0x5b: {  	_ =	shalt  }
0x5c: {  	_ =	shalt  }
0x5d: {  	_ =	shalt  }
0x5e: {  	_ =	shalt  }
0x5f: {  	_ =	shalt  }
0x60: {  	_ =	shalt  }
0x61: {  	_ =	shalt  }
0x62: {  	_ =	shalt  }
0x63: {  	_ =	shalt  }
0x64: {  	_ =	shalt  }
0x65: {  	_ =	shalt  }
0x66: {  	_ =	shalt  }
0x67: {  	_ =	shalt  }
0x68: {  	_ =	shalt  }
0x69: {  	_ =	shalt  }
0x6a: {  	_ =	shalt  }
0x6b: {  	_ =	shalt  }
0x6c: {  	_ =	shalt  }
0x6d: {  	_ =	shalt  }
0x6e: {  	_ =	shalt  }
0x6f: {  	_ =	shalt  }
0x70: {  	_ =	shalt  }
0x71: {  	_ =	shalt  }
0x72: {  	_ =	shalt  }
0x73: {  	_ =	shalt  }
0x74: {  	_ =	shalt  }
0x75: {  	_ =	shalt  }
0x76: {  	_ =	shalt  }
0x77: {  	_ =	shalt  }
0x78: {  	_ =	shalt  }
0x79: {  	_ =	shalt  }
0x7a: {  	_ =	shalt  }
0x7b: {  	_ =	shalt  }
0x7c: {  	_ =	shalt  }
0x7d: {  	_ =	shalt  }
0x7e: {  	_ =	shalt  }
0x7f: {  	_ =	shalt  }
0x80: {  	_ =	shalt  }
0x81: {  	_ =	shalt  }
0x82: {  	_ =	shalt  }
0x83: {  	_ =	shalt  }
0x84: {  	_ =	shalt  }
0x85: {  	_ =	shalt  }
0x86: {  	_ =	shalt  }
0x87: {  	_ =	shalt  }
.Lfunc_end0:
.L_simem_size_0:
called_computation.2_lowered:
.L_overlay_start_0:
0x88: {  	s2 =	sld [smem:$0x3FD9]  }
0x89: {  	s3 =	sld [smem:$0x3FFE];
	_ =	sdelay $0x1  }
0x8a: {  	s1 =	srdreg.scid  }
0x8b: {  	s0 =	sand.u32 $0x1, s1  }
0x8c: {  	s16 =	sshll.u32 s0, $0xA;
	s2 =	sadd.s32 s3, s2  }
0x8d: {  	s2 =	sadd.s32 s2, s16  }
0x8e: {  	[smem:$0x3FB1] =	sst s2  }
0x8f: {  	_ = 	snop  }
0x90: {  	(tm) =	ssettm $0x1  }
0x91: {  	s17 =	sld [smem:$0x3FFB];
	_ =	sdelay $0x3  }
0x92: {  	_ =	strace s17  }
0x93: {  	s2 =	sld [smem:$0x3FFC];
	_ =	sdelay $0x3  }
0x94: {  	_ =	strace s2  }
0x95: {  	s2 =	sld [smem:$0x3FFD];
	_ =	sdelay $0x3  }
0x96: {  	_ =	strace s2  }
0x97: {  	_ =	strace $0x8FFFFFFF  }
0x98: {  	s18 =	sld [smem:$0x3FDB];
	_ =	sdelay $0x1  }
0x99: {  	s19 =	simm.s32 $_scs_section_size  }
0x9a: {  	s4 =	simm.s32 $_size__tile_overlayer_lowered;
	s5 =	simm.s32 $_tile_overlayer_lowered  }
0x9b: {  	s22 =	simm.s32 $0x1BFF;
	s21 =	sshll.u32 s5, $0x1;
	s2 =	sadd.s32 s19, s18  }
0x9c: {  	s6 =	simm.s32 $0x0;
	s20 =	sshll.u32 s4, $0x1;
	s4 =	sadd.s32 s21, s2  }
0x9d: {  	[timem:s6], [sflag:s22] =	dma.local [hbm:s4], s20  }
0x9e: {  	_ =	swait.ge [sflag:s22], s20  }
0x9f: {  	s3 =	ssub.s32 $0x0, s20;
	[sflag:s22] =	ssyncset.done $0x0  }
0xa0: {  	[sflag:s22] =	ssyncadd.s32 s3;
	_ =	sdelay $0x1  }
0xa1: {  	s23 =	simm.s32 $0x1B8B  }
0xa2: {  	_ =	swait.ge [sflag:s23], $0x1  }
0xa3: {  	[sflag:s23] =	ssyncset.done $0x0  }
0xa4: {  	s25 =	simm.s32 $0x1B8E;
	s24 =	sld [smem:$0x3FFE];
	[sflag:s23] =	ssyncadd.s32 $0xFFFFFFFF  }
0xa5: {  	s26 =	simm.s32 $execute0_lowered;
	[smem:$0x3FD2] =	sst s25  }
0xa6: {  	s4 =	sshll.u32 s26, $0x1;
	_ =	strace $0x8000004C;
	[dreg:$0x1] =	wrdreg $0xFFFFFFFF  }
0xa7: {  	s28 =	simm.s32 $_size_execute0_lowered;
	s2 =	sadd.s32 s2, s4;
	[dreg:$0x0] =	wrdreg $0x0  }
0xa8: {  	s4 =	sshll.u32 s28, $0x1;
	[dreg:$0x2] =	wrdreg s2  }
0xa9: {  	[dreg:$0x3] =	wrdreg s4  }
0xaa: {  	[dreg:$0x4] =	wrdreg $0xC0  }
0xab: {  	_ =	task [dreg:s6], $0x5FFFF  }
0xac: {  	[dreg:$0x1] =	wrdreg $0xFFFFFFFF  }
0xad: {  	[dreg:$0x0] =	wrdreg $0x60  }
0xae: {  	[dreg:$0x2] =	wrdreg s24  }
0xaf: {  	[dreg:$0x3] =	wrdreg $0x7B000  }
0xb0: {  	[dreg:$0x4] =	wrdreg $0x9  }
0xb1: {  	_ =	task.clear_ibuf [dreg:s6], $0x5FFFF;
	_ =	strace $0x9000004C  }
0xb2: {  	s29 =	simm.s32 $0x9;
	_ =	strace $0x8000004E  }
0xb3: {  	_ =	swait.ge [sflag:s29], $0x1  }
0xb4: {  	[sflag:s29] =	ssyncadd.s32 $0xFFFFFFFF  }
0xb5: {  	_ =	strace $0x9000004E  }
0xb6: {  	_ =	sfence  }
0xb7: {  	s30 =	sld [smem:$0x0];
	_ =	sdelay $0x2  }
0xb8: {  	s31 =	sshll.u32 s1, $0xD;
	s1 =	sshrl.u32 s1, $0x2  }
0xb9: {  	s3 =	sand.u32 $0x4000, s31;
	s1 =	sadd.s32 s1, s30  }
0xba: {  	s0 =	sor.u32 s3, s0;
	s1 =	sshll.u32 s1, $0x11  }
0xbb: {  	s0 =	sor.u32 s1, s0  }
0xbc: {  	s0 =	sadd.s32 $0x8F2B, s0  }
0xbd: {  	[sflag:s0] =	ssyncadd.remote.s32 $0x1  }
0xbe: {  	_ =	sfence.sel $0xFFFF  }
0xbf: {  	[dreg:$0x0] =	wrdreg $0xFFFFFFFF;
	(pc) =	sbr.abs _section_cstart, $3  }
0xc0: {  	[dreg:$0x1] =	wrdreg $0xFFFFFFFF  }
0xc1: {  	_ =	task.clear_ibuf [dreg:s6], $0x2FFFF;
	_ =	strace $0x9FFFFFFF  }
0xc2: {  	(tm) =	ssettm $0x7FFFFFFF  }
0xc3: {  	_ =	shalt  }
tec
execute0_lowered:
.L_overlay_start_1:
0x0: {  	(tag) =	ssettag $0x1  }
0x1: {  	s0 =	rddreg [dreg:$0x0]  }
0x2: {  	s1 =	rddreg [dreg:$0x1]  }
0x3: {  	s3 =	simm.s32 $0x0;
	s2 =	srdreg.scid;
	s15 =	stileid.u32  }
0x4: {  	s28 =	simm.s32 $0x200;
	s29 =	simm.s32 $0x280;
	s30 =	simm.s32 $0x1  }
0x5: {  	s31 =	simm.s32 $0x2;
	[smem:$0x7FF] =	sst s3;
	s2 =	sand.u32 $0x1, s2  }
0x6: {  	s8 =	smul.u32 $0x1F400, s15;
	s4 =	sadd.s32 $0x1BA00, s0;
	s5 =	sadd.s32 $0x3E00, s0  }
0x7: {  	s7 =	sadd.s32 $0xDC00, s0;
	s9 =	sadd.s32 $0x17A00, s0;
	s10 =	smul.u32 $0x7D000, s15  }
0x8: {  	s18 =	sshll.u32 s15, $0x1;
	s13 =	smul.u32 $0x4E20, s15;
	p0 =	sgt.u32 s15, $0x9  }
0x9: {  	s6 =	smul.u32 $0x138800, s2;
	_ =	strace $0x8000004D;
	s19 =	ssub.s32 $0x2, s2  }
0xa: {  	[dreg:$0x3] =	wrdreg s9;
	s11 =	sshrl.u32 s19, $0x1;
	s21 =	sshrl.u32 s10, $0x2  }
0xb: {  	s6 =	sadd.s32 s8, s6;
	s8 =	sor.u32 s2, s18;
	s20 =	ssub.s32 s19, s11  }
0xc: {  	s9 =	sadd.s32 s21, s1;
	s2 =	smul.u32 $0x2710, s2;
	s19 =	simm.s32 $0x4  }
0xd: {  	s21 =	simm.s32 $0x300;
	s6 =	sshrl.u32 s6, $0x3;
	s8 =	smul.u32 $0x2710, s8  }
0xe: {  	s18 =	sshrl.u32 @!p0 s9, $0x3;
	s0 =	sadd.s32 s6, s0;
	s25 =	sadd.s32 s2, s13  }
0xf: {  	s13 =	smax.u32 s20, $0x1;
	s6 =	sshll.u32 @!p0 s15, $0x6;
	s20 =	simm.s32 $0x50  }
0x10: {  	s8 =	sshrl.u32 s8, $0x3;
	s12 =	sadd.s32 $0x92800, s0;
	s2 =	sadd.s32 $0xA0, s25  }
0x11: {  	s26 =	sadd.s32 $0x50, s25;
	s16 =	sshrl.u32 s25, $0x3;
	s17 =	sor.u32 @!p0 $0x1C04, s6  }
0x12: {  	s25 =	simm.s32 $0x5300;
	s0 =	simm.s32 $0x3;
	s22 =	sadd.s32 $0x4CE, s8  }
0x13: {  	s8 =	sadd.s32 $0x4D8, s8;
	s14 =	sshrl.u32 s2, $0x3;
	s15 =	sshrl.u32 s26, $0x3  }
0x14: {  	s26 =	simm.s32 $0x180;
	s2 =	simm.s32 $0x0;
	s23 =	sadd.s32 s5, s22  }
0x15: {  	s10 =	sadd.s32 s7, s22;
	s24 =	sadd.s32 s5, s8;
	[dreg:$0x4] =	wrdreg s23  }
0x16: {  	s11 =	sadd.s32 s7, s8;
	s22 =	simm.s32 $0x80;
	[dreg:$0x5] =	wrdreg s10  }
0x17: {  	[dreg:$0x6] =	wrdreg s24;
	s23 =	simm.s32 $0x2B00;
	s24 =	simm.s32 $0x100  }
.LBB2_1:
0x18: {  	s6 =	rddreg [dreg:$0x3]  }
0x19: {  	[spmem:s18], [sflag:s17] =	dma.local @!p0 [hbm:s6], $0x3E80  }
0x1a: {  	s6 =	simm.s32 @!p0 $0x4  }
0x1b: {  	_ =	swait.ge @!p0 [sflag:s6], $0x3E80  }
0x1c: {  	[sflag:s6] =	ssyncset.done @!p0 $0x0  }
0x1d: {  	[sflag:s6] =	ssyncadd.s32 @!p0 $0xFFFFC180  }
0x1e: {  	s8 =	sadd.s32 s5, s16;
	[bflag:$0x0] =	sbarrier.arrive $0xFFFF  }
0x1f: {  	[tilespmem:s3], [sflag:$0x4] =	stream.linear.gather [hbm4b:s8+s3], $0x50, $0x38;
	[tilespmem:$0x1B380] =	vst v63  }
0x20: {  	_ =	swait.ge [sflag:s19], $0x50  }
0x21: {  	[sflag:s19] =	ssyncset.done $0x0  }
0x22: {  	[sflag:s19] =	ssyncadd.s32 $0xFFFFFFB0  }
0x23: {  	[tilespmem:s21], [sflag:$0x1] =	stream.indirect.gather [hbm4b:s4+s20], $0x80, s3, s20, $0xb8;
	[tilespmem:$0x1B380] =	vst v63  }
0x24: {  	s9 =	sadd.s32 s5, s15  }
0x25: {  	[tilespmem:s22], [sflag:$0x4] =	stream.linear.gather [hbm4b:s9+s3], $0x50, $0x38;
	[tilespmem:$0x1B380] =	vst v63  }
0x26: {  	_ =	swait.ge [sflag:s19], $0x50  }
0x27: {  	[sflag:s19] =	ssyncset.done $0x0  }
0x28: {  	[sflag:s19] =	ssyncadd.s32 $0xFFFFFFB0  }
0x29: {  	[tilespmem:s23], [sflag:$0x2] =	stream.indirect.gather [hbm4b:s4+s20], $0x80, s22, s20, $0xb8;
	[tilespmem:$0x1B380] =	vst v63  }
0x2a: {  	s10 =	sadd.s32 s5, s14  }
0x2b: {  	[tilespmem:s24], [sflag:$0x4] =	stream.linear.gather [hbm4b:s10+s3], $0x50, $0x38;
	[tilespmem:$0x1B380] =	vst v63  }
0x2c: {  	_ =	swait.ge [sflag:s19], $0x50  }
0x2d: {  	[sflag:s19] =	ssyncset.done $0x0  }
0x2e: {  	[sflag:s19] =	ssyncadd.s32 $0xFFFFFFB0  }
0x2f: {  	[tilespmem:s25], [sflag:$0x3] =	stream.indirect.gather [hbm4b:s4+s20], $0x80, s24, s20, $0xb8;
	[tilespmem:$0x1B380] =	vst v63  }
0x30: {  	s8 =	sadd.s32 s7, s16  }
0x31: {  	[tilespmem:s26], [sflag:$0x4] =	stream.linear.gather [hbm4b:s8+s3], $0x50, $0x38;
	[tilespmem:$0x1B380] =	vst v63  }
0x32: {  	_ =	swait.ge [sflag:s19], $0x50  }
0x33: {  	[sflag:s19] =	ssyncset.done $0x0  }
0x34: {  	s9 =	sadd.s32 s7, s15;
	[sflag:s19] =	ssyncadd.s32 $0xFFFFFFB0  }
0x35: {  	[tilespmem:s28], [sflag:$0x4] =	stream.linear.gather [hbm4b:s9+s3], $0x50, $0x38;
	[tilespmem:$0x1B380] =	vst v63  }
0x36: {  	_ =	swait.ge [sflag:s19], $0x50  }
0x37: {  	[sflag:s19] =	ssyncset.done $0x0  }
0x38: {  	s10 =	sadd.s32 s7, s14;
	[sflag:s19] =	ssyncadd.s32 $0xFFFFFFB0  }
0x39: {  	[tilespmem:s29], [sflag:$0x4] =	stream.linear.gather [hbm4b:s10+s3], $0x50, $0x38;
	[tilespmem:$0x1B380] =	vst v63  }
0x3a: {  	_ =	swait.ge [sflag:s19], $0x50  }
0x3b: {  	[sflag:s19] =	ssyncset.done $0x0  }
0x3c: {  	[sflag:s19] =	ssyncadd.s32 $0xFFFFFFB0  }
0x3d: {  	_ =	swait.ge [sflag:s30], $0x2800  }
0x3e: {  	[sflag:s30] =	ssyncset.done $0x0  }
0x3f: {  	[sflag:s30] =	ssyncadd.s32 $0xFFFFD800  }
0x40: {  	[spmem:s1] =	stream.indirect.scatter.add.f32 [tilespmem:s21], [sflag:$0x4], $0x80, s26, s20, $0xb8;
	[tilespmem:$0x1B380] =	vst v63  }
0x41: {  	_ =	swait.ge [sflag:s19], $0x2800  }
0x42: {  	[sflag:s19] =	ssyncset.done $0x0  }
0x43: {  	[sflag:s19] =	ssyncadd.s32 $0xFFFFD800  }
0x44: {  	_ =	swait.ge [sflag:s31], $0x2800  }
0x45: {  	[sflag:s31] =	ssyncset.done $0x0  }
0x46: {  	[sflag:s31] =	ssyncadd.s32 $0xFFFFD800  }
0x47: {  	[spmem:s1] =	stream.indirect.scatter.add.f32 [tilespmem:s23], [sflag:$0x4], $0x80, s28, s20, $0xb8;
	[tilespmem:$0x1B380] =	vst v63  }
0x48: {  	_ =	swait.ge [sflag:s19], $0x2800  }
0x49: {  	[sflag:s19] =	ssyncset.done $0x0  }
0x4a: {  	[sflag:s19] =	ssyncadd.s32 $0xFFFFD800  }
0x4b: {  	_ =	swait.ge [sflag:s0], $0x2800  }
0x4c: {  	[sflag:s0] =	ssyncset.done $0x0  }
0x4d: {  	[sflag:s0] =	ssyncadd.s32 $0xFFFFD800  }
0x4e: {  	[spmem:s1] =	stream.indirect.scatter.add.f32 [tilespmem:s25], [sflag:$0x4], $0x80, s29, s20, $0xb8;
	[tilespmem:$0x1B380] =	vst v63  }
0x4f: {  	s6 =	smov.u32 s7;
	_ =	swait.ge [sflag:s19], $0x2800  }
0x50: {  	s8 =	sadd.s32 $0x1E, s5;
	s9 =	simm.s32 $0x27;
	[sflag:s19] =	ssyncset.done $0x0  }
.LBB2_2:
0x51: {  	s10 =	sadd.s32 s8, s16;
	[sflag:s19] =	ssyncadd.s32 $0xFFFFD800;
	s6 =	sadd.s32 $0x1E, s6  }
0x52: {  	[tilespmem:s3], [sflag:$0x4] =	stream.linear.gather [hbm4b:s10+s3], $0x50, $0x38;
	[tilespmem:$0x1B380] =	vst v63  }
0x53: {  	p1 =	sne.s32 s9, $0x1;
	s9 =	sadd.s32 $0xFFFFFFFF, s9;
	_ =	swait.ge [sflag:s19], $0x50  }
0x54: {  	[sflag:s19] =	ssyncset.done $0x0  }
0x55: {  	[sflag:s19] =	ssyncadd.s32 $0xFFFFFFB0  }
0x56: {  	[tilespmem:s21], [sflag:$0x1] =	stream.indirect.gather [hbm4b:s4+s20], $0x80, s3, s20, $0xb8;
	[tilespmem:$0x1B380] =	vst v63  }
0x57: {  	s10 =	sadd.s32 s8, s15  }
0x58: {  	[tilespmem:s22], [sflag:$0x4] =	stream.linear.gather [hbm4b:s10+s3], $0x50, $0x38;
	[tilespmem:$0x1B380] =	vst v63  }
0x59: {  	_ =	swait.ge [sflag:s19], $0x50  }
0x5a: {  	[sflag:s19] =	ssyncset.done $0x0  }
0x5b: {  	[sflag:s19] =	ssyncadd.s32 $0xFFFFFFB0  }
0x5c: {  	[tilespmem:s23], [sflag:$0x2] =	stream.indirect.gather [hbm4b:s4+s20], $0x80, s22, s20, $0xb8;
	[tilespmem:$0x1B380] =	vst v63  }
0x5d: {  	s10 =	sadd.s32 s8, s14  }
0x5e: {  	[tilespmem:s24], [sflag:$0x4] =	stream.linear.gather [hbm4b:s10+s3], $0x50, $0x38;
	[tilespmem:$0x1B380] =	vst v63  }
0x5f: {  	_ =	swait.ge [sflag:s19], $0x50  }
0x60: {  	[sflag:s19] =	ssyncset.done $0x0  }
0x61: {  	[sflag:s19] =	ssyncadd.s32 $0xFFFFFFB0  }
0x62: {  	[tilespmem:s25], [sflag:$0x3] =	stream.indirect.gather [hbm4b:s4+s20], $0x80, s24, s20, $0xb8;
	[tilespmem:$0x1B380] =	vst v63  }
0x63: {  	s10 =	sadd.s32 s6, s16  }
0x64: {  	[tilespmem:s26], [sflag:$0x4] =	stream.linear.gather [hbm4b:s10+s3], $0x50, $0x38;
	[tilespmem:$0x1B380] =	vst v63  }
0x65: {  	_ =	swait.ge [sflag:s19], $0x50  }
0x66: {  	[sflag:s19] =	ssyncset.done $0x0  }
0x67: {  	s10 =	sadd.s32 s6, s15;
	[sflag:s19] =	ssyncadd.s32 $0xFFFFFFB0  }
0x68: {  	[tilespmem:s28], [sflag:$0x4] =	stream.linear.gather [hbm4b:s10+s3], $0x50, $0x38;
	[tilespmem:$0x1B380] =	vst v63  }
0x69: {  	_ =	swait.ge [sflag:s19], $0x50  }
0x6a: {  	[sflag:s19] =	ssyncset.done $0x0  }
0x6b: {  	s10 =	sadd.s32 s6, s14;
	[sflag:s19] =	ssyncadd.s32 $0xFFFFFFB0  }
0x6c: {  	[tilespmem:s29], [sflag:$0x4] =	stream.linear.gather [hbm4b:s10+s3], $0x50, $0x38;
	[tilespmem:$0x1B380] =	vst v63  }
0x6d: {  	_ =	swait.ge [sflag:s19], $0x50  }
0x6e: {  	[sflag:s19] =	ssyncset.done $0x0  }
0x6f: {  	[sflag:s19] =	ssyncadd.s32 $0xFFFFFFB0  }
0x70: {  	_ =	swait.ge [sflag:s30], $0x2800  }
0x71: {  	[sflag:s30] =	ssyncset.done $0x0  }
0x72: {  	[sflag:s30] =	ssyncadd.s32 $0xFFFFD800  }
0x73: {  	[spmem:s1] =	stream.indirect.scatter.add.f32 [tilespmem:s21], [sflag:$0x4], $0x80, s26, s20, $0xb8;
	[tilespmem:$0x1B380] =	vst v63  }
0x74: {  	_ =	swait.ge [sflag:s19], $0x2800  }
0x75: {  	[sflag:s19] =	ssyncset.done $0x0  }
0x76: {  	[sflag:s19] =	ssyncadd.s32 $0xFFFFD800  }
0x77: {  	_ =	swait.ge [sflag:s31], $0x2800  }
0x78: {  	[sflag:s31] =	ssyncset.done $0x0  }
0x79: {  	[sflag:s31] =	ssyncadd.s32 $0xFFFFD800  }
0x7a: {  	[spmem:s1] =	stream.indirect.scatter.add.f32 [tilespmem:s23], [sflag:$0x4], $0x80, s28, s20, $0xb8;
	[tilespmem:$0x1B380] =	vst v63  }
0x7b: {  	_ =	swait.ge [sflag:s19], $0x2800  }
0x7c: {  	[sflag:s19] =	ssyncset.done $0x0  }
0x7d: {  	[sflag:s19] =	ssyncadd.s32 $0xFFFFD800  }
0x7e: {  	_ =	swait.ge [sflag:s0], $0x2800  }
.Ltmp0:
0x7f: {  	[sflag:s0] =	ssyncset.done $0x0;
	(pc) =	sbr.rel @p1 .LBB2_2-.Ltmp0, $4  }
0x80: {  	[sflag:s0] =	ssyncadd.s32 $0xFFFFD800  }
0x81: {  	[spmem:s1] =	stream.indirect.scatter.add.f32 [tilespmem:s25], [sflag:$0x4], $0x80, s29, s20, $0xb8;
	[tilespmem:$0x1B380] =	vst v63  }
0x82: {  	_ =	swait.ge [sflag:s19], $0x2800  }
0x83: {  	s8 =	sadd.s32 $0x1E, s8;
	[sflag:s19] =	ssyncset.done $0x0  }
0x84: {  	s9 =	sadd.s32 s8, s16;
	[sflag:s19] =	ssyncadd.s32 $0xFFFFD800  }
0x85: {  	[tilespmem:s3], [sflag:$0x4] =	stream.linear.gather [hbm4b:s9+s3], $0x50, $0x38;
	[tilespmem:$0x1B380] =	vst v63  }
0x86: {  	_ =	swait.ge [sflag:s19], $0x50  }
0x87: {  	[sflag:s19] =	ssyncset.done $0x0  }
0x88: {  	[sflag:s19] =	ssyncadd.s32 $0xFFFFFFB0  }
0x89: {  	[tilespmem:s21], [sflag:$0x1] =	stream.indirect.gather [hbm4b:s4+s20], $0x80, s3, s20, $0xb8;
	[tilespmem:$0x1B380] =	vst v63  }
0x8a: {  	s10 =	sadd.s32 s8, s15  }
0x8b: {  	[tilespmem:s22], [sflag:$0x4] =	stream.linear.gather [hbm4b:s10+s3], $0x50, $0x38;
	[tilespmem:$0x1B380] =	vst v63  }
0x8c: {  	_ =	swait.ge [sflag:s19], $0x50  }
0x8d: {  	[sflag:s19] =	ssyncset.done $0x0  }
0x8e: {  	[sflag:s19] =	ssyncadd.s32 $0xFFFFFFB0  }
0x8f: {  	[tilespmem:s23], [sflag:$0x2] =	stream.indirect.gather [hbm4b:s4+s20], $0x80, s22, s20, $0xb8;
	[tilespmem:$0x1B380] =	vst v63  }
0x90: {  	s10 =	sadd.s32 s8, s14  }
0x91: {  	[tilespmem:s24], [sflag:$0x4] =	stream.linear.gather [hbm4b:s10+s3], $0x50, $0x38;
	[tilespmem:$0x1B380] =	vst v63  }
0x92: {  	_ =	swait.ge [sflag:s19], $0x50  }
0x93: {  	[sflag:s19] =	ssyncset.done $0x0  }
0x94: {  	s6 =	sadd.s32 $0x1E, s6;
	[sflag:s19] =	ssyncadd.s32 $0xFFFFFFB0  }
0x95: {  	[tilespmem:s25], [sflag:$0x3] =	stream.indirect.gather [hbm4b:s4+s20], $0x80, s24, s20, $0xb8;
	[tilespmem:$0x1B380] =	vst v63  }
0x96: {  	s9 =	sadd.s32 s6, s16  }
0x97: {  	[tilespmem:s26], [sflag:$0x4] =	stream.linear.gather [hbm4b:s9+s3], $0x50, $0x38;
	[tilespmem:$0x1B380] =	vst v63  }
0x98: {  	_ =	swait.ge [sflag:s19], $0x50  }
0x99: {  	[sflag:s19] =	ssyncset.done $0x0  }
0x9a: {  	s10 =	sadd.s32 s6, s15;
	[sflag:s19] =	ssyncadd.s32 $0xFFFFFFB0  }
0x9b: {  	[tilespmem:s28], [sflag:$0x4] =	stream.linear.gather [hbm4b:s10+s3], $0x50, $0x38;
	[tilespmem:$0x1B380] =	vst v63  }
0x9c: {  	_ =	swait.ge [sflag:s19], $0x50  }
0x9d: {  	[sflag:s19] =	ssyncset.done $0x0  }
0x9e: {  	s6 =	sadd.s32 s6, s14;
	[sflag:s19] =	ssyncadd.s32 $0xFFFFFFB0  }
0x9f: {  	[tilespmem:s29], [sflag:$0x4] =	stream.linear.gather [hbm4b:s6+s3], $0x50, $0x38;
	[tilespmem:$0x1B380] =	vst v63  }
0xa0: {  	_ =	swait.ge [sflag:s19], $0x50  }
0xa1: {  	[sflag:s19] =	ssyncset.done $0x0  }
0xa2: {  	[sflag:s19] =	ssyncadd.s32 $0xFFFFFFB0  }
0xa3: {  	_ =	swait.ge [sflag:s30], $0x2800  }
0xa4: {  	[sflag:s30] =	ssyncset.done $0x0  }
0xa5: {  	[sflag:s30] =	ssyncadd.s32 $0xFFFFD800  }
0xa6: {  	[spmem:s1] =	stream.indirect.scatter.add.f32 [tilespmem:s21], [sflag:$0x4], $0x80, s26, s20, $0xb8;
	[tilespmem:$0x1B380] =	vst v63  }
0xa7: {  	_ =	swait.ge [sflag:s19], $0x2800  }
0xa8: {  	[sflag:s19] =	ssyncset.done $0x0  }
0xa9: {  	[sflag:s19] =	ssyncadd.s32 $0xFFFFD800  }
0xaa: {  	_ =	swait.ge [sflag:s31], $0x2800  }
0xab: {  	[sflag:s31] =	ssyncset.done $0x0  }
0xac: {  	[sflag:s31] =	ssyncadd.s32 $0xFFFFD800  }
0xad: {  	[spmem:s1] =	stream.indirect.scatter.add.f32 [tilespmem:s23], [sflag:$0x4], $0x80, s28, s20, $0xb8;
	[tilespmem:$0x1B380] =	vst v63  }
0xae: {  	_ =	swait.ge [sflag:s19], $0x2800  }
0xaf: {  	[sflag:s19] =	ssyncset.done $0x0  }
0xb0: {  	[sflag:s19] =	ssyncadd.s32 $0xFFFFD800  }
0xb1: {  	_ =	swait.ge [sflag:s0], $0x2800  }
0xb2: {  	[sflag:s0] =	ssyncset.done $0x0  }
0xb3: {  	[sflag:s0] =	ssyncadd.s32 $0xFFFFD800  }
0xb4: {  	[spmem:s1] =	stream.indirect.scatter.add.f32 [tilespmem:s25], [sflag:$0x4], $0x80, s29, s20, $0xb8;
	[tilespmem:$0x1B380] =	vst v63  }
0xb5: {  	_ =	swait.ge [sflag:s19], $0x2800  }
0xb6: {  	[sflag:s19] =	ssyncset.done $0x0  }
0xb7: {  	s8 =	rddreg [dreg:$0x4];
	[sflag:s19] =	ssyncadd.s32 $0xFFFFD800  }
0xb8: {  	[tilespmem:s3], [sflag:$0x4] =	stream.linear.gather [hbm4b:s8+s3], $0x50, $0x38;
	[tilespmem:$0x1B380] =	vst v63  }
0xb9: {  	_ =	swait.ge [sflag:s19], $0x50  }
0xba: {  	[sflag:s19] =	ssyncset.done $0x0  }
0xbb: {  	[sflag:s19] =	ssyncadd.s32 $0xFFFFFFB0  }
0xbc: {  	[tilespmem:s21], [sflag:$0x1] =	stream.indirect.gather [hbm4b:s4+s20], $0x80, s3, s20, $0xb8;
	[tilespmem:$0x1B380] =	vst v63  }
0xbd: {  	s9 =	rddreg [dreg:$0x5]  }
0xbe: {  	[tilespmem:s26], [sflag:$0x4] =	stream.linear.gather [hbm4b:s9+s3], $0x50, $0x38;
	[tilespmem:$0x1B380] =	vst v63  }
0xbf: {  	_ =	swait.ge [sflag:s19], $0x50  }
0xc0: {  	[sflag:s19] =	ssyncset.done $0x0  }
0xc1: {  	[sflag:s19] =	ssyncadd.s32 $0xFFFFFFB0  }
0xc2: {  	_ =	swait.ge [sflag:s30], $0x2800  }
0xc3: {  	[sflag:s30] =	ssyncset.done $0x0  }
0xc4: {  	[sflag:s30] =	ssyncadd.s32 $0xFFFFD800  }
0xc5: {  	[spmem:s1] =	stream.indirect.scatter.add.f32 [tilespmem:s21], [sflag:$0x4], $0x80, s26, s20, $0xb8;
	[tilespmem:$0x1B380] =	vst v63  }
0xc6: {  	_ =	swait.ge [sflag:s19], $0x2800  }
0xc7: {  	[sflag:s19] =	ssyncset.done $0x0  }
0xc8: {  	s10 =	rddreg [dreg:$0x6];
	[sflag:s19] =	ssyncadd.s32 $0xFFFFD800  }
0xc9: {  	[tilespmem:s3], [sflag:$0x4] =	stream.linear.gather [hbm4b:s10+s3], $0x50, $0x38;
	[tilespmem:$0x1B380] =	vst v63  }
0xca: {  	_ =	swait.ge [sflag:s19], $0x50  }
0xcb: {  	[sflag:s19] =	ssyncset.done $0x0  }
0xcc: {  	[sflag:s19] =	ssyncadd.s32 $0xFFFFFFB0  }
0xcd: {  	[tilespmem:s21], [sflag:$0x1] =	stream.indirect.gather [hbm4b:s4+s20], $0x80, s3, s20, $0xb8;
	[tilespmem:$0x1B380] =	vst v63  }
0xce: {  	_ = 	snop  }
0xcf: {  	[tilespmem:s26], [sflag:$0x4] =	stream.linear.gather [hbm4b:s11+s3], $0x50, $0x38;
	[tilespmem:$0x1B380] =	vst v63  }
0xd0: {  	_ =	swait.ge [sflag:s19], $0x50  }
0xd1: {  	[sflag:s19] =	ssyncset.done $0x0  }
0xd2: {  	[sflag:s19] =	ssyncadd.s32 $0xFFFFFFB0  }
0xd3: {  	_ =	swait.ge [sflag:s30], $0x2800  }
0xd4: {  	[sflag:s30] =	ssyncset.done $0x0  }
0xd5: {  	[sflag:s30] =	ssyncadd.s32 $0xFFFFD800  }
0xd6: {  	[spmem:s1] =	stream.indirect.scatter.add.f32 [tilespmem:s21], [sflag:$0x4], $0x80, s26, s20, $0xb8;
	[tilespmem:$0x1B380] =	vst v63  }
0xd7: {  	_ =	swait.ge [sflag:s19], $0x2800  }
0xd8: {  	s2 =	sadd.s32 $0x1, s2;
	[sflag:s19] =	ssyncset.done $0x0  }
0xd9: {  	p1 =	sne.s32 s2, s13;
	[sflag:s19] =	ssyncadd.s32 $0xFFFFD800  }
.Ltmp1:
0xda: {  	s6 =	simm.s32 @!p0 $0x4;
	[bflag:$0x0] =	sbarrier.arrive $0xFFFF;
	(pc) =	sbr.rel @p1 .LBB2_1-.Ltmp1, $4  }
0xdb: {  	[hbm:s12], [sflag:s17] =	dma.local @!p0 [spmem:s18], $0x3E80  }
0xdc: {  	_ =	swait.ge @!p0 [sflag:s6], $0x3E80  }
0xdd: {  	[sflag:s6] =	ssyncset.done @!p0 $0x0  }
0xde: {  	[sflag:s6] =	ssyncadd.s32 @!p0 $0xFFFFC180  }
0xdf: {  	_ =	sfence.sel $0x180000  }
0xe0: {  	[bflag:$0x0] =	sbarrier.arrive $0xFFFF  }
0xe1: {  	_ =	strace $0x9000004D  }
0xe2: {  	s0 =	stileid.u32;
	[bflag:$0x2] =	sbarrier.arrive $0xFFFF  }
0xe3: {  	p0 =	sne.s32 s0, $0x0;
	s0 =	rddreg [dreg:$0x2]  }
0xe4: {  	s0 =	sadd.s32 @!p0 $0x100000, s0  }
0xe5: {  	[sflag:s0] =	ssyncadd.tile.s32 @!p0 $0x1;
	_ =	shalt  }
.Lfunc_end2:
_tile_overlayer_lowered:
.L_overlay_start_2:
0xe6: {  	(tag) =	ssettag $0x2  }
0xe7: {  	s0 =	rddreg [dreg:$0x0];
	s2 =	stileid.u32  }
0xe8: {  	s1 =	rddreg [dreg:$0x1];
	p0 =	sne.s32 s2, $0x0  }
0xe9: {  	s3 =	rddreg [dreg:$0x2];
	[bflag:$0x3] =	sbarrier.arrive $0xFFFF;
	s2 =	simm.s32 @!p0 $0x1C04  }
0xea: {  	[timem:s3], [sflag:s2] =	dma.local @!p0 [hbm:s0], s1  }
0xeb: {  	s0 =	simm.s32 @!p0 $0x4  }
0xec: {  	_ =	swait.ge @!p0 [sflag:s0], s1  }
0xed: {  	s1 =	ssub.s32 @!p0 $0x0, s1;
	[sflag:s0] =	ssyncset.done @!p0 $0x0  }
0xee: {  	[sflag:s0] =	ssyncadd.s32 @!p0 s1  }
0xef: {  	[bflag:$0x3] =	sbarrier.arrive $0xFFFF  }
0xf0: {  	_ =	shalt  }

// kernel: kernel.21.cloned.1.call-start
scs
__scs_entry_jumppad:
0x0: {  	(pc) =	sbr.rel $0x88, $3  }
0x1: {  	(tag) =	ssettag $0x0;
	lr =	simm.s32 $0x1  }
0x2: {  	[smem:$0x3F8A] =	sst lr;
	_ =	strace $0xD0000000  }
0x3: {  	_ = 	snop  }
0x4: {  	_ = 	snop  }
0x5: {  	_ = 	snop  }
0x6: {  	_ = 	snop  }
0x7: {  	_ = 	snop  }
__scs_overlays_trampoline_lowered:
0x8: {  	[smem:$0x3F99] =	sst s0  }
0x9: {  	[smem:$0x3F9A] =	sst s1  }
0xa: {  	[smem:$0x3F9B] =	sst s2  }
0xb: {  	[smem:$0x3F9C] =	sst s3  }
0xc: {  	[smem:$0x3F9D] =	sst s4  }
0xd: {  	[smem:$0x3F9E] =	sst s5  }
0xe: {  	[smem:$0x3F9F] =	sst s6  }
0xf: {  	[smem:$0x3FA0] =	sst s7  }
0x10: {  	[smem:$0x3FA1] =	sst s8  }
0x11: {  	[smem:$0x3FA2] =	sst s9;
	s0 =	simm.s32 @!p0 $0x0  }
0x12: {  	s1 =	sld [smem:$0x3F88];
	s0 =	simm.s32 @p0 $0x1  }
0x13: {  	[smem:$0x3FA3] =	sst s0;
	s0 =	simm.s32 @!p1 $0x0  }
0x14: {  	s2 =	sld [smem:$0x3F87];
	s0 =	simm.s32 @p1 $0x1  }
0x15: {  	[smem:$0x3FA4] =	sst s0;
	s0 =	simm.s32 @!p2 $0x0  }
0x16: {  	s3 =	sld [smem:$0x3FDB];
	s0 =	simm.s32 @p2 $0x1  }
0x17: {  	s4 =	simm.s32 $0x1BF5;
	[smem:$0x3FA6] =	sst s0  }
0x18: {  	s0 =	sld [smem:$0x3F89];
	_ =	swait.ge [sflag:s4], $0x0  }
0x19: {  	s7 =	sld [smem:$0x3F8A]  }
0x1a: {  	s8 =	sadd.s32 $0xFFFFE003, lr  }
0x1b: {  	s9 =	sadd.s32 $0xFFFFFEF7, lr;
	s5 =	simm.s32 $0xFFFFFFFF;
	p2 =	slt.u32 s8, $0xFFFFF086  }
0x1c: {  	p1 =	slt.u32 s9, $0xF7A;
	s5 =	simm.s32 @!p2 $0x0  }
0x1d: {  	s5 =	simm.s32 @p1 $0x1;
	p0 =	seq.s32 s7, s2  }
0x1e: {  	s7 =	smul.u32 @!p0 $0xF7A, s2;
	p2 =	seq.s32 @!p0 s5, $0x0  }
0x1f: {  	s9 =	smul.u32 $0xF7A, s1;
	s8 =	simm.s32 @!p0 $0x1BF5;
	p2 =	por !p2, p0  }
0x20: {  	[sflag:s8] =	ssyncset.s32 @!p0 $0xFFFFF086;
	s6 =	sadd.s32 @!p0 s3, s7;
	s7 =	simm.s32 @!p0 $0x108  }
0x21: {  	s3 =	sadd.s32 s3, s9;
	s6 =	sadd.s32 @!p0 $0x88, s6;
	s7 =	simm.s32 @p2 $0x1082  }
0x22: {  	[simem:s7], [sflag:s8] =	dma.local @!p0 [hbm:s6], $0xF7A  }
0x23: {  	s9 =	sor.u32 $0xD0000000, s2;
	s6 =	simm.s32 $0x108;
	_ =	swait.ge @!p0 [sflag:s8], $0x0  }
0x24: {  	s3 =	sadd.s32 $0x88, s3;
	s6 =	simm.s32 @!p1 $0x1082;
	[sflag:s4] =	ssyncset.s32 $0xFFFFF086  }
0x25: {  	[simem:s6], [sflag:s4] =	dma.local [hbm:s3], $0xF7A  }
0x26: {  	[smem:$0x3F8A] =	sst s1;
	(tag) =	ssettag s2;
	_ =	strace s9  }
0x27: {  	s1 =	sld [smem:$0x3F9A]  }
0x28: {  	s2 =	sld [smem:$0x3F9B]  }
0x29: {  	s4 =	sld [smem:$0x3F9D]  }
0x2a: {  	p0 =	seq.s32 s5, $0x0;
	s5 =	sld [smem:$0x3F9E]  }
0x2b: {  	s6 =	sld [smem:$0x3F9F]  }
0x2c: {  	s7 =	sld [smem:$0x3FA0]  }
0x2d: {  	s3 =	simm.s32 $0x108;
	s8 =	sld [smem:$0x3FA1]  }
0x2e: {  	s3 =	simm.s32 @!p0 $0x1082;
	s9 =	sld [smem:$0x3FA2]  }
0x2f: {  	lr =	sadd.s32 s0, s3;
	s0 =	sld [smem:$0x3F99]  }
0x30: {  	s3 =	sld [smem:$0x3F9C]  }
0x31: {  	[smem:$0x3FA5] =	sst s10  }
0x32: {  	s10 =	sld [smem:$0x3FA3];
	_ =	sdelay $0x3  }
0x33: {  	p0 =	seq.s32 s10, $0x1;
	s10 =	sld [smem:$0x3FA5];
	_ =	sdelay $0x3  }
0x34: {  	[smem:$0x3FA5] =	sst s10  }
0x35: {  	s10 =	sld [smem:$0x3FA4];
	_ =	sdelay $0x3  }
0x36: {  	p1 =	seq.s32 s10, $0x1;
	s10 =	sld [smem:$0x3FA5];
	_ =	sdelay $0x3  }
0x37: {  	[smem:$0x3FA5] =	sst s10  }
0x38: {  	s10 =	sld [smem:$0x3FA6]  }
0x39: {  	_ = 	snop;
	(pc) =	sbr.ind lr, $3  }
0x3a: {  	_ = 	snop  }
0x3b: {  	_ = 	snop  }
0x3c: {  	p2 =	seq.s32 s10, $0x1;
	s10 =	sld [smem:$0x3FA5]  }
0x3d: {  	_ =	shalt  }
0x3e: {  	_ =	shalt  }
0x3f: {  	_ =	shalt  }
0x40: {  	_ =	shalt  }
0x41: {  	_ =	shalt  }
0x42: {  	_ =	shalt  }
0x43: {  	_ =	shalt  }
0x44: {  	_ =	shalt  }
0x45: {  	_ =	shalt  }
0x46: {  	_ =	shalt  }
0x47: {  	_ =	shalt  }
0x48: {  	_ =	shalt  }
0x49: {  	_ =	shalt  }
0x4a: {  	_ =	shalt  }
0x4b: {  	_ =	shalt  }
0x4c: {  	_ =	shalt  }
0x4d: {  	_ =	shalt  }
0x4e: {  	_ =	shalt  }
0x4f: {  	_ =	shalt  }
0x50: {  	_ =	shalt  }
0x51: {  	_ =	shalt  }
0x52: {  	_ =	shalt  }
0x53: {  	_ =	shalt  }
0x54: {  	_ =	shalt  }
0x55: {  	_ =	shalt  }
0x56: {  	_ =	shalt  }
0x57: {  	_ =	shalt  }
0x58: {  	_ =	shalt  }
0x59: {  	_ =	shalt  }
0x5a: {  	_ =	shalt  }
0x5b: {  	_ =	shalt  }
0x5c: {  	_ =	shalt  }
0x5d: {  	_ =	shalt  }
0x5e: {  	_ =	shalt  }
0x5f: {  	_ =	shalt  }
0x60: {  	_ =	shalt  }
0x61: {  	_ =	shalt  }
0x62: {  	_ =	shalt  }
0x63: {  	_ =	shalt  }
0x64: {  	_ =	shalt  }
0x65: {  	_ =	shalt  }
0x66: {  	_ =	shalt  }
0x67: {  	_ =	shalt  }
0x68: {  	_ =	shalt  }
0x69: {  	_ =	shalt  }
0x6a: {  	_ =	shalt  }
0x6b: {  	_ =	shalt  }
0x6c: {  	_ =	shalt  }
0x6d: {  	_ =	shalt  }
0x6e: {  	_ =	shalt  }
0x6f: {  	_ =	shalt  }
0x70: {  	_ =	shalt  }
0x71: {  	_ =	shalt  }
0x72: {  	_ =	shalt  }
0x73: {  	_ =	shalt  }
0x74: {  	_ =	shalt  }
0x75: {  	_ =	shalt  }
0x76: {  	_ =	shalt  }
0x77: {  	_ =	shalt  }
0x78: {  	_ =	shalt  }
0x79: {  	_ =	shalt  }
0x7a: {  	_ =	shalt  }
0x7b: {  	_ =	shalt  }
0x7c: {  	_ =	shalt  }
0x7d: {  	_ =	shalt  }
0x7e: {  	_ =	shalt  }
0x7f: {  	_ =	shalt  }
0x80: {  	_ =	shalt  }
0x81: {  	_ =	shalt  }
0x82: {  	_ =	shalt  }
0x83: {  	_ =	shalt  }
0x84: {  	_ =	shalt  }
0x85: {  	_ =	shalt  }
0x86: {  	_ =	shalt  }
0x87: {  	_ =	shalt  }
.Lfunc_end0:
.L_simem_size_0:
called_computation.3_lowered:
.L_overlay_start_0:
0x88: {  	s2 =	sld [smem:$0x3FD9]  }
0x89: {  	s3 =	sld [smem:$0x3FFE];
	_ =	sdelay $0x1  }
0x8a: {  	s1 =	srdreg.scid  }
0x8b: {  	s0 =	sand.u32 $0x1, s1  }
0x8c: {  	s16 =	sshll.u32 s0, $0xA;
	s2 =	sadd.s32 s3, s2  }
0x8d: {  	s2 =	sadd.s32 s2, s16  }
0x8e: {  	[smem:$0x3FB1] =	sst s2  }
0x8f: {  	_ = 	snop  }
0x90: {  	(tm) =	ssettm $0x1  }
0x91: {  	s17 =	sld [smem:$0x3FFB];
	_ =	sdelay $0x3  }
0x92: {  	_ =	strace s17  }
0x93: {  	s2 =	sld [smem:$0x3FFC];
	_ =	sdelay $0x3  }
0x94: {  	_ =	strace s2  }
0x95: {  	s2 =	sld [smem:$0x3FFD];
	_ =	sdelay $0x3  }
0x96: {  	_ =	strace s2  }
0x97: {  	_ =	strace $0x8FFFFFFF  }
0x98: {  	s18 =	sld [smem:$0x3FDB];
	_ =	sdelay $0x1  }
0x99: {  	s19 =	simm.s32 $_scs_section_size  }
0x9a: {  	s4 =	simm.s32 $_size__tile_overlayer_lowered;
	s5 =	simm.s32 $_tile_overlayer_lowered  }
0x9b: {  	s22 =	simm.s32 $0x1BFF;
	s21 =	sshll.u32 s5, $0x1;
	s2 =	sadd.s32 s19, s18  }
0x9c: {  	s6 =	simm.s32 $0x0;
	s20 =	sshll.u32 s4, $0x1;
	s4 =	sadd.s32 s21, s2  }
0x9d: {  	[timem:s6], [sflag:s22] =	dma.local [hbm:s4], s20  }
0x9e: {  	_ =	swait.ge [sflag:s22], s20  }
0x9f: {  	s3 =	ssub.s32 $0x0, s20;
	[sflag:s22] =	ssyncset.done $0x0  }
0xa0: {  	[sflag:s22] =	ssyncadd.s32 s3;
	_ =	sdelay $0x1  }
0xa1: {  	s23 =	simm.s32 $0x1B8B  }
0xa2: {  	_ =	swait.ge [sflag:s23], $0x1  }
0xa3: {  	[sflag:s23] =	ssyncset.done $0x0  }
0xa4: {  	s25 =	simm.s32 $0x1B8E;
	s24 =	sld [smem:$0x3FFE];
	[sflag:s23] =	ssyncadd.s32 $0xFFFFFFFF  }
0xa5: {  	s26 =	simm.s32 $execute0_lowered;
	[smem:$0x3FD2] =	sst s25  }
0xa6: {  	s4 =	sshll.u32 s26, $0x1;
	_ =	strace $0x8000004F;
	[dreg:$0x1] =	wrdreg $0xFFFFFFFF  }
0xa7: {  	s28 =	simm.s32 $_size_execute0_lowered;
	s2 =	sadd.s32 s2, s4;
	[dreg:$0x0] =	wrdreg $0x0  }
0xa8: {  	s4 =	sshll.u32 s28, $0x1;
	[dreg:$0x2] =	wrdreg s2  }
0xa9: {  	[dreg:$0x3] =	wrdreg s4  }
0xaa: {  	[dreg:$0x4] =	wrdreg $0xC0  }
0xab: {  	_ =	task [dreg:s6], $0x5FFFF  }
0xac: {  	[dreg:$0x1] =	wrdreg $0xFFFFFFFF  }
0xad: {  	[dreg:$0x0] =	wrdreg $0x60  }
0xae: {  	[dreg:$0x2] =	wrdreg s24  }
0xaf: {  	[dreg:$0x3] =	wrdreg $0x7B000  }
0xb0: {  	[dreg:$0x4] =	wrdreg $0x9  }
0xb1: {  	_ =	task.clear_ibuf [dreg:s6], $0x5FFFF;
	_ =	strace $0x9000004F  }
0xb2: {  	s29 =	simm.s32 $0x9;
	_ =	strace $0x80000051  }
0xb3: {  	_ =	swait.ge [sflag:s29], $0x1  }
0xb4: {  	[sflag:s29] =	ssyncadd.s32 $0xFFFFFFFF  }
0xb5: {  	_ =	strace $0x90000051  }
0xb6: {  	_ =	sfence  }
0xb7: {  	s30 =	sld [smem:$0x0];
	_ =	sdelay $0x2  }
0xb8: {  	s31 =	sshll.u32 s1, $0xD;
	s1 =	sshrl.u32 s1, $0x2  }
0xb9: {  	s3 =	sand.u32 $0x4000, s31;
	s1 =	sadd.s32 s1, s30  }
0xba: {  	s0 =	sor.u32 s3, s0;
	s1 =	sshll.u32 s1, $0x11  }
0xbb: {  	s0 =	sor.u32 s1, s0  }
0xbc: {  	s0 =	sadd.s32 $0x8F2B, s0  }
0xbd: {  	[sflag:s0] =	ssyncadd.remote.s32 $0x1  }
0xbe: {  	_ =	sfence.sel $0xFFFF  }
0xbf: {  	[dreg:$0x0] =	wrdreg $0xFFFFFFFF;
	(pc) =	sbr.abs _section_cstart, $3  }
0xc0: {  	[dreg:$0x1] =	wrdreg $0xFFFFFFFF  }
0xc1: {  	_ =	task.clear_ibuf [dreg:s6], $0x2FFFF;
	_ =	strace $0x9FFFFFFF  }
0xc2: {  	(tm) =	ssettm $0x7FFFFFFF  }
0xc3: {  	_ =	shalt  }
tec
execute0_lowered:
.L_overlay_start_1:
0x0: {  	(tag) =	ssettag $0x1  }
0x1: {  	s0 =	rddreg [dreg:$0x0]  }
0x2: {  	s1 =	rddreg [dreg:$0x1]  }
0x3: {  	s3 =	simm.s32 $0x0;
	s2 =	srdreg.scid;
	s15 =	stileid.u32  }
0x4: {  	s28 =	simm.s32 $0x200;
	s29 =	simm.s32 $0x280;
	s30 =	simm.s32 $0x1  }
0x5: {  	s31 =	simm.s32 $0x2;
	[smem:$0x7FF] =	sst s3;
	s2 =	sand.u32 $0x1, s2  }
0x6: {  	s8 =	smul.u32 $0x1F400, s15;
	s4 =	sadd.s32 $0x1BA00, s0;
	s5 =	sadd.s32 $0x3E00, s0  }
0x7: {  	s7 =	sadd.s32 $0xDC00, s0;
	s9 =	sadd.s32 $0x17A00, s0;
	s10 =	smul.u32 $0x7D000, s15  }
0x8: {  	s18 =	sshll.u32 s15, $0x1;
	s13 =	smul.u32 $0x4E20, s15;
	p0 =	sgt.u32 s15, $0x9  }
0x9: {  	s6 =	smul.u32 $0x138800, s2;
	_ =	strace $0x80000050;
	s19 =	ssub.s32 $0x2, s2  }
0xa: {  	[dreg:$0x3] =	wrdreg s9;
	s11 =	sshrl.u32 s19, $0x1;
	s21 =	sshrl.u32 s10, $0x2  }
0xb: {  	s6 =	sadd.s32 s8, s6;
	s8 =	sor.u32 s2, s18;
	s20 =	ssub.s32 s19, s11  }
0xc: {  	s9 =	sadd.s32 s21, s1;
	s2 =	smul.u32 $0x2710, s2;
	s19 =	simm.s32 $0x4  }
0xd: {  	s21 =	simm.s32 $0x300;
	s6 =	sshrl.u32 s6, $0x3;
	s8 =	smul.u32 $0x2710, s8  }
0xe: {  	s18 =	sshrl.u32 @!p0 s9, $0x3;
	s0 =	sadd.s32 s6, s0;
	s25 =	sadd.s32 s2, s13  }
0xf: {  	s13 =	smax.u32 s20, $0x1;
	s6 =	sshll.u32 @!p0 s15, $0x6;
	s20 =	simm.s32 $0x50  }
0x10: {  	s8 =	sshrl.u32 s8, $0x3;
	s12 =	sadd.s32 $0x92800, s0;
	s2 =	sadd.s32 $0xA0, s25  }
0x11: {  	s26 =	sadd.s32 $0x50, s25;
	s16 =	sshrl.u32 s25, $0x3;
	s17 =	sor.u32 @!p0 $0x1C04, s6  }
0x12: {  	s25 =	simm.s32 $0x5300;
	s0 =	simm.s32 $0x3;
	s22 =	sadd.s32 $0x4CE, s8  }
0x13: {  	s8 =	sadd.s32 $0x4D8, s8;
	s14 =	sshrl.u32 s2, $0x3;
	s15 =	sshrl.u32 s26, $0x3  }
0x14: {  	s26 =	simm.s32 $0x180;
	s2 =	simm.s32 $0x0;
	s23 =	sadd.s32 s5, s22  }
0x15: {  	s10 =	sadd.s32 s7, s22;
	s24 =	sadd.s32 s5, s8;
	[dreg:$0x4] =	wrdreg s23  }
0x16: {  	s11 =	sadd.s32 s7, s8;
	s22 =	simm.s32 $0x80;
	[dreg:$0x5] =	wrdreg s10  }
0x17: {  	[dreg:$0x6] =	wrdreg s24;
	s23 =	simm.s32 $0x2B00;
	s24 =	simm.s32 $0x100  }
.LBB2_1:
0x18: {  	s6 =	rddreg [dreg:$0x3]  }
0x19: {  	[spmem:s18], [sflag:s17] =	dma.local @!p0 [hbm:s6], $0x3E80  }
0x1a: {  	s6 =	simm.s32 @!p0 $0x4  }
0x1b: {  	_ =	swait.ge @!p0 [sflag:s6], $0x3E80  }
0x1c: {  	[sflag:s6] =	ssyncset.done @!p0 $0x0  }
0x1d: {  	[sflag:s6] =	ssyncadd.s32 @!p0 $0xFFFFC180  }
0x1e: {  	s8 =	sadd.s32 s5, s16;
	[bflag:$0x0] =	sbarrier.arrive $0xFFFF  }
0x1f: {  	[tilespmem:s3], [sflag:$0x4] =	stream.linear.gather [hbm4b:s8+s3], $0x50, $0x38;
	[tilespmem:$0x1B380] =	vst v63  }
0x20: {  	_ =	swait.ge [sflag:s19], $0x50  }
0x21: {  	[sflag:s19] =	ssyncset.done $0x0  }
0x22: {  	[sflag:s19] =	ssyncadd.s32 $0xFFFFFFB0  }
0x23: {  	[tilespmem:s21], [sflag:$0x1] =	stream.indirect.gather [hbm4b:s4+s20], $0x80, s3, s20, $0xb8;
	[tilespmem:$0x1B380] =	vst v63  }
0x24: {  	s9 =	sadd.s32 s5, s15  }
0x25: {  	[tilespmem:s22], [sflag:$0x4] =	stream.linear.gather [hbm4b:s9+s3], $0x50, $0x38;
	[tilespmem:$0x1B380] =	vst v63  }
0x26: {  	_ =	swait.ge [sflag:s19], $0x50  }
0x27: {  	[sflag:s19] =	ssyncset.done $0x0  }
0x28: {  	[sflag:s19] =	ssyncadd.s32 $0xFFFFFFB0  }
0x29: {  	[tilespmem:s23], [sflag:$0x2] =	stream.indirect.gather [hbm4b:s4+s20], $0x80, s22, s20, $0xb8;
	[tilespmem:$0x1B380] =	vst v63  }
0x2a: {  	s10 =	sadd.s32 s5, s14  }
0x2b: {  	[tilespmem:s24], [sflag:$0x4] =	stream.linear.gather [hbm4b:s10+s3], $0x50, $0x38;
	[tilespmem:$0x1B380] =	vst v63  }
0x2c: {  	_ =	swait.ge [sflag:s19], $0x50  }
0x2d: {  	[sflag:s19] =	ssyncset.done $0x0  }
0x2e: {  	[sflag:s19] =	ssyncadd.s32 $0xFFFFFFB0  }
0x2f: {  	[tilespmem:s25], [sflag:$0x3] =	stream.indirect.gather [hbm4b:s4+s20], $0x80, s24, s20, $0xb8;
	[tilespmem:$0x1B380] =	vst v63  }
0x30: {  	s8 =	sadd.s32 s7, s16  }
0x31: {  	[tilespmem:s26], [sflag:$0x4] =	stream.linear.gather [hbm4b:s8+s3], $0x50, $0x38;
	[tilespmem:$0x1B380] =	vst v63  }
0x32: {  	_ =	swait.ge [sflag:s19], $0x50  }
0x33: {  	[sflag:s19] =	ssyncset.done $0x0  }
0x34: {  	s9 =	sadd.s32 s7, s15;
	[sflag:s19] =	ssyncadd.s32 $0xFFFFFFB0  }
0x35: {  	[tilespmem:s28], [sflag:$0x4] =	stream.linear.gather [hbm4b:s9+s3], $0x50, $0x38;
	[tilespmem:$0x1B380] =	vst v63  }
0x36: {  	_ =	swait.ge [sflag:s19], $0x50  }
0x37: {  	[sflag:s19] =	ssyncset.done $0x0  }
0x38: {  	s10 =	sadd.s32 s7, s14;
	[sflag:s19] =	ssyncadd.s32 $0xFFFFFFB0  }
0x39: {  	[tilespmem:s29], [sflag:$0x4] =	stream.linear.gather [hbm4b:s10+s3], $0x50, $0x38;
	[tilespmem:$0x1B380] =	vst v63  }
0x3a: {  	_ =	swait.ge [sflag:s19], $0x50  }
0x3b: {  	[sflag:s19] =	ssyncset.done $0x0  }
0x3c: {  	[sflag:s19] =	ssyncadd.s32 $0xFFFFFFB0  }
0x3d: {  	_ =	swait.ge [sflag:s30], $0x2800  }
0x3e: {  	[sflag:s30] =	ssyncset.done $0x0  }
0x3f: {  	[sflag:s30] =	ssyncadd.s32 $0xFFFFD800  }
0x40: {  	[spmem:s1] =	stream.indirect.scatter.add.f32 [tilespmem:s21], [sflag:$0x4], $0x80, s26, s20, $0xb8;
	[tilespmem:$0x1B380] =	vst v63  }
0x41: {  	_ =	swait.ge [sflag:s19], $0x2800  }
0x42: {  	[sflag:s19] =	ssyncset.done $0x0  }
0x43: {  	[sflag:s19] =	ssyncadd.s32 $0xFFFFD800  }
0x44: {  	_ =	swait.ge [sflag:s31], $0x2800  }
0x45: {  	[sflag:s31] =	ssyncset.done $0x0  }
0x46: {  	[sflag:s31] =	ssyncadd.s32 $0xFFFFD800  }
0x47: {  	[spmem:s1] =	stream.indirect.scatter.add.f32 [tilespmem:s23], [sflag:$0x4], $0x80, s28, s20, $0xb8;
	[tilespmem:$0x1B380] =	vst v63  }
0x48: {  	_ =	swait.ge [sflag:s19], $0x2800  }
0x49: {  	[sflag:s19] =	ssyncset.done $0x0  }
0x4a: {  	[sflag:s19] =	ssyncadd.s32 $0xFFFFD800  }
0x4b: {  	_ =	swait.ge [sflag:s0], $0x2800  }
0x4c: {  	[sflag:s0] =	ssyncset.done $0x0  }
0x4d: {  	[sflag:s0] =	ssyncadd.s32 $0xFFFFD800  }
0x4e: {  	[spmem:s1] =	stream.indirect.scatter.add.f32 [tilespmem:s25], [sflag:$0x4], $0x80, s29, s20, $0xb8;
	[tilespmem:$0x1B380] =	vst v63  }
0x4f: {  	s6 =	smov.u32 s7;
	_ =	swait.ge [sflag:s19], $0x2800  }
0x50: {  	s8 =	sadd.s32 $0x1E, s5;
	s9 =	simm.s32 $0x27;
	[sflag:s19] =	ssyncset.done $0x0  }
.LBB2_2:
0x51: {  	s10 =	sadd.s32 s8, s16;
	[sflag:s19] =	ssyncadd.s32 $0xFFFFD800;
	s6 =	sadd.s32 $0x1E, s6  }
0x52: {  	[tilespmem:s3], [sflag:$0x4] =	stream.linear.gather [hbm4b:s10+s3], $0x50, $0x38;
	[tilespmem:$0x1B380] =	vst v63  }
0x53: {  	p1 =	sne.s32 s9, $0x1;
	s9 =	sadd.s32 $0xFFFFFFFF, s9;
	_ =	swait.ge [sflag:s19], $0x50  }
0x54: {  	[sflag:s19] =	ssyncset.done $0x0  }
0x55: {  	[sflag:s19] =	ssyncadd.s32 $0xFFFFFFB0  }
0x56: {  	[tilespmem:s21], [sflag:$0x1] =	stream.indirect.gather [hbm4b:s4+s20], $0x80, s3, s20, $0xb8;
	[tilespmem:$0x1B380] =	vst v63  }
0x57: {  	s10 =	sadd.s32 s8, s15  }
0x58: {  	[tilespmem:s22], [sflag:$0x4] =	stream.linear.gather [hbm4b:s10+s3], $0x50, $0x38;
	[tilespmem:$0x1B380] =	vst v63  }
0x59: {  	_ =	swait.ge [sflag:s19], $0x50  }
0x5a: {  	[sflag:s19] =	ssyncset.done $0x0  }
0x5b: {  	[sflag:s19] =	ssyncadd.s32 $0xFFFFFFB0  }
0x5c: {  	[tilespmem:s23], [sflag:$0x2] =	stream.indirect.gather [hbm4b:s4+s20], $0x80, s22, s20, $0xb8;
	[tilespmem:$0x1B380] =	vst v63  }
0x5d: {  	s10 =	sadd.s32 s8, s14  }
0x5e: {  	[tilespmem:s24], [sflag:$0x4] =	stream.linear.gather [hbm4b:s10+s3], $0x50, $0x38;
	[tilespmem:$0x1B380] =	vst v63  }
0x5f: {  	_ =	swait.ge [sflag:s19], $0x50  }
0x60: {  	[sflag:s19] =	ssyncset.done $0x0  }
0x61: {  	[sflag:s19] =	ssyncadd.s32 $0xFFFFFFB0  }
0x62: {  	[tilespmem:s25], [sflag:$0x3] =	stream.indirect.gather [hbm4b:s4+s20], $0x80, s24, s20, $0xb8;
	[tilespmem:$0x1B380] =	vst v63  }
0x63: {  	s10 =	sadd.s32 s6, s16  }
0x64: {  	[tilespmem:s26], [sflag:$0x4] =	stream.linear.gather [hbm4b:s10+s3], $0x50, $0x38;
	[tilespmem:$0x1B380] =	vst v63  }
0x65: {  	_ =	swait.ge [sflag:s19], $0x50  }
0x66: {  	[sflag:s19] =	ssyncset.done $0x0  }
0x67: {  	s10 =	sadd.s32 s6, s15;
	[sflag:s19] =	ssyncadd.s32 $0xFFFFFFB0  }
0x68: {  	[tilespmem:s28], [sflag:$0x4] =	stream.linear.gather [hbm4b:s10+s3], $0x50, $0x38;
	[tilespmem:$0x1B380] =	vst v63  }
0x69: {  	_ =	swait.ge [sflag:s19], $0x50  }
0x6a: {  	[sflag:s19] =	ssyncset.done $0x0  }
0x6b: {  	s10 =	sadd.s32 s6, s14;
	[sflag:s19] =	ssyncadd.s32 $0xFFFFFFB0  }
0x6c: {  	[tilespmem:s29], [sflag:$0x4] =	stream.linear.gather [hbm4b:s10+s3], $0x50, $0x38;
	[tilespmem:$0x1B380] =	vst v63  }
0x6d: {  	_ =	swait.ge [sflag:s19], $0x50  }
0x6e: {  	[sflag:s19] =	ssyncset.done $0x0  }
0x6f: {  	[sflag:s19] =	ssyncadd.s32 $0xFFFFFFB0  }
0x70: {  	_ =	swait.ge [sflag:s30], $0x2800  }
0x71: {  	[sflag:s30] =	ssyncset.done $0x0  }
0x72: {  	[sflag:s30] =	ssyncadd.s32 $0xFFFFD800  }
0x73: {  	[spmem:s1] =	stream.indirect.scatter.add.f32 [tilespmem:s21], [sflag:$0x4], $0x80, s26, s20, $0xb8;
	[tilespmem:$0x1B380] =	vst v63  }
0x74: {  	_ =	swait.ge [sflag:s19], $0x2800  }
0x75: {  	[sflag:s19] =	ssyncset.done $0x0  }
0x76: {  	[sflag:s19] =	ssyncadd.s32 $0xFFFFD800  }
0x77: {  	_ =	swait.ge [sflag:s31], $0x2800  }
0x78: {  	[sflag:s31] =	ssyncset.done $0x0  }
0x79: {  	[sflag:s31] =	ssyncadd.s32 $0xFFFFD800  }
0x7a: {  	[spmem:s1] =	stream.indirect.scatter.add.f32 [tilespmem:s23], [sflag:$0x4], $0x80, s28, s20, $0xb8;
	[tilespmem:$0x1B380] =	vst v63  }
0x7b: {  	_ =	swait.ge [sflag:s19], $0x2800  }
0x7c: {  	[sflag:s19] =	ssyncset.done $0x0  }
0x7d: {  	[sflag:s19] =	ssyncadd.s32 $0xFFFFD800  }
0x7e: {  	_ =	swait.ge [sflag:s0], $0x2800  }
.Ltmp0:
0x7f: {  	[sflag:s0] =	ssyncset.done $0x0;
	(pc) =	sbr.rel @p1 .LBB2_2-.Ltmp0, $4  }
0x80: {  	[sflag:s0] =	ssyncadd.s32 $0xFFFFD800  }
0x81: {  	[spmem:s1] =	stream.indirect.scatter.add.f32 [tilespmem:s25], [sflag:$0x4], $0x80, s29, s20, $0xb8;
	[tilespmem:$0x1B380] =	vst v63  }
0x82: {  	_ =	swait.ge [sflag:s19], $0x2800  }
0x83: {  	s8 =	sadd.s32 $0x1E, s8;
	[sflag:s19] =	ssyncset.done $0x0  }
0x84: {  	s9 =	sadd.s32 s8, s16;
	[sflag:s19] =	ssyncadd.s32 $0xFFFFD800  }
0x85: {  	[tilespmem:s3], [sflag:$0x4] =	stream.linear.gather [hbm4b:s9+s3], $0x50, $0x38;
	[tilespmem:$0x1B380] =	vst v63  }
0x86: {  	_ =	swait.ge [sflag:s19], $0x50  }
0x87: {  	[sflag:s19] =	ssyncset.done $0x0  }
0x88: {  	[sflag:s19] =	ssyncadd.s32 $0xFFFFFFB0  }
0x89: {  	[tilespmem:s21], [sflag:$0x1] =	stream.indirect.gather [hbm4b:s4+s20], $0x80, s3, s20, $0xb8;
	[tilespmem:$0x1B380] =	vst v63  }
0x8a: {  	s10 =	sadd.s32 s8, s15  }
0x8b: {  	[tilespmem:s22], [sflag:$0x4] =	stream.linear.gather [hbm4b:s10+s3], $0x50, $0x38;
	[tilespmem:$0x1B380] =	vst v63  }
0x8c: {  	_ =	swait.ge [sflag:s19], $0x50  }
0x8d: {  	[sflag:s19] =	ssyncset.done $0x0  }
0x8e: {  	[sflag:s19] =	ssyncadd.s32 $0xFFFFFFB0  }
0x8f: {  	[tilespmem:s23], [sflag:$0x2] =	stream.indirect.gather [hbm4b:s4+s20], $0x80, s22, s20, $0xb8;
	[tilespmem:$0x1B380] =	vst v63  }
0x90: {  	s10 =	sadd.s32 s8, s14  }
0x91: {  	[tilespmem:s24], [sflag:$0x4] =	stream.linear.gather [hbm4b:s10+s3], $0x50, $0x38;
	[tilespmem:$0x1B380] =	vst v63  }
0x92: {  	_ =	swait.ge [sflag:s19], $0x50  }
0x93: {  	[sflag:s19] =	ssyncset.done $0x0  }
0x94: {  	s6 =	sadd.s32 $0x1E, s6;
	[sflag:s19] =	ssyncadd.s32 $0xFFFFFFB0  }
0x95: {  	[tilespmem:s25], [sflag:$0x3] =	stream.indirect.gather [hbm4b:s4+s20], $0x80, s24, s20, $0xb8;
	[tilespmem:$0x1B380] =	vst v63  }
0x96: {  	s9 =	sadd.s32 s6, s16  }
0x97: {  	[tilespmem:s26], [sflag:$0x4] =	stream.linear.gather [hbm4b:s9+s3], $0x50, $0x38;
	[tilespmem:$0x1B380] =	vst v63  }
0x98: {  	_ =	swait.ge [sflag:s19], $0x50  }
0x99: {  	[sflag:s19] =	ssyncset.done $0x0  }
0x9a: {  	s10 =	sadd.s32 s6, s15;
	[sflag:s19] =	ssyncadd.s32 $0xFFFFFFB0  }
0x9b: {  	[tilespmem:s28], [sflag:$0x4] =	stream.linear.gather [hbm4b:s10+s3], $0x50, $0x38;
	[tilespmem:$0x1B380] =	vst v63  }
0x9c: {  	_ =	swait.ge [sflag:s19], $0x50  }
0x9d: {  	[sflag:s19] =	ssyncset.done $0x0  }
0x9e: {  	s6 =	sadd.s32 s6, s14;
	[sflag:s19] =	ssyncadd.s32 $0xFFFFFFB0  }
0x9f: {  	[tilespmem:s29], [sflag:$0x4] =	stream.linear.gather [hbm4b:s6+s3], $0x50, $0x38;
	[tilespmem:$0x1B380] =	vst v63  }
0xa0: {  	_ =	swait.ge [sflag:s19], $0x50  }
0xa1: {  	[sflag:s19] =	ssyncset.done $0x0  }
0xa2: {  	[sflag:s19] =	ssyncadd.s32 $0xFFFFFFB0  }
0xa3: {  	_ =	swait.ge [sflag:s30], $0x2800  }
0xa4: {  	[sflag:s30] =	ssyncset.done $0x0  }
0xa5: {  	[sflag:s30] =	ssyncadd.s32 $0xFFFFD800  }
0xa6: {  	[spmem:s1] =	stream.indirect.scatter.add.f32 [tilespmem:s21], [sflag:$0x4], $0x80, s26, s20, $0xb8;
	[tilespmem:$0x1B380] =	vst v63  }
0xa7: {  	_ =	swait.ge [sflag:s19], $0x2800  }
0xa8: {  	[sflag:s19] =	ssyncset.done $0x0  }
0xa9: {  	[sflag:s19] =	ssyncadd.s32 $0xFFFFD800  }
0xaa: {  	_ =	swait.ge [sflag:s31], $0x2800  }
0xab: {  	[sflag:s31] =	ssyncset.done $0x0  }
0xac: {  	[sflag:s31] =	ssyncadd.s32 $0xFFFFD800  }
0xad: {  	[spmem:s1] =	stream.indirect.scatter.add.f32 [tilespmem:s23], [sflag:$0x4], $0x80, s28, s20, $0xb8;
	[tilespmem:$0x1B380] =	vst v63  }
0xae: {  	_ =	swait.ge [sflag:s19], $0x2800  }
0xaf: {  	[sflag:s19] =	ssyncset.done $0x0  }
0xb0: {  	[sflag:s19] =	ssyncadd.s32 $0xFFFFD800  }
0xb1: {  	_ =	swait.ge [sflag:s0], $0x2800  }
0xb2: {  	[sflag:s0] =	ssyncset.done $0x0  }
0xb3: {  	[sflag:s0] =	ssyncadd.s32 $0xFFFFD800  }
0xb4: {  	[spmem:s1] =	stream.indirect.scatter.add.f32 [tilespmem:s25], [sflag:$0x4], $0x80, s29, s20, $0xb8;
	[tilespmem:$0x1B380] =	vst v63  }
0xb5: {  	_ =	swait.ge [sflag:s19], $0x2800  }
0xb6: {  	[sflag:s19] =	ssyncset.done $0x0  }
0xb7: {  	s8 =	rddreg [dreg:$0x4];
	[sflag:s19] =	ssyncadd.s32 $0xFFFFD800  }
0xb8: {  	[tilespmem:s3], [sflag:$0x4] =	stream.linear.gather [hbm4b:s8+s3], $0x50, $0x38;
	[tilespmem:$0x1B380] =	vst v63  }
0xb9: {  	_ =	swait.ge [sflag:s19], $0x50  }
0xba: {  	[sflag:s19] =	ssyncset.done $0x0  }
0xbb: {  	[sflag:s19] =	ssyncadd.s32 $0xFFFFFFB0  }
0xbc: {  	[tilespmem:s21], [sflag:$0x1] =	stream.indirect.gather [hbm4b:s4+s20], $0x80, s3, s20, $0xb8;
	[tilespmem:$0x1B380] =	vst v63  }
0xbd: {  	s9 =	rddreg [dreg:$0x5]  }
0xbe: {  	[tilespmem:s26], [sflag:$0x4] =	stream.linear.gather [hbm4b:s9+s3], $0x50, $0x38;
	[tilespmem:$0x1B380] =	vst v63  }
0xbf: {  	_ =	swait.ge [sflag:s19], $0x50  }
0xc0: {  	[sflag:s19] =	ssyncset.done $0x0  }
0xc1: {  	[sflag:s19] =	ssyncadd.s32 $0xFFFFFFB0  }
0xc2: {  	_ =	swait.ge [sflag:s30], $0x2800  }
0xc3: {  	[sflag:s30] =	ssyncset.done $0x0  }
0xc4: {  	[sflag:s30] =	ssyncadd.s32 $0xFFFFD800  }
0xc5: {  	[spmem:s1] =	stream.indirect.scatter.add.f32 [tilespmem:s21], [sflag:$0x4], $0x80, s26, s20, $0xb8;
	[tilespmem:$0x1B380] =	vst v63  }
0xc6: {  	_ =	swait.ge [sflag:s19], $0x2800  }
0xc7: {  	[sflag:s19] =	ssyncset.done $0x0  }
0xc8: {  	s10 =	rddreg [dreg:$0x6];
	[sflag:s19] =	ssyncadd.s32 $0xFFFFD800  }
0xc9: {  	[tilespmem:s3], [sflag:$0x4] =	stream.linear.gather [hbm4b:s10+s3], $0x50, $0x38;
	[tilespmem:$0x1B380] =	vst v63  }
0xca: {  	_ =	swait.ge [sflag:s19], $0x50  }
0xcb: {  	[sflag:s19] =	ssyncset.done $0x0  }
0xcc: {  	[sflag:s19] =	ssyncadd.s32 $0xFFFFFFB0  }
0xcd: {  	[tilespmem:s21], [sflag:$0x1] =	stream.indirect.gather [hbm4b:s4+s20], $0x80, s3, s20, $0xb8;
	[tilespmem:$0x1B380] =	vst v63  }
0xce: {  	_ = 	snop  }
0xcf: {  	[tilespmem:s26], [sflag:$0x4] =	stream.linear.gather [hbm4b:s11+s3], $0x50, $0x38;
	[tilespmem:$0x1B380] =	vst v63  }
0xd0: {  	_ =	swait.ge [sflag:s19], $0x50  }
0xd1: {  	[sflag:s19] =	ssyncset.done $0x0  }
0xd2: {  	[sflag:s19] =	ssyncadd.s32 $0xFFFFFFB0  }
0xd3: {  	_ =	swait.ge [sflag:s30], $0x2800  }
0xd4: {  	[sflag:s30] =	ssyncset.done $0x0  }
0xd5: {  	[sflag:s30] =	ssyncadd.s32 $0xFFFFD800  }
0xd6: {  	[spmem:s1] =	stream.indirect.scatter.add.f32 [tilespmem:s21], [sflag:$0x4], $0x80, s26, s20, $0xb8;
	[tilespmem:$0x1B380] =	vst v63  }
0xd7: {  	_ =	swait.ge [sflag:s19], $0x2800  }
0xd8: {  	s2 =	sadd.s32 $0x1, s2;
	[sflag:s19] =	ssyncset.done $0x0  }
0xd9: {  	p1 =	sne.s32 s2, s13;
	[sflag:s19] =	ssyncadd.s32 $0xFFFFD800  }
.Ltmp1:
0xda: {  	s6 =	simm.s32 @!p0 $0x4;
	[bflag:$0x0] =	sbarrier.arrive $0xFFFF;
	(pc) =	sbr.rel @p1 .LBB2_1-.Ltmp1, $4  }
0xdb: {  	[hbm:s12], [sflag:s17] =	dma.local @!p0 [spmem:s18], $0x3E80  }
0xdc: {  	_ =	swait.ge @!p0 [sflag:s6], $0x3E80  }
0xdd: {  	[sflag:s6] =	ssyncset.done @!p0 $0x0  }
0xde: {  	[sflag:s6] =	ssyncadd.s32 @!p0 $0xFFFFC180  }
0xdf: {  	_ =	sfence.sel $0x180000  }
0xe0: {  	[bflag:$0x0] =	sbarrier.arrive $0xFFFF  }
0xe1: {  	_ =	strace $0x90000050  }
0xe2: {  	s0 =	stileid.u32;
	[bflag:$0x2] =	sbarrier.arrive $0xFFFF  }
0xe3: {  	p0 =	sne.s32 s0, $0x0;
	s0 =	rddreg [dreg:$0x2]  }
0xe4: {  	s0 =	sadd.s32 @!p0 $0x100000, s0  }
0xe5: {  	[sflag:s0] =	ssyncadd.tile.s32 @!p0 $0x1;
	_ =	shalt  }
.Lfunc_end2:
_tile_overlayer_lowered:
.L_overlay_start_2:
0xe6: {  	(tag) =	ssettag $0x2  }
0xe7: {  	s0 =	rddreg [dreg:$0x0];
	s2 =	stileid.u32  }
0xe8: {  	s1 =	rddreg [dreg:$0x1];
	p0 =	sne.s32 s2, $0x0  }
0xe9: {  	s3 =	rddreg [dreg:$0x2];
	[bflag:$0x3] =	sbarrier.arrive $0xFFFF;
	s2 =	simm.s32 @!p0 $0x1C04  }
0xea: {  	[timem:s3], [sflag:s2] =	dma.local @!p0 [hbm:s0], s1  }
0xeb: {  	s0 =	simm.s32 @!p0 $0x4  }
0xec: {  	_ =	swait.ge @!p0 [sflag:s0], s1  }
0xed: {  	s1 =	ssub.s32 @!p0 $0x0, s1;
	[sflag:s0] =	ssyncset.done @!p0 $0x0  }
0xee: {  	[sflag:s0] =	ssyncadd.s32 @!p0 s1  }
0xef: {  	[bflag:$0x3] =	sbarrier.arrive $0xFFFF  }
0xf0: {  	_ =	shalt  }

</sc_bundles>
